<compile_context>
chip_gen: v7x
topology: tpu7x:2x2x1
jax: 0.10.2.dev20260603
libtpu: 0.0.44.dev20260713+nightly
codegen_flags: <defaults>
</compile_context>

<pallas_src>
import functools

import jax
import jax.numpy as jnp
from jax import lax
from jax.experimental import pallas as pl
from jax.experimental.pallas import tpu as pltpu
from jax.experimental.pallas import tpu_sc as plsc

N = 10000
E = 320000
D = 128
ED = 32
G = 16
H1 = 32

NC = 2
NS = 16
NW = NC * NS
EPT = E // NW
K = 80
NCHUNK = EPT // K
N2 = 10240
NPS = N2 // NS
ZROWS = 128
CPS = N2 // NS


def _sc_segment(P, Q, row, col):
  mesh = plsc.VectorSubcoreMesh(core_axis_name="c", subcore_axis_name="s")

  @functools.partial(
      pl.kernel,
      mesh=mesh,
      compiler_params=pltpu.CompilerParams(use_tc_tiling_on_sc=False),
      out_type=[
          jax.ShapeDtypeStruct((NC, N2, H1), jnp.float32),
          jax.ShapeDtypeStruct((NC, N2), jnp.float32),
      ],
      scratch_types=[
          pltpu.VMEM_SHARED((N2, H1), jnp.float32),
          pltpu.VMEM_SHARED((N2,), jnp.float32),
          pltpu.VMEM((3, K), jnp.int32),
          pltpu.VMEM((3, K), jnp.int32),
          pltpu.VMEM((3, K, H1), jnp.float32),
          pltpu.VMEM((3, K // 4, 4 * H1), jnp.float32),
          pltpu.VMEM((K,), jnp.float32),
          pltpu.VMEM((ZROWS, H1), jnp.float32),
          pltpu.VMEM((CPS,), jnp.float32),
          pltpu.SemaphoreType.DMA,
          pltpu.SemaphoreType.DMA,
          pltpu.SemaphoreType.DMA,
          pltpu.SemaphoreType.DMA,
          pltpu.SemaphoreType.DMA,
          pltpu.SemaphoreType.DMA,
          pltpu.SemaphoreType.DMA,
          pltpu.SemaphoreType.DMA,
          pltpu.SemaphoreType.DMA,
      ],
  )
  def k(p_hbm, q_hbm, row_hbm, col_hbm, s_out, c_out,
        s_sp, c_sp, colv, rowv, gv, qv, onesv, zbuf, czbuf,
        si0, si1, si2, sg0, sg1, sg2, ss0, ss1, ss2):
    c = lax.axis_index("c")
    s = lax.axis_index("s")
    wid = s * NC + c
    sem_in = (si0, si1, si2)
    sem_g = (sg0, sg1, sg2)
    sem_s = (ss0, ss1, ss2)

    zero16 = jnp.zeros((16,), jnp.float32)
    one16 = jnp.ones((16,), jnp.float32)

    def zb_body(i, _):
      zbuf[i, pl.ds(0, 16)] = zero16
      zbuf[i, pl.ds(16, 16)] = zero16
      return _
    lax.fori_loop(0, ZROWS, zb_body, None)

    def cz_body(i, _):
      czbuf[pl.ds(pl.multiple_of(i * 16, 16), 16)] = zero16
      return _
    lax.fori_loop(0, CPS // 16, cz_body, None)

    def ones_body(i, _):
      onesv[pl.ds(pl.multiple_of(i * 16, 16), 16)] = one16
      return _
    lax.fori_loop(0, K // 16, ones_body, None)

    def sz_body(j, _):
      off = pl.multiple_of(NPS * s + ZROWS * j, 8)
      pltpu.sync_copy(zbuf, s_sp.at[pl.ds(off, ZROWS), :])
      return _
    lax.fori_loop(0, NPS // ZROWS, sz_body, None)
    pltpu.sync_copy(czbuf, c_sp.at[pl.ds(pl.multiple_of(CPS * s, 8), CPS)])
    plsc.subcore_barrier()

    def ebase(g):
      return pl.multiple_of(wid * EPT + g * K, 8)

    def qbase(g):
      return pl.multiple_of((wid * EPT) // 4 + g * (K // 4), 4)

    def issue_in(g, b):
      base = ebase(g)
      pltpu.async_copy(row_hbm.at[pl.ds(base, K)], rowv.at[b], sem_in[b])
      pltpu.async_copy(col_hbm.at[pl.ds(base, K)], colv.at[b], sem_in[b])
      pltpu.async_copy(q_hbm.at[pl.ds(qbase(g), K // 4), :], qv.at[b], sem_in[b])

    def wait_in(g, b):
      base = ebase(g)
      pltpu.make_async_copy(row_hbm.at[pl.ds(base, K)], rowv.at[b], sem_in[b]).wait()
      pltpu.make_async_copy(col_hbm.at[pl.ds(base, K)], colv.at[b], sem_in[b]).wait()
      pltpu.make_async_copy(q_hbm.at[pl.ds(qbase(g), K // 4), :], qv.at[b], sem_in[b]).wait()

    def issue_gather(b):
      pltpu.async_copy(p_hbm.at[rowv.at[b]], gv.at[b], sem_g[b])

    def wait_gather(b):
      pltpu.make_async_copy(p_hbm.at[rowv.at[b]], gv.at[b], sem_g[b]).wait()

    def issue_scatter(b):
      pltpu.async_copy(gv.at[b], s_sp.at[colv.at[b]], sem_s[b], add=True)
      pltpu.async_copy(onesv, c_sp.at[colv.at[b]], sem_s[b], add=True)

    def wait_scatter(b):
      pltpu.make_async_copy(gv.at[b], s_sp.at[colv.at[b]], sem_s[b]).wait()
      pltpu.make_async_copy(onesv, c_sp.at[colv.at[b]], sem_s[b]).wait()

    def compute(b):
      def cmp_body(jj, _):
        r = 4 * jj
        for e in range(4):
          for h in range(2):
            seg = (gv[b, r + e, pl.ds(16 * h, 16)]
                   + qv[b, jj, pl.ds(32 * e + 16 * h, 16)])
            gv[b, r + e, pl.ds(16 * h, 16)] = jnp.maximum(seg, 0.0)
        return _
      lax.fori_loop(0, K // 4, cmp_body, None)

    def step(g, j, wait_sc=True, do_gather=True, do_in=True):
      b = j % 3
      bn = (j + 1) % 3
      b2 = (j + 2) % 3
      wait_gather(b)
      if do_gather:
        wait_in(g + 1, bn)
        issue_gather(bn)
      if wait_sc:
        wait_scatter(b2)
      if do_in:
        issue_in(g + 2, b2)
      compute(b)
      issue_scatter(b)

    issue_in(0, 0)
    issue_in(1, 1)
    wait_in(0, 0)
    issue_gather(0)
    step(0, 0, wait_sc=False)
    step(1, 1)
    step(2, 2)

    def group_body(ii, _):
      g0 = 3 * ii
      step(g0, 0)
      step(g0 + 1, 1)
      step(g0 + 2, 2)
      return _
    lax.fori_loop(1, NCHUNK // 3, group_body, None)

    step(NCHUNK - 2, 0, do_in=False)
    step(NCHUNK - 1, 1, do_gather=False, do_in=False)
    wait_scatter(1)

    plsc.subcore_barrier()
    soff = pl.multiple_of(NPS * s, 8)
    pltpu.sync_copy(s_sp.at[pl.ds(soff, NPS), :], s_out.at[c, pl.ds(soff, NPS), :])
    coff = pl.multiple_of(CPS * s, 8)
    pltpu.sync_copy(c_sp.at[pl.ds(coff, CPS)], c_out.at[c, pl.ds(coff, CPS)])

  return k(P, Q, row, col)


E4 = E // 4
QBLK4 = 2000


def _pq_body(x_ref, ea_ref, w_ref, b_ref, q_ref, p_ref):
  i = pl.program_id(0)
  w = w_ref[...][D:]
  ea = ea_ref[...]
  for j in range(4):
    q_ref[:, 32 * j:32 * (j + 1)] = (
        jnp.dot(ea[:, 32 * j:32 * (j + 1)], w,
                preferred_element_type=jnp.float32) + b_ref[...])

  @pl.when(i == 0)
  def _():
    p_ref[...] = jnp.dot(x_ref[...], w_ref[...][:D],
                         preferred_element_type=jnp.float32)


def _zx_body(x_ref, bt_ref, u_ref, w2a_ref, b2a_ref, o_ref):
  w2a = w2a_ref[...]
  ub = jnp.dot(u_ref[...], w2a[D + H1:], preferred_element_type=jnp.float32)
  oh = (bt_ref[...] == lax.broadcasted_iota(jnp.int32, (N, G), 1)
        ).astype(jnp.float32)
  o_ref[...] = (jnp.dot(x_ref[...], w2a[:D], preferred_element_type=jnp.float32)
                + jnp.dot(oh, ub, preferred_element_type=jnp.float32)
                + b2a_ref[...])


def _fin_body(zx_ref, s_ref, ct_ref, w1b_ref, b1b_ref, w2a_ref,
              w2b_ref, b2b_ref, o_ref):
  ssum = s_ref[0] + s_ref[1]
  ct = ct_ref[...]
  cnt = ct[:, 0:1] + ct[:, 1:2]
  mean = ssum / jnp.maximum(cnt, 1.0)
  mask = jnp.where(cnt > 0.0, 1.0, 0.0)
  agg = (jnp.dot(mean, w1b_ref[...], preferred_element_type=jnp.float32)
         + mask * b1b_ref[...])
  z1 = zx_ref[...] + jnp.dot(agg, w2a_ref[...][D:D + H1],
                             preferred_element_type=jnp.float32)
  z = jnp.maximum(z1, 0.0)
  o_ref[...] = (jnp.dot(z, w2b_ref[...], preferred_element_type=jnp.float32)
                + b2b_ref[...])


def kernel(x, edge_index, edge_attr, u, batch,
           W1a, b1a, W1b, b1b, W2a, b2a, W2b, b2b):
  row = edge_index[0]
  col = edge_index[1]

  ea4 = edge_attr.reshape(E4, 4 * ED)
  Q, P = pl.pallas_call(
      _pq_body,
      grid=(E4 // QBLK4,),
      in_specs=[
          pl.BlockSpec((N, D), lambda i: (0, 0)),
          pl.BlockSpec((QBLK4, 4 * ED), lambda i: (i, 0)),
          pl.BlockSpec((D + ED, H1), lambda i: (0, 0)),
          pl.BlockSpec((1, H1), lambda i: (0, 0)),
      ],
      out_specs=[
          pl.BlockSpec((QBLK4, 4 * H1), lambda i: (i, 0)),
          pl.BlockSpec((N, H1), lambda i: (0, 0)),
      ],
      out_shape=[
          jax.ShapeDtypeStruct((E4, 4 * H1), jnp.float32),
          jax.ShapeDtypeStruct((N, H1), jnp.float32),
      ],
  )(x, ea4, W1a, b1a.reshape(1, H1))

  S2, C = _sc_segment(P, Q, row, col)

  bt = batch.reshape(N, 1)
  zx = pl.pallas_call(
      _zx_body,
      out_shape=jax.ShapeDtypeStruct((N, 64), jnp.float32),
  )(x, bt, u, W2a, b2a.reshape(1, 64))

  ct = C[:, :N].T
  z = pl.pallas_call(
      _fin_body,
      grid=(1,),
      in_specs=[
          pl.BlockSpec((N, 64), lambda i: (0, 0)),
          pl.BlockSpec((NC, N, H1), lambda i: (0, 0, 0)),
          pl.BlockSpec((N, NC), lambda i: (0, 0)),
          pl.BlockSpec((H1, H1), lambda i: (0, 0)),
          pl.BlockSpec((1, H1), lambda i: (0, 0)),
          pl.BlockSpec((D + H1 + D, 64), lambda i: (0, 0)),
          pl.BlockSpec((64, D), lambda i: (0, 0)),
          pl.BlockSpec((1, D), lambda i: (0, 0)),
      ],
      out_specs=pl.BlockSpec((N, D), lambda i: (0, 0)),
      out_shape=jax.ShapeDtypeStruct((N, D), jnp.float32),
  )(zx, S2, ct, W1b, b1b.reshape(1, H1), W2a, W2b, b2b.reshape(1, D))
  return z

# --- scband reference (transcript-rebuilt; emitter-appended) ---
"""Pipeline reference for scband-node-model-2714419331675 (READ-ONLY COPY).

The authoritative reference and input builder live on the scoring server;
editing this copy changes nothing except your own understanding.
"""

import jax, jax.numpy as jnp
import numpy as np

N = 10000
E = 320000
D = 128
ED = 32
G = 16


def setup_inputs(seed: int = 0) -> dict:
    key = jax.random.key(seed)
    ks = jax.random.split(key, 16)
    x = jax.random.normal(ks[0], (N, D), dtype=jnp.float32)
    edge_index = jax.random.randint(ks[1], (2, E), 0, N, dtype=jnp.int32)
    edge_attr = jax.random.normal(ks[2], (E, ED), dtype=jnp.float32)
    u = jax.random.normal(ks[3], (G, D), dtype=jnp.float32)
    batch = jnp.sort(jax.random.randint(ks[4], (N,), 0, G, dtype=jnp.int32))
    # node_mlp_1: Lin(32 + node_fan_in, 32) -> ReLU -> Lin(32, 32)
    W1a = jax.random.normal(ks[5], (ED + D, 32), dtype=jnp.float32) * 0.05
    b1a = jnp.zeros((32,), dtype=jnp.float32)
    W1b = jax.random.normal(ks[6], (32, 32), dtype=jnp.float32) * 0.05
    b1b = jnp.zeros((32,), dtype=jnp.float32)
    # node_mlp_2: Lin(32 + node_fan_in + global_fan_in, 64) -> ReLU -> Lin(64, node_fan_out)
    W2a = jax.random.normal(ks[7], (32 + D + D, 64), dtype=jnp.float32) * 0.05
    b2a = jnp.zeros((64,), dtype=jnp.float32)
    W2b = jax.random.normal(ks[8], (64, D), dtype=jnp.float32) * 0.05
    b2b = jnp.zeros((D,), dtype=jnp.float32)
    return {"x": x, "edge_index": edge_index, "edge_attr": edge_attr, "u": u, "batch": batch,
            "W1a": W1a, "b1a": b1a, "W1b": W1b, "b1b": b1b,
            "W2a": W2a, "b2a": b2a, "W2b": W2b, "b2b": b2b}


def reference(x, edge_index, edge_attr, u, batch, W1a, b1a, W1b, b1b, W2a, b2a, W2b, b2b):
    row = edge_index[0]
    col = edge_index[1]
    # node_mlp_1 over per-edge features [x[row], edge_attr]
    h = jnp.concatenate([jnp.take(x, row, axis=0), edge_attr], axis=1)
    h = jnp.maximum(h @ W1a + b1a, 0.0) @ W1b + b1b
    # scatter mean over destination nodes (col), dim_size = N
    sums = jax.ops.segment_sum(h, col, num_segments=x.shape[0])
    counts = jax.ops.segment_sum(jnp.ones((col.shape[0], 1), dtype=h.dtype), col, num_segments=x.shape[0])
    agg = sums / jnp.maximum(counts, 1.0)
    # node_mlp_2 over [x, agg, u[batch]]
    z = jnp.concatenate([x, agg, jnp.take(u, batch, axis=0)], axis=1)
    z = jnp.maximum(z @ W2a + b2a, 0.0) @ W2b + b2b
    return z

if __name__ == "__main__":
    import jax
    _d = setup_inputs()
    print(jax.jit(kernel)(*tuple(_d.values())))

</pallas_src>

<mosaic_0001>
#map = affine_map<(d0, d1) -> (0, 0)>
#map1 = affine_map<(d0, d1) -> (0)>
#map2 = affine_map<(d0, d1) -> (0, 0, 0)>
module attributes {stable_mosaic.version = 14 : i64} {
  func.func @k(%arg0: i32, %arg1: i32, %arg2: memref<10000x32xf32, #tpu.memory_space<hbm>>, %arg3: memref<80000x128xf32, #tpu.memory_space<hbm>>, %arg4: memref<320000xi32, #tpu.memory_space<hbm>>, %arg5: memref<320000xi32, #tpu.memory_space<hbm>>, %arg6: memref<2x10240x32xf32, #tpu.memory_space<hbm>>, %arg7: memref<2x10240xf32, #tpu.memory_space<hbm>>, %arg8: memref<10240x32xf32, #tpu.memory_space<vmem_shared>>, %arg9: memref<10240xf32, #tpu.memory_space<vmem_shared>>, %arg10: memref<3x80xi32, #tpu.memory_space<vmem>>, %arg11: memref<3x80xi32, #tpu.memory_space<vmem>>, %arg12: memref<3x80x32xf32, #tpu.memory_space<vmem>>, %arg13: memref<3x20x128xf32, #tpu.memory_space<vmem>>, %arg14: memref<80xf32, #tpu.memory_space<vmem>>, %arg15: memref<128x32xf32, #tpu.memory_space<vmem>>, %arg16: memref<640xf32, #tpu.memory_space<vmem>>, %arg17: memref<!tpu.dma_semaphore, #tpu.memory_space<semaphore_mem>>, %arg18: memref<!tpu.dma_semaphore, #tpu.memory_space<semaphore_mem>>, %arg19: memref<!tpu.dma_semaphore, #tpu.memory_space<semaphore_mem>>, %arg20: memref<!tpu.dma_semaphore, #tpu.memory_space<semaphore_mem>>, %arg21: memref<!tpu.dma_semaphore, #tpu.memory_space<semaphore_mem>>, %arg22: memref<!tpu.dma_semaphore, #tpu.memory_space<semaphore_mem>>, %arg23: memref<!tpu.dma_semaphore, #tpu.memory_space<semaphore_mem>>, %arg24: memref<!tpu.dma_semaphore, #tpu.memory_space<semaphore_mem>>, %arg25: memref<!tpu.dma_semaphore, #tpu.memory_space<semaphore_mem>>) attributes {dimension_semantics = [#tpu.dimension_semantics<core_parallel>, #tpu.dimension_semantics<subcore_parallel>], iteration_bounds = array<i64: 2, 16>, scalar_prefetch = 0 : i64, scratch_operands = 18 : i64, tpu.core_type = #tpu.core_type<sc_vector_subcore>, window_params = [{transform_indices = #map}, {transform_indices = #map}, {transform_indices = #map1}, {transform_indices = #map1}, {transform_indices = #map2}, {transform_indices = #map}]} {
    %mul3A = arith.constant 2 : i32
    %mul3A_0 = arith.muli %arg1, %mul3A : i32
    %add3A = arith.addi %mul3A_0, %arg0 : i32
    %broadcast_in_dim3A = arith.constant 0.000000e+00 : f32
    %broadcast_in_dim3A_1 = vector.broadcast %broadcast_in_dim3A : f32 to vector<16xf32>
    %broadcast_in_dim3A_2 = arith.constant 1.000000e+00 : f32
    %broadcast_in_dim3A_3 = vector.broadcast %broadcast_in_dim3A_2 : f32 to vector<16xf32>
    %scan3A = arith.constant 0 : i32
    %scan3A_4 = arith.constant 128 : i32
    %scan3A_5 = arith.addi %scan3A, %scan3A_4 : i32
    %scan3A_6 = arith.constant 1 : i32
    scf.for %scan3A_1002 = %scan3A to %scan3A_5 step %scan3A_6  : i32 {
      %swap3A = arith.index_cast %scan3A_1002 : i32 to index
      %swap3A_1003 = arith.constant 0 : index
      %swap3A_1004 = tpu.vector_load %arg15[%swap3A, %swap3A_1003] {strides = array<i32>} : memref<128x32xf32, #tpu.memory_space<vmem>>, vector<1x16xf32>,
      %swap3A_1005 = vector.shape_cast %swap3A_1004 : vector<1x16xf32> to vector<16xf32>
      %swap3A_1006 = vector.shape_cast %broadcast_in_dim3A_1 : vector<16xf32> to vector<1x16xf32>
      tpu.vector_store %arg15[%swap3A, %swap3A_1003], %swap3A_1006 {strides = array<i32>} : memref<128x32xf32, #tpu.memory_space<vmem>>, vector<1x16xf32>,
      %swap3A_1007 = arith.index_cast %scan3A_1002 : i32 to index
      %swap3A_1008 = arith.constant 16 : index
      %swap3A_1009 = tpu.vector_load %arg15[%swap3A_1007, %swap3A_1008] {strides = array<i32>} : memref<128x32xf32, #tpu.memory_space<vmem>>, vector<1x16xf32>,
      %swap3A_1010 = vector.shape_cast %swap3A_1009 : vector<1x16xf32> to vector<16xf32>
      %swap3A_1011 = vector.shape_cast %broadcast_in_dim3A_1 : vector<16xf32> to vector<1x16xf32>
      tpu.vector_store %arg15[%swap3A_1007, %swap3A_1008], %swap3A_1011 {strides = array<i32>} : memref<128x32xf32, #tpu.memory_space<vmem>>, vector<1x16xf32>,
    }
    %scan3A_7 = arith.constant 128 : i32
    %scan3A_8 = arith.constant 0 : i32
    %scan3A_9 = arith.constant 40 : i32
    %scan3A_10 = arith.addi %scan3A_8, %scan3A_9 : i32
    %scan3A_11 = arith.constant 1 : i32
    scf.for %scan3A_1002 = %scan3A_8 to %scan3A_10 step %scan3A_11  : i32 {
      %mul3A_1003 = arith.constant 16 : i32
      %mul3A_1004 = arith.muli %scan3A_1002, %mul3A_1003 : i32
      %multiple_of3A_1005 = tpu.assume_multiple %mul3A_1004, 16 : i32
      %swap3A = arith.index_cast %multiple_of3A_1005 : i32 to index
      %swap3A_1006 = tpu.vector_load %arg16[%swap3A] {strides = array<i32>} : memref<640xf32, #tpu.memory_space<vmem>>, vector<16xf32>,
      %swap3A_1007 = vector.shape_cast %swap3A_1006 : vector<16xf32> to vector<16xf32>
      %swap3A_1008 = vector.shape_cast %broadcast_in_dim3A_1 : vector<16xf32> to vector<16xf32>
      tpu.vector_store %arg16[%swap3A], %swap3A_1008 {strides = array<i32>} : memref<640xf32, #tpu.memory_space<vmem>>, vector<16xf32>,
    }
    %scan3A_12 = arith.constant 40 : i32
    %scan3A_13 = arith.constant 0 : i32
    %scan3A_14 = arith.constant 5 : i32
    %scan3A_15 = arith.addi %scan3A_13, %scan3A_14 : i32
    %scan3A_16 = arith.constant 1 : i32
    scf.for %scan3A_1002 = %scan3A_13 to %scan3A_15 step %scan3A_16  : i32 {
      %mul3A_1003 = arith.constant 16 : i32
      %mul3A_1004 = arith.muli %scan3A_1002, %mul3A_1003 : i32
      %multiple_of3A_1005 = tpu.assume_multiple %mul3A_1004, 16 : i32
      %swap3A = arith.index_cast %multiple_of3A_1005 : i32 to index
      %swap3A_1006 = tpu.vector_load %arg14[%swap3A] {strides = array<i32>} : memref<80xf32, #tpu.memory_space<vmem>>, vector<16xf32>,
      %swap3A_1007 = vector.shape_cast %swap3A_1006 : vector<16xf32> to vector<16xf32>
      %swap3A_1008 = vector.shape_cast %broadcast_in_dim3A_3 : vector<16xf32> to vector<16xf32>
      tpu.vector_store %arg14[%swap3A], %swap3A_1008 {strides = array<i32>} : memref<80xf32, #tpu.memory_space<vmem>>, vector<16xf32>,
    }
    %scan3A_17 = arith.constant 5 : i32
    %scan3A_18 = arith.constant 0 : i32
    %scan3A_19 = arith.constant 5 : i32
    %scan3A_20 = arith.addi %scan3A_18, %scan3A_19 : i32
    %scan3A_21 = arith.constant 1 : i32
    scf.for %scan3A_1002 = %scan3A_18 to %scan3A_20 step %scan3A_21  : i32 {
      %mul3A_1003 = arith.constant 640 : i32
      %mul3A_1004 = arith.muli %mul3A_1003, %arg1 : i32
      %mul3A_1005 = arith.constant 128 : i32
      %mul3A_1006 = arith.muli %mul3A_1005, %scan3A_1002 : i32
      %add3A_1007 = arith.addi %mul3A_1004, %mul3A_1006 : i32
      %multiple_of3A_1008 = tpu.assume_multiple %add3A_1007, 8 : i32
      "tpu.region"() ({
        %run_scoped3A = tpu.sem_alloc : memref<!tpu.dma_semaphore, #tpu.memory_space<semaphore_mem>>
        %dma_start3A_1009 = arith.constant 0 : i32
        %dma_start3A_1010 = tpu.memref_slice %arg8[%multiple_of3A_1008, %dma_start3A_1009] : memref<10240x32xf32, #tpu.memory_space<vmem_shared>> -> memref<128x32xf32, #tpu.memory_space<vmem_shared>>
        %dma_start3A_1011 = arith.constant 0 : i32
        %dma_start3A_1012 = tpu.memref_slice %arg8[%multiple_of3A_1008, %dma_start3A_1011] : memref<10240x32xf32, #tpu.memory_space<vmem_shared>> -> memref<128x32xf32, #tpu.memory_space<vmem_shared>>
        tpu.enqueue_dma source(%arg15 : memref<128x32xf32, #tpu.memory_space<vmem>>) target(%dma_start3A_1012 : memref<128x32xf32, #tpu.memory_space<vmem_shared>>) target_semaphore(%run_scoped3A : memref<!tpu.dma_semaphore, #tpu.memory_space<semaphore_mem>>)
        %dma_wait3A_1013 = arith.constant 0 : i32
        %dma_wait3A_1014 = tpu.memref_slice %arg8[%multiple_of3A_1008, %dma_wait3A_1013] : memref<10240x32xf32, #tpu.memory_space<vmem_shared>> -> memref<128x32xf32, #tpu.memory_space<vmem_shared>>
        %dma_wait3A_1015 = arith.constant 0 : i32
        %dma_wait3A_1016 = tpu.memref_slice %arg8[%multiple_of3A_1008, %dma_wait3A_1015] : memref<10240x32xf32, #tpu.memory_space<vmem_shared>> -> memref<128x32xf32, #tpu.memory_space<vmem_shared>>
        tpu.wait_dma2 semaphore(%run_scoped3A : memref<!tpu.dma_semaphore, #tpu.memory_space<semaphore_mem>>) src(%arg15 : memref<128x32xf32, #tpu.memory_space<vmem>>) dst(%dma_wait3A_1016 : memref<128x32xf32, #tpu.memory_space<vmem_shared>>)
        tpu.yield
      }) : () -> ()
    }
    %scan3A_22 = arith.constant 5 : i32
    %mul3A_23 = arith.constant 640 : i32
    %mul3A_24 = arith.muli %mul3A_23, %arg1 : i32
    %multiple_of3A = tpu.assume_multiple %mul3A_24, 8 : i32
    "tpu.region"() ({
      %run_scoped3A = tpu.sem_alloc : memref<!tpu.dma_semaphore, #tpu.memory_space<semaphore_mem>>
      %dma_start3A_1002 = tpu.memref_slice %arg9[%multiple_of3A] : memref<10240xf32, #tpu.memory_space<vmem_shared>> -> memref<640xf32, #tpu.memory_space<vmem_shared>>
      %dma_start3A_1003 = tpu.memref_slice %arg9[%multiple_of3A] : memref<10240xf32, #tpu.memory_space<vmem_shared>> -> memref<640xf32, #tpu.memory_space<vmem_shared>>
      tpu.enqueue_dma source(%arg16 : memref<640xf32, #tpu.memory_space<vmem>>) target(%dma_start3A_1003 : memref<640xf32, #tpu.memory_space<vmem_shared>>) target_semaphore(%run_scoped3A : memref<!tpu.dma_semaphore, #tpu.memory_space<semaphore_mem>>)
      %dma_wait3A_1004 = tpu.memref_slice %arg9[%multiple_of3A] : memref<10240xf32, #tpu.memory_space<vmem_shared>> -> memref<640xf32, #tpu.memory_space<vmem_shared>>
      %dma_wait3A_1005 = tpu.memref_slice %arg9[%multiple_of3A] : memref<10240xf32, #tpu.memory_space<vmem_shared>> -> memref<640xf32, #tpu.memory_space<vmem_shared>>
      tpu.wait_dma2 semaphore(%run_scoped3A : memref<!tpu.dma_semaphore, #tpu.memory_space<semaphore_mem>>) src(%arg16 : memref<640xf32, #tpu.memory_space<vmem>>) dst(%dma_wait3A_1005 : memref<640xf32, #tpu.memory_space<vmem_shared>>)
      tpu.yield
    }) : () -> ()
    %barrier3A = arith.constant 0 : index
    tpu.barrier barrier_id(%barrier3A)
    %mul3A_25 = arith.constant 10000 : i32
    %mul3A_26 = arith.muli %add3A, %mul3A_25 : i32
    %add3A_27 = arith.constant 0 : i32
    %add3A_28 = arith.addi %mul3A_26, %add3A_27 : i32
    %multiple_of3A_29 = tpu.assume_multiple %add3A_28, 8 : i32
    %dma_start3A = arith.constant 0 : i32
    %dma_start3A_30 = arith.constant 0 : i32
    %dma_start3A_31 = tpu.memref_slice %arg11[%dma_start3A, %dma_start3A_30] : memref<3x80xi32, #tpu.memory_space<vmem>> -> memref<1x80xi32, #tpu.memory_space<vmem>>
    %dma_start3A_32 = tpu.memref_squeeze %dma_start3A_31 : memref<1x80xi32, #tpu.memory_space<vmem>> -> memref<80xi32, #tpu.memory_space<vmem>>
    %dma_start3A_33 = tpu.memref_slice %arg4[%multiple_of3A_29] : memref<320000xi32, #tpu.memory_space<hbm>> -> memref<80xi32, #tpu.memory_space<hbm>>
    %dma_start3A_34 = arith.constant 0 : i32
    %dma_start3A_35 = tpu.memref_slice %arg11[%dma_start3A, %dma_start3A_34] : memref<3x80xi32, #tpu.memory_space<vmem>> -> memref<1x80xi32, #tpu.memory_space<vmem>>
    %dma_start3A_36 = tpu.memref_squeeze %dma_start3A_35 : memref<1x80xi32, #tpu.memory_space<vmem>> -> memref<80xi32, #tpu.memory_space<vmem>>
    %dma_start3A_37 = tpu.memref_slice %arg4[%multiple_of3A_29] : memref<320000xi32, #tpu.memory_space<hbm>> -> memref<80xi32, #tpu.memory_space<hbm>>
    tpu.enqueue_dma source(%dma_start3A_37 : memref<80xi32, #tpu.memory_space<hbm>>) target(%dma_start3A_36 : memref<80xi32, #tpu.memory_space<vmem>>) target_semaphore(%arg17 : memref<!tpu.dma_semaphore, #tpu.memory_space<semaphore_mem>>)
    %dma_start3A_38 = arith.constant 0 : i32
    %dma_start3A_39 = arith.constant 0 : i32
    %dma_start3A_40 = tpu.memref_slice %arg10[%dma_start3A_38, %dma_start3A_39] : memref<3x80xi32, #tpu.memory_space<vmem>> -> memref<1x80xi32, #tpu.memory_space<vmem>>
    %dma_start3A_41 = tpu.memref_squeeze %dma_start3A_40 : memref<1x80xi32, #tpu.memory_space<vmem>> -> memref<80xi32, #tpu.memory_space<vmem>>
    %dma_start3A_42 = tpu.memref_slice %arg5[%multiple_of3A_29] : memref<320000xi32, #tpu.memory_space<hbm>> -> memref<80xi32, #tpu.memory_space<hbm>>
    %dma_start3A_43 = arith.constant 0 : i32
    %dma_start3A_44 = tpu.memref_slice %arg10[%dma_start3A_38, %dma_start3A_43] : memref<3x80xi32, #tpu.memory_space<vmem>> -> memref<1x80xi32, #tpu.memory_space<vmem>>
    %dma_start3A_45 = tpu.memref_squeeze %dma_start3A_44 : memref<1x80xi32, #tpu.memory_space<vmem>> -> memref<80xi32, #tpu.memory_space<vmem>>
    %dma_start3A_46 = tpu.memref_slice %arg5[%multiple_of3A_29] : memref<320000xi32, #tpu.memory_space<hbm>> -> memref<80xi32, #tpu.memory_space<hbm>>
    tpu.enqueue_dma source(%dma_start3A_46 : memref<80xi32, #tpu.memory_space<hbm>>) target(%dma_start3A_45 : memref<80xi32, #tpu.memory_space<vmem>>) target_semaphore(%arg17 : memref<!tpu.dma_semaphore, #tpu.memory_space<semaphore_mem>>)
    %mul3A_47 = arith.constant 10000 : i32
    %mul3A_48 = arith.muli %add3A, %mul3A_47 : i32
    %jit3A = arith.constant 4 : i32
    %div3A = arith.divsi %mul3A_48, %jit3A : i32
    %sign3A = arith.constant 0 : i32
    %sign3A_49 = arith.cmpi sgt, %mul3A_48, %sign3A : i32
    %sign3A_50 = arith.extui %sign3A_49 : i1 to i32
    %sign3A_51 = arith.constant 0 : i32
    %sign3A_52 = arith.cmpi slt, %mul3A_48, %sign3A_51 : i32
    %sign3A_53 = arith.extui %sign3A_52 : i1 to i32
    %sign3A_54 = arith.subi %sign3A_50, %sign3A_53 : i32
    %sign3A_55 = arith.constant 0 : i32
    %sign3A_56 = arith.cmpi sgt, %jit3A, %sign3A_55 : i32
    %sign3A_57 = arith.extui %sign3A_56 : i1 to i32
    %sign3A_58 = arith.constant 0 : i32
    %sign3A_59 = arith.cmpi slt, %jit3A, %sign3A_58 : i32
    %sign3A_60 = arith.extui %sign3A_59 : i1 to i32
    %sign3A_61 = arith.subi %sign3A_57, %sign3A_60 : i32
    %ne3A = arith.cmpi ne, %sign3A_54, %sign3A_61 : i32
    %rem3A = arith.remsi %mul3A_48, %jit3A : i32
    %ne3A_62 = arith.constant 0 : i32
    %ne3A_63 = arith.cmpi ne, %rem3A, %ne3A_62 : i32
    %and3A = arith.andi %ne3A, %ne3A_63 : i1
    %sub3A = arith.constant 1 : i32
    %sub3A_64 = arith.subi %div3A, %sub3A : i32
    %select_n3A = arith.select %and3A, %sub3A_64, %div3A : i32
    %add3A_65 = arith.constant 0 : i32
    %add3A_66 = arith.addi %select_n3A, %add3A_65 : i32
    %multiple_of3A_67 = tpu.assume_multiple %add3A_66, 4 : i32
    %dma_start3A_68 = arith.constant 0 : i32
    %dma_start3A_69 = arith.constant 0 : i32
    %dma_start3A_70 = arith.constant 0 : i32
    %dma_start3A_71 = tpu.memref_slice %arg13[%dma_start3A_68, %dma_start3A_69, %dma_start3A_70] : memref<3x20x128xf32, #tpu.memory_space<vmem>> -> memref<1x20x128xf32, #tpu.memory_space<vmem>>
    %dma_start3A_72 = tpu.memref_squeeze %dma_start3A_71 : memref<1x20x128xf32, #tpu.memory_space<vmem>> -> memref<20x128xf32, #tpu.memory_space<vmem>>
    %dma_start3A_73 = arith.constant 0 : i32
    %dma_start3A_74 = tpu.memref_slice %arg3[%multiple_of3A_67, %dma_start3A_73] : memref<80000x128xf32, #tpu.memory_space<hbm>> -> memref<20x128xf32, #tpu.memory_space<hbm>>
    %dma_start3A_75 = arith.constant 0 : i32
    %dma_start3A_76 = arith.constant 0 : i32
    %dma_start3A_77 = tpu.memref_slice %arg13[%dma_start3A_68, %dma_start3A_75, %dma_start3A_76] : memref<3x20x128xf32, #tpu.memory_space<vmem>> -> memref<1x20x128xf32, #tpu.memory_space<vmem>>
    %dma_start3A_78 = tpu.memref_squeeze %dma_start3A_77 : memref<1x20x128xf32, #tpu.memory_space<vmem>> -> memref<20x128xf32, #tpu.memory_space<vmem>>
    %dma_start3A_79 = arith.constant 0 : i32
    %dma_start3A_80 = tpu.memref_slice %arg3[%multiple_of3A_67, %dma_start3A_79] : memref<80000x128xf32, #tpu.memory_space<hbm>> -> memref<20x128xf32, #tpu.memory_space<hbm>>
    tpu.enqueue_dma source(%dma_start3A_80 : memref<20x128xf32, #tpu.memory_space<hbm>>) target(%dma_start3A_78 : memref<20x128xf32, #tpu.memory_space<vmem>>) target_semaphore(%arg17 : memref<!tpu.dma_semaphore, #tpu.memory_space<semaphore_mem>>)
    %mul3A_81 = arith.constant 10000 : i32
    %mul3A_82 = arith.muli %add3A, %mul3A_81 : i32
    %add3A_83 = arith.constant 80 : i32
    %add3A_84 = arith.addi %mul3A_82, %add3A_83 : i32
    %multiple_of3A_85 = tpu.assume_multiple %add3A_84, 8 : i32
    %dma_start3A_86 = arith.constant 1 : i32
    %dma_start3A_87 = arith.constant 0 : i32
    %dma_start3A_88 = tpu.memref_slice %arg11[%dma_start3A_86, %dma_start3A_87] : memref<3x80xi32, #tpu.memory_space<vmem>> -> memref<1x80xi32, #tpu.memory_space<vmem>>
    %dma_start3A_89 = tpu.memref_squeeze %dma_start3A_88 : memref<1x80xi32, #tpu.memory_space<vmem>> -> memref<80xi32, #tpu.memory_space<vmem>>
    %dma_start3A_90 = tpu.memref_slice %arg4[%multiple_of3A_85] : memref<320000xi32, #tpu.memory_space<hbm>> -> memref<80xi32, #tpu.memory_space<hbm>>
    %dma_start3A_91 = arith.constant 0 : i32
    %dma_start3A_92 = tpu.memref_slice %arg11[%dma_start3A_86, %dma_start3A_91] : memref<3x80xi32, #tpu.memory_space<vmem>> -> memref<1x80xi32, #tpu.memory_space<vmem>>
    %dma_start3A_93 = tpu.memref_squeeze %dma_start3A_92 : memref<1x80xi32, #tpu.memory_space<vmem>> -> memref<80xi32, #tpu.memory_space<vmem>>
    %dma_start3A_94 = tpu.memref_slice %arg4[%multiple_of3A_85] : memref<320000xi32, #tpu.memory_space<hbm>> -> memref<80xi32, #tpu.memory_space<hbm>>
    tpu.enqueue_dma source(%dma_start3A_94 : memref<80xi32, #tpu.memory_space<hbm>>) target(%dma_start3A_93 : memref<80xi32, #tpu.memory_space<vmem>>) target_semaphore(%arg18 : memref<!tpu.dma_semaphore, #tpu.memory_space<semaphore_mem>>)
    %dma_start3A_95 = arith.constant 1 : i32
    %dma_start3A_96 = arith.constant 0 : i32
    %dma_start3A_97 = tpu.memref_slice %arg10[%dma_start3A_95, %dma_start3A_96] : memref<3x80xi32, #tpu.memory_space<vmem>> -> memref<1x80xi32, #tpu.memory_space<vmem>>
    %dma_start3A_98 = tpu.memref_squeeze %dma_start3A_97 : memref<1x80xi32, #tpu.memory_space<vmem>> -> memref<80xi32, #tpu.memory_space<vmem>>
    %dma_start3A_99 = tpu.memref_slice %arg5[%multiple_of3A_85] : memref<320000xi32, #tpu.memory_space<hbm>> -> memref<80xi32, #tpu.memory_space<hbm>>
    %dma_start3A_100 = arith.constant 0 : i32
    %dma_start3A_101 = tpu.memref_slice %arg10[%dma_start3A_95, %dma_start3A_100] : memref<3x80xi32, #tpu.memory_space<vmem>> -> memref<1x80xi32, #tpu.memory_space<vmem>>
    %dma_start3A_102 = tpu.memref_squeeze %dma_start3A_101 : memref<1x80xi32, #tpu.memory_space<vmem>> -> memref<80xi32, #tpu.memory_space<vmem>>
    %dma_start3A_103 = tpu.memref_slice %arg5[%multiple_of3A_85] : memref<320000xi32, #tpu.memory_space<hbm>> -> memref<80xi32, #tpu.memory_space<hbm>>
    tpu.enqueue_dma source(%dma_start3A_103 : memref<80xi32, #tpu.memory_space<hbm>>) target(%dma_start3A_102 : memref<80xi32, #tpu.memory_space<vmem>>) target_semaphore(%arg18 : memref<!tpu.dma_semaphore, #tpu.memory_space<semaphore_mem>>)
    %mul3A_104 = arith.constant 10000 : i32
    %mul3A_105 = arith.muli %add3A, %mul3A_104 : i32
    %jit3A_106 = arith.constant 4 : i32
    %div3A_107 = arith.divsi %mul3A_105, %jit3A_106 : i32
    %sign3A_108 = arith.constant 0 : i32
    %sign3A_109 = arith.cmpi sgt, %mul3A_105, %sign3A_108 : i32
    %sign3A_110 = arith.extui %sign3A_109 : i1 to i32
    %sign3A_111 = arith.constant 0 : i32
    %sign3A_112 = arith.cmpi slt, %mul3A_105, %sign3A_111 : i32
    %sign3A_113 = arith.extui %sign3A_112 : i1 to i32
    %sign3A_114 = arith.subi %sign3A_110, %sign3A_113 : i32
    %sign3A_115 = arith.constant 0 : i32
    %sign3A_116 = arith.cmpi sgt, %jit3A_106, %sign3A_115 : i32
    %sign3A_117 = arith.extui %sign3A_116 : i1 to i32
    %sign3A_118 = arith.constant 0 : i32
    %sign3A_119 = arith.cmpi slt, %jit3A_106, %sign3A_118 : i32
    %sign3A_120 = arith.extui %sign3A_119 : i1 to i32
    %sign3A_121 = arith.subi %sign3A_117, %sign3A_120 : i32
    %ne3A_122 = arith.cmpi ne, %sign3A_114, %sign3A_121 : i32
    %rem3A_123 = arith.remsi %mul3A_105, %jit3A_106 : i32
    %ne3A_124 = arith.constant 0 : i32
    %ne3A_125 = arith.cmpi ne, %rem3A_123, %ne3A_124 : i32
    %and3A_126 = arith.andi %ne3A_122, %ne3A_125 : i1
    %sub3A_127 = arith.constant 1 : i32
    %sub3A_128 = arith.subi %div3A_107, %sub3A_127 : i32
    %select_n3A_129 = arith.select %and3A_126, %sub3A_128, %div3A_107 : i32
    %add3A_130 = arith.constant 20 : i32
    %add3A_131 = arith.addi %select_n3A_129, %add3A_130 : i32
    %multiple_of3A_132 = tpu.assume_multiple %add3A_131, 4 : i32
    %dma_start3A_133 = arith.constant 1 : i32
    %dma_start3A_134 = arith.constant 0 : i32
    %dma_start3A_135 = arith.constant 0 : i32
    %dma_start3A_136 = tpu.memref_slice %arg13[%dma_start3A_133, %dma_start3A_134, %dma_start3A_135] : memref<3x20x128xf32, #tpu.memory_space<vmem>> -> memref<1x20x128xf32, #tpu.memory_space<vmem>>
    %dma_start3A_137 = tpu.memref_squeeze %dma_start3A_136 : memref<1x20x128xf32, #tpu.memory_space<vmem>> -> memref<20x128xf32, #tpu.memory_space<vmem>>
    %dma_start3A_138 = arith.constant 0 : i32
    %dma_start3A_139 = tpu.memref_slice %arg3[%multiple_of3A_132, %dma_start3A_138] : memref<80000x128xf32, #tpu.memory_space<hbm>> -> memref<20x128xf32, #tpu.memory_space<hbm>>
    %dma_start3A_140 = arith.constant 0 : i32
    %dma_start3A_141 = arith.constant 0 : i32
    %dma_start3A_142 = tpu.memref_slice %arg13[%dma_start3A_133, %dma_start3A_140, %dma_start3A_141] : memref<3x20x128xf32, #tpu.memory_space<vmem>> -> memref<1x20x128xf32, #tpu.memory_space<vmem>>
    %dma_start3A_143 = tpu.memref_squeeze %dma_start3A_142 : memref<1x20x128xf32, #tpu.memory_space<vmem>> -> memref<20x128xf32, #tpu.memory_space<vmem>>
    %dma_start3A_144 = arith.constant 0 : i32
    %dma_start3A_145 = tpu.memref_slice %arg3[%multiple_of3A_132, %dma_start3A_144] : memref<80000x128xf32, #tpu.memory_space<hbm>> -> memref<20x128xf32, #tpu.memory_space<hbm>>
    tpu.enqueue_dma source(%dma_start3A_145 : memref<20x128xf32, #tpu.memory_space<hbm>>) target(%dma_start3A_143 : memref<20x128xf32, #tpu.memory_space<vmem>>) target_semaphore(%arg18 : memref<!tpu.dma_semaphore, #tpu.memory_space<semaphore_mem>>)
    %mul3A_146 = arith.constant 10000 : i32
    %mul3A_147 = arith.muli %add3A, %mul3A_146 : i32
    %add3A_148 = arith.constant 0 : i32
    %add3A_149 = arith.addi %mul3A_147, %add3A_148 : i32
    %multiple_of3A_150 = tpu.assume_multiple %add3A_149, 8 : i32
    %dma_wait3A = arith.constant 0 : i32
    %dma_wait3A_151 = arith.constant 0 : i32
    %dma_wait3A_152 = tpu.memref_slice %arg11[%dma_wait3A, %dma_wait3A_151] : memref<3x80xi32, #tpu.memory_space<vmem>> -> memref<1x80xi32, #tpu.memory_space<vmem>>
    %dma_wait3A_153 = tpu.memref_squeeze %dma_wait3A_152 : memref<1x80xi32, #tpu.memory_space<vmem>> -> memref<80xi32, #tpu.memory_space<vmem>>
    %dma_wait3A_154 = tpu.memref_slice %arg4[%multiple_of3A_150] : memref<320000xi32, #tpu.memory_space<hbm>> -> memref<80xi32, #tpu.memory_space<hbm>>
    %dma_wait3A_155 = arith.constant 0 : i32
    %dma_wait3A_156 = tpu.memref_slice %arg11[%dma_wait3A, %dma_wait3A_155] : memref<3x80xi32, #tpu.memory_space<vmem>> -> memref<1x80xi32, #tpu.memory_space<vmem>>
    %dma_wait3A_157 = tpu.memref_squeeze %dma_wait3A_156 : memref<1x80xi32, #tpu.memory_space<vmem>> -> memref<80xi32, #tpu.memory_space<vmem>>
    %dma_wait3A_158 = tpu.memref_slice %arg4[%multiple_of3A_150] : memref<320000xi32, #tpu.memory_space<hbm>> -> memref<80xi32, #tpu.memory_space<hbm>>
    tpu.wait_dma2 semaphore(%arg17 : memref<!tpu.dma_semaphore, #tpu.memory_space<semaphore_mem>>) src(%dma_wait3A_158 : memref<80xi32, #tpu.memory_space<hbm>>) dst(%dma_wait3A_157 : memref<80xi32, #tpu.memory_space<vmem>>)
    %dma_wait3A_159 = arith.constant 0 : i32
    %dma_wait3A_160 = arith.constant 0 : i32
    %dma_wait3A_161 = tpu.memref_slice %arg10[%dma_wait3A_159, %dma_wait3A_160] : memref<3x80xi32, #tpu.memory_space<vmem>> -> memref<1x80xi32, #tpu.memory_space<vmem>>
    %dma_wait3A_162 = tpu.memref_squeeze %dma_wait3A_161 : memref<1x80xi32, #tpu.memory_space<vmem>> -> memref<80xi32, #tpu.memory_space<vmem>>
    %dma_wait3A_163 = tpu.memref_slice %arg5[%multiple_of3A_150] : memref<320000xi32, #tpu.memory_space<hbm>> -> memref<80xi32, #tpu.memory_space<hbm>>
    %dma_wait3A_164 = arith.constant 0 : i32
    %dma_wait3A_165 = tpu.memref_slice %arg10[%dma_wait3A_159, %dma_wait3A_164] : memref<3x80xi32, #tpu.memory_space<vmem>> -> memref<1x80xi32, #tpu.memory_space<vmem>>
    %dma_wait3A_166 = tpu.memref_squeeze %dma_wait3A_165 : memref<1x80xi32, #tpu.memory_space<vmem>> -> memref<80xi32, #tpu.memory_space<vmem>>
    %dma_wait3A_167 = tpu.memref_slice %arg5[%multiple_of3A_150] : memref<320000xi32, #tpu.memory_space<hbm>> -> memref<80xi32, #tpu.memory_space<hbm>>
    tpu.wait_dma2 semaphore(%arg17 : memref<!tpu.dma_semaphore, #tpu.memory_space<semaphore_mem>>) src(%dma_wait3A_167 : memref<80xi32, #tpu.memory_space<hbm>>) dst(%dma_wait3A_166 : memref<80xi32, #tpu.memory_space<vmem>>)
    %mul3A_168 = arith.constant 10000 : i32
    %mul3A_169 = arith.muli %add3A, %mul3A_168 : i32
    %jit3A_170 = arith.constant 4 : i32
    %div3A_171 = arith.divsi %mul3A_169, %jit3A_170 : i32
    %sign3A_172 = arith.constant 0 : i32
    %sign3A_173 = arith.cmpi sgt, %mul3A_169, %sign3A_172 : i32
    %sign3A_174 = arith.extui %sign3A_173 : i1 to i32
    %sign3A_175 = arith.constant 0 : i32
    %sign3A_176 = arith.cmpi slt, %mul3A_169, %sign3A_175 : i32
    %sign3A_177 = arith.extui %sign3A_176 : i1 to i32
    %sign3A_178 = arith.subi %sign3A_174, %sign3A_177 : i32
    %sign3A_179 = arith.constant 0 : i32
    %sign3A_180 = arith.cmpi sgt, %jit3A_170, %sign3A_179 : i32
    %sign3A_181 = arith.extui %sign3A_180 : i1 to i32
    %sign3A_182 = arith.constant 0 : i32
    %sign3A_183 = arith.cmpi slt, %jit3A_170, %sign3A_182 : i32
    %sign3A_184 = arith.extui %sign3A_183 : i1 to i32
    %sign3A_185 = arith.subi %sign3A_181, %sign3A_184 : i32
    %ne3A_186 = arith.cmpi ne, %sign3A_178, %sign3A_185 : i32
    %rem3A_187 = arith.remsi %mul3A_169, %jit3A_170 : i32
    %ne3A_188 = arith.constant 0 : i32
    %ne3A_189 = arith.cmpi ne, %rem3A_187, %ne3A_188 : i32
    %and3A_190 = arith.andi %ne3A_186, %ne3A_189 : i1
    %sub3A_191 = arith.constant 1 : i32
    %sub3A_192 = arith.subi %div3A_171, %sub3A_191 : i32
    %select_n3A_193 = arith.select %and3A_190, %sub3A_192, %div3A_171 : i32
    %add3A_194 = arith.constant 0 : i32
    %add3A_195 = arith.addi %select_n3A_193, %add3A_194 : i32
    %multiple_of3A_196 = tpu.assume_multiple %add3A_195, 4 : i32
    %dma_wait3A_197 = arith.constant 0 : i32
    %dma_wait3A_198 = arith.constant 0 : i32
    %dma_wait3A_199 = arith.constant 0 : i32
    %dma_wait3A_200 = tpu.memref_slice %arg13[%dma_wait3A_197, %dma_wait3A_198, %dma_wait3A_199] : memref<3x20x128xf32, #tpu.memory_space<vmem>> -> memref<1x20x128xf32, #tpu.memory_space<vmem>>
    %dma_wait3A_201 = tpu.memref_squeeze %dma_wait3A_200 : memref<1x20x128xf32, #tpu.memory_space<vmem>> -> memref<20x128xf32, #tpu.memory_space<vmem>>
    %dma_wait3A_202 = arith.constant 0 : i32
    %dma_wait3A_203 = tpu.memref_slice %arg3[%multiple_of3A_196, %dma_wait3A_202] : memref<80000x128xf32, #tpu.memory_space<hbm>> -> memref<20x128xf32, #tpu.memory_space<hbm>>
    %dma_wait3A_204 = arith.constant 0 : i32
    %dma_wait3A_205 = arith.constant 0 : i32
    %dma_wait3A_206 = tpu.memref_slice %arg13[%dma_wait3A_197, %dma_wait3A_204, %dma_wait3A_205] : memref<3x20x128xf32, #tpu.memory_space<vmem>> -> memref<1x20x128xf32, #tpu.memory_space<vmem>>
    %dma_wait3A_207 = tpu.memref_squeeze %dma_wait3A_206 : memref<1x20x128xf32, #tpu.memory_space<vmem>> -> memref<20x128xf32, #tpu.memory_space<vmem>>
    %dma_wait3A_208 = arith.constant 0 : i32
    %dma_wait3A_209 = tpu.memref_slice %arg3[%multiple_of3A_196, %dma_wait3A_208] : memref<80000x128xf32, #tpu.memory_space<hbm>> -> memref<20x128xf32, #tpu.memory_space<hbm>>
    tpu.wait_dma2 semaphore(%arg17 : memref<!tpu.dma_semaphore, #tpu.memory_space<semaphore_mem>>) src(%dma_wait3A_209 : memref<20x128xf32, #tpu.memory_space<hbm>>) dst(%dma_wait3A_207 : memref<20x128xf32, #tpu.memory_space<vmem>>)
    %dma_start3A_210 = arith.constant 0 : i32
    %dma_start3A_211 = arith.constant 0 : i32
    %dma_start3A_212 = arith.constant 0 : i32
    %dma_start3A_213 = arith.constant 0 : i32
    %dma_start3A_214 = tpu.memref_slice %arg12[%dma_start3A_211, %dma_start3A_212, %dma_start3A_213] : memref<3x80x32xf32, #tpu.memory_space<vmem>> -> memref<1x80x32xf32, #tpu.memory_space<vmem>>
    %dma_start3A_215 = tpu.memref_squeeze %dma_start3A_214 : memref<1x80x32xf32, #tpu.memory_space<vmem>> -> memref<80x32xf32, #tpu.memory_space<vmem>>
    %dma_start3A_216 = arith.constant 0 : i32
    %dma_start3A_217 = tpu.memref_slice %arg11[%dma_start3A_210, %dma_start3A_216] : memref<3x80xi32, #tpu.memory_space<vmem>> -> memref<1x80xi32, #tpu.memory_space<vmem>>
    %dma_start3A_218 = tpu.memref_squeeze %dma_start3A_217 : memref<1x80xi32, #tpu.memory_space<vmem>> -> memref<80xi32, #tpu.memory_space<vmem>>
    %dma_start3A_219 = arith.constant 0 : i32
    %dma_start3A_220 = arith.constant 0 : i32
    %dma_start3A_221 = tpu.memref_slice %arg2[%dma_start3A_219, %dma_start3A_220] : memref<10000x32xf32, #tpu.memory_space<hbm>> -> memref<10000x32xf32, #tpu.memory_space<hbm>>
    tpu.enqueue_indirect_dma source(%dma_start3A_221 : memref<10000x32xf32, #tpu.memory_space<hbm>>) target(%dma_start3A_215 : memref<80x32xf32, #tpu.memory_space<vmem>>) offsets(%dma_start3A_218 : memref<80xi32, #tpu.memory_space<vmem>>) semaphore(%arg20 : memref<!tpu.dma_semaphore, #tpu.memory_space<semaphore_mem>>)
    %dma_wait3A_222 = arith.constant 0 : i32
    %dma_wait3A_223 = arith.constant 0 : i32
    %dma_wait3A_224 = arith.constant 0 : i32
    %dma_wait3A_225 = arith.constant 0 : i32
    %dma_wait3A_226 = tpu.memref_slice %arg12[%dma_wait3A_223, %dma_wait3A_224, %dma_wait3A_225] : memref<3x80x32xf32, #tpu.memory_space<vmem>> -> memref<1x80x32xf32, #tpu.memory_space<vmem>>
    %dma_wait3A_227 = tpu.memref_squeeze %dma_wait3A_226 : memref<1x80x32xf32, #tpu.memory_space<vmem>> -> memref<80x32xf32, #tpu.memory_space<vmem>>
    %dma_wait3A_228 = arith.constant 0 : i32
    %dma_wait3A_229 = tpu.memref_slice %arg11[%dma_wait3A_222, %dma_wait3A_228] : memref<3x80xi32, #tpu.memory_space<vmem>> -> memref<1x80xi32, #tpu.memory_space<vmem>>
    %dma_wait3A_230 = tpu.memref_squeeze %dma_wait3A_229 : memref<1x80xi32, #tpu.memory_space<vmem>> -> memref<80xi32, #tpu.memory_space<vmem>>
    %dma_wait3A_231 = arith.constant 0 : i32
    %dma_wait3A_232 = arith.constant 0 : i32
    %dma_wait3A_233 = tpu.memref_slice %arg2[%dma_wait3A_231, %dma_wait3A_232] : memref<10000x32xf32, #tpu.memory_space<hbm>> -> memref<10000x32xf32, #tpu.memory_space<hbm>>
    tpu.wait_indirect_dma semaphore(%arg20 : memref<!tpu.dma_semaphore, #tpu.memory_space<semaphore_mem>>) src(%dma_wait3A_233 : memref<10000x32xf32, #tpu.memory_space<hbm>>) dst(%dma_wait3A_227 : memref<80x32xf32, #tpu.memory_space<vmem>>)
    %mul3A_234 = arith.constant 10000 : i32
    %mul3A_235 = arith.muli %add3A, %mul3A_234 : i32
    %add3A_236 = arith.constant 80 : i32
    %add3A_237 = arith.addi %mul3A_235, %add3A_236 : i32
    %multiple_of3A_238 = tpu.assume_multiple %add3A_237, 8 : i32
    %dma_wait3A_239 = arith.constant 1 : i32
    %dma_wait3A_240 = arith.constant 0 : i32
    %dma_wait3A_241 = tpu.memref_slice %arg11[%dma_wait3A_239, %dma_wait3A_240] : memref<3x80xi32, #tpu.memory_space<vmem>> -> memref<1x80xi32, #tpu.memory_space<vmem>>
    %dma_wait3A_242 = tpu.memref_squeeze %dma_wait3A_241 : memref<1x80xi32, #tpu.memory_space<vmem>> -> memref<80xi32, #tpu.memory_space<vmem>>
    %dma_wait3A_243 = tpu.memref_slice %arg4[%multiple_of3A_238] : memref<320000xi32, #tpu.memory_space<hbm>> -> memref<80xi32, #tpu.memory_space<hbm>>
    %dma_wait3A_244 = arith.constant 0 : i32
    %dma_wait3A_245 = tpu.memref_slice %arg11[%dma_wait3A_239, %dma_wait3A_244] : memref<3x80xi32, #tpu.memory_space<vmem>> -> memref<1x80xi32, #tpu.memory_space<vmem>>
    %dma_wait3A_246 = tpu.memref_squeeze %dma_wait3A_245 : memref<1x80xi32, #tpu.memory_space<vmem>> -> memref<80xi32, #tpu.memory_space<vmem>>
    %dma_wait3A_247 = tpu.memref_slice %arg4[%multiple_of3A_238] : memref<320000xi32, #tpu.memory_space<hbm>> -> memref<80xi32, #tpu.memory_space<hbm>>
    tpu.wait_dma2 semaphore(%arg18 : memref<!tpu.dma_semaphore, #tpu.memory_space<semaphore_mem>>) src(%dma_wait3A_247 : memref<80xi32, #tpu.memory_space<hbm>>) dst(%dma_wait3A_246 : memref<80xi32, #tpu.memory_space<vmem>>)
    %dma_wait3A_248 = arith.constant 1 : i32
    %dma_wait3A_249 = arith.constant 0 : i32
    %dma_wait3A_250 = tpu.memref_slice %arg10[%dma_wait3A_248, %dma_wait3A_249] : memref<3x80xi32, #tpu.memory_space<vmem>> -> memref<1x80xi32, #tpu.memory_space<vmem>>
    %dma_wait3A_251 = tpu.memref_squeeze %dma_wait3A_250 : memref<1x80xi32, #tpu.memory_space<vmem>> -> memref<80xi32, #tpu.memory_space<vmem>>
    %dma_wait3A_252 = tpu.memref_slice %arg5[%multiple_of3A_238] : memref<320000xi32, #tpu.memory_space<hbm>> -> memref<80xi32, #tpu.memory_space<hbm>>
    %dma_wait3A_253 = arith.constant 0 : i32
    %dma_wait3A_254 = tpu.memref_slice %arg10[%dma_wait3A_248, %dma_wait3A_253] : memref<3x80xi32, #tpu.memory_space<vmem>> -> memref<1x80xi32, #tpu.memory_space<vmem>>
    %dma_wait3A_255 = tpu.memref_squeeze %dma_wait3A_254 : memref<1x80xi32, #tpu.memory_space<vmem>> -> memref<80xi32, #tpu.memory_space<vmem>>
    %dma_wait3A_256 = tpu.memref_slice %arg5[%multiple_of3A_238] : memref<320000xi32, #tpu.memory_space<hbm>> -> memref<80xi32, #tpu.memory_space<hbm>>
    tpu.wait_dma2 semaphore(%arg18 : memref<!tpu.dma_semaphore, #tpu.memory_space<semaphore_mem>>) src(%dma_wait3A_256 : memref<80xi32, #tpu.memory_space<hbm>>) dst(%dma_wait3A_255 : memref<80xi32, #tpu.memory_space<vmem>>)
    %mul3A_257 = arith.constant 10000 : i32
    %mul3A_258 = arith.muli %add3A, %mul3A_257 : i32
    %jit3A_259 = arith.constant 4 : i32
    %div3A_260 = arith.divsi %mul3A_258, %jit3A_259 : i32
    %sign3A_261 = arith.constant 0 : i32
    %sign3A_262 = arith.cmpi sgt, %mul3A_258, %sign3A_261 : i32
    %sign3A_263 = arith.extui %sign3A_262 : i1 to i32
    %sign3A_264 = arith.constant 0 : i32
    %sign3A_265 = arith.cmpi slt, %mul3A_258, %sign3A_264 : i32
    %sign3A_266 = arith.extui %sign3A_265 : i1 to i32
    %sign3A_267 = arith.subi %sign3A_263, %sign3A_266 : i32
    %sign3A_268 = arith.constant 0 : i32
    %sign3A_269 = arith.cmpi sgt, %jit3A_259, %sign3A_268 : i32
    %sign3A_270 = arith.extui %sign3A_269 : i1 to i32
    %sign3A_271 = arith.constant 0 : i32
    %sign3A_272 = arith.cmpi slt, %jit3A_259, %sign3A_271 : i32
    %sign3A_273 = arith.extui %sign3A_272 : i1 to i32
    %sign3A_274 = arith.subi %sign3A_270, %sign3A_273 : i32
    %ne3A_275 = arith.cmpi ne, %sign3A_267, %sign3A_274 : i32
    %rem3A_276 = arith.remsi %mul3A_258, %jit3A_259 : i32
    %ne3A_277 = arith.constant 0 : i32
    %ne3A_278 = arith.cmpi ne, %rem3A_276, %ne3A_277 : i32
    %and3A_279 = arith.andi %ne3A_275, %ne3A_278 : i1
    %sub3A_280 = arith.constant 1 : i32
    %sub3A_281 = arith.subi %div3A_260, %sub3A_280 : i32
    %select_n3A_282 = arith.select %and3A_279, %sub3A_281, %div3A_260 : i32
    %add3A_283 = arith.constant 20 : i32
    %add3A_284 = arith.addi %select_n3A_282, %add3A_283 : i32
    %multiple_of3A_285 = tpu.assume_multiple %add3A_284, 4 : i32
    %dma_wait3A_286 = arith.constant 1 : i32
    %dma_wait3A_287 = arith.constant 0 : i32
    %dma_wait3A_288 = arith.constant 0 : i32
    %dma_wait3A_289 = tpu.memref_slice %arg13[%dma_wait3A_286, %dma_wait3A_287, %dma_wait3A_288] : memref<3x20x128xf32, #tpu.memory_space<vmem>> -> memref<1x20x128xf32, #tpu.memory_space<vmem>>
    %dma_wait3A_290 = tpu.memref_squeeze %dma_wait3A_289 : memref<1x20x128xf32, #tpu.memory_space<vmem>> -> memref<20x128xf32, #tpu.memory_space<vmem>>
    %dma_wait3A_291 = arith.constant 0 : i32
    %dma_wait3A_292 = tpu.memref_slice %arg3[%multiple_of3A_285, %dma_wait3A_291] : memref<80000x128xf32, #tpu.memory_space<hbm>> -> memref<20x128xf32, #tpu.memory_space<hbm>>
    %dma_wait3A_293 = arith.constant 0 : i32
    %dma_wait3A_294 = arith.constant 0 : i32
    %dma_wait3A_295 = tpu.memref_slice %arg13[%dma_wait3A_286, %dma_wait3A_293, %dma_wait3A_294] : memref<3x20x128xf32, #tpu.memory_space<vmem>> -> memref<1x20x128xf32, #tpu.memory_space<vmem>>
    %dma_wait3A_296 = tpu.memref_squeeze %dma_wait3A_295 : memref<1x20x128xf32, #tpu.memory_space<vmem>> -> memref<20x128xf32, #tpu.memory_space<vmem>>
    %dma_wait3A_297 = arith.constant 0 : i32
    %dma_wait3A_298 = tpu.memref_slice %arg3[%multiple_of3A_285, %dma_wait3A_297] : memref<80000x128xf32, #tpu.memory_space<hbm>> -> memref<20x128xf32, #tpu.memory_space<hbm>>
    tpu.wait_dma2 semaphore(%arg18 : memref<!tpu.dma_semaphore, #tpu.memory_space<semaphore_mem>>) src(%dma_wait3A_298 : memref<20x128xf32, #tpu.memory_space<hbm>>) dst(%dma_wait3A_296 : memref<20x128xf32, #tpu.memory_space<vmem>>)
    %dma_start3A_299 = arith.constant 1 : i32
    %dma_start3A_300 = arith.constant 1 : i32
    %dma_start3A_301 = arith.constant 0 : i32
    %dma_start3A_302 = arith.constant 0 : i32
    %dma_start3A_303 = tpu.memref_slice %arg12[%dma_start3A_300, %dma_start3A_301, %dma_start3A_302] : memref<3x80x32xf32, #tpu.memory_space<vmem>> -> memref<1x80x32xf32, #tpu.memory_space<vmem>>
    %dma_start3A_304 = tpu.memref_squeeze %dma_start3A_303 : memref<1x80x32xf32, #tpu.memory_space<vmem>> -> memref<80x32xf32, #tpu.memory_space<vmem>>
    %dma_start3A_305 = arith.constant 0 : i32
    %dma_start3A_306 = tpu.memref_slice %arg11[%dma_start3A_299, %dma_start3A_305] : memref<3x80xi32, #tpu.memory_space<vmem>> -> memref<1x80xi32, #tpu.memory_space<vmem>>
    %dma_start3A_307 = tpu.memref_squeeze %dma_start3A_306 : memref<1x80xi32, #tpu.memory_space<vmem>> -> memref<80xi32, #tpu.memory_space<vmem>>
    %dma_start3A_308 = arith.constant 0 : i32
    %dma_start3A_309 = arith.constant 0 : i32
    %dma_start3A_310 = tpu.memref_slice %arg2[%dma_start3A_308, %dma_start3A_309] : memref<10000x32xf32, #tpu.memory_space<hbm>> -> memref<10000x32xf32, #tpu.memory_space<hbm>>
    tpu.enqueue_indirect_dma source(%dma_start3A_310 : memref<10000x32xf32, #tpu.memory_space<hbm>>) target(%dma_start3A_304 : memref<80x32xf32, #tpu.memory_space<vmem>>) offsets(%dma_start3A_307 : memref<80xi32, #tpu.memory_space<vmem>>) semaphore(%arg21 : memref<!tpu.dma_semaphore, #tpu.memory_space<semaphore_mem>>)
    %mul3A_311 = arith.constant 10000 : i32
    %mul3A_312 = arith.muli %add3A, %mul3A_311 : i32
    %add3A_313 = arith.constant 160 : i32
    %add3A_314 = arith.addi %mul3A_312, %add3A_313 : i32
    %multiple_of3A_315 = tpu.assume_multiple %add3A_314, 8 : i32
    %dma_start3A_316 = arith.constant 2 : i32
    %dma_start3A_317 = arith.constant 0 : i32
    %dma_start3A_318 = tpu.memref_slice %arg11[%dma_start3A_316, %dma_start3A_317] : memref<3x80xi32, #tpu.memory_space<vmem>> -> memref<1x80xi32, #tpu.memory_space<vmem>>
    %dma_start3A_319 = tpu.memref_squeeze %dma_start3A_318 : memref<1x80xi32, #tpu.memory_space<vmem>> -> memref<80xi32, #tpu.memory_space<vmem>>
    %dma_start3A_320 = tpu.memref_slice %arg4[%multiple_of3A_315] : memref<320000xi32, #tpu.memory_space<hbm>> -> memref<80xi32, #tpu.memory_space<hbm>>
    %dma_start3A_321 = arith.constant 0 : i32
    %dma_start3A_322 = tpu.memref_slice %arg11[%dma_start3A_316, %dma_start3A_321] : memref<3x80xi32, #tpu.memory_space<vmem>> -> memref<1x80xi32, #tpu.memory_space<vmem>>
    %dma_start3A_323 = tpu.memref_squeeze %dma_start3A_322 : memref<1x80xi32, #tpu.memory_space<vmem>> -> memref<80xi32, #tpu.memory_space<vmem>>
    %dma_start3A_324 = tpu.memref_slice %arg4[%multiple_of3A_315] : memref<320000xi32, #tpu.memory_space<hbm>> -> memref<80xi32, #tpu.memory_space<hbm>>
    tpu.enqueue_dma source(%dma_start3A_324 : memref<80xi32, #tpu.memory_space<hbm>>) target(%dma_start3A_323 : memref<80xi32, #tpu.memory_space<vmem>>) target_semaphore(%arg19 : memref<!tpu.dma_semaphore, #tpu.memory_space<semaphore_mem>>)
    %dma_start3A_325 = arith.constant 2 : i32
    %dma_start3A_326 = arith.constant 0 : i32
    %dma_start3A_327 = tpu.memref_slice %arg10[%dma_start3A_325, %dma_start3A_326] : memref<3x80xi32, #tpu.memory_space<vmem>> -> memref<1x80xi32, #tpu.memory_space<vmem>>
    %dma_start3A_328 = tpu.memref_squeeze %dma_start3A_327 : memref<1x80xi32, #tpu.memory_space<vmem>> -> memref<80xi32, #tpu.memory_space<vmem>>
    %dma_start3A_329 = tpu.memref_slice %arg5[%multiple_of3A_315] : memref<320000xi32, #tpu.memory_space<hbm>> -> memref<80xi32, #tpu.memory_space<hbm>>
    %dma_start3A_330 = arith.constant 0 : i32
    %dma_start3A_331 = tpu.memref_slice %arg10[%dma_start3A_325, %dma_start3A_330] : memref<3x80xi32, #tpu.memory_space<vmem>> -> memref<1x80xi32, #tpu.memory_space<vmem>>
    %dma_start3A_332 = tpu.memref_squeeze %dma_start3A_331 : memref<1x80xi32, #tpu.memory_space<vmem>> -> memref<80xi32, #tpu.memory_space<vmem>>
    %dma_start3A_333 = tpu.memref_slice %arg5[%multiple_of3A_315] : memref<320000xi32, #tpu.memory_space<hbm>> -> memref<80xi32, #tpu.memory_space<hbm>>
    tpu.enqueue_dma source(%dma_start3A_333 : memref<80xi32, #tpu.memory_space<hbm>>) target(%dma_start3A_332 : memref<80xi32, #tpu.memory_space<vmem>>) target_semaphore(%arg19 : memref<!tpu.dma_semaphore, #tpu.memory_space<semaphore_mem>>)
    %mul3A_334 = arith.constant 10000 : i32
    %mul3A_335 = arith.muli %add3A, %mul3A_334 : i32
    %jit3A_336 = arith.constant 4 : i32
    %div3A_337 = arith.divsi %mul3A_335, %jit3A_336 : i32
    %sign3A_338 = arith.constant 0 : i32
    %sign3A_339 = arith.cmpi sgt, %mul3A_335, %sign3A_338 : i32
    %sign3A_340 = arith.extui %sign3A_339 : i1 to i32
    %sign3A_341 = arith.constant 0 : i32
    %sign3A_342 = arith.cmpi slt, %mul3A_335, %sign3A_341 : i32
    %sign3A_343 = arith.extui %sign3A_342 : i1 to i32
    %sign3A_344 = arith.subi %sign3A_340, %sign3A_343 : i32
    %sign3A_345 = arith.constant 0 : i32
    %sign3A_346 = arith.cmpi sgt, %jit3A_336, %sign3A_345 : i32
    %sign3A_347 = arith.extui %sign3A_346 : i1 to i32
    %sign3A_348 = arith.constant 0 : i32
    %sign3A_349 = arith.cmpi slt, %jit3A_336, %sign3A_348 : i32
    %sign3A_350 = arith.extui %sign3A_349 : i1 to i32
    %sign3A_351 = arith.subi %sign3A_347, %sign3A_350 : i32
    %ne3A_352 = arith.cmpi ne, %sign3A_344, %sign3A_351 : i32
    %rem3A_353 = arith.remsi %mul3A_335, %jit3A_336 : i32
    %ne3A_354 = arith.constant 0 : i32
    %ne3A_355 = arith.cmpi ne, %rem3A_353, %ne3A_354 : i32
    %and3A_356 = arith.andi %ne3A_352, %ne3A_355 : i1
    %sub3A_357 = arith.constant 1 : i32
    %sub3A_358 = arith.subi %div3A_337, %sub3A_357 : i32
    %select_n3A_359 = arith.select %and3A_356, %sub3A_358, %div3A_337 : i32
    %add3A_360 = arith.constant 40 : i32
    %add3A_361 = arith.addi %select_n3A_359, %add3A_360 : i32
    %multiple_of3A_362 = tpu.assume_multiple %add3A_361, 4 : i32
    %dma_start3A_363 = arith.constant 2 : i32
    %dma_start3A_364 = arith.constant 0 : i32
    %dma_start3A_365 = arith.constant 0 : i32
    %dma_start3A_366 = tpu.memref_slice %arg13[%dma_start3A_363, %dma_start3A_364, %dma_start3A_365] : memref<3x20x128xf32, #tpu.memory_space<vmem>> -> memref<1x20x128xf32, #tpu.memory_space<vmem>>
    %dma_start3A_367 = tpu.memref_squeeze %dma_start3A_366 : memref<1x20x128xf32, #tpu.memory_space<vmem>> -> memref<20x128xf32, #tpu.memory_space<vmem>>
    %dma_start3A_368 = arith.constant 0 : i32
    %dma_start3A_369 = tpu.memref_slice %arg3[%multiple_of3A_362, %dma_start3A_368] : memref<80000x128xf32, #tpu.memory_space<hbm>> -> memref<20x128xf32, #tpu.memory_space<hbm>>
    %dma_start3A_370 = arith.constant 0 : i32
    %dma_start3A_371 = arith.constant 0 : i32
    %dma_start3A_372 = tpu.memref_slice %arg13[%dma_start3A_363, %dma_start3A_370, %dma_start3A_371] : memref<3x20x128xf32, #tpu.memory_space<vmem>> -> memref<1x20x128xf32, #tpu.memory_space<vmem>>
    %dma_start3A_373 = tpu.memref_squeeze %dma_start3A_372 : memref<1x20x128xf32, #tpu.memory_space<vmem>> -> memref<20x128xf32, #tpu.memory_space<vmem>>
    %dma_start3A_374 = arith.constant 0 : i32
    %dma_start3A_375 = tpu.memref_slice %arg3[%multiple_of3A_362, %dma_start3A_374] : memref<80000x128xf32, #tpu.memory_space<hbm>> -> memref<20x128xf32, #tpu.memory_space<hbm>>
    tpu.enqueue_dma source(%dma_start3A_375 : memref<20x128xf32, #tpu.memory_space<hbm>>) target(%dma_start3A_373 : memref<20x128xf32, #tpu.memory_space<vmem>>) target_semaphore(%arg19 : memref<!tpu.dma_semaphore, #tpu.memory_space<semaphore_mem>>)
    %scan3A_376 = arith.constant 0 : i32
    %scan3A_377 = arith.constant 20 : i32
    %scan3A_378 = arith.addi %scan3A_376, %scan3A_377 : i32
    %scan3A_379 = arith.constant 1 : i32
    scf.for %scan3A_1002 = %scan3A_376 to %scan3A_378 step %scan3A_379  : i32 {
      %mul3A_1003 = arith.constant 4 : i32
      %mul3A_1004 = arith.muli %mul3A_1003, %scan3A_1002 : i32
      %add3A_1005 = arith.constant 0 : i32
      %add3A_1006 = arith.addi %mul3A_1004, %add3A_1005 : i32
      %get3A = arith.constant 0 : i32
      %get3A_1007 = arith.index_cast %get3A : i32 to index
      %get3A_1008 = arith.index_cast %add3A_1006 : i32 to index
      %get3A_1009 = arith.constant 0 : index
      %get3A_1010 = tpu.vector_load %arg12[%get3A_1007, %get3A_1008, %get3A_1009] {strides = array<i32>} : memref<3x80x32xf32, #tpu.memory_space<vmem>>, vector<1x1x16xf32>,
      %get3A_1011 = vector.shape_cast %get3A_1010 : vector<1x1x16xf32> to vector<16xf32>
      %get3A_1012 = arith.constant 0 : i32
      %get3A_1013 = arith.index_cast %get3A_1012 : i32 to index
      %get3A_1014 = arith.index_cast %scan3A_1002 : i32 to index
      %get3A_1015 = arith.constant 0 : index
      %get3A_1016 = tpu.vector_load %arg13[%get3A_1013, %get3A_1014, %get3A_1015] {strides = array<i32>} : memref<3x20x128xf32, #tpu.memory_space<vmem>>, vector<1x1x16xf32>,
      %get3A_1017 = vector.shape_cast %get3A_1016 : vector<1x1x16xf32> to vector<16xf32>
      %add3A_1018 = arith.addf %get3A_1011, %get3A_1017 : vector<16xf32>
      %max3A = arith.constant 0.000000e+00 : f32
      %max3A_1019 = vector.broadcast %max3A : f32 to vector<16xf32>
      %max3A_1020 = arith.maximumf %add3A_1018, %max3A_1019 : vector<16xf32>
      %add3A_1021 = arith.constant 0 : i32
      %add3A_1022 = arith.addi %mul3A_1004, %add3A_1021 : i32
      %swap3A = arith.constant 0 : i32
      %swap3A_1023 = arith.index_cast %swap3A : i32 to index
      %swap3A_1024 = arith.index_cast %add3A_1022 : i32 to index
      %swap3A_1025 = arith.constant 0 : index
      %swap3A_1026 = tpu.vector_load %arg12[%swap3A_1023, %swap3A_1024, %swap3A_1025] {strides = array<i32>} : memref<3x80x32xf32, #tpu.memory_space<vmem>>, vector<1x1x16xf32>,
      %swap3A_1027 = vector.shape_cast %swap3A_1026 : vector<1x1x16xf32> to vector<16xf32>
      %swap3A_1028 = vector.shape_cast %max3A_1020 : vector<16xf32> to vector<1x1x16xf32>
      tpu.vector_store %arg12[%swap3A_1023, %swap3A_1024, %swap3A_1025], %swap3A_1028 {strides = array<i32>} : memref<3x80x32xf32, #tpu.memory_space<vmem>>, vector<1x1x16xf32>,
      %add3A_1029 = arith.constant 0 : i32
      %add3A_1030 = arith.addi %mul3A_1004, %add3A_1029 : i32
      %get3A_1031 = arith.constant 0 : i32
      %get3A_1032 = arith.index_cast %get3A_1031 : i32 to index
      %get3A_1033 = arith.index_cast %add3A_1030 : i32 to index
      %get3A_1034 = arith.constant 16 : index
      %get3A_1035 = tpu.vector_load %arg12[%get3A_1032, %get3A_1033, %get3A_1034] {strides = array<i32>} : memref<3x80x32xf32, #tpu.memory_space<vmem>>, vector<1x1x16xf32>,
      %get3A_1036 = vector.shape_cast %get3A_1035 : vector<1x1x16xf32> to vector<16xf32>
      %get3A_1037 = arith.constant 0 : i32
      %get3A_1038 = arith.index_cast %get3A_1037 : i32 to index
      %get3A_1039 = arith.index_cast %scan3A_1002 : i32 to index
      %get3A_1040 = arith.constant 16 : index
      %get3A_1041 = tpu.vector_load %arg13[%get3A_1038, %get3A_1039, %get3A_1040] {strides = array<i32>} : memref<3x20x128xf32, #tpu.memory_space<vmem>>, vector<1x1x16xf32>,
      %get3A_1042 = vector.shape_cast %get3A_1041 : vector<1x1x16xf32> to vector<16xf32>
      %add3A_1043 = arith.addf %get3A_1036, %get3A_1042 : vector<16xf32>
      %max3A_1044 = arith.constant 0.000000e+00 : f32
      %max3A_1045 = vector.broadcast %max3A_1044 : f32 to vector<16xf32>
      %max3A_1046 = arith.maximumf %add3A_1043, %max3A_1045 : vector<16xf32>
      %add3A_1047 = arith.constant 0 : i32
      %add3A_1048 = arith.addi %mul3A_1004, %add3A_1047 : i32
      %swap3A_1049 = arith.constant 0 : i32
      %swap3A_1050 = arith.index_cast %swap3A_1049 : i32 to index
      %swap3A_1051 = arith.index_cast %add3A_1048 : i32 to index
      %swap3A_1052 = arith.constant 16 : index
      %swap3A_1053 = tpu.vector_load %arg12[%swap3A_1050, %swap3A_1051, %swap3A_1052] {strides = array<i32>} : memref<3x80x32xf32, #tpu.memory_space<vmem>>, vector<1x1x16xf32>,
      %swap3A_1054 = vector.shape_cast %swap3A_1053 : vector<1x1x16xf32> to vector<16xf32>
      %swap3A_1055 = vector.shape_cast %max3A_1046 : vector<16xf32> to vector<1x1x16xf32>
      tpu.vector_store %arg12[%swap3A_1050, %swap3A_1051, %swap3A_1052], %swap3A_1055 {strides = array<i32>} : memref<3x80x32xf32, #tpu.memory_space<vmem>>, vector<1x1x16xf32>,
      %add3A_1056 = arith.constant 1 : i32
      %add3A_1057 = arith.addi %mul3A_1004, %add3A_1056 : i32
      %get3A_1058 = arith.constant 0 : i32
      %get3A_1059 = arith.index_cast %get3A_1058 : i32 to index
      %get3A_1060 = arith.index_cast %add3A_1057 : i32 to index
      %get3A_1061 = arith.constant 0 : index
      %get3A_1062 = tpu.vector_load %arg12[%get3A_1059, %get3A_1060, %get3A_1061] {strides = array<i32>} : memref<3x80x32xf32, #tpu.memory_space<vmem>>, vector<1x1x16xf32>,
      %get3A_1063 = vector.shape_cast %get3A_1062 : vector<1x1x16xf32> to vector<16xf32>
      %get3A_1064 = arith.constant 0 : i32
      %get3A_1065 = arith.index_cast %get3A_1064 : i32 to index
      %get3A_1066 = arith.index_cast %scan3A_1002 : i32 to index
      %get3A_1067 = arith.constant 32 : index
      %get3A_1068 = tpu.vector_load %arg13[%get3A_1065, %get3A_1066, %get3A_1067] {strides = array<i32>} : memref<3x20x128xf32, #tpu.memory_space<vmem>>, vector<1x1x16xf32>,
      %get3A_1069 = vector.shape_cast %get3A_1068 : vector<1x1x16xf32> to vector<16xf32>
      %add3A_1070 = arith.addf %get3A_1063, %get3A_1069 : vector<16xf32>
      %max3A_1071 = arith.constant 0.000000e+00 : f32
      %max3A_1072 = vector.broadcast %max3A_1071 : f32 to vector<16xf32>
      %max3A_1073 = arith.maximumf %add3A_1070, %max3A_1072 : vector<16xf32>
      %add3A_1074 = arith.constant 1 : i32
      %add3A_1075 = arith.addi %mul3A_1004, %add3A_1074 : i32
      %swap3A_1076 = arith.constant 0 : i32
      %swap3A_1077 = arith.index_cast %swap3A_1076 : i32 to index
      %swap3A_1078 = arith.index_cast %add3A_1075 : i32 to index
      %swap3A_1079 = arith.constant 0 : index
      %swap3A_1080 = tpu.vector_load %arg12[%swap3A_1077, %swap3A_1078, %swap3A_1079] {strides = array<i32>} : memref<3x80x32xf32, #tpu.memory_space<vmem>>, vector<1x1x16xf32>,
      %swap3A_1081 = vector.shape_cast %swap3A_1080 : vector<1x1x16xf32> to vector<16xf32>
      %swap3A_1082 = vector.shape_cast %max3A_1073 : vector<16xf32> to vector<1x1x16xf32>
      tpu.vector_store %arg12[%swap3A_1077, %swap3A_1078, %swap3A_1079], %swap3A_1082 {strides = array<i32>} : memref<3x80x32xf32, #tpu.memory_space<vmem>>, vector<1x1x16xf32>,
      %add3A_1083 = arith.constant 1 : i32
      %add3A_1084 = arith.addi %mul3A_1004, %add3A_1083 : i32
      %get3A_1085 = arith.constant 0 : i32
      %get3A_1086 = arith.index_cast %get3A_1085 : i32 to index
      %get3A_1087 = arith.index_cast %add3A_1084 : i32 to index
      %get3A_1088 = arith.constant 16 : index
      %get3A_1089 = tpu.vector_load %arg12[%get3A_1086, %get3A_1087, %get3A_1088] {strides = array<i32>} : memref<3x80x32xf32, #tpu.memory_space<vmem>>, vector<1x1x16xf32>,
      %get3A_1090 = vector.shape_cast %get3A_1089 : vector<1x1x16xf32> to vector<16xf32>
      %get3A_1091 = arith.constant 0 : i32
      %get3A_1092 = arith.index_cast %get3A_1091 : i32 to index
      %get3A_1093 = arith.index_cast %scan3A_1002 : i32 to index
      %get3A_1094 = arith.constant 48 : index
      %get3A_1095 = tpu.vector_load %arg13[%get3A_1092, %get3A_1093, %get3A_1094] {strides = array<i32>} : memref<3x20x128xf32, #tpu.memory_space<vmem>>, vector<1x1x16xf32>,
      %get3A_1096 = vector.shape_cast %get3A_1095 : vector<1x1x16xf32> to vector<16xf32>
      %add3A_1097 = arith.addf %get3A_1090, %get3A_1096 : vector<16xf32>
      %max3A_1098 = arith.constant 0.000000e+00 : f32
      %max3A_1099 = vector.broadcast %max3A_1098 : f32 to vector<16xf32>
      %max3A_1100 = arith.maximumf %add3A_1097, %max3A_1099 : vector<16xf32>
      %add3A_1101 = arith.constant 1 : i32
      %add3A_1102 = arith.addi %mul3A_1004, %add3A_1101 : i32
      %swap3A_1103 = arith.constant 0 : i32
      %swap3A_1104 = arith.index_cast %swap3A_1103 : i32 to index
      %swap3A_1105 = arith.index_cast %add3A_1102 : i32 to index
      %swap3A_1106 = arith.constant 16 : index
      %swap3A_1107 = tpu.vector_load %arg12[%swap3A_1104, %swap3A_1105, %swap3A_1106] {strides = array<i32>} : memref<3x80x32xf32, #tpu.memory_space<vmem>>, vector<1x1x16xf32>,
      %swap3A_1108 = vector.shape_cast %swap3A_1107 : vector<1x1x16xf32> to vector<16xf32>
      %swap3A_1109 = vector.shape_cast %max3A_1100 : vector<16xf32> to vector<1x1x16xf32>
      tpu.vector_store %arg12[%swap3A_1104, %swap3A_1105, %swap3A_1106], %swap3A_1109 {strides = array<i32>} : memref<3x80x32xf32, #tpu.memory_space<vmem>>, vector<1x1x16xf32>,
      %add3A_1110 = arith.constant 2 : i32
      %add3A_1111 = arith.addi %mul3A_1004, %add3A_1110 : i32
      %get3A_1112 = arith.constant 0 : i32
      %get3A_1113 = arith.index_cast %get3A_1112 : i32 to index
      %get3A_1114 = arith.index_cast %add3A_1111 : i32 to index
      %get3A_1115 = arith.constant 0 : index
      %get3A_1116 = tpu.vector_load %arg12[%get3A_1113, %get3A_1114, %get3A_1115] {strides = array<i32>} : memref<3x80x32xf32, #tpu.memory_space<vmem>>, vector<1x1x16xf32>,
      %get3A_1117 = vector.shape_cast %get3A_1116 : vector<1x1x16xf32> to vector<16xf32>
      %get3A_1118 = arith.constant 0 : i32
      %get3A_1119 = arith.index_cast %get3A_1118 : i32 to index
      %get3A_1120 = arith.index_cast %scan3A_1002 : i32 to index
      %get3A_1121 = arith.constant 64 : index
      %get3A_1122 = tpu.vector_load %arg13[%get3A_1119, %get3A_1120, %get3A_1121] {strides = array<i32>} : memref<3x20x128xf32, #tpu.memory_space<vmem>>, vector<1x1x16xf32>,
      %get3A_1123 = vector.shape_cast %get3A_1122 : vector<1x1x16xf32> to vector<16xf32>
      %add3A_1124 = arith.addf %get3A_1117, %get3A_1123 : vector<16xf32>
      %max3A_1125 = arith.constant 0.000000e+00 : f32
      %max3A_1126 = vector.broadcast %max3A_1125 : f32 to vector<16xf32>
      %max3A_1127 = arith.maximumf %add3A_1124, %max3A_1126 : vector<16xf32>
      %add3A_1128 = arith.constant 2 : i32
      %add3A_1129 = arith.addi %mul3A_1004, %add3A_1128 : i32
      %swap3A_1130 = arith.constant 0 : i32
      %swap3A_1131 = arith.index_cast %swap3A_1130 : i32 to index
      %swap3A_1132 = arith.index_cast %add3A_1129 : i32 to index
      %swap3A_1133 = arith.constant 0 : index
      %swap3A_1134 = tpu.vector_load %arg12[%swap3A_1131, %swap3A_1132, %swap3A_1133] {strides = array<i32>} : memref<3x80x32xf32, #tpu.memory_space<vmem>>, vector<1x1x16xf32>,
      %swap3A_1135 = vector.shape_cast %swap3A_1134 : vector<1x1x16xf32> to vector<16xf32>
      %swap3A_1136 = vector.shape_cast %max3A_1127 : vector<16xf32> to vector<1x1x16xf32>
      tpu.vector_store %arg12[%swap3A_1131, %swap3A_1132, %swap3A_1133], %swap3A_1136 {strides = array<i32>} : memref<3x80x32xf32, #tpu.memory_space<vmem>>, vector<1x1x16xf32>,
      %add3A_1137 = arith.constant 2 : i32
      %add3A_1138 = arith.addi %mul3A_1004, %add3A_1137 : i32
      %get3A_1139 = arith.constant 0 : i32
      %get3A_1140 = arith.index_cast %get3A_1139 : i32 to index
      %get3A_1141 = arith.index_cast %add3A_1138 : i32 to index
      %get3A_1142 = arith.constant 16 : index
      %get3A_1143 = tpu.vector_load %arg12[%get3A_1140, %get3A_1141, %get3A_1142] {strides = array<i32>} : memref<3x80x32xf32, #tpu.memory_space<vmem>>, vector<1x1x16xf32>,
      %get3A_1144 = vector.shape_cast %get3A_1143 : vector<1x1x16xf32> to vector<16xf32>
      %get3A_1145 = arith.constant 0 : i32
      %get3A_1146 = arith.index_cast %get3A_1145 : i32 to index
      %get3A_1147 = arith.index_cast %scan3A_1002 : i32 to index
      %get3A_1148 = arith.constant 80 : index
      %get3A_1149 = tpu.vector_load %arg13[%get3A_1146, %get3A_1147, %get3A_1148] {strides = array<i32>} : memref<3x20x128xf32, #tpu.memory_space<vmem>>, vector<1x1x16xf32>,
      %get3A_1150 = vector.shape_cast %get3A_1149 : vector<1x1x16xf32> to vector<16xf32>
      %add3A_1151 = arith.addf %get3A_1144, %get3A_1150 : vector<16xf32>
      %max3A_1152 = arith.constant 0.000000e+00 : f32
      %max3A_1153 = vector.broadcast %max3A_1152 : f32 to vector<16xf32>
      %max3A_1154 = arith.maximumf %add3A_1151, %max3A_1153 : vector<16xf32>
      %add3A_1155 = arith.constant 2 : i32
      %add3A_1156 = arith.addi %mul3A_1004, %add3A_1155 : i32
      %swap3A_1157 = arith.constant 0 : i32
      %swap3A_1158 = arith.index_cast %swap3A_1157 : i32 to index
      %swap3A_1159 = arith.index_cast %add3A_1156 : i32 to index
      %swap3A_1160 = arith.constant 16 : index
      %swap3A_1161 = tpu.vector_load %arg12[%swap3A_1158, %swap3A_1159, %swap3A_1160] {strides = array<i32>} : memref<3x80x32xf32, #tpu.memory_space<vmem>>, vector<1x1x16xf32>,
      %swap3A_1162 = vector.shape_cast %swap3A_1161 : vector<1x1x16xf32> to vector<16xf32>
      %swap3A_1163 = vector.shape_cast %max3A_1154 : vector<16xf32> to vector<1x1x16xf32>
      tpu.vector_store %arg12[%swap3A_1158, %swap3A_1159, %swap3A_1160], %swap3A_1163 {strides = array<i32>} : memref<3x80x32xf32, #tpu.memory_space<vmem>>, vector<1x1x16xf32>,
      %add3A_1164 = arith.constant 3 : i32
      %add3A_1165 = arith.addi %mul3A_1004, %add3A_1164 : i32
      %get3A_1166 = arith.constant 0 : i32
      %get3A_1167 = arith.index_cast %get3A_1166 : i32 to index
      %get3A_1168 = arith.index_cast %add3A_1165 : i32 to index
      %get3A_1169 = arith.constant 0 : index
      %get3A_1170 = tpu.vector_load %arg12[%get3A_1167, %get3A_1168, %get3A_1169] {strides = array<i32>} : memref<3x80x32xf32, #tpu.memory_space<vmem>>, vector<1x1x16xf32>,
      %get3A_1171 = vector.shape_cast %get3A_1170 : vector<1x1x16xf32> to vector<16xf32>
      %get3A_1172 = arith.constant 0 : i32
      %get3A_1173 = arith.index_cast %get3A_1172 : i32 to index
      %get3A_1174 = arith.index_cast %scan3A_1002 : i32 to index
      %get3A_1175 = arith.constant 96 : index
      %get3A_1176 = tpu.vector_load %arg13[%get3A_1173, %get3A_1174, %get3A_1175] {strides = array<i32>} : memref<3x20x128xf32, #tpu.memory_space<vmem>>, vector<1x1x16xf32>,
      %get3A_1177 = vector.shape_cast %get3A_1176 : vector<1x1x16xf32> to vector<16xf32>
      %add3A_1178 = arith.addf %get3A_1171, %get3A_1177 : vector<16xf32>
      %max3A_1179 = arith.constant 0.000000e+00 : f32
      %max3A_1180 = vector.broadcast %max3A_1179 : f32 to vector<16xf32>
      %max3A_1181 = arith.maximumf %add3A_1178, %max3A_1180 : vector<16xf32>
      %add3A_1182 = arith.constant 3 : i32
      %add3A_1183 = arith.addi %mul3A_1004, %add3A_1182 : i32
      %swap3A_1184 = arith.constant 0 : i32
      %swap3A_1185 = arith.index_cast %swap3A_1184 : i32 to index
      %swap3A_1186 = arith.index_cast %add3A_1183 : i32 to index
      %swap3A_1187 = arith.constant 0 : index
      %swap3A_1188 = tpu.vector_load %arg12[%swap3A_1185, %swap3A_1186, %swap3A_1187] {strides = array<i32>} : memref<3x80x32xf32, #tpu.memory_space<vmem>>, vector<1x1x16xf32>,
      %swap3A_1189 = vector.shape_cast %swap3A_1188 : vector<1x1x16xf32> to vector<16xf32>
      %swap3A_1190 = vector.shape_cast %max3A_1181 : vector<16xf32> to vector<1x1x16xf32>
      tpu.vector_store %arg12[%swap3A_1185, %swap3A_1186, %swap3A_1187], %swap3A_1190 {strides = array<i32>} : memref<3x80x32xf32, #tpu.memory_space<vmem>>, vector<1x1x16xf32>,
      %add3A_1191 = arith.constant 3 : i32
      %add3A_1192 = arith.addi %mul3A_1004, %add3A_1191 : i32
      %get3A_1193 = arith.constant 0 : i32
      %get3A_1194 = arith.index_cast %get3A_1193 : i32 to index
      %get3A_1195 = arith.index_cast %add3A_1192 : i32 to index
      %get3A_1196 = arith.constant 16 : index
      %get3A_1197 = tpu.vector_load %arg12[%get3A_1194, %get3A_1195, %get3A_1196] {strides = array<i32>} : memref<3x80x32xf32, #tpu.memory_space<vmem>>, vector<1x1x16xf32>,
      %get3A_1198 = vector.shape_cast %get3A_1197 : vector<1x1x16xf32> to vector<16xf32>
      %get3A_1199 = arith.constant 0 : i32
      %get3A_1200 = arith.index_cast %get3A_1199 : i32 to index
      %get3A_1201 = arith.index_cast %scan3A_1002 : i32 to index
      %get3A_1202 = arith.constant 112 : index
      %get3A_1203 = tpu.vector_load %arg13[%get3A_1200, %get3A_1201, %get3A_1202] {strides = array<i32>} : memref<3x20x128xf32, #tpu.memory_space<vmem>>, vector<1x1x16xf32>,
      %get3A_1204 = vector.shape_cast %get3A_1203 : vector<1x1x16xf32> to vector<16xf32>
      %add3A_1205 = arith.addf %get3A_1198, %get3A_1204 : vector<16xf32>
      %max3A_1206 = arith.constant 0.000000e+00 : f32
      %max3A_1207 = vector.broadcast %max3A_1206 : f32 to vector<16xf32>
      %max3A_1208 = arith.maximumf %add3A_1205, %max3A_1207 : vector<16xf32>
      %add3A_1209 = arith.constant 3 : i32
      %add3A_1210 = arith.addi %mul3A_1004, %add3A_1209 : i32
      %swap3A_1211 = arith.constant 0 : i32
      %swap3A_1212 = arith.index_cast %swap3A_1211 : i32 to index
      %swap3A_1213 = arith.index_cast %add3A_1210 : i32 to index
      %swap3A_1214 = arith.constant 16 : index
      %swap3A_1215 = tpu.vector_load %arg12[%swap3A_1212, %swap3A_1213, %swap3A_1214] {strides = array<i32>} : memref<3x80x32xf32, #tpu.memory_space<vmem>>, vector<1x1x16xf32>,
      %swap3A_1216 = vector.shape_cast %swap3A_1215 : vector<1x1x16xf32> to vector<16xf32>
      %swap3A_1217 = vector.shape_cast %max3A_1208 : vector<16xf32> to vector<1x1x16xf32>
      tpu.vector_store %arg12[%swap3A_1212, %swap3A_1213, %swap3A_1214], %swap3A_1217 {strides = array<i32>} : memref<3x80x32xf32, #tpu.memory_space<vmem>>, vector<1x1x16xf32>,
    }
    %scan3A_380 = arith.constant 20 : i32
    %dma_start3A_381 = arith.constant 0 : i32
    %dma_start3A_382 = arith.constant 0 : i32
    %dma_start3A_383 = arith.constant 0 : i32
    %dma_start3A_384 = arith.constant 0 : i32
    %dma_start3A_385 = tpu.memref_slice %arg12[%dma_start3A_381, %dma_start3A_383, %dma_start3A_384] : memref<3x80x32xf32, #tpu.memory_space<vmem>> -> memref<1x80x32xf32, #tpu.memory_space<vmem>>
    %dma_start3A_386 = tpu.memref_squeeze %dma_start3A_385 : memref<1x80x32xf32, #tpu.memory_space<vmem>> -> memref<80x32xf32, #tpu.memory_space<vmem>>
    %dma_start3A_387 = arith.constant 0 : i32
    %dma_start3A_388 = tpu.memref_slice %arg10[%dma_start3A_382, %dma_start3A_387] : memref<3x80xi32, #tpu.memory_space<vmem>> -> memref<1x80xi32, #tpu.memory_space<vmem>>
    %dma_start3A_389 = tpu.memref_squeeze %dma_start3A_388 : memref<1x80xi32, #tpu.memory_space<vmem>> -> memref<80xi32, #tpu.memory_space<vmem>>
    %dma_start3A_390 = arith.constant 0 : i32
    %dma_start3A_391 = arith.constant 0 : i32
    %dma_start3A_392 = tpu.memref_slice %arg8[%dma_start3A_390, %dma_start3A_391] : memref<10240x32xf32, #tpu.memory_space<vmem_shared>> -> memref<10240x32xf32, #tpu.memory_space<vmem_shared>>
    tpu.enqueue_indirect_dma source(%dma_start3A_386 : memref<80x32xf32, #tpu.memory_space<vmem>>) target(%dma_start3A_392 : memref<10240x32xf32, #tpu.memory_space<vmem_shared>>) offsets(%dma_start3A_389 : memref<80xi32, #tpu.memory_space<vmem>>) semaphore(%arg23 : memref<!tpu.dma_semaphore, #tpu.memory_space<semaphore_mem>>) {add = true}
    %dma_start3A_393 = arith.constant 0 : i32
    %dma_start3A_394 = arith.constant 0 : i32
    %dma_start3A_395 = tpu.memref_slice %arg10[%dma_start3A_393, %dma_start3A_394] : memref<3x80xi32, #tpu.memory_space<vmem>> -> memref<1x80xi32, #tpu.memory_space<vmem>>
    %dma_start3A_396 = tpu.memref_squeeze %dma_start3A_395 : memref<1x80xi32, #tpu.memory_space<vmem>> -> memref<80xi32, #tpu.memory_space<vmem>>
    %dma_start3A_397 = arith.constant 0 : i32
    %dma_start3A_398 = tpu.memref_slice %arg9[%dma_start3A_397] : memref<10240xf32, #tpu.memory_space<vmem_shared>> -> memref<10240xf32, #tpu.memory_space<vmem_shared>>
    tpu.enqueue_indirect_dma source(%arg14 : memref<80xf32, #tpu.memory_space<vmem>>) target(%dma_start3A_398 : memref<10240xf32, #tpu.memory_space<vmem_shared>>) offsets(%dma_start3A_396 : memref<80xi32, #tpu.memory_space<vmem>>) semaphore(%arg23 : memref<!tpu.dma_semaphore, #tpu.memory_space<semaphore_mem>>) {add = true}
    %dma_wait3A_399 = arith.constant 1 : i32
    %dma_wait3A_400 = arith.constant 1 : i32
    %dma_wait3A_401 = arith.constant 0 : i32
    %dma_wait3A_402 = arith.constant 0 : i32
    %dma_wait3A_403 = tpu.memref_slice %arg12[%dma_wait3A_400, %dma_wait3A_401, %dma_wait3A_402] : memref<3x80x32xf32, #tpu.memory_space<vmem>> -> memref<1x80x32xf32, #tpu.memory_space<vmem>>
    %dma_wait3A_404 = tpu.memref_squeeze %dma_wait3A_403 : memref<1x80x32xf32, #tpu.memory_space<vmem>> -> memref<80x32xf32, #tpu.memory_space<vmem>>
    %dma_wait3A_405 = arith.constant 0 : i32
    %dma_wait3A_406 = tpu.memref_slice %arg11[%dma_wait3A_399, %dma_wait3A_405] : memref<3x80xi32, #tpu.memory_space<vmem>> -> memref<1x80xi32, #tpu.memory_space<vmem>>
    %dma_wait3A_407 = tpu.memref_squeeze %dma_wait3A_406 : memref<1x80xi32, #tpu.memory_space<vmem>> -> memref<80xi32, #tpu.memory_space<vmem>>
    %dma_wait3A_408 = arith.constant 0 : i32
    %dma_wait3A_409 = arith.constant 0 : i32
    %dma_wait3A_410 = tpu.memref_slice %arg2[%dma_wait3A_408, %dma_wait3A_409] : memref<10000x32xf32, #tpu.memory_space<hbm>> -> memref<10000x32xf32, #tpu.memory_space<hbm>>
    tpu.wait_indirect_dma semaphore(%arg21 : memref<!tpu.dma_semaphore, #tpu.memory_space<semaphore_mem>>) src(%dma_wait3A_410 : memref<10000x32xf32, #tpu.memory_space<hbm>>) dst(%dma_wait3A_404 : memref<80x32xf32, #tpu.memory_space<vmem>>)
    %mul3A_411 = arith.constant 10000 : i32
    %mul3A_412 = arith.muli %add3A, %mul3A_411 : i32
    %add3A_413 = arith.constant 160 : i32
    %add3A_414 = arith.addi %mul3A_412, %add3A_413 : i32
    %multiple_of3A_415 = tpu.assume_multiple %add3A_414, 8 : i32
    %dma_wait3A_416 = arith.constant 2 : i32
    %dma_wait3A_417 = arith.constant 0 : i32
    %dma_wait3A_418 = tpu.memref_slice %arg11[%dma_wait3A_416, %dma_wait3A_417] : memref<3x80xi32, #tpu.memory_space<vmem>> -> memref<1x80xi32, #tpu.memory_space<vmem>>
    %dma_wait3A_419 = tpu.memref_squeeze %dma_wait3A_418 : memref<1x80xi32, #tpu.memory_space<vmem>> -> memref<80xi32, #tpu.memory_space<vmem>>
    %dma_wait3A_420 = tpu.memref_slice %arg4[%multiple_of3A_415] : memref<320000xi32, #tpu.memory_space<hbm>> -> memref<80xi32, #tpu.memory_space<hbm>>
    %dma_wait3A_421 = arith.constant 0 : i32
    %dma_wait3A_422 = tpu.memref_slice %arg11[%dma_wait3A_416, %dma_wait3A_421] : memref<3x80xi32, #tpu.memory_space<vmem>> -> memref<1x80xi32, #tpu.memory_space<vmem>>
    %dma_wait3A_423 = tpu.memref_squeeze %dma_wait3A_422 : memref<1x80xi32, #tpu.memory_space<vmem>> -> memref<80xi32, #tpu.memory_space<vmem>>
    %dma_wait3A_424 = tpu.memref_slice %arg4[%multiple_of3A_415] : memref<320000xi32, #tpu.memory_space<hbm>> -> memref<80xi32, #tpu.memory_space<hbm>>
    tpu.wait_dma2 semaphore(%arg19 : memref<!tpu.dma_semaphore, #tpu.memory_space<semaphore_mem>>) src(%dma_wait3A_424 : memref<80xi32, #tpu.memory_space<hbm>>) dst(%dma_wait3A_423 : memref<80xi32, #tpu.memory_space<vmem>>)
    %dma_wait3A_425 = arith.constant 2 : i32
    %dma_wait3A_426 = arith.constant 0 : i32
    %dma_wait3A_427 = tpu.memref_slice %arg10[%dma_wait3A_425, %dma_wait3A_426] : memref<3x80xi32, #tpu.memory_space<vmem>> -> memref<1x80xi32, #tpu.memory_space<vmem>>
    %dma_wait3A_428 = tpu.memref_squeeze %dma_wait3A_427 : memref<1x80xi32, #tpu.memory_space<vmem>> -> memref<80xi32, #tpu.memory_space<vmem>>
    %dma_wait3A_429 = tpu.memref_slice %arg5[%multiple_of3A_415] : memref<320000xi32, #tpu.memory_space<hbm>> -> memref<80xi32, #tpu.memory_space<hbm>>
    %dma_wait3A_430 = arith.constant 0 : i32
    %dma_wait3A_431 = tpu.memref_slice %arg10[%dma_wait3A_425, %dma_wait3A_430] : memref<3x80xi32, #tpu.memory_space<vmem>> -> memref<1x80xi32, #tpu.memory_space<vmem>>
    %dma_wait3A_432 = tpu.memref_squeeze %dma_wait3A_431 : memref<1x80xi32, #tpu.memory_space<vmem>> -> memref<80xi32, #tpu.memory_space<vmem>>
    %dma_wait3A_433 = tpu.memref_slice %arg5[%multiple_of3A_415] : memref<320000xi32, #tpu.memory_space<hbm>> -> memref<80xi32, #tpu.memory_space<hbm>>
    tpu.wait_dma2 semaphore(%arg19 : memref<!tpu.dma_semaphore, #tpu.memory_space<semaphore_mem>>) src(%dma_wait3A_433 : memref<80xi32, #tpu.memory_space<hbm>>) dst(%dma_wait3A_432 : memref<80xi32, #tpu.memory_space<vmem>>)
    %mul3A_434 = arith.constant 10000 : i32
    %mul3A_435 = arith.muli %add3A, %mul3A_434 : i32
    %jit3A_436 = arith.constant 4 : i32
    %div3A_437 = arith.divsi %mul3A_435, %jit3A_436 : i32
    %sign3A_438 = arith.constant 0 : i32
    %sign3A_439 = arith.cmpi sgt, %mul3A_435, %sign3A_438 : i32
    %sign3A_440 = arith.extui %sign3A_439 : i1 to i32
    %sign3A_441 = arith.constant 0 : i32
    %sign3A_442 = arith.cmpi slt, %mul3A_435, %sign3A_441 : i32
    %sign3A_443 = arith.extui %sign3A_442 : i1 to i32
    %sign3A_444 = arith.subi %sign3A_440, %sign3A_443 : i32
    %sign3A_445 = arith.constant 0 : i32
    %sign3A_446 = arith.cmpi sgt, %jit3A_436, %sign3A_445 : i32
    %sign3A_447 = arith.extui %sign3A_446 : i1 to i32
    %sign3A_448 = arith.constant 0 : i32
    %sign3A_449 = arith.cmpi slt, %jit3A_436, %sign3A_448 : i32
    %sign3A_450 = arith.extui %sign3A_449 : i1 to i32
    %sign3A_451 = arith.subi %sign3A_447, %sign3A_450 : i32
    %ne3A_452 = arith.cmpi ne, %sign3A_444, %sign3A_451 : i32
    %rem3A_453 = arith.remsi %mul3A_435, %jit3A_436 : i32
    %ne3A_454 = arith.constant 0 : i32
    %ne3A_455 = arith.cmpi ne, %rem3A_453, %ne3A_454 : i32
    %and3A_456 = arith.andi %ne3A_452, %ne3A_455 : i1
    %sub3A_457 = arith.constant 1 : i32
    %sub3A_458 = arith.subi %div3A_437, %sub3A_457 : i32
    %select_n3A_459 = arith.select %and3A_456, %sub3A_458, %div3A_437 : i32
    %add3A_460 = arith.constant 40 : i32
    %add3A_461 = arith.addi %select_n3A_459, %add3A_460 : i32
    %multiple_of3A_462 = tpu.assume_multiple %add3A_461, 4 : i32
    %dma_wait3A_463 = arith.constant 2 : i32
    %dma_wait3A_464 = arith.constant 0 : i32
    %dma_wait3A_465 = arith.constant 0 : i32
    %dma_wait3A_466 = tpu.memref_slice %arg13[%dma_wait3A_463, %dma_wait3A_464, %dma_wait3A_465] : memref<3x20x128xf32, #tpu.memory_space<vmem>> -> memref<1x20x128xf32, #tpu.memory_space<vmem>>
    %dma_wait3A_467 = tpu.memref_squeeze %dma_wait3A_466 : memref<1x20x128xf32, #tpu.memory_space<vmem>> -> memref<20x128xf32, #tpu.memory_space<vmem>>
    %dma_wait3A_468 = arith.constant 0 : i32
    %dma_wait3A_469 = tpu.memref_slice %arg3[%multiple_of3A_462, %dma_wait3A_468] : memref<80000x128xf32, #tpu.memory_space<hbm>> -> memref<20x128xf32, #tpu.memory_space<hbm>>
    %dma_wait3A_470 = arith.constant 0 : i32
    %dma_wait3A_471 = arith.constant 0 : i32
    %dma_wait3A_472 = tpu.memref_slice %arg13[%dma_wait3A_463, %dma_wait3A_470, %dma_wait3A_471] : memref<3x20x128xf32, #tpu.memory_space<vmem>> -> memref<1x20x128xf32, #tpu.memory_space<vmem>>
    %dma_wait3A_473 = tpu.memref_squeeze %dma_wait3A_472 : memref<1x20x128xf32, #tpu.memory_space<vmem>> -> memref<20x128xf32, #tpu.memory_space<vmem>>
    %dma_wait3A_474 = arith.constant 0 : i32
    %dma_wait3A_475 = tpu.memref_slice %arg3[%multiple_of3A_462, %dma_wait3A_474] : memref<80000x128xf32, #tpu.memory_space<hbm>> -> memref<20x128xf32, #tpu.memory_space<hbm>>
    tpu.wait_dma2 semaphore(%arg19 : memref<!tpu.dma_semaphore, #tpu.memory_space<semaphore_mem>>) src(%dma_wait3A_475 : memref<20x128xf32, #tpu.memory_space<hbm>>) dst(%dma_wait3A_473 : memref<20x128xf32, #tpu.memory_space<vmem>>)
    %dma_start3A_476 = arith.constant 2 : i32
    %dma_start3A_477 = arith.constant 2 : i32
    %dma_start3A_478 = arith.constant 0 : i32
    %dma_start3A_479 = arith.constant 0 : i32
    %dma_start3A_480 = tpu.memref_slice %arg12[%dma_start3A_477, %dma_start3A_478, %dma_start3A_479] : memref<3x80x32xf32, #tpu.memory_space<vmem>> -> memref<1x80x32xf32, #tpu.memory_space<vmem>>
    %dma_start3A_481 = tpu.memref_squeeze %dma_start3A_480 : memref<1x80x32xf32, #tpu.memory_space<vmem>> -> memref<80x32xf32, #tpu.memory_space<vmem>>
    %dma_start3A_482 = arith.constant 0 : i32
    %dma_start3A_483 = tpu.memref_slice %arg11[%dma_start3A_476, %dma_start3A_482] : memref<3x80xi32, #tpu.memory_space<vmem>> -> memref<1x80xi32, #tpu.memory_space<vmem>>
    %dma_start3A_484 = tpu.memref_squeeze %dma_start3A_483 : memref<1x80xi32, #tpu.memory_space<vmem>> -> memref<80xi32, #tpu.memory_space<vmem>>
    %dma_start3A_485 = arith.constant 0 : i32
    %dma_start3A_486 = arith.constant 0 : i32
    %dma_start3A_487 = tpu.memref_slice %arg2[%dma_start3A_485, %dma_start3A_486] : memref<10000x32xf32, #tpu.memory_space<hbm>> -> memref<10000x32xf32, #tpu.memory_space<hbm>>
    tpu.enqueue_indirect_dma source(%dma_start3A_487 : memref<10000x32xf32, #tpu.memory_space<hbm>>) target(%dma_start3A_481 : memref<80x32xf32, #tpu.memory_space<vmem>>) offsets(%dma_start3A_484 : memref<80xi32, #tpu.memory_space<vmem>>) semaphore(%arg22 : memref<!tpu.dma_semaphore, #tpu.memory_space<semaphore_mem>>)
    %dma_wait3A_488 = arith.constant 0 : i32
    %dma_wait3A_489 = arith.constant 0 : i32
    %dma_wait3A_490 = arith.constant 0 : i32
    %dma_wait3A_491 = arith.constant 0 : i32
    %dma_wait3A_492 = tpu.memref_slice %arg12[%dma_wait3A_488, %dma_wait3A_490, %dma_wait3A_491] : memref<3x80x32xf32, #tpu.memory_space<vmem>> -> memref<1x80x32xf32, #tpu.memory_space<vmem>>
    %dma_wait3A_493 = tpu.memref_squeeze %dma_wait3A_492 : memref<1x80x32xf32, #tpu.memory_space<vmem>> -> memref<80x32xf32, #tpu.memory_space<vmem>>
    %dma_wait3A_494 = arith.constant 0 : i32
    %dma_wait3A_495 = tpu.memref_slice %arg10[%dma_wait3A_489, %dma_wait3A_494] : memref<3x80xi32, #tpu.memory_space<vmem>> -> memref<1x80xi32, #tpu.memory_space<vmem>>
    %dma_wait3A_496 = tpu.memref_squeeze %dma_wait3A_495 : memref<1x80xi32, #tpu.memory_space<vmem>> -> memref<80xi32, #tpu.memory_space<vmem>>
    %dma_wait3A_497 = arith.constant 0 : i32
    %dma_wait3A_498 = arith.constant 0 : i32
    %dma_wait3A_499 = tpu.memref_slice %arg8[%dma_wait3A_497, %dma_wait3A_498] : memref<10240x32xf32, #tpu.memory_space<vmem_shared>> -> memref<10240x32xf32, #tpu.memory_space<vmem_shared>>
    tpu.wait_indirect_dma semaphore(%arg23 : memref<!tpu.dma_semaphore, #tpu.memory_space<semaphore_mem>>) src(%dma_wait3A_493 : memref<80x32xf32, #tpu.memory_space<vmem>>) dst(%dma_wait3A_499 : memref<10240x32xf32, #tpu.memory_space<vmem_shared>>)
    %dma_wait3A_500 = arith.constant 0 : i32
    %dma_wait3A_501 = arith.constant 0 : i32
    %dma_wait3A_502 = tpu.memref_slice %arg10[%dma_wait3A_500, %dma_wait3A_501] : memref<3x80xi32, #tpu.memory_space<vmem>> -> memref<1x80xi32, #tpu.memory_space<vmem>>
    %dma_wait3A_503 = tpu.memref_squeeze %dma_wait3A_502 : memref<1x80xi32, #tpu.memory_space<vmem>> -> memref<80xi32, #tpu.memory_space<vmem>>
    %dma_wait3A_504 = arith.constant 0 : i32
    %dma_wait3A_505 = tpu.memref_slice %arg9[%dma_wait3A_504] : memref<10240xf32, #tpu.memory_space<vmem_shared>> -> memref<10240xf32, #tpu.memory_space<vmem_shared>>
    tpu.wait_indirect_dma semaphore(%arg23 : memref<!tpu.dma_semaphore, #tpu.memory_space<semaphore_mem>>) src(%arg14 : memref<80xf32, #tpu.memory_space<vmem>>) dst(%dma_wait3A_505 : memref<10240xf32, #tpu.memory_space<vmem_shared>>)
    %mul3A_506 = arith.constant 10000 : i32
    %mul3A_507 = arith.muli %add3A, %mul3A_506 : i32
    %add3A_508 = arith.constant 240 : i32
    %add3A_509 = arith.addi %mul3A_507, %add3A_508 : i32
    %multiple_of3A_510 = tpu.assume_multiple %add3A_509, 8 : i32
    %dma_start3A_511 = arith.constant 0 : i32
    %dma_start3A_512 = arith.constant 0 : i32
    %dma_start3A_513 = tpu.memref_slice %arg11[%dma_start3A_511, %dma_start3A_512] : memref<3x80xi32, #tpu.memory_space<vmem>> -> memref<1x80xi32, #tpu.memory_space<vmem>>
    %dma_start3A_514 = tpu.memref_squeeze %dma_start3A_513 : memref<1x80xi32, #tpu.memory_space<vmem>> -> memref<80xi32, #tpu.memory_space<vmem>>
    %dma_start3A_515 = tpu.memref_slice %arg4[%multiple_of3A_510] : memref<320000xi32, #tpu.memory_space<hbm>> -> memref<80xi32, #tpu.memory_space<hbm>>
    %dma_start3A_516 = arith.constant 0 : i32
    %dma_start3A_517 = tpu.memref_slice %arg11[%dma_start3A_511, %dma_start3A_516] : memref<3x80xi32, #tpu.memory_space<vmem>> -> memref<1x80xi32, #tpu.memory_space<vmem>>
    %dma_start3A_518 = tpu.memref_squeeze %dma_start3A_517 : memref<1x80xi32, #tpu.memory_space<vmem>> -> memref<80xi32, #tpu.memory_space<vmem>>
    %dma_start3A_519 = tpu.memref_slice %arg4[%multiple_of3A_510] : memref<320000xi32, #tpu.memory_space<hbm>> -> memref<80xi32, #tpu.memory_space<hbm>>
    tpu.enqueue_dma source(%dma_start3A_519 : memref<80xi32, #tpu.memory_space<hbm>>) target(%dma_start3A_518 : memref<80xi32, #tpu.memory_space<vmem>>) target_semaphore(%arg17 : memref<!tpu.dma_semaphore, #tpu.memory_space<semaphore_mem>>)
    %dma_start3A_520 = arith.constant 0 : i32
    %dma_start3A_521 = arith.constant 0 : i32
    %dma_start3A_522 = tpu.memref_slice %arg10[%dma_start3A_520, %dma_start3A_521] : memref<3x80xi32, #tpu.memory_space<vmem>> -> memref<1x80xi32, #tpu.memory_space<vmem>>
    %dma_start3A_523 = tpu.memref_squeeze %dma_start3A_522 : memref<1x80xi32, #tpu.memory_space<vmem>> -> memref<80xi32, #tpu.memory_space<vmem>>
    %dma_start3A_524 = tpu.memref_slice %arg5[%multiple_of3A_510] : memref<320000xi32, #tpu.memory_space<hbm>> -> memref<80xi32, #tpu.memory_space<hbm>>
    %dma_start3A_525 = arith.constant 0 : i32
    %dma_start3A_526 = tpu.memref_slice %arg10[%dma_start3A_520, %dma_start3A_525] : memref<3x80xi32, #tpu.memory_space<vmem>> -> memref<1x80xi32, #tpu.memory_space<vmem>>
    %dma_start3A_527 = tpu.memref_squeeze %dma_start3A_526 : memref<1x80xi32, #tpu.memory_space<vmem>> -> memref<80xi32, #tpu.memory_space<vmem>>
    %dma_start3A_528 = tpu.memref_slice %arg5[%multiple_of3A_510] : memref<320000xi32, #tpu.memory_space<hbm>> -> memref<80xi32, #tpu.memory_space<hbm>>
    tpu.enqueue_dma source(%dma_start3A_528 : memref<80xi32, #tpu.memory_space<hbm>>) target(%dma_start3A_527 : memref<80xi32, #tpu.memory_space<vmem>>) target_semaphore(%arg17 : memref<!tpu.dma_semaphore, #tpu.memory_space<semaphore_mem>>)
    %mul3A_529 = arith.constant 10000 : i32
    %mul3A_530 = arith.muli %add3A, %mul3A_529 : i32
    %jit3A_531 = arith.constant 4 : i32
    %div3A_532 = arith.divsi %mul3A_530, %jit3A_531 : i32
    %sign3A_533 = arith.constant 0 : i32
    %sign3A_534 = arith.cmpi sgt, %mul3A_530, %sign3A_533 : i32
    %sign3A_535 = arith.extui %sign3A_534 : i1 to i32
    %sign3A_536 = arith.constant 0 : i32
    %sign3A_537 = arith.cmpi slt, %mul3A_530, %sign3A_536 : i32
    %sign3A_538 = arith.extui %sign3A_537 : i1 to i32
    %sign3A_539 = arith.subi %sign3A_535, %sign3A_538 : i32
    %sign3A_540 = arith.constant 0 : i32
    %sign3A_541 = arith.cmpi sgt, %jit3A_531, %sign3A_540 : i32
    %sign3A_542 = arith.extui %sign3A_541 : i1 to i32
    %sign3A_543 = arith.constant 0 : i32
    %sign3A_544 = arith.cmpi slt, %jit3A_531, %sign3A_543 : i32
    %sign3A_545 = arith.extui %sign3A_544 : i1 to i32
    %sign3A_546 = arith.subi %sign3A_542, %sign3A_545 : i32
    %ne3A_547 = arith.cmpi ne, %sign3A_539, %sign3A_546 : i32
    %rem3A_548 = arith.remsi %mul3A_530, %jit3A_531 : i32
    %ne3A_549 = arith.constant 0 : i32
    %ne3A_550 = arith.cmpi ne, %rem3A_548, %ne3A_549 : i32
    %and3A_551 = arith.andi %ne3A_547, %ne3A_550 : i1
    %sub3A_552 = arith.constant 1 : i32
    %sub3A_553 = arith.subi %div3A_532, %sub3A_552 : i32
    %select_n3A_554 = arith.select %and3A_551, %sub3A_553, %div3A_532 : i32
    %add3A_555 = arith.constant 60 : i32
    %add3A_556 = arith.addi %select_n3A_554, %add3A_555 : i32
    %multiple_of3A_557 = tpu.assume_multiple %add3A_556, 4 : i32
    %dma_start3A_558 = arith.constant 0 : i32
    %dma_start3A_559 = arith.constant 0 : i32
    %dma_start3A_560 = arith.constant 0 : i32
    %dma_start3A_561 = tpu.memref_slice %arg13[%dma_start3A_558, %dma_start3A_559, %dma_start3A_560] : memref<3x20x128xf32, #tpu.memory_space<vmem>> -> memref<1x20x128xf32, #tpu.memory_space<vmem>>
    %dma_start3A_562 = tpu.memref_squeeze %dma_start3A_561 : memref<1x20x128xf32, #tpu.memory_space<vmem>> -> memref<20x128xf32, #tpu.memory_space<vmem>>
    %dma_start3A_563 = arith.constant 0 : i32
    %dma_start3A_564 = tpu.memref_slice %arg3[%multiple_of3A_557, %dma_start3A_563] : memref<80000x128xf32, #tpu.memory_space<hbm>> -> memref<20x128xf32, #tpu.memory_space<hbm>>
    %dma_start3A_565 = arith.constant 0 : i32
    %dma_start3A_566 = arith.constant 0 : i32
    %dma_start3A_567 = tpu.memref_slice %arg13[%dma_start3A_558, %dma_start3A_565, %dma_start3A_566] : memref<3x20x128xf32, #tpu.memory_space<vmem>> -> memref<1x20x128xf32, #tpu.memory_space<vmem>>
    %dma_start3A_568 = tpu.memref_squeeze %dma_start3A_567 : memref<1x20x128xf32, #tpu.memory_space<vmem>> -> memref<20x128xf32, #tpu.memory_space<vmem>>
    %dma_start3A_569 = arith.constant 0 : i32
    %dma_start3A_570 = tpu.memref_slice %arg3[%multiple_of3A_557, %dma_start3A_569] : memref<80000x128xf32, #tpu.memory_space<hbm>> -> memref<20x128xf32, #tpu.memory_space<hbm>>
    tpu.enqueue_dma source(%dma_start3A_570 : memref<20x128xf32, #tpu.memory_space<hbm>>) target(%dma_start3A_568 : memref<20x128xf32, #tpu.memory_space<vmem>>) target_semaphore(%arg17 : memref<!tpu.dma_semaphore, #tpu.memory_space<semaphore_mem>>)
    %scan3A_571 = arith.constant 0 : i32
    %scan3A_572 = arith.constant 20 : i32
    %scan3A_573 = arith.addi %scan3A_571, %scan3A_572 : i32
    %scan3A_574 = arith.constant 1 : i32
    scf.for %scan3A_1002 = %scan3A_571 to %scan3A_573 step %scan3A_574  : i32 {
      %mul3A_1003 = arith.constant 4 : i32
      %mul3A_1004 = arith.muli %mul3A_1003, %scan3A_1002 : i32
      %add3A_1005 = arith.constant 0 : i32
      %add3A_1006 = arith.addi %mul3A_1004, %add3A_1005 : i32
      %get3A = arith.constant 1 : i32
      %get3A_1007 = arith.index_cast %get3A : i32 to index
      %get3A_1008 = arith.index_cast %add3A_1006 : i32 to index
      %get3A_1009 = arith.constant 0 : index
      %get3A_1010 = tpu.vector_load %arg12[%get3A_1007, %get3A_1008, %get3A_1009] {strides = array<i32>} : memref<3x80x32xf32, #tpu.memory_space<vmem>>, vector<1x1x16xf32>,
      %get3A_1011 = vector.shape_cast %get3A_1010 : vector<1x1x16xf32> to vector<16xf32>
      %get3A_1012 = arith.constant 1 : i32
      %get3A_1013 = arith.index_cast %get3A_1012 : i32 to index
      %get3A_1014 = arith.index_cast %scan3A_1002 : i32 to index
      %get3A_1015 = arith.constant 0 : index
      %get3A_1016 = tpu.vector_load %arg13[%get3A_1013, %get3A_1014, %get3A_1015] {strides = array<i32>} : memref<3x20x128xf32, #tpu.memory_space<vmem>>, vector<1x1x16xf32>,
      %get3A_1017 = vector.shape_cast %get3A_1016 : vector<1x1x16xf32> to vector<16xf32>
      %add3A_1018 = arith.addf %get3A_1011, %get3A_1017 : vector<16xf32>
      %max3A = arith.constant 0.000000e+00 : f32
      %max3A_1019 = vector.broadcast %max3A : f32 to vector<16xf32>
      %max3A_1020 = arith.maximumf %add3A_1018, %max3A_1019 : vector<16xf32>
      %add3A_1021 = arith.constant 0 : i32
      %add3A_1022 = arith.addi %mul3A_1004, %add3A_1021 : i32
      %swap3A = arith.constant 1 : i32
      %swap3A_1023 = arith.index_cast %swap3A : i32 to index
      %swap3A_1024 = arith.index_cast %add3A_1022 : i32 to index
      %swap3A_1025 = arith.constant 0 : index
      %swap3A_1026 = tpu.vector_load %arg12[%swap3A_1023, %swap3A_1024, %swap3A_1025] {strides = array<i32>} : memref<3x80x32xf32, #tpu.memory_space<vmem>>, vector<1x1x16xf32>,
      %swap3A_1027 = vector.shape_cast %swap3A_1026 : vector<1x1x16xf32> to vector<16xf32>
      %swap3A_1028 = vector.shape_cast %max3A_1020 : vector<16xf32> to vector<1x1x16xf32>
      tpu.vector_store %arg12[%swap3A_1023, %swap3A_1024, %swap3A_1025], %swap3A_1028 {strides = array<i32>} : memref<3x80x32xf32, #tpu.memory_space<vmem>>, vector<1x1x16xf32>,
      %add3A_1029 = arith.constant 0 : i32
      %add3A_1030 = arith.addi %mul3A_1004, %add3A_1029 : i32
      %get3A_1031 = arith.constant 1 : i32
      %get3A_1032 = arith.index_cast %get3A_1031 : i32 to index
      %get3A_1033 = arith.index_cast %add3A_1030 : i32 to index
      %get3A_1034 = arith.constant 16 : index
      %get3A_1035 = tpu.vector_load %arg12[%get3A_1032, %get3A_1033, %get3A_1034] {strides = array<i32>} : memref<3x80x32xf32, #tpu.memory_space<vmem>>, vector<1x1x16xf32>,
      %get3A_1036 = vector.shape_cast %get3A_1035 : vector<1x1x16xf32> to vector<16xf32>
      %get3A_1037 = arith.constant 1 : i32
      %get3A_1038 = arith.index_cast %get3A_1037 : i32 to index
      %get3A_1039 = arith.index_cast %scan3A_1002 : i32 to index
      %get3A_1040 = arith.constant 16 : index
      %get3A_1041 = tpu.vector_load %arg13[%get3A_1038, %get3A_1039, %get3A_1040] {strides = array<i32>} : memref<3x20x128xf32, #tpu.memory_space<vmem>>, vector<1x1x16xf32>,
      %get3A_1042 = vector.shape_cast %get3A_1041 : vector<1x1x16xf32> to vector<16xf32>
      %add3A_1043 = arith.addf %get3A_1036, %get3A_1042 : vector<16xf32>
      %max3A_1044 = arith.constant 0.000000e+00 : f32
      %max3A_1045 = vector.broadcast %max3A_1044 : f32 to vector<16xf32>
      %max3A_1046 = arith.maximumf %add3A_1043, %max3A_1045 : vector<16xf32>
      %add3A_1047 = arith.constant 0 : i32
      %add3A_1048 = arith.addi %mul3A_1004, %add3A_1047 : i32
      %swap3A_1049 = arith.constant 1 : i32
      %swap3A_1050 = arith.index_cast %swap3A_1049 : i32 to index
      %swap3A_1051 = arith.index_cast %add3A_1048 : i32 to index
      %swap3A_1052 = arith.constant 16 : index
      %swap3A_1053 = tpu.vector_load %arg12[%swap3A_1050, %swap3A_1051, %swap3A_1052] {strides = array<i32>} : memref<3x80x32xf32, #tpu.memory_space<vmem>>, vector<1x1x16xf32>,
      %swap3A_1054 = vector.shape_cast %swap3A_1053 : vector<1x1x16xf32> to vector<16xf32>
      %swap3A_1055 = vector.shape_cast %max3A_1046 : vector<16xf32> to vector<1x1x16xf32>
      tpu.vector_store %arg12[%swap3A_1050, %swap3A_1051, %swap3A_1052], %swap3A_1055 {strides = array<i32>} : memref<3x80x32xf32, #tpu.memory_space<vmem>>, vector<1x1x16xf32>,
      %add3A_1056 = arith.constant 1 : i32
      %add3A_1057 = arith.addi %mul3A_1004, %add3A_1056 : i32
      %get3A_1058 = arith.constant 1 : i32
      %get3A_1059 = arith.index_cast %get3A_1058 : i32 to index
      %get3A_1060 = arith.index_cast %add3A_1057 : i32 to index
      %get3A_1061 = arith.constant 0 : index
      %get3A_1062 = tpu.vector_load %arg12[%get3A_1059, %get3A_1060, %get3A_1061] {strides = array<i32>} : memref<3x80x32xf32, #tpu.memory_space<vmem>>, vector<1x1x16xf32>,
      %get3A_1063 = vector.shape_cast %get3A_1062 : vector<1x1x16xf32> to vector<16xf32>
      %get3A_1064 = arith.constant 1 : i32
      %get3A_1065 = arith.index_cast %get3A_1064 : i32 to index
      %get3A_1066 = arith.index_cast %scan3A_1002 : i32 to index
      %get3A_1067 = arith.constant 32 : index
      %get3A_1068 = tpu.vector_load %arg13[%get3A_1065, %get3A_1066, %get3A_1067] {strides = array<i32>} : memref<3x20x128xf32, #tpu.memory_space<vmem>>, vector<1x1x16xf32>,
      %get3A_1069 = vector.shape_cast %get3A_1068 : vector<1x1x16xf32> to vector<16xf32>
      %add3A_1070 = arith.addf %get3A_1063, %get3A_1069 : vector<16xf32>
      %max3A_1071 = arith.constant 0.000000e+00 : f32
      %max3A_1072 = vector.broadcast %max3A_1071 : f32 to vector<16xf32>
      %max3A_1073 = arith.maximumf %add3A_1070, %max3A_1072 : vector<16xf32>
      %add3A_1074 = arith.constant 1 : i32
      %add3A_1075 = arith.addi %mul3A_1004, %add3A_1074 : i32
      %swap3A_1076 = arith.constant 1 : i32
      %swap3A_1077 = arith.index_cast %swap3A_1076 : i32 to index
      %swap3A_1078 = arith.index_cast %add3A_1075 : i32 to index
      %swap3A_1079 = arith.constant 0 : index
      %swap3A_1080 = tpu.vector_load %arg12[%swap3A_1077, %swap3A_1078, %swap3A_1079] {strides = array<i32>} : memref<3x80x32xf32, #tpu.memory_space<vmem>>, vector<1x1x16xf32>,
      %swap3A_1081 = vector.shape_cast %swap3A_1080 : vector<1x1x16xf32> to vector<16xf32>
      %swap3A_1082 = vector.shape_cast %max3A_1073 : vector<16xf32> to vector<1x1x16xf32>
      tpu.vector_store %arg12[%swap3A_1077, %swap3A_1078, %swap3A_1079], %swap3A_1082 {strides = array<i32>} : memref<3x80x32xf32, #tpu.memory_space<vmem>>, vector<1x1x16xf32>,
      %add3A_1083 = arith.constant 1 : i32
      %add3A_1084 = arith.addi %mul3A_1004, %add3A_1083 : i32
      %get3A_1085 = arith.constant 1 : i32
      %get3A_1086 = arith.index_cast %get3A_1085 : i32 to index
      %get3A_1087 = arith.index_cast %add3A_1084 : i32 to index
      %get3A_1088 = arith.constant 16 : index
      %get3A_1089 = tpu.vector_load %arg12[%get3A_1086, %get3A_1087, %get3A_1088] {strides = array<i32>} : memref<3x80x32xf32, #tpu.memory_space<vmem>>, vector<1x1x16xf32>,
      %get3A_1090 = vector.shape_cast %get3A_1089 : vector<1x1x16xf32> to vector<16xf32>
      %get3A_1091 = arith.constant 1 : i32
      %get3A_1092 = arith.index_cast %get3A_1091 : i32 to index
      %get3A_1093 = arith.index_cast %scan3A_1002 : i32 to index
      %get3A_1094 = arith.constant 48 : index
      %get3A_1095 = tpu.vector_load %arg13[%get3A_1092, %get3A_1093, %get3A_1094] {strides = array<i32>} : memref<3x20x128xf32, #tpu.memory_space<vmem>>, vector<1x1x16xf32>,
      %get3A_1096 = vector.shape_cast %get3A_1095 : vector<1x1x16xf32> to vector<16xf32>
      %add3A_1097 = arith.addf %get3A_1090, %get3A_1096 : vector<16xf32>
      %max3A_1098 = arith.constant 0.000000e+00 : f32
      %max3A_1099 = vector.broadcast %max3A_1098 : f32 to vector<16xf32>
      %max3A_1100 = arith.maximumf %add3A_1097, %max3A_1099 : vector<16xf32>
      %add3A_1101 = arith.constant 1 : i32
      %add3A_1102 = arith.addi %mul3A_1004, %add3A_1101 : i32
      %swap3A_1103 = arith.constant 1 : i32
      %swap3A_1104 = arith.index_cast %swap3A_1103 : i32 to index
      %swap3A_1105 = arith.index_cast %add3A_1102 : i32 to index
      %swap3A_1106 = arith.constant 16 : index
      %swap3A_1107 = tpu.vector_load %arg12[%swap3A_1104, %swap3A_1105, %swap3A_1106] {strides = array<i32>} : memref<3x80x32xf32, #tpu.memory_space<vmem>>, vector<1x1x16xf32>,
      %swap3A_1108 = vector.shape_cast %swap3A_1107 : vector<1x1x16xf32> to vector<16xf32>
      %swap3A_1109 = vector.shape_cast %max3A_1100 : vector<16xf32> to vector<1x1x16xf32>
      tpu.vector_store %arg12[%swap3A_1104, %swap3A_1105, %swap3A_1106], %swap3A_1109 {strides = array<i32>} : memref<3x80x32xf32, #tpu.memory_space<vmem>>, vector<1x1x16xf32>,
      %add3A_1110 = arith.constant 2 : i32
      %add3A_1111 = arith.addi %mul3A_1004, %add3A_1110 : i32
      %get3A_1112 = arith.constant 1 : i32
      %get3A_1113 = arith.index_cast %get3A_1112 : i32 to index
      %get3A_1114 = arith.index_cast %add3A_1111 : i32 to index
      %get3A_1115 = arith.constant 0 : index
      %get3A_1116 = tpu.vector_load %arg12[%get3A_1113, %get3A_1114, %get3A_1115] {strides = array<i32>} : memref<3x80x32xf32, #tpu.memory_space<vmem>>, vector<1x1x16xf32>,
      %get3A_1117 = vector.shape_cast %get3A_1116 : vector<1x1x16xf32> to vector<16xf32>
      %get3A_1118 = arith.constant 1 : i32
      %get3A_1119 = arith.index_cast %get3A_1118 : i32 to index
      %get3A_1120 = arith.index_cast %scan3A_1002 : i32 to index
      %get3A_1121 = arith.constant 64 : index
      %get3A_1122 = tpu.vector_load %arg13[%get3A_1119, %get3A_1120, %get3A_1121] {strides = array<i32>} : memref<3x20x128xf32, #tpu.memory_space<vmem>>, vector<1x1x16xf32>,
      %get3A_1123 = vector.shape_cast %get3A_1122 : vector<1x1x16xf32> to vector<16xf32>
      %add3A_1124 = arith.addf %get3A_1117, %get3A_1123 : vector<16xf32>
      %max3A_1125 = arith.constant 0.000000e+00 : f32
      %max3A_1126 = vector.broadcast %max3A_1125 : f32 to vector<16xf32>
      %max3A_1127 = arith.maximumf %add3A_1124, %max3A_1126 : vector<16xf32>
      %add3A_1128 = arith.constant 2 : i32
      %add3A_1129 = arith.addi %mul3A_1004, %add3A_1128 : i32
      %swap3A_1130 = arith.constant 1 : i32
      %swap3A_1131 = arith.index_cast %swap3A_1130 : i32 to index
      %swap3A_1132 = arith.index_cast %add3A_1129 : i32 to index
      %swap3A_1133 = arith.constant 0 : index
      %swap3A_1134 = tpu.vector_load %arg12[%swap3A_1131, %swap3A_1132, %swap3A_1133] {strides = array<i32>} : memref<3x80x32xf32, #tpu.memory_space<vmem>>, vector<1x1x16xf32>,
      %swap3A_1135 = vector.shape_cast %swap3A_1134 : vector<1x1x16xf32> to vector<16xf32>
      %swap3A_1136 = vector.shape_cast %max3A_1127 : vector<16xf32> to vector<1x1x16xf32>
      tpu.vector_store %arg12[%swap3A_1131, %swap3A_1132, %swap3A_1133], %swap3A_1136 {strides = array<i32>} : memref<3x80x32xf32, #tpu.memory_space<vmem>>, vector<1x1x16xf32>,
      %add3A_1137 = arith.constant 2 : i32
      %add3A_1138 = arith.addi %mul3A_1004, %add3A_1137 : i32
      %get3A_1139 = arith.constant 1 : i32
      %get3A_1140 = arith.index_cast %get3A_1139 : i32 to index
      %get3A_1141 = arith.index_cast %add3A_1138 : i32 to index
      %get3A_1142 = arith.constant 16 : index
      %get3A_1143 = tpu.vector_load %arg12[%get3A_1140, %get3A_1141, %get3A_1142] {strides = array<i32>} : memref<3x80x32xf32, #tpu.memory_space<vmem>>, vector<1x1x16xf32>,
      %get3A_1144 = vector.shape_cast %get3A_1143 : vector<1x1x16xf32> to vector<16xf32>
      %get3A_1145 = arith.constant 1 : i32
      %get3A_1146 = arith.index_cast %get3A_1145 : i32 to index
      %get3A_1147 = arith.index_cast %scan3A_1002 : i32 to index
      %get3A_1148 = arith.constant 80 : index
      %get3A_1149 = tpu.vector_load %arg13[%get3A_1146, %get3A_1147, %get3A_1148] {strides = array<i32>} : memref<3x20x128xf32, #tpu.memory_space<vmem>>, vector<1x1x16xf32>,
      %get3A_1150 = vector.shape_cast %get3A_1149 : vector<1x1x16xf32> to vector<16xf32>
      %add3A_1151 = arith.addf %get3A_1144, %get3A_1150 : vector<16xf32>
      %max3A_1152 = arith.constant 0.000000e+00 : f32
      %max3A_1153 = vector.broadcast %max3A_1152 : f32 to vector<16xf32>
      %max3A_1154 = arith.maximumf %add3A_1151, %max3A_1153 : vector<16xf32>
      %add3A_1155 = arith.constant 2 : i32
      %add3A_1156 = arith.addi %mul3A_1004, %add3A_1155 : i32
      %swap3A_1157 = arith.constant 1 : i32
      %swap3A_1158 = arith.index_cast %swap3A_1157 : i32 to index
      %swap3A_1159 = arith.index_cast %add3A_1156 : i32 to index
      %swap3A_1160 = arith.constant 16 : index
      %swap3A_1161 = tpu.vector_load %arg12[%swap3A_1158, %swap3A_1159, %swap3A_1160] {strides = array<i32>} : memref<3x80x32xf32, #tpu.memory_space<vmem>>, vector<1x1x16xf32>,
      %swap3A_1162 = vector.shape_cast %swap3A_1161 : vector<1x1x16xf32> to vector<16xf32>
      %swap3A_1163 = vector.shape_cast %max3A_1154 : vector<16xf32> to vector<1x1x16xf32>
      tpu.vector_store %arg12[%swap3A_1158, %swap3A_1159, %swap3A_1160], %swap3A_1163 {strides = array<i32>} : memref<3x80x32xf32, #tpu.memory_space<vmem>>, vector<1x1x16xf32>,
      %add3A_1164 = arith.constant 3 : i32
      %add3A_1165 = arith.addi %mul3A_1004, %add3A_1164 : i32
      %get3A_1166 = arith.constant 1 : i32
      %get3A_1167 = arith.index_cast %get3A_1166 : i32 to index
      %get3A_1168 = arith.index_cast %add3A_1165 : i32 to index
      %get3A_1169 = arith.constant 0 : index
      %get3A_1170 = tpu.vector_load %arg12[%get3A_1167, %get3A_1168, %get3A_1169] {strides = array<i32>} : memref<3x80x32xf32, #tpu.memory_space<vmem>>, vector<1x1x16xf32>,
      %get3A_1171 = vector.shape_cast %get3A_1170 : vector<1x1x16xf32> to vector<16xf32>
      %get3A_1172 = arith.constant 1 : i32
      %get3A_1173 = arith.index_cast %get3A_1172 : i32 to index
      %get3A_1174 = arith.index_cast %scan3A_1002 : i32 to index
      %get3A_1175 = arith.constant 96 : index
      %get3A_1176 = tpu.vector_load %arg13[%get3A_1173, %get3A_1174, %get3A_1175] {strides = array<i32>} : memref<3x20x128xf32, #tpu.memory_space<vmem>>, vector<1x1x16xf32>,
      %get3A_1177 = vector.shape_cast %get3A_1176 : vector<1x1x16xf32> to vector<16xf32>
      %add3A_1178 = arith.addf %get3A_1171, %get3A_1177 : vector<16xf32>
      %max3A_1179 = arith.constant 0.000000e+00 : f32
      %max3A_1180 = vector.broadcast %max3A_1179 : f32 to vector<16xf32>
      %max3A_1181 = arith.maximumf %add3A_1178, %max3A_1180 : vector<16xf32>
      %add3A_1182 = arith.constant 3 : i32
      %add3A_1183 = arith.addi %mul3A_1004, %add3A_1182 : i32
      %swap3A_1184 = arith.constant 1 : i32
      %swap3A_1185 = arith.index_cast %swap3A_1184 : i32 to index
      %swap3A_1186 = arith.index_cast %add3A_1183 : i32 to index
      %swap3A_1187 = arith.constant 0 : index
      %swap3A_1188 = tpu.vector_load %arg12[%swap3A_1185, %swap3A_1186, %swap3A_1187] {strides = array<i32>} : memref<3x80x32xf32, #tpu.memory_space<vmem>>, vector<1x1x16xf32>,
      %swap3A_1189 = vector.shape_cast %swap3A_1188 : vector<1x1x16xf32> to vector<16xf32>
      %swap3A_1190 = vector.shape_cast %max3A_1181 : vector<16xf32> to vector<1x1x16xf32>
      tpu.vector_store %arg12[%swap3A_1185, %swap3A_1186, %swap3A_1187], %swap3A_1190 {strides = array<i32>} : memref<3x80x32xf32, #tpu.memory_space<vmem>>, vector<1x1x16xf32>,
      %add3A_1191 = arith.constant 3 : i32
      %add3A_1192 = arith.addi %mul3A_1004, %add3A_1191 : i32
      %get3A_1193 = arith.constant 1 : i32
      %get3A_1194 = arith.index_cast %get3A_1193 : i32 to index
      %get3A_1195 = arith.index_cast %add3A_1192 : i32 to index
      %get3A_1196 = arith.constant 16 : index
      %get3A_1197 = tpu.vector_load %arg12[%get3A_1194, %get3A_1195, %get3A_1196] {strides = array<i32>} : memref<3x80x32xf32, #tpu.memory_space<vmem>>, vector<1x1x16xf32>,
      %get3A_1198 = vector.shape_cast %get3A_1197 : vector<1x1x16xf32> to vector<16xf32>
      %get3A_1199 = arith.constant 1 : i32
      %get3A_1200 = arith.index_cast %get3A_1199 : i32 to index
      %get3A_1201 = arith.index_cast %scan3A_1002 : i32 to index
      %get3A_1202 = arith.constant 112 : index
      %get3A_1203 = tpu.vector_load %arg13[%get3A_1200, %get3A_1201, %get3A_1202] {strides = array<i32>} : memref<3x20x128xf32, #tpu.memory_space<vmem>>, vector<1x1x16xf32>,
      %get3A_1204 = vector.shape_cast %get3A_1203 : vector<1x1x16xf32> to vector<16xf32>
      %add3A_1205 = arith.addf %get3A_1198, %get3A_1204 : vector<16xf32>
      %max3A_1206 = arith.constant 0.000000e+00 : f32
      %max3A_1207 = vector.broadcast %max3A_1206 : f32 to vector<16xf32>
      %max3A_1208 = arith.maximumf %add3A_1205, %max3A_1207 : vector<16xf32>
      %add3A_1209 = arith.constant 3 : i32
      %add3A_1210 = arith.addi %mul3A_1004, %add3A_1209 : i32
      %swap3A_1211 = arith.constant 1 : i32
      %swap3A_1212 = arith.index_cast %swap3A_1211 : i32 to index
      %swap3A_1213 = arith.index_cast %add3A_1210 : i32 to index
      %swap3A_1214 = arith.constant 16 : index
      %swap3A_1215 = tpu.vector_load %arg12[%swap3A_1212, %swap3A_1213, %swap3A_1214] {strides = array<i32>} : memref<3x80x32xf32, #tpu.memory_space<vmem>>, vector<1x1x16xf32>,
      %swap3A_1216 = vector.shape_cast %swap3A_1215 : vector<1x1x16xf32> to vector<16xf32>
      %swap3A_1217 = vector.shape_cast %max3A_1208 : vector<16xf32> to vector<1x1x16xf32>
      tpu.vector_store %arg12[%swap3A_1212, %swap3A_1213, %swap3A_1214], %swap3A_1217 {strides = array<i32>} : memref<3x80x32xf32, #tpu.memory_space<vmem>>, vector<1x1x16xf32>,
    }
    %scan3A_575 = arith.constant 20 : i32
    %dma_start3A_576 = arith.constant 1 : i32
    %dma_start3A_577 = arith.constant 1 : i32
    %dma_start3A_578 = arith.constant 0 : i32
    %dma_start3A_579 = arith.constant 0 : i32
    %dma_start3A_580 = tpu.memref_slice %arg12[%dma_start3A_576, %dma_start3A_578, %dma_start3A_579] : memref<3x80x32xf32, #tpu.memory_space<vmem>> -> memref<1x80x32xf32, #tpu.memory_space<vmem>>
    %dma_start3A_581 = tpu.memref_squeeze %dma_start3A_580 : memref<1x80x32xf32, #tpu.memory_space<vmem>> -> memref<80x32xf32, #tpu.memory_space<vmem>>
    %dma_start3A_582 = arith.constant 0 : i32
    %dma_start3A_583 = tpu.memref_slice %arg10[%dma_start3A_577, %dma_start3A_582] : memref<3x80xi32, #tpu.memory_space<vmem>> -> memref<1x80xi32, #tpu.memory_space<vmem>>
    %dma_start3A_584 = tpu.memref_squeeze %dma_start3A_583 : memref<1x80xi32, #tpu.memory_space<vmem>> -> memref<80xi32, #tpu.memory_space<vmem>>
    %dma_start3A_585 = arith.constant 0 : i32
    %dma_start3A_586 = arith.constant 0 : i32
    %dma_start3A_587 = tpu.memref_slice %arg8[%dma_start3A_585, %dma_start3A_586] : memref<10240x32xf32, #tpu.memory_space<vmem_shared>> -> memref<10240x32xf32, #tpu.memory_space<vmem_shared>>
    tpu.enqueue_indirect_dma source(%dma_start3A_581 : memref<80x32xf32, #tpu.memory_space<vmem>>) target(%dma_start3A_587 : memref<10240x32xf32, #tpu.memory_space<vmem_shared>>) offsets(%dma_start3A_584 : memref<80xi32, #tpu.memory_space<vmem>>) semaphore(%arg24 : memref<!tpu.dma_semaphore, #tpu.memory_space<semaphore_mem>>) {add = true}
    %dma_start3A_588 = arith.constant 1 : i32
    %dma_start3A_589 = arith.constant 0 : i32
    %dma_start3A_590 = tpu.memref_slice %arg10[%dma_start3A_588, %dma_start3A_589] : memref<3x80xi32, #tpu.memory_space<vmem>> -> memref<1x80xi32, #tpu.memory_space<vmem>>
    %dma_start3A_591 = tpu.memref_squeeze %dma_start3A_590 : memref<1x80xi32, #tpu.memory_space<vmem>> -> memref<80xi32, #tpu.memory_space<vmem>>
    %dma_start3A_592 = arith.constant 0 : i32
    %dma_start3A_593 = tpu.memref_slice %arg9[%dma_start3A_592] : memref<10240xf32, #tpu.memory_space<vmem_shared>> -> memref<10240xf32, #tpu.memory_space<vmem_shared>>
    tpu.enqueue_indirect_dma source(%arg14 : memref<80xf32, #tpu.memory_space<vmem>>) target(%dma_start3A_593 : memref<10240xf32, #tpu.memory_space<vmem_shared>>) offsets(%dma_start3A_591 : memref<80xi32, #tpu.memory_space<vmem>>) semaphore(%arg24 : memref<!tpu.dma_semaphore, #tpu.memory_space<semaphore_mem>>) {add = true}
    %dma_wait3A_594 = arith.constant 2 : i32
    %dma_wait3A_595 = arith.constant 2 : i32
    %dma_wait3A_596 = arith.constant 0 : i32
    %dma_wait3A_597 = arith.constant 0 : i32
    %dma_wait3A_598 = tpu.memref_slice %arg12[%dma_wait3A_595, %dma_wait3A_596, %dma_wait3A_597] : memref<3x80x32xf32, #tpu.memory_space<vmem>> -> memref<1x80x32xf32, #tpu.memory_space<vmem>>
    %dma_wait3A_599 = tpu.memref_squeeze %dma_wait3A_598 : memref<1x80x32xf32, #tpu.memory_space<vmem>> -> memref<80x32xf32, #tpu.memory_space<vmem>>
    %dma_wait3A_600 = arith.constant 0 : i32
    %dma_wait3A_601 = tpu.memref_slice %arg11[%dma_wait3A_594, %dma_wait3A_600] : memref<3x80xi32, #tpu.memory_space<vmem>> -> memref<1x80xi32, #tpu.memory_space<vmem>>
    %dma_wait3A_602 = tpu.memref_squeeze %dma_wait3A_601 : memref<1x80xi32, #tpu.memory_space<vmem>> -> memref<80xi32, #tpu.memory_space<vmem>>
    %dma_wait3A_603 = arith.constant 0 : i32
    %dma_wait3A_604 = arith.constant 0 : i32
    %dma_wait3A_605 = tpu.memref_slice %arg2[%dma_wait3A_603, %dma_wait3A_604] : memref<10000x32xf32, #tpu.memory_space<hbm>> -> memref<10000x32xf32, #tpu.memory_space<hbm>>
    tpu.wait_indirect_dma semaphore(%arg22 : memref<!tpu.dma_semaphore, #tpu.memory_space<semaphore_mem>>) src(%dma_wait3A_605 : memref<10000x32xf32, #tpu.memory_space<hbm>>) dst(%dma_wait3A_599 : memref<80x32xf32, #tpu.memory_space<vmem>>)
    %mul3A_606 = arith.constant 10000 : i32
    %mul3A_607 = arith.muli %add3A, %mul3A_606 : i32
    %add3A_608 = arith.constant 240 : i32
    %add3A_609 = arith.addi %mul3A_607, %add3A_608 : i32
    %multiple_of3A_610 = tpu.assume_multiple %add3A_609, 8 : i32
    %dma_wait3A_611 = arith.constant 0 : i32
    %dma_wait3A_612 = arith.constant 0 : i32
    %dma_wait3A_613 = tpu.memref_slice %arg11[%dma_wait3A_611, %dma_wait3A_612] : memref<3x80xi32, #tpu.memory_space<vmem>> -> memref<1x80xi32, #tpu.memory_space<vmem>>
    %dma_wait3A_614 = tpu.memref_squeeze %dma_wait3A_613 : memref<1x80xi32, #tpu.memory_space<vmem>> -> memref<80xi32, #tpu.memory_space<vmem>>
    %dma_wait3A_615 = tpu.memref_slice %arg4[%multiple_of3A_610] : memref<320000xi32, #tpu.memory_space<hbm>> -> memref<80xi32, #tpu.memory_space<hbm>>
    %dma_wait3A_616 = arith.constant 0 : i32
    %dma_wait3A_617 = tpu.memref_slice %arg11[%dma_wait3A_611, %dma_wait3A_616] : memref<3x80xi32, #tpu.memory_space<vmem>> -> memref<1x80xi32, #tpu.memory_space<vmem>>
    %dma_wait3A_618 = tpu.memref_squeeze %dma_wait3A_617 : memref<1x80xi32, #tpu.memory_space<vmem>> -> memref<80xi32, #tpu.memory_space<vmem>>
    %dma_wait3A_619 = tpu.memref_slice %arg4[%multiple_of3A_610] : memref<320000xi32, #tpu.memory_space<hbm>> -> memref<80xi32, #tpu.memory_space<hbm>>
    tpu.wait_dma2 semaphore(%arg17 : memref<!tpu.dma_semaphore, #tpu.memory_space<semaphore_mem>>) src(%dma_wait3A_619 : memref<80xi32, #tpu.memory_space<hbm>>) dst(%dma_wait3A_618 : memref<80xi32, #tpu.memory_space<vmem>>)
    %dma_wait3A_620 = arith.constant 0 : i32
    %dma_wait3A_621 = arith.constant 0 : i32
    %dma_wait3A_622 = tpu.memref_slice %arg10[%dma_wait3A_620, %dma_wait3A_621] : memref<3x80xi32, #tpu.memory_space<vmem>> -> memref<1x80xi32, #tpu.memory_space<vmem>>
    %dma_wait3A_623 = tpu.memref_squeeze %dma_wait3A_622 : memref<1x80xi32, #tpu.memory_space<vmem>> -> memref<80xi32, #tpu.memory_space<vmem>>
    %dma_wait3A_624 = tpu.memref_slice %arg5[%multiple_of3A_610] : memref<320000xi32, #tpu.memory_space<hbm>> -> memref<80xi32, #tpu.memory_space<hbm>>
    %dma_wait3A_625 = arith.constant 0 : i32
    %dma_wait3A_626 = tpu.memref_slice %arg10[%dma_wait3A_620, %dma_wait3A_625] : memref<3x80xi32, #tpu.memory_space<vmem>> -> memref<1x80xi32, #tpu.memory_space<vmem>>
    %dma_wait3A_627 = tpu.memref_squeeze %dma_wait3A_626 : memref<1x80xi32, #tpu.memory_space<vmem>> -> memref<80xi32, #tpu.memory_space<vmem>>
    %dma_wait3A_628 = tpu.memref_slice %arg5[%multiple_of3A_610] : memref<320000xi32, #tpu.memory_space<hbm>> -> memref<80xi32, #tpu.memory_space<hbm>>
    tpu.wait_dma2 semaphore(%arg17 : memref<!tpu.dma_semaphore, #tpu.memory_space<semaphore_mem>>) src(%dma_wait3A_628 : memref<80xi32, #tpu.memory_space<hbm>>) dst(%dma_wait3A_627 : memref<80xi32, #tpu.memory_space<vmem>>)
    %mul3A_629 = arith.constant 10000 : i32
    %mul3A_630 = arith.muli %add3A, %mul3A_629 : i32
    %jit3A_631 = arith.constant 4 : i32
    %div3A_632 = arith.divsi %mul3A_630, %jit3A_631 : i32
    %sign3A_633 = arith.constant 0 : i32
    %sign3A_634 = arith.cmpi sgt, %mul3A_630, %sign3A_633 : i32
    %sign3A_635 = arith.extui %sign3A_634 : i1 to i32
    %sign3A_636 = arith.constant 0 : i32
    %sign3A_637 = arith.cmpi slt, %mul3A_630, %sign3A_636 : i32
    %sign3A_638 = arith.extui %sign3A_637 : i1 to i32
    %sign3A_639 = arith.subi %sign3A_635, %sign3A_638 : i32
    %sign3A_640 = arith.constant 0 : i32
    %sign3A_641 = arith.cmpi sgt, %jit3A_631, %sign3A_640 : i32
    %sign3A_642 = arith.extui %sign3A_641 : i1 to i32
    %sign3A_643 = arith.constant 0 : i32
    %sign3A_644 = arith.cmpi slt, %jit3A_631, %sign3A_643 : i32
    %sign3A_645 = arith.extui %sign3A_644 : i1 to i32
    %sign3A_646 = arith.subi %sign3A_642, %sign3A_645 : i32
    %ne3A_647 = arith.cmpi ne, %sign3A_639, %sign3A_646 : i32
    %rem3A_648 = arith.remsi %mul3A_630, %jit3A_631 : i32
    %ne3A_649 = arith.constant 0 : i32
    %ne3A_650 = arith.cmpi ne, %rem3A_648, %ne3A_649 : i32
    %and3A_651 = arith.andi %ne3A_647, %ne3A_650 : i1
    %sub3A_652 = arith.constant 1 : i32
    %sub3A_653 = arith.subi %div3A_632, %sub3A_652 : i32
    %select_n3A_654 = arith.select %and3A_651, %sub3A_653, %div3A_632 : i32
    %add3A_655 = arith.constant 60 : i32
    %add3A_656 = arith.addi %select_n3A_654, %add3A_655 : i32
    %multiple_of3A_657 = tpu.assume_multiple %add3A_656, 4 : i32
    %dma_wait3A_658 = arith.constant 0 : i32
    %dma_wait3A_659 = arith.constant 0 : i32
    %dma_wait3A_660 = arith.constant 0 : i32
    %dma_wait3A_661 = tpu.memref_slice %arg13[%dma_wait3A_658, %dma_wait3A_659, %dma_wait3A_660] : memref<3x20x128xf32, #tpu.memory_space<vmem>> -> memref<1x20x128xf32, #tpu.memory_space<vmem>>
    %dma_wait3A_662 = tpu.memref_squeeze %dma_wait3A_661 : memref<1x20x128xf32, #tpu.memory_space<vmem>> -> memref<20x128xf32, #tpu.memory_space<vmem>>
    %dma_wait3A_663 = arith.constant 0 : i32
    %dma_wait3A_664 = tpu.memref_slice %arg3[%multiple_of3A_657, %dma_wait3A_663] : memref<80000x128xf32, #tpu.memory_space<hbm>> -> memref<20x128xf32, #tpu.memory_space<hbm>>
    %dma_wait3A_665 = arith.constant 0 : i32
    %dma_wait3A_666 = arith.constant 0 : i32
    %dma_wait3A_667 = tpu.memref_slice %arg13[%dma_wait3A_658, %dma_wait3A_665, %dma_wait3A_666] : memref<3x20x128xf32, #tpu.memory_space<vmem>> -> memref<1x20x128xf32, #tpu.memory_space<vmem>>
    %dma_wait3A_668 = tpu.memref_squeeze %dma_wait3A_667 : memref<1x20x128xf32, #tpu.memory_space<vmem>> -> memref<20x128xf32, #tpu.memory_space<vmem>>
    %dma_wait3A_669 = arith.constant 0 : i32
    %dma_wait3A_670 = tpu.memref_slice %arg3[%multiple_of3A_657, %dma_wait3A_669] : memref<80000x128xf32, #tpu.memory_space<hbm>> -> memref<20x128xf32, #tpu.memory_space<hbm>>
    tpu.wait_dma2 semaphore(%arg17 : memref<!tpu.dma_semaphore, #tpu.memory_space<semaphore_mem>>) src(%dma_wait3A_670 : memref<20x128xf32, #tpu.memory_space<hbm>>) dst(%dma_wait3A_668 : memref<20x128xf32, #tpu.memory_space<vmem>>)
    %dma_start3A_671 = arith.constant 0 : i32
    %dma_start3A_672 = arith.constant 0 : i32
    %dma_start3A_673 = arith.constant 0 : i32
    %dma_start3A_674 = arith.constant 0 : i32
    %dma_start3A_675 = tpu.memref_slice %arg12[%dma_start3A_672, %dma_start3A_673, %dma_start3A_674] : memref<3x80x32xf32, #tpu.memory_space<vmem>> -> memref<1x80x32xf32, #tpu.memory_space<vmem>>
    %dma_start3A_676 = tpu.memref_squeeze %dma_start3A_675 : memref<1x80x32xf32, #tpu.memory_space<vmem>> -> memref<80x32xf32, #tpu.memory_space<vmem>>
    %dma_start3A_677 = arith.constant 0 : i32
    %dma_start3A_678 = tpu.memref_slice %arg11[%dma_start3A_671, %dma_start3A_677] : memref<3x80xi32, #tpu.memory_space<vmem>> -> memref<1x80xi32, #tpu.memory_space<vmem>>
    %dma_start3A_679 = tpu.memref_squeeze %dma_start3A_678 : memref<1x80xi32, #tpu.memory_space<vmem>> -> memref<80xi32, #tpu.memory_space<vmem>>
    %dma_start3A_680 = arith.constant 0 : i32
    %dma_start3A_681 = arith.constant 0 : i32
    %dma_start3A_682 = tpu.memref_slice %arg2[%dma_start3A_680, %dma_start3A_681] : memref<10000x32xf32, #tpu.memory_space<hbm>> -> memref<10000x32xf32, #tpu.memory_space<hbm>>
    tpu.enqueue_indirect_dma source(%dma_start3A_682 : memref<10000x32xf32, #tpu.memory_space<hbm>>) target(%dma_start3A_676 : memref<80x32xf32, #tpu.memory_space<vmem>>) offsets(%dma_start3A_679 : memref<80xi32, #tpu.memory_space<vmem>>) semaphore(%arg20 : memref<!tpu.dma_semaphore, #tpu.memory_space<semaphore_mem>>)
    %dma_wait3A_683 = arith.constant 1 : i32
    %dma_wait3A_684 = arith.constant 1 : i32
    %dma_wait3A_685 = arith.constant 0 : i32
    %dma_wait3A_686 = arith.constant 0 : i32
    %dma_wait3A_687 = tpu.memref_slice %arg12[%dma_wait3A_683, %dma_wait3A_685, %dma_wait3A_686] : memref<3x80x32xf32, #tpu.memory_space<vmem>> -> memref<1x80x32xf32, #tpu.memory_space<vmem>>
    %dma_wait3A_688 = tpu.memref_squeeze %dma_wait3A_687 : memref<1x80x32xf32, #tpu.memory_space<vmem>> -> memref<80x32xf32, #tpu.memory_space<vmem>>
    %dma_wait3A_689 = arith.constant 0 : i32
    %dma_wait3A_690 = tpu.memref_slice %arg10[%dma_wait3A_684, %dma_wait3A_689] : memref<3x80xi32, #tpu.memory_space<vmem>> -> memref<1x80xi32, #tpu.memory_space<vmem>>
    %dma_wait3A_691 = tpu.memref_squeeze %dma_wait3A_690 : memref<1x80xi32, #tpu.memory_space<vmem>> -> memref<80xi32, #tpu.memory_space<vmem>>
    %dma_wait3A_692 = arith.constant 0 : i32
    %dma_wait3A_693 = arith.constant 0 : i32
    %dma_wait3A_694 = tpu.memref_slice %arg8[%dma_wait3A_692, %dma_wait3A_693] : memref<10240x32xf32, #tpu.memory_space<vmem_shared>> -> memref<10240x32xf32, #tpu.memory_space<vmem_shared>>
    tpu.wait_indirect_dma semaphore(%arg24 : memref<!tpu.dma_semaphore, #tpu.memory_space<semaphore_mem>>) src(%dma_wait3A_688 : memref<80x32xf32, #tpu.memory_space<vmem>>) dst(%dma_wait3A_694 : memref<10240x32xf32, #tpu.memory_space<vmem_shared>>)
    %dma_wait3A_695 = arith.constant 1 : i32
    %dma_wait3A_696 = arith.constant 0 : i32
    %dma_wait3A_697 = tpu.memref_slice %arg10[%dma_wait3A_695, %dma_wait3A_696] : memref<3x80xi32, #tpu.memory_space<vmem>> -> memref<1x80xi32, #tpu.memory_space<vmem>>
    %dma_wait3A_698 = tpu.memref_squeeze %dma_wait3A_697 : memref<1x80xi32, #tpu.memory_space<vmem>> -> memref<80xi32, #tpu.memory_space<vmem>>
    %dma_wait3A_699 = arith.constant 0 : i32
    %dma_wait3A_700 = tpu.memref_slice %arg9[%dma_wait3A_699] : memref<10240xf32, #tpu.memory_space<vmem_shared>> -> memref<10240xf32, #tpu.memory_space<vmem_shared>>
    tpu.wait_indirect_dma semaphore(%arg24 : memref<!tpu.dma_semaphore, #tpu.memory_space<semaphore_mem>>) src(%arg14 : memref<80xf32, #tpu.memory_space<vmem>>) dst(%dma_wait3A_700 : memref<10240xf32, #tpu.memory_space<vmem_shared>>)
    %mul3A_701 = arith.constant 10000 : i32
    %mul3A_702 = arith.muli %add3A, %mul3A_701 : i32
    %add3A_703 = arith.constant 320 : i32
    %add3A_704 = arith.addi %mul3A_702, %add3A_703 : i32
    %multiple_of3A_705 = tpu.assume_multiple %add3A_704, 8 : i32
    %dma_start3A_706 = arith.constant 1 : i32
    %dma_start3A_707 = arith.constant 0 : i32
    %dma_start3A_708 = tpu.memref_slice %arg11[%dma_start3A_706, %dma_start3A_707] : memref<3x80xi32, #tpu.memory_space<vmem>> -> memref<1x80xi32, #tpu.memory_space<vmem>>
    %dma_start3A_709 = tpu.memref_squeeze %dma_start3A_708 : memref<1x80xi32, #tpu.memory_space<vmem>> -> memref<80xi32, #tpu.memory_space<vmem>>
    %dma_start3A_710 = tpu.memref_slice %arg4[%multiple_of3A_705] : memref<320000xi32, #tpu.memory_space<hbm>> -> memref<80xi32, #tpu.memory_space<hbm>>
    %dma_start3A_711 = arith.constant 0 : i32
    %dma_start3A_712 = tpu.memref_slice %arg11[%dma_start3A_706, %dma_start3A_711] : memref<3x80xi32, #tpu.memory_space<vmem>> -> memref<1x80xi32, #tpu.memory_space<vmem>>
    %dma_start3A_713 = tpu.memref_squeeze %dma_start3A_712 : memref<1x80xi32, #tpu.memory_space<vmem>> -> memref<80xi32, #tpu.memory_space<vmem>>
    %dma_start3A_714 = tpu.memref_slice %arg4[%multiple_of3A_705] : memref<320000xi32, #tpu.memory_space<hbm>> -> memref<80xi32, #tpu.memory_space<hbm>>
    tpu.enqueue_dma source(%dma_start3A_714 : memref<80xi32, #tpu.memory_space<hbm>>) target(%dma_start3A_713 : memref<80xi32, #tpu.memory_space<vmem>>) target_semaphore(%arg18 : memref<!tpu.dma_semaphore, #tpu.memory_space<semaphore_mem>>)
    %dma_start3A_715 = arith.constant 1 : i32
    %dma_start3A_716 = arith.constant 0 : i32
    %dma_start3A_717 = tpu.memref_slice %arg10[%dma_start3A_715, %dma_start3A_716] : memref<3x80xi32, #tpu.memory_space<vmem>> -> memref<1x80xi32, #tpu.memory_space<vmem>>
    %dma_start3A_718 = tpu.memref_squeeze %dma_start3A_717 : memref<1x80xi32, #tpu.memory_space<vmem>> -> memref<80xi32, #tpu.memory_space<vmem>>
    %dma_start3A_719 = tpu.memref_slice %arg5[%multiple_of3A_705] : memref<320000xi32, #tpu.memory_space<hbm>> -> memref<80xi32, #tpu.memory_space<hbm>>
    %dma_start3A_720 = arith.constant 0 : i32
    %dma_start3A_721 = tpu.memref_slice %arg10[%dma_start3A_715, %dma_start3A_720] : memref<3x80xi32, #tpu.memory_space<vmem>> -> memref<1x80xi32, #tpu.memory_space<vmem>>
    %dma_start3A_722 = tpu.memref_squeeze %dma_start3A_721 : memref<1x80xi32, #tpu.memory_space<vmem>> -> memref<80xi32, #tpu.memory_space<vmem>>
    %dma_start3A_723 = tpu.memref_slice %arg5[%multiple_of3A_705] : memref<320000xi32, #tpu.memory_space<hbm>> -> memref<80xi32, #tpu.memory_space<hbm>>
    tpu.enqueue_dma source(%dma_start3A_723 : memref<80xi32, #tpu.memory_space<hbm>>) target(%dma_start3A_722 : memref<80xi32, #tpu.memory_space<vmem>>) target_semaphore(%arg18 : memref<!tpu.dma_semaphore, #tpu.memory_space<semaphore_mem>>)
    %mul3A_724 = arith.constant 10000 : i32
    %mul3A_725 = arith.muli %add3A, %mul3A_724 : i32
    %jit3A_726 = arith.constant 4 : i32
    %div3A_727 = arith.divsi %mul3A_725, %jit3A_726 : i32
    %sign3A_728 = arith.constant 0 : i32
    %sign3A_729 = arith.cmpi sgt, %mul3A_725, %sign3A_728 : i32
    %sign3A_730 = arith.extui %sign3A_729 : i1 to i32
    %sign3A_731 = arith.constant 0 : i32
    %sign3A_732 = arith.cmpi slt, %mul3A_725, %sign3A_731 : i32
    %sign3A_733 = arith.extui %sign3A_732 : i1 to i32
    %sign3A_734 = arith.subi %sign3A_730, %sign3A_733 : i32
    %sign3A_735 = arith.constant 0 : i32
    %sign3A_736 = arith.cmpi sgt, %jit3A_726, %sign3A_735 : i32
    %sign3A_737 = arith.extui %sign3A_736 : i1 to i32
    %sign3A_738 = arith.constant 0 : i32
    %sign3A_739 = arith.cmpi slt, %jit3A_726, %sign3A_738 : i32
    %sign3A_740 = arith.extui %sign3A_739 : i1 to i32
    %sign3A_741 = arith.subi %sign3A_737, %sign3A_740 : i32
    %ne3A_742 = arith.cmpi ne, %sign3A_734, %sign3A_741 : i32
    %rem3A_743 = arith.remsi %mul3A_725, %jit3A_726 : i32
    %ne3A_744 = arith.constant 0 : i32
    %ne3A_745 = arith.cmpi ne, %rem3A_743, %ne3A_744 : i32
    %and3A_746 = arith.andi %ne3A_742, %ne3A_745 : i1
    %sub3A_747 = arith.constant 1 : i32
    %sub3A_748 = arith.subi %div3A_727, %sub3A_747 : i32
    %select_n3A_749 = arith.select %and3A_746, %sub3A_748, %div3A_727 : i32
    %add3A_750 = arith.constant 80 : i32
    %add3A_751 = arith.addi %select_n3A_749, %add3A_750 : i32
    %multiple_of3A_752 = tpu.assume_multiple %add3A_751, 4 : i32
    %dma_start3A_753 = arith.constant 1 : i32
    %dma_start3A_754 = arith.constant 0 : i32
    %dma_start3A_755 = arith.constant 0 : i32
    %dma_start3A_756 = tpu.memref_slice %arg13[%dma_start3A_753, %dma_start3A_754, %dma_start3A_755] : memref<3x20x128xf32, #tpu.memory_space<vmem>> -> memref<1x20x128xf32, #tpu.memory_space<vmem>>
    %dma_start3A_757 = tpu.memref_squeeze %dma_start3A_756 : memref<1x20x128xf32, #tpu.memory_space<vmem>> -> memref<20x128xf32, #tpu.memory_space<vmem>>
    %dma_start3A_758 = arith.constant 0 : i32
    %dma_start3A_759 = tpu.memref_slice %arg3[%multiple_of3A_752, %dma_start3A_758] : memref<80000x128xf32, #tpu.memory_space<hbm>> -> memref<20x128xf32, #tpu.memory_space<hbm>>
    %dma_start3A_760 = arith.constant 0 : i32
    %dma_start3A_761 = arith.constant 0 : i32
    %dma_start3A_762 = tpu.memref_slice %arg13[%dma_start3A_753, %dma_start3A_760, %dma_start3A_761] : memref<3x20x128xf32, #tpu.memory_space<vmem>> -> memref<1x20x128xf32, #tpu.memory_space<vmem>>
    %dma_start3A_763 = tpu.memref_squeeze %dma_start3A_762 : memref<1x20x128xf32, #tpu.memory_space<vmem>> -> memref<20x128xf32, #tpu.memory_space<vmem>>
    %dma_start3A_764 = arith.constant 0 : i32
    %dma_start3A_765 = tpu.memref_slice %arg3[%multiple_of3A_752, %dma_start3A_764] : memref<80000x128xf32, #tpu.memory_space<hbm>> -> memref<20x128xf32, #tpu.memory_space<hbm>>
    tpu.enqueue_dma source(%dma_start3A_765 : memref<20x128xf32, #tpu.memory_space<hbm>>) target(%dma_start3A_763 : memref<20x128xf32, #tpu.memory_space<vmem>>) target_semaphore(%arg18 : memref<!tpu.dma_semaphore, #tpu.memory_space<semaphore_mem>>)
    %scan3A_766 = arith.constant 0 : i32
    %scan3A_767 = arith.constant 20 : i32
    %scan3A_768 = arith.addi %scan3A_766, %scan3A_767 : i32
    %scan3A_769 = arith.constant 1 : i32
    scf.for %scan3A_1002 = %scan3A_766 to %scan3A_768 step %scan3A_769  : i32 {
      %mul3A_1003 = arith.constant 4 : i32
      %mul3A_1004 = arith.muli %mul3A_1003, %scan3A_1002 : i32
      %add3A_1005 = arith.constant 0 : i32
      %add3A_1006 = arith.addi %mul3A_1004, %add3A_1005 : i32
      %get3A = arith.constant 2 : i32
      %get3A_1007 = arith.index_cast %get3A : i32 to index
      %get3A_1008 = arith.index_cast %add3A_1006 : i32 to index
      %get3A_1009 = arith.constant 0 : index
      %get3A_1010 = tpu.vector_load %arg12[%get3A_1007, %get3A_1008, %get3A_1009] {strides = array<i32>} : memref<3x80x32xf32, #tpu.memory_space<vmem>>, vector<1x1x16xf32>,
      %get3A_1011 = vector.shape_cast %get3A_1010 : vector<1x1x16xf32> to vector<16xf32>
      %get3A_1012 = arith.constant 2 : i32
      %get3A_1013 = arith.index_cast %get3A_1012 : i32 to index
      %get3A_1014 = arith.index_cast %scan3A_1002 : i32 to index
      %get3A_1015 = arith.constant 0 : index
      %get3A_1016 = tpu.vector_load %arg13[%get3A_1013, %get3A_1014, %get3A_1015] {strides = array<i32>} : memref<3x20x128xf32, #tpu.memory_space<vmem>>, vector<1x1x16xf32>,
      %get3A_1017 = vector.shape_cast %get3A_1016 : vector<1x1x16xf32> to vector<16xf32>
      %add3A_1018 = arith.addf %get3A_1011, %get3A_1017 : vector<16xf32>
      %max3A = arith.constant 0.000000e+00 : f32
      %max3A_1019 = vector.broadcast %max3A : f32 to vector<16xf32>
      %max3A_1020 = arith.maximumf %add3A_1018, %max3A_1019 : vector<16xf32>
      %add3A_1021 = arith.constant 0 : i32
      %add3A_1022 = arith.addi %mul3A_1004, %add3A_1021 : i32
      %swap3A = arith.constant 2 : i32
      %swap3A_1023 = arith.index_cast %swap3A : i32 to index
      %swap3A_1024 = arith.index_cast %add3A_1022 : i32 to index
      %swap3A_1025 = arith.constant 0 : index
      %swap3A_1026 = tpu.vector_load %arg12[%swap3A_1023, %swap3A_1024, %swap3A_1025] {strides = array<i32>} : memref<3x80x32xf32, #tpu.memory_space<vmem>>, vector<1x1x16xf32>,
      %swap3A_1027 = vector.shape_cast %swap3A_1026 : vector<1x1x16xf32> to vector<16xf32>
      %swap3A_1028 = vector.shape_cast %max3A_1020 : vector<16xf32> to vector<1x1x16xf32>
      tpu.vector_store %arg12[%swap3A_1023, %swap3A_1024, %swap3A_1025], %swap3A_1028 {strides = array<i32>} : memref<3x80x32xf32, #tpu.memory_space<vmem>>, vector<1x1x16xf32>,
      %add3A_1029 = arith.constant 0 : i32
      %add3A_1030 = arith.addi %mul3A_1004, %add3A_1029 : i32
      %get3A_1031 = arith.constant 2 : i32
      %get3A_1032 = arith.index_cast %get3A_1031 : i32 to index
      %get3A_1033 = arith.index_cast %add3A_1030 : i32 to index
      %get3A_1034 = arith.constant 16 : index
      %get3A_1035 = tpu.vector_load %arg12[%get3A_1032, %get3A_1033, %get3A_1034] {strides = array<i32>} : memref<3x80x32xf32, #tpu.memory_space<vmem>>, vector<1x1x16xf32>,
      %get3A_1036 = vector.shape_cast %get3A_1035 : vector<1x1x16xf32> to vector<16xf32>
      %get3A_1037 = arith.constant 2 : i32
      %get3A_1038 = arith.index_cast %get3A_1037 : i32 to index
      %get3A_1039 = arith.index_cast %scan3A_1002 : i32 to index
      %get3A_1040 = arith.constant 16 : index
      %get3A_1041 = tpu.vector_load %arg13[%get3A_1038, %get3A_1039, %get3A_1040] {strides = array<i32>} : memref<3x20x128xf32, #tpu.memory_space<vmem>>, vector<1x1x16xf32>,
      %get3A_1042 = vector.shape_cast %get3A_1041 : vector<1x1x16xf32> to vector<16xf32>
      %add3A_1043 = arith.addf %get3A_1036, %get3A_1042 : vector<16xf32>
      %max3A_1044 = arith.constant 0.000000e+00 : f32
      %max3A_1045 = vector.broadcast %max3A_1044 : f32 to vector<16xf32>
      %max3A_1046 = arith.maximumf %add3A_1043, %max3A_1045 : vector<16xf32>
      %add3A_1047 = arith.constant 0 : i32
      %add3A_1048 = arith.addi %mul3A_1004, %add3A_1047 : i32
      %swap3A_1049 = arith.constant 2 : i32
      %swap3A_1050 = arith.index_cast %swap3A_1049 : i32 to index
      %swap3A_1051 = arith.index_cast %add3A_1048 : i32 to index
      %swap3A_1052 = arith.constant 16 : index
      %swap3A_1053 = tpu.vector_load %arg12[%swap3A_1050, %swap3A_1051, %swap3A_1052] {strides = array<i32>} : memref<3x80x32xf32, #tpu.memory_space<vmem>>, vector<1x1x16xf32>,
      %swap3A_1054 = vector.shape_cast %swap3A_1053 : vector<1x1x16xf32> to vector<16xf32>
      %swap3A_1055 = vector.shape_cast %max3A_1046 : vector<16xf32> to vector<1x1x16xf32>
      tpu.vector_store %arg12[%swap3A_1050, %swap3A_1051, %swap3A_1052], %swap3A_1055 {strides = array<i32>} : memref<3x80x32xf32, #tpu.memory_space<vmem>>, vector<1x1x16xf32>,
      %add3A_1056 = arith.constant 1 : i32
      %add3A_1057 = arith.addi %mul3A_1004, %add3A_1056 : i32
      %get3A_1058 = arith.constant 2 : i32
      %get3A_1059 = arith.index_cast %get3A_1058 : i32 to index
      %get3A_1060 = arith.index_cast %add3A_1057 : i32 to index
      %get3A_1061 = arith.constant 0 : index
      %get3A_1062 = tpu.vector_load %arg12[%get3A_1059, %get3A_1060, %get3A_1061] {strides = array<i32>} : memref<3x80x32xf32, #tpu.memory_space<vmem>>, vector<1x1x16xf32>,
      %get3A_1063 = vector.shape_cast %get3A_1062 : vector<1x1x16xf32> to vector<16xf32>
      %get3A_1064 = arith.constant 2 : i32
      %get3A_1065 = arith.index_cast %get3A_1064 : i32 to index
      %get3A_1066 = arith.index_cast %scan3A_1002 : i32 to index
      %get3A_1067 = arith.constant 32 : index
      %get3A_1068 = tpu.vector_load %arg13[%get3A_1065, %get3A_1066, %get3A_1067] {strides = array<i32>} : memref<3x20x128xf32, #tpu.memory_space<vmem>>, vector<1x1x16xf32>,
      %get3A_1069 = vector.shape_cast %get3A_1068 : vector<1x1x16xf32> to vector<16xf32>
      %add3A_1070 = arith.addf %get3A_1063, %get3A_1069 : vector<16xf32>
      %max3A_1071 = arith.constant 0.000000e+00 : f32
      %max3A_1072 = vector.broadcast %max3A_1071 : f32 to vector<16xf32>
      %max3A_1073 = arith.maximumf %add3A_1070, %max3A_1072 : vector<16xf32>
      %add3A_1074 = arith.constant 1 : i32
      %add3A_1075 = arith.addi %mul3A_1004, %add3A_1074 : i32
      %swap3A_1076 = arith.constant 2 : i32
      %swap3A_1077 = arith.index_cast %swap3A_1076 : i32 to index
      %swap3A_1078 = arith.index_cast %add3A_1075 : i32 to index
      %swap3A_1079 = arith.constant 0 : index
      %swap3A_1080 = tpu.vector_load %arg12[%swap3A_1077, %swap3A_1078, %swap3A_1079] {strides = array<i32>} : memref<3x80x32xf32, #tpu.memory_space<vmem>>, vector<1x1x16xf32>,
      %swap3A_1081 = vector.shape_cast %swap3A_1080 : vector<1x1x16xf32> to vector<16xf32>
      %swap3A_1082 = vector.shape_cast %max3A_1073 : vector<16xf32> to vector<1x1x16xf32>
      tpu.vector_store %arg12[%swap3A_1077, %swap3A_1078, %swap3A_1079], %swap3A_1082 {strides = array<i32>} : memref<3x80x32xf32, #tpu.memory_space<vmem>>, vector<1x1x16xf32>,
      %add3A_1083 = arith.constant 1 : i32
      %add3A_1084 = arith.addi %mul3A_1004, %add3A_1083 : i32
      %get3A_1085 = arith.constant 2 : i32
      %get3A_1086 = arith.index_cast %get3A_1085 : i32 to index
      %get3A_1087 = arith.index_cast %add3A_1084 : i32 to index
      %get3A_1088 = arith.constant 16 : index
      %get3A_1089 = tpu.vector_load %arg12[%get3A_1086, %get3A_1087, %get3A_1088] {strides = array<i32>} : memref<3x80x32xf32, #tpu.memory_space<vmem>>, vector<1x1x16xf32>,
      %get3A_1090 = vector.shape_cast %get3A_1089 : vector<1x1x16xf32> to vector<16xf32>
      %get3A_1091 = arith.constant 2 : i32
      %get3A_1092 = arith.index_cast %get3A_1091 : i32 to index
      %get3A_1093 = arith.index_cast %scan3A_1002 : i32 to index
      %get3A_1094 = arith.constant 48 : index
      %get3A_1095 = tpu.vector_load %arg13[%get3A_1092, %get3A_1093, %get3A_1094] {strides = array<i32>} : memref<3x20x128xf32, #tpu.memory_space<vmem>>, vector<1x1x16xf32>,
      %get3A_1096 = vector.shape_cast %get3A_1095 : vector<1x1x16xf32> to vector<16xf32>
      %add3A_1097 = arith.addf %get3A_1090, %get3A_1096 : vector<16xf32>
      %max3A_1098 = arith.constant 0.000000e+00 : f32
      %max3A_1099 = vector.broadcast %max3A_1098 : f32 to vector<16xf32>
      %max3A_1100 = arith.maximumf %add3A_1097, %max3A_1099 : vector<16xf32>
      %add3A_1101 = arith.constant 1 : i32
      %add3A_1102 = arith.addi %mul3A_1004, %add3A_1101 : i32
      %swap3A_1103 = arith.constant 2 : i32
      %swap3A_1104 = arith.index_cast %swap3A_1103 : i32 to index
      %swap3A_1105 = arith.index_cast %add3A_1102 : i32 to index
      %swap3A_1106 = arith.constant 16 : index
      %swap3A_1107 = tpu.vector_load %arg12[%swap3A_1104, %swap3A_1105, %swap3A_1106] {strides = array<i32>} : memref<3x80x32xf32, #tpu.memory_space<vmem>>, vector<1x1x16xf32>,
      %swap3A_1108 = vector.shape_cast %swap3A_1107 : vector<1x1x16xf32> to vector<16xf32>
      %swap3A_1109 = vector.shape_cast %max3A_1100 : vector<16xf32> to vector<1x1x16xf32>
      tpu.vector_store %arg12[%swap3A_1104, %swap3A_1105, %swap3A_1106], %swap3A_1109 {strides = array<i32>} : memref<3x80x32xf32, #tpu.memory_space<vmem>>, vector<1x1x16xf32>,
      %add3A_1110 = arith.constant 2 : i32
      %add3A_1111 = arith.addi %mul3A_1004, %add3A_1110 : i32
      %get3A_1112 = arith.constant 2 : i32
      %get3A_1113 = arith.index_cast %get3A_1112 : i32 to index
      %get3A_1114 = arith.index_cast %add3A_1111 : i32 to index
      %get3A_1115 = arith.constant 0 : index
      %get3A_1116 = tpu.vector_load %arg12[%get3A_1113, %get3A_1114, %get3A_1115] {strides = array<i32>} : memref<3x80x32xf32, #tpu.memory_space<vmem>>, vector<1x1x16xf32>,
      %get3A_1117 = vector.shape_cast %get3A_1116 : vector<1x1x16xf32> to vector<16xf32>
      %get3A_1118 = arith.constant 2 : i32
      %get3A_1119 = arith.index_cast %get3A_1118 : i32 to index
      %get3A_1120 = arith.index_cast %scan3A_1002 : i32 to index
      %get3A_1121 = arith.constant 64 : index
      %get3A_1122 = tpu.vector_load %arg13[%get3A_1119, %get3A_1120, %get3A_1121] {strides = array<i32>} : memref<3x20x128xf32, #tpu.memory_space<vmem>>, vector<1x1x16xf32>,
      %get3A_1123 = vector.shape_cast %get3A_1122 : vector<1x1x16xf32> to vector<16xf32>
      %add3A_1124 = arith.addf %get3A_1117, %get3A_1123 : vector<16xf32>
      %max3A_1125 = arith.constant 0.000000e+00 : f32
      %max3A_1126 = vector.broadcast %max3A_1125 : f32 to vector<16xf32>
      %max3A_1127 = arith.maximumf %add3A_1124, %max3A_1126 : vector<16xf32>
      %add3A_1128 = arith.constant 2 : i32
      %add3A_1129 = arith.addi %mul3A_1004, %add3A_1128 : i32
      %swap3A_1130 = arith.constant 2 : i32
      %swap3A_1131 = arith.index_cast %swap3A_1130 : i32 to index
      %swap3A_1132 = arith.index_cast %add3A_1129 : i32 to index
      %swap3A_1133 = arith.constant 0 : index
      %swap3A_1134 = tpu.vector_load %arg12[%swap3A_1131, %swap3A_1132, %swap3A_1133] {strides = array<i32>} : memref<3x80x32xf32, #tpu.memory_space<vmem>>, vector<1x1x16xf32>,
      %swap3A_1135 = vector.shape_cast %swap3A_1134 : vector<1x1x16xf32> to vector<16xf32>
      %swap3A_1136 = vector.shape_cast %max3A_1127 : vector<16xf32> to vector<1x1x16xf32>
      tpu.vector_store %arg12[%swap3A_1131, %swap3A_1132, %swap3A_1133], %swap3A_1136 {strides = array<i32>} : memref<3x80x32xf32, #tpu.memory_space<vmem>>, vector<1x1x16xf32>,
      %add3A_1137 = arith.constant 2 : i32
      %add3A_1138 = arith.addi %mul3A_1004, %add3A_1137 : i32
      %get3A_1139 = arith.constant 2 : i32
      %get3A_1140 = arith.index_cast %get3A_1139 : i32 to index
      %get3A_1141 = arith.index_cast %add3A_1138 : i32 to index
      %get3A_1142 = arith.constant 16 : index
      %get3A_1143 = tpu.vector_load %arg12[%get3A_1140, %get3A_1141, %get3A_1142] {strides = array<i32>} : memref<3x80x32xf32, #tpu.memory_space<vmem>>, vector<1x1x16xf32>,
      %get3A_1144 = vector.shape_cast %get3A_1143 : vector<1x1x16xf32> to vector<16xf32>
      %get3A_1145 = arith.constant 2 : i32
      %get3A_1146 = arith.index_cast %get3A_1145 : i32 to index
      %get3A_1147 = arith.index_cast %scan3A_1002 : i32 to index
      %get3A_1148 = arith.constant 80 : index
      %get3A_1149 = tpu.vector_load %arg13[%get3A_1146, %get3A_1147, %get3A_1148] {strides = array<i32>} : memref<3x20x128xf32, #tpu.memory_space<vmem>>, vector<1x1x16xf32>,
      %get3A_1150 = vector.shape_cast %get3A_1149 : vector<1x1x16xf32> to vector<16xf32>
      %add3A_1151 = arith.addf %get3A_1144, %get3A_1150 : vector<16xf32>
      %max3A_1152 = arith.constant 0.000000e+00 : f32
      %max3A_1153 = vector.broadcast %max3A_1152 : f32 to vector<16xf32>
      %max3A_1154 = arith.maximumf %add3A_1151, %max3A_1153 : vector<16xf32>
      %add3A_1155 = arith.constant 2 : i32
      %add3A_1156 = arith.addi %mul3A_1004, %add3A_1155 : i32
      %swap3A_1157 = arith.constant 2 : i32
      %swap3A_1158 = arith.index_cast %swap3A_1157 : i32 to index
      %swap3A_1159 = arith.index_cast %add3A_1156 : i32 to index
      %swap3A_1160 = arith.constant 16 : index
      %swap3A_1161 = tpu.vector_load %arg12[%swap3A_1158, %swap3A_1159, %swap3A_1160] {strides = array<i32>} : memref<3x80x32xf32, #tpu.memory_space<vmem>>, vector<1x1x16xf32>,
      %swap3A_1162 = vector.shape_cast %swap3A_1161 : vector<1x1x16xf32> to vector<16xf32>
      %swap3A_1163 = vector.shape_cast %max3A_1154 : vector<16xf32> to vector<1x1x16xf32>
      tpu.vector_store %arg12[%swap3A_1158, %swap3A_1159, %swap3A_1160], %swap3A_1163 {strides = array<i32>} : memref<3x80x32xf32, #tpu.memory_space<vmem>>, vector<1x1x16xf32>,
      %add3A_1164 = arith.constant 3 : i32
      %add3A_1165 = arith.addi %mul3A_1004, %add3A_1164 : i32
      %get3A_1166 = arith.constant 2 : i32
      %get3A_1167 = arith.index_cast %get3A_1166 : i32 to index
      %get3A_1168 = arith.index_cast %add3A_1165 : i32 to index
      %get3A_1169 = arith.constant 0 : index
      %get3A_1170 = tpu.vector_load %arg12[%get3A_1167, %get3A_1168, %get3A_1169] {strides = array<i32>} : memref<3x80x32xf32, #tpu.memory_space<vmem>>, vector<1x1x16xf32>,
      %get3A_1171 = vector.shape_cast %get3A_1170 : vector<1x1x16xf32> to vector<16xf32>
      %get3A_1172 = arith.constant 2 : i32
      %get3A_1173 = arith.index_cast %get3A_1172 : i32 to index
      %get3A_1174 = arith.index_cast %scan3A_1002 : i32 to index
      %get3A_1175 = arith.constant 96 : index
      %get3A_1176 = tpu.vector_load %arg13[%get3A_1173, %get3A_1174, %get3A_1175] {strides = array<i32>} : memref<3x20x128xf32, #tpu.memory_space<vmem>>, vector<1x1x16xf32>,
      %get3A_1177 = vector.shape_cast %get3A_1176 : vector<1x1x16xf32> to vector<16xf32>
      %add3A_1178 = arith.addf %get3A_1171, %get3A_1177 : vector<16xf32>
      %max3A_1179 = arith.constant 0.000000e+00 : f32
      %max3A_1180 = vector.broadcast %max3A_1179 : f32 to vector<16xf32>
      %max3A_1181 = arith.maximumf %add3A_1178, %max3A_1180 : vector<16xf32>
      %add3A_1182 = arith.constant 3 : i32
      %add3A_1183 = arith.addi %mul3A_1004, %add3A_1182 : i32
      %swap3A_1184 = arith.constant 2 : i32
      %swap3A_1185 = arith.index_cast %swap3A_1184 : i32 to index
      %swap3A_1186 = arith.index_cast %add3A_1183 : i32 to index
      %swap3A_1187 = arith.constant 0 : index
      %swap3A_1188 = tpu.vector_load %arg12[%swap3A_1185, %swap3A_1186, %swap3A_1187] {strides = array<i32>} : memref<3x80x32xf32, #tpu.memory_space<vmem>>, vector<1x1x16xf32>,
      %swap3A_1189 = vector.shape_cast %swap3A_1188 : vector<1x1x16xf32> to vector<16xf32>
      %swap3A_1190 = vector.shape_cast %max3A_1181 : vector<16xf32> to vector<1x1x16xf32>
      tpu.vector_store %arg12[%swap3A_1185, %swap3A_1186, %swap3A_1187], %swap3A_1190 {strides = array<i32>} : memref<3x80x32xf32, #tpu.memory_space<vmem>>, vector<1x1x16xf32>,
      %add3A_1191 = arith.constant 3 : i32
      %add3A_1192 = arith.addi %mul3A_1004, %add3A_1191 : i32
      %get3A_1193 = arith.constant 2 : i32
      %get3A_1194 = arith.index_cast %get3A_1193 : i32 to index
      %get3A_1195 = arith.index_cast %add3A_1192 : i32 to index
      %get3A_1196 = arith.constant 16 : index
      %get3A_1197 = tpu.vector_load %arg12[%get3A_1194, %get3A_1195, %get3A_1196] {strides = array<i32>} : memref<3x80x32xf32, #tpu.memory_space<vmem>>, vector<1x1x16xf32>,
      %get3A_1198 = vector.shape_cast %get3A_1197 : vector<1x1x16xf32> to vector<16xf32>
      %get3A_1199 = arith.constant 2 : i32
      %get3A_1200 = arith.index_cast %get3A_1199 : i32 to index
      %get3A_1201 = arith.index_cast %scan3A_1002 : i32 to index
      %get3A_1202 = arith.constant 112 : index
      %get3A_1203 = tpu.vector_load %arg13[%get3A_1200, %get3A_1201, %get3A_1202] {strides = array<i32>} : memref<3x20x128xf32, #tpu.memory_space<vmem>>, vector<1x1x16xf32>,
      %get3A_1204 = vector.shape_cast %get3A_1203 : vector<1x1x16xf32> to vector<16xf32>
      %add3A_1205 = arith.addf %get3A_1198, %get3A_1204 : vector<16xf32>
      %max3A_1206 = arith.constant 0.000000e+00 : f32
      %max3A_1207 = vector.broadcast %max3A_1206 : f32 to vector<16xf32>
      %max3A_1208 = arith.maximumf %add3A_1205, %max3A_1207 : vector<16xf32>
      %add3A_1209 = arith.constant 3 : i32
      %add3A_1210 = arith.addi %mul3A_1004, %add3A_1209 : i32
      %swap3A_1211 = arith.constant 2 : i32
      %swap3A_1212 = arith.index_cast %swap3A_1211 : i32 to index
      %swap3A_1213 = arith.index_cast %add3A_1210 : i32 to index
      %swap3A_1214 = arith.constant 16 : index
      %swap3A_1215 = tpu.vector_load %arg12[%swap3A_1212, %swap3A_1213, %swap3A_1214] {strides = array<i32>} : memref<3x80x32xf32, #tpu.memory_space<vmem>>, vector<1x1x16xf32>,
      %swap3A_1216 = vector.shape_cast %swap3A_1215 : vector<1x1x16xf32> to vector<16xf32>
      %swap3A_1217 = vector.shape_cast %max3A_1208 : vector<16xf32> to vector<1x1x16xf32>
      tpu.vector_store %arg12[%swap3A_1212, %swap3A_1213, %swap3A_1214], %swap3A_1217 {strides = array<i32>} : memref<3x80x32xf32, #tpu.memory_space<vmem>>, vector<1x1x16xf32>,
    }
    %scan3A_770 = arith.constant 20 : i32
    %dma_start3A_771 = arith.constant 2 : i32
    %dma_start3A_772 = arith.constant 2 : i32
    %dma_start3A_773 = arith.constant 0 : i32
    %dma_start3A_774 = arith.constant 0 : i32
    %dma_start3A_775 = tpu.memref_slice %arg12[%dma_start3A_771, %dma_start3A_773, %dma_start3A_774] : memref<3x80x32xf32, #tpu.memory_space<vmem>> -> memref<1x80x32xf32, #tpu.memory_space<vmem>>
    %dma_start3A_776 = tpu.memref_squeeze %dma_start3A_775 : memref<1x80x32xf32, #tpu.memory_space<vmem>> -> memref<80x32xf32, #tpu.memory_space<vmem>>
    %dma_start3A_777 = arith.constant 0 : i32
    %dma_start3A_778 = tpu.memref_slice %arg10[%dma_start3A_772, %dma_start3A_777] : memref<3x80xi32, #tpu.memory_space<vmem>> -> memref<1x80xi32, #tpu.memory_space<vmem>>
    %dma_start3A_779 = tpu.memref_squeeze %dma_start3A_778 : memref<1x80xi32, #tpu.memory_space<vmem>> -> memref<80xi32, #tpu.memory_space<vmem>>
    %dma_start3A_780 = arith.constant 0 : i32
    %dma_start3A_781 = arith.constant 0 : i32
    %dma_start3A_782 = tpu.memref_slice %arg8[%dma_start3A_780, %dma_start3A_781] : memref<10240x32xf32, #tpu.memory_space<vmem_shared>> -> memref<10240x32xf32, #tpu.memory_space<vmem_shared>>
    tpu.enqueue_indirect_dma source(%dma_start3A_776 : memref<80x32xf32, #tpu.memory_space<vmem>>) target(%dma_start3A_782 : memref<10240x32xf32, #tpu.memory_space<vmem_shared>>) offsets(%dma_start3A_779 : memref<80xi32, #tpu.memory_space<vmem>>) semaphore(%arg25 : memref<!tpu.dma_semaphore, #tpu.memory_space<semaphore_mem>>) {add = true}
    %dma_start3A_783 = arith.constant 2 : i32
    %dma_start3A_784 = arith.constant 0 : i32
    %dma_start3A_785 = tpu.memref_slice %arg10[%dma_start3A_783, %dma_start3A_784] : memref<3x80xi32, #tpu.memory_space<vmem>> -> memref<1x80xi32, #tpu.memory_space<vmem>>
    %dma_start3A_786 = tpu.memref_squeeze %dma_start3A_785 : memref<1x80xi32, #tpu.memory_space<vmem>> -> memref<80xi32, #tpu.memory_space<vmem>>
    %dma_start3A_787 = arith.constant 0 : i32
    %dma_start3A_788 = tpu.memref_slice %arg9[%dma_start3A_787] : memref<10240xf32, #tpu.memory_space<vmem_shared>> -> memref<10240xf32, #tpu.memory_space<vmem_shared>>
    tpu.enqueue_indirect_dma source(%arg14 : memref<80xf32, #tpu.memory_space<vmem>>) target(%dma_start3A_788 : memref<10240xf32, #tpu.memory_space<vmem_shared>>) offsets(%dma_start3A_786 : memref<80xi32, #tpu.memory_space<vmem>>) semaphore(%arg25 : memref<!tpu.dma_semaphore, #tpu.memory_space<semaphore_mem>>) {add = true}
    %scan3A_789 = arith.constant 1 : i32
    %scan3A_790 = arith.constant 40 : i32
    %scan3A_791 = arith.addi %scan3A_789, %scan3A_790 : i32
    %scan3A_792 = arith.constant 1 : i32
    scf.for %scan3A_1002 = %scan3A_789 to %scan3A_791 step %scan3A_792  : i32 {
      %mul3A_1003 = arith.constant 3 : i32
      %mul3A_1004 = arith.muli %mul3A_1003, %scan3A_1002 : i32
      %dma_wait3A_1005 = arith.constant 0 : i32
      %dma_wait3A_1006 = arith.constant 0 : i32
      %dma_wait3A_1007 = arith.constant 0 : i32
      %dma_wait3A_1008 = arith.constant 0 : i32
      %dma_wait3A_1009 = tpu.memref_slice %arg12[%dma_wait3A_1006, %dma_wait3A_1007, %dma_wait3A_1008] : memref<3x80x32xf32, #tpu.memory_space<vmem>> -> memref<1x80x32xf32, #tpu.memory_space<vmem>>
      %dma_wait3A_1010 = tpu.memref_squeeze %dma_wait3A_1009 : memref<1x80x32xf32, #tpu.memory_space<vmem>> -> memref<80x32xf32, #tpu.memory_space<vmem>>
      %dma_wait3A_1011 = arith.constant 0 : i32
      %dma_wait3A_1012 = tpu.memref_slice %arg11[%dma_wait3A_1005, %dma_wait3A_1011] : memref<3x80xi32, #tpu.memory_space<vmem>> -> memref<1x80xi32, #tpu.memory_space<vmem>>
      %dma_wait3A_1013 = tpu.memref_squeeze %dma_wait3A_1012 : memref<1x80xi32, #tpu.memory_space<vmem>> -> memref<80xi32, #tpu.memory_space<vmem>>
      %dma_wait3A_1014 = arith.constant 0 : i32
      %dma_wait3A_1015 = arith.constant 0 : i32
      %dma_wait3A_1016 = tpu.memref_slice %arg2[%dma_wait3A_1014, %dma_wait3A_1015] : memref<10000x32xf32, #tpu.memory_space<hbm>> -> memref<10000x32xf32, #tpu.memory_space<hbm>>
      tpu.wait_indirect_dma semaphore(%arg20 : memref<!tpu.dma_semaphore, #tpu.memory_space<semaphore_mem>>) src(%dma_wait3A_1016 : memref<10000x32xf32, #tpu.memory_space<hbm>>) dst(%dma_wait3A_1010 : memref<80x32xf32, #tpu.memory_space<vmem>>)
      %add3A_1017 = arith.constant 1 : i32
      %add3A_1018 = arith.addi %mul3A_1004, %add3A_1017 : i32
      %mul3A_1019 = arith.constant 10000 : i32
      %mul3A_1020 = arith.muli %add3A, %mul3A_1019 : i32
      %mul3A_1021 = arith.constant 80 : i32
      %mul3A_1022 = arith.muli %add3A_1018, %mul3A_1021 : i32
      %add3A_1023 = arith.addi %mul3A_1020, %mul3A_1022 : i32
      %multiple_of3A_1024 = tpu.assume_multiple %add3A_1023, 8 : i32
      %dma_wait3A_1025 = arith.constant 1 : i32
      %dma_wait3A_1026 = arith.constant 0 : i32
      %dma_wait3A_1027 = tpu.memref_slice %arg11[%dma_wait3A_1025, %dma_wait3A_1026] : memref<3x80xi32, #tpu.memory_space<vmem>> -> memref<1x80xi32, #tpu.memory_space<vmem>>
      %dma_wait3A_1028 = tpu.memref_squeeze %dma_wait3A_1027 : memref<1x80xi32, #tpu.memory_space<vmem>> -> memref<80xi32, #tpu.memory_space<vmem>>
      %dma_wait3A_1029 = tpu.memref_slice %arg4[%multiple_of3A_1024] : memref<320000xi32, #tpu.memory_space<hbm>> -> memref<80xi32, #tpu.memory_space<hbm>>
      %dma_wait3A_1030 = arith.constant 0 : i32
      %dma_wait3A_1031 = tpu.memref_slice %arg11[%dma_wait3A_1025, %dma_wait3A_1030] : memref<3x80xi32, #tpu.memory_space<vmem>> -> memref<1x80xi32, #tpu.memory_space<vmem>>
      %dma_wait3A_1032 = tpu.memref_squeeze %dma_wait3A_1031 : memref<1x80xi32, #tpu.memory_space<vmem>> -> memref<80xi32, #tpu.memory_space<vmem>>
      %dma_wait3A_1033 = tpu.memref_slice %arg4[%multiple_of3A_1024] : memref<320000xi32, #tpu.memory_space<hbm>> -> memref<80xi32, #tpu.memory_space<hbm>>
      tpu.wait_dma2 semaphore(%arg18 : memref<!tpu.dma_semaphore, #tpu.memory_space<semaphore_mem>>) src(%dma_wait3A_1033 : memref<80xi32, #tpu.memory_space<hbm>>) dst(%dma_wait3A_1032 : memref<80xi32, #tpu.memory_space<vmem>>)
      %dma_wait3A_1034 = arith.constant 1 : i32
      %dma_wait3A_1035 = arith.constant 0 : i32
      %dma_wait3A_1036 = tpu.memref_slice %arg10[%dma_wait3A_1034, %dma_wait3A_1035] : memref<3x80xi32, #tpu.memory_space<vmem>> -> memref<1x80xi32, #tpu.memory_space<vmem>>
      %dma_wait3A_1037 = tpu.memref_squeeze %dma_wait3A_1036 : memref<1x80xi32, #tpu.memory_space<vmem>> -> memref<80xi32, #tpu.memory_space<vmem>>
      %dma_wait3A_1038 = tpu.memref_slice %arg5[%multiple_of3A_1024] : memref<320000xi32, #tpu.memory_space<hbm>> -> memref<80xi32, #tpu.memory_space<hbm>>
      %dma_wait3A_1039 = arith.constant 0 : i32
      %dma_wait3A_1040 = tpu.memref_slice %arg10[%dma_wait3A_1034, %dma_wait3A_1039] : memref<3x80xi32, #tpu.memory_space<vmem>> -> memref<1x80xi32, #tpu.memory_space<vmem>>
      %dma_wait3A_1041 = tpu.memref_squeeze %dma_wait3A_1040 : memref<1x80xi32, #tpu.memory_space<vmem>> -> memref<80xi32, #tpu.memory_space<vmem>>
      %dma_wait3A_1042 = tpu.memref_slice %arg5[%multiple_of3A_1024] : memref<320000xi32, #tpu.memory_space<hbm>> -> memref<80xi32, #tpu.memory_space<hbm>>
      tpu.wait_dma2 semaphore(%arg18 : memref<!tpu.dma_semaphore, #tpu.memory_space<semaphore_mem>>) src(%dma_wait3A_1042 : memref<80xi32, #tpu.memory_space<hbm>>) dst(%dma_wait3A_1041 : memref<80xi32, #tpu.memory_space<vmem>>)
      %mul3A_1043 = arith.constant 10000 : i32
      %mul3A_1044 = arith.muli %add3A, %mul3A_1043 : i32
      %jit3A_1045 = arith.constant 4 : i32
      %div3A_1046 = arith.divsi %mul3A_1044, %jit3A_1045 : i32
      %sign3A_1047 = arith.constant 0 : i32
      %sign3A_1048 = arith.cmpi sgt, %mul3A_1044, %sign3A_1047 : i32
      %sign3A_1049 = arith.extui %sign3A_1048 : i1 to i32
      %sign3A_1050 = arith.constant 0 : i32
      %sign3A_1051 = arith.cmpi slt, %mul3A_1044, %sign3A_1050 : i32
      %sign3A_1052 = arith.extui %sign3A_1051 : i1 to i32
      %sign3A_1053 = arith.subi %sign3A_1049, %sign3A_1052 : i32
      %sign3A_1054 = arith.constant 0 : i32
      %sign3A_1055 = arith.cmpi sgt, %jit3A_1045, %sign3A_1054 : i32
      %sign3A_1056 = arith.extui %sign3A_1055 : i1 to i32
      %sign3A_1057 = arith.constant 0 : i32
      %sign3A_1058 = arith.cmpi slt, %jit3A_1045, %sign3A_1057 : i32
      %sign3A_1059 = arith.extui %sign3A_1058 : i1 to i32
      %sign3A_1060 = arith.subi %sign3A_1056, %sign3A_1059 : i32
      %ne3A_1061 = arith.cmpi ne, %sign3A_1053, %sign3A_1060 : i32
      %rem3A_1062 = arith.remsi %mul3A_1044, %jit3A_1045 : i32
      %ne3A_1063 = arith.constant 0 : i32
      %ne3A_1064 = arith.cmpi ne, %rem3A_1062, %ne3A_1063 : i32
      %and3A_1065 = arith.andi %ne3A_1061, %ne3A_1064 : i1
      %sub3A_1066 = arith.constant 1 : i32
      %sub3A_1067 = arith.subi %div3A_1046, %sub3A_1066 : i32
      %select_n3A_1068 = arith.select %and3A_1065, %sub3A_1067, %div3A_1046 : i32
      %mul3A_1069 = arith.constant 20 : i32
      %mul3A_1070 = arith.muli %add3A_1018, %mul3A_1069 : i32
      %add3A_1071 = arith.addi %select_n3A_1068, %mul3A_1070 : i32
      %multiple_of3A_1072 = tpu.assume_multiple %add3A_1071, 4 : i32
      %dma_wait3A_1073 = arith.constant 1 : i32
      %dma_wait3A_1074 = arith.constant 0 : i32
      %dma_wait3A_1075 = arith.constant 0 : i32
      %dma_wait3A_1076 = tpu.memref_slice %arg13[%dma_wait3A_1073, %dma_wait3A_1074, %dma_wait3A_1075] : memref<3x20x128xf32, #tpu.memory_space<vmem>> -> memref<1x20x128xf32, #tpu.memory_space<vmem>>
      %dma_wait3A_1077 = tpu.memref_squeeze %dma_wait3A_1076 : memref<1x20x128xf32, #tpu.memory_space<vmem>> -> memref<20x128xf32, #tpu.memory_space<vmem>>
      %dma_wait3A_1078 = arith.constant 0 : i32
      %dma_wait3A_1079 = tpu.memref_slice %arg3[%multiple_of3A_1072, %dma_wait3A_1078] : memref<80000x128xf32, #tpu.memory_space<hbm>> -> memref<20x128xf32, #tpu.memory_space<hbm>>
      %dma_wait3A_1080 = arith.constant 0 : i32
      %dma_wait3A_1081 = arith.constant 0 : i32
      %dma_wait3A_1082 = tpu.memref_slice %arg13[%dma_wait3A_1073, %dma_wait3A_1080, %dma_wait3A_1081] : memref<3x20x128xf32, #tpu.memory_space<vmem>> -> memref<1x20x128xf32, #tpu.memory_space<vmem>>
      %dma_wait3A_1083 = tpu.memref_squeeze %dma_wait3A_1082 : memref<1x20x128xf32, #tpu.memory_space<vmem>> -> memref<20x128xf32, #tpu.memory_space<vmem>>
      %dma_wait3A_1084 = arith.constant 0 : i32
      %dma_wait3A_1085 = tpu.memref_slice %arg3[%multiple_of3A_1072, %dma_wait3A_1084] : memref<80000x128xf32, #tpu.memory_space<hbm>> -> memref<20x128xf32, #tpu.memory_space<hbm>>
      tpu.wait_dma2 semaphore(%arg18 : memref<!tpu.dma_semaphore, #tpu.memory_space<semaphore_mem>>) src(%dma_wait3A_1085 : memref<20x128xf32, #tpu.memory_space<hbm>>) dst(%dma_wait3A_1083 : memref<20x128xf32, #tpu.memory_space<vmem>>)
      %dma_start3A_1086 = arith.constant 1 : i32
      %dma_start3A_1087 = arith.constant 1 : i32
      %dma_start3A_1088 = arith.constant 0 : i32
      %dma_start3A_1089 = arith.constant 0 : i32
      %dma_start3A_1090 = tpu.memref_slice %arg12[%dma_start3A_1087, %dma_start3A_1088, %dma_start3A_1089] : memref<3x80x32xf32, #tpu.memory_space<vmem>> -> memref<1x80x32xf32, #tpu.memory_space<vmem>>
      %dma_start3A_1091 = tpu.memref_squeeze %dma_start3A_1090 : memref<1x80x32xf32, #tpu.memory_space<vmem>> -> memref<80x32xf32, #tpu.memory_space<vmem>>
      %dma_start3A_1092 = arith.constant 0 : i32
      %dma_start3A_1093 = tpu.memref_slice %arg11[%dma_start3A_1086, %dma_start3A_1092] : memref<3x80xi32, #tpu.memory_space<vmem>> -> memref<1x80xi32, #tpu.memory_space<vmem>>
      %dma_start3A_1094 = tpu.memref_squeeze %dma_start3A_1093 : memref<1x80xi32, #tpu.memory_space<vmem>> -> memref<80xi32, #tpu.memory_space<vmem>>
      %dma_start3A_1095 = arith.constant 0 : i32
      %dma_start3A_1096 = arith.constant 0 : i32
      %dma_start3A_1097 = tpu.memref_slice %arg2[%dma_start3A_1095, %dma_start3A_1096] : memref<10000x32xf32, #tpu.memory_space<hbm>> -> memref<10000x32xf32, #tpu.memory_space<hbm>>
      tpu.enqueue_indirect_dma source(%dma_start3A_1097 : memref<10000x32xf32, #tpu.memory_space<hbm>>) target(%dma_start3A_1091 : memref<80x32xf32, #tpu.memory_space<vmem>>) offsets(%dma_start3A_1094 : memref<80xi32, #tpu.memory_space<vmem>>) semaphore(%arg21 : memref<!tpu.dma_semaphore, #tpu.memory_space<semaphore_mem>>)
      %dma_wait3A_1098 = arith.constant 2 : i32
      %dma_wait3A_1099 = arith.constant 2 : i32
      %dma_wait3A_1100 = arith.constant 0 : i32
      %dma_wait3A_1101 = arith.constant 0 : i32
      %dma_wait3A_1102 = tpu.memref_slice %arg12[%dma_wait3A_1098, %dma_wait3A_1100, %dma_wait3A_1101] : memref<3x80x32xf32, #tpu.memory_space<vmem>> -> memref<1x80x32xf32, #tpu.memory_space<vmem>>
      %dma_wait3A_1103 = tpu.memref_squeeze %dma_wait3A_1102 : memref<1x80x32xf32, #tpu.memory_space<vmem>> -> memref<80x32xf32, #tpu.memory_space<vmem>>
      %dma_wait3A_1104 = arith.constant 0 : i32
      %dma_wait3A_1105 = tpu.memref_slice %arg10[%dma_wait3A_1099, %dma_wait3A_1104] : memref<3x80xi32, #tpu.memory_space<vmem>> -> memref<1x80xi32, #tpu.memory_space<vmem>>
      %dma_wait3A_1106 = tpu.memref_squeeze %dma_wait3A_1105 : memref<1x80xi32, #tpu.memory_space<vmem>> -> memref<80xi32, #tpu.memory_space<vmem>>
      %dma_wait3A_1107 = arith.constant 0 : i32
      %dma_wait3A_1108 = arith.constant 0 : i32
      %dma_wait3A_1109 = tpu.memref_slice %arg8[%dma_wait3A_1107, %dma_wait3A_1108] : memref<10240x32xf32, #tpu.memory_space<vmem_shared>> -> memref<10240x32xf32, #tpu.memory_space<vmem_shared>>
      tpu.wait_indirect_dma semaphore(%arg25 : memref<!tpu.dma_semaphore, #tpu.memory_space<semaphore_mem>>) src(%dma_wait3A_1103 : memref<80x32xf32, #tpu.memory_space<vmem>>) dst(%dma_wait3A_1109 : memref<10240x32xf32, #tpu.memory_space<vmem_shared>>)
      %dma_wait3A_1110 = arith.constant 2 : i32
      %dma_wait3A_1111 = arith.constant 0 : i32
      %dma_wait3A_1112 = tpu.memref_slice %arg10[%dma_wait3A_1110, %dma_wait3A_1111] : memref<3x80xi32, #tpu.memory_space<vmem>> -> memref<1x80xi32, #tpu.memory_space<vmem>>
      %dma_wait3A_1113 = tpu.memref_squeeze %dma_wait3A_1112 : memref<1x80xi32, #tpu.memory_space<vmem>> -> memref<80xi32, #tpu.memory_space<vmem>>
      %dma_wait3A_1114 = arith.constant 0 : i32
      %dma_wait3A_1115 = tpu.memref_slice %arg9[%dma_wait3A_1114] : memref<10240xf32, #tpu.memory_space<vmem_shared>> -> memref<10240xf32, #tpu.memory_space<vmem_shared>>
      tpu.wait_indirect_dma semaphore(%arg25 : memref<!tpu.dma_semaphore, #tpu.memory_space<semaphore_mem>>) src(%arg14 : memref<80xf32, #tpu.memory_space<vmem>>) dst(%dma_wait3A_1115 : memref<10240xf32, #tpu.memory_space<vmem_shared>>)
      %add3A_1116 = arith.constant 2 : i32
      %add3A_1117 = arith.addi %mul3A_1004, %add3A_1116 : i32
      %mul3A_1118 = arith.constant 10000 : i32
      %mul3A_1119 = arith.muli %add3A, %mul3A_1118 : i32
      %mul3A_1120 = arith.constant 80 : i32
      %mul3A_1121 = arith.muli %add3A_1117, %mul3A_1120 : i32
      %add3A_1122 = arith.addi %mul3A_1119, %mul3A_1121 : i32
      %multiple_of3A_1123 = tpu.assume_multiple %add3A_1122, 8 : i32
      %dma_start3A_1124 = arith.constant 2 : i32
      %dma_start3A_1125 = arith.constant 0 : i32
      %dma_start3A_1126 = tpu.memref_slice %arg11[%dma_start3A_1124, %dma_start3A_1125] : memref<3x80xi32, #tpu.memory_space<vmem>> -> memref<1x80xi32, #tpu.memory_space<vmem>>
      %dma_start3A_1127 = tpu.memref_squeeze %dma_start3A_1126 : memref<1x80xi32, #tpu.memory_space<vmem>> -> memref<80xi32, #tpu.memory_space<vmem>>
      %dma_start3A_1128 = tpu.memref_slice %arg4[%multiple_of3A_1123] : memref<320000xi32, #tpu.memory_space<hbm>> -> memref<80xi32, #tpu.memory_space<hbm>>
      %dma_start3A_1129 = arith.constant 0 : i32
      %dma_start3A_1130 = tpu.memref_slice %arg11[%dma_start3A_1124, %dma_start3A_1129] : memref<3x80xi32, #tpu.memory_space<vmem>> -> memref<1x80xi32, #tpu.memory_space<vmem>>
      %dma_start3A_1131 = tpu.memref_squeeze %dma_start3A_1130 : memref<1x80xi32, #tpu.memory_space<vmem>> -> memref<80xi32, #tpu.memory_space<vmem>>
      %dma_start3A_1132 = tpu.memref_slice %arg4[%multiple_of3A_1123] : memref<320000xi32, #tpu.memory_space<hbm>> -> memref<80xi32, #tpu.memory_space<hbm>>
      tpu.enqueue_dma source(%dma_start3A_1132 : memref<80xi32, #tpu.memory_space<hbm>>) target(%dma_start3A_1131 : memref<80xi32, #tpu.memory_space<vmem>>) target_semaphore(%arg19 : memref<!tpu.dma_semaphore, #tpu.memory_space<semaphore_mem>>)
      %dma_start3A_1133 = arith.constant 2 : i32
      %dma_start3A_1134 = arith.constant 0 : i32
      %dma_start3A_1135 = tpu.memref_slice %arg10[%dma_start3A_1133, %dma_start3A_1134] : memref<3x80xi32, #tpu.memory_space<vmem>> -> memref<1x80xi32, #tpu.memory_space<vmem>>
      %dma_start3A_1136 = tpu.memref_squeeze %dma_start3A_1135 : memref<1x80xi32, #tpu.memory_space<vmem>> -> memref<80xi32, #tpu.memory_space<vmem>>
      %dma_start3A_1137 = tpu.memref_slice %arg5[%multiple_of3A_1123] : memref<320000xi32, #tpu.memory_space<hbm>> -> memref<80xi32, #tpu.memory_space<hbm>>
      %dma_start3A_1138 = arith.constant 0 : i32
      %dma_start3A_1139 = tpu.memref_slice %arg10[%dma_start3A_1133, %dma_start3A_1138] : memref<3x80xi32, #tpu.memory_space<vmem>> -> memref<1x80xi32, #tpu.memory_space<vmem>>
      %dma_start3A_1140 = tpu.memref_squeeze %dma_start3A_1139 : memref<1x80xi32, #tpu.memory_space<vmem>> -> memref<80xi32, #tpu.memory_space<vmem>>
      %dma_start3A_1141 = tpu.memref_slice %arg5[%multiple_of3A_1123] : memref<320000xi32, #tpu.memory_space<hbm>> -> memref<80xi32, #tpu.memory_space<hbm>>
      tpu.enqueue_dma source(%dma_start3A_1141 : memref<80xi32, #tpu.memory_space<hbm>>) target(%dma_start3A_1140 : memref<80xi32, #tpu.memory_space<vmem>>) target_semaphore(%arg19 : memref<!tpu.dma_semaphore, #tpu.memory_space<semaphore_mem>>)
      %mul3A_1142 = arith.constant 10000 : i32
      %mul3A_1143 = arith.muli %add3A, %mul3A_1142 : i32
      %jit3A_1144 = arith.constant 4 : i32
      %div3A_1145 = arith.divsi %mul3A_1143, %jit3A_1144 : i32
      %sign3A_1146 = arith.constant 0 : i32
      %sign3A_1147 = arith.cmpi sgt, %mul3A_1143, %sign3A_1146 : i32
      %sign3A_1148 = arith.extui %sign3A_1147 : i1 to i32
      %sign3A_1149 = arith.constant 0 : i32
      %sign3A_1150 = arith.cmpi slt, %mul3A_1143, %sign3A_1149 : i32
      %sign3A_1151 = arith.extui %sign3A_1150 : i1 to i32
      %sign3A_1152 = arith.subi %sign3A_1148, %sign3A_1151 : i32
      %sign3A_1153 = arith.constant 0 : i32
      %sign3A_1154 = arith.cmpi sgt, %jit3A_1144, %sign3A_1153 : i32
      %sign3A_1155 = arith.extui %sign3A_1154 : i1 to i32
      %sign3A_1156 = arith.constant 0 : i32
      %sign3A_1157 = arith.cmpi slt, %jit3A_1144, %sign3A_1156 : i32
      %sign3A_1158 = arith.extui %sign3A_1157 : i1 to i32
      %sign3A_1159 = arith.subi %sign3A_1155, %sign3A_1158 : i32
      %ne3A_1160 = arith.cmpi ne, %sign3A_1152, %sign3A_1159 : i32
      %rem3A_1161 = arith.remsi %mul3A_1143, %jit3A_1144 : i32
      %ne3A_1162 = arith.constant 0 : i32
      %ne3A_1163 = arith.cmpi ne, %rem3A_1161, %ne3A_1162 : i32
      %and3A_1164 = arith.andi %ne3A_1160, %ne3A_1163 : i1
      %sub3A_1165 = arith.constant 1 : i32
      %sub3A_1166 = arith.subi %div3A_1145, %sub3A_1165 : i32
      %select_n3A_1167 = arith.select %and3A_1164, %sub3A_1166, %div3A_1145 : i32
      %mul3A_1168 = arith.constant 20 : i32
      %mul3A_1169 = arith.muli %add3A_1117, %mul3A_1168 : i32
      %add3A_1170 = arith.addi %select_n3A_1167, %mul3A_1169 : i32
      %multiple_of3A_1171 = tpu.assume_multiple %add3A_1170, 4 : i32
      %dma_start3A_1172 = arith.constant 2 : i32
      %dma_start3A_1173 = arith.constant 0 : i32
      %dma_start3A_1174 = arith.constant 0 : i32
      %dma_start3A_1175 = tpu.memref_slice %arg13[%dma_start3A_1172, %dma_start3A_1173, %dma_start3A_1174] : memref<3x20x128xf32, #tpu.memory_space<vmem>> -> memref<1x20x128xf32, #tpu.memory_space<vmem>>
      %dma_start3A_1176 = tpu.memref_squeeze %dma_start3A_1175 : memref<1x20x128xf32, #tpu.memory_space<vmem>> -> memref<20x128xf32, #tpu.memory_space<vmem>>
      %dma_start3A_1177 = arith.constant 0 : i32
      %dma_start3A_1178 = tpu.memref_slice %arg3[%multiple_of3A_1171, %dma_start3A_1177] : memref<80000x128xf32, #tpu.memory_space<hbm>> -> memref<20x128xf32, #tpu.memory_space<hbm>>
      %dma_start3A_1179 = arith.constant 0 : i32
      %dma_start3A_1180 = arith.constant 0 : i32
      %dma_start3A_1181 = tpu.memref_slice %arg13[%dma_start3A_1172, %dma_start3A_1179, %dma_start3A_1180] : memref<3x20x128xf32, #tpu.memory_space<vmem>> -> memref<1x20x128xf32, #tpu.memory_space<vmem>>
      %dma_start3A_1182 = tpu.memref_squeeze %dma_start3A_1181 : memref<1x20x128xf32, #tpu.memory_space<vmem>> -> memref<20x128xf32, #tpu.memory_space<vmem>>
      %dma_start3A_1183 = arith.constant 0 : i32
      %dma_start3A_1184 = tpu.memref_slice %arg3[%multiple_of3A_1171, %dma_start3A_1183] : memref<80000x128xf32, #tpu.memory_space<hbm>> -> memref<20x128xf32, #tpu.memory_space<hbm>>
      tpu.enqueue_dma source(%dma_start3A_1184 : memref<20x128xf32, #tpu.memory_space<hbm>>) target(%dma_start3A_1182 : memref<20x128xf32, #tpu.memory_space<vmem>>) target_semaphore(%arg19 : memref<!tpu.dma_semaphore, #tpu.memory_space<semaphore_mem>>)
      %scan3A_1185 = arith.constant 0 : i32
      %scan3A_1186 = arith.constant 20 : i32
      %scan3A_1187 = arith.addi %scan3A_1185, %scan3A_1186 : i32
      %scan3A_1188 = arith.constant 1 : i32
      scf.for %scan3A_1618 = %scan3A_1185 to %scan3A_1187 step %scan3A_1188  : i32 {
        %mul3A_1619 = arith.constant 4 : i32
        %mul3A_1620 = arith.muli %mul3A_1619, %scan3A_1618 : i32
        %add3A_1621 = arith.constant 0 : i32
        %add3A_1622 = arith.addi %mul3A_1620, %add3A_1621 : i32
        %get3A = arith.constant 0 : i32
        %get3A_1623 = arith.index_cast %get3A : i32 to index
        %get3A_1624 = arith.index_cast %add3A_1622 : i32 to index
        %get3A_1625 = arith.constant 0 : index
        %get3A_1626 = tpu.vector_load %arg12[%get3A_1623, %get3A_1624, %get3A_1625] {strides = array<i32>} : memref<3x80x32xf32, #tpu.memory_space<vmem>>, vector<1x1x16xf32>,
        %get3A_1627 = vector.shape_cast %get3A_1626 : vector<1x1x16xf32> to vector<16xf32>
        %get3A_1628 = arith.constant 0 : i32
        %get3A_1629 = arith.index_cast %get3A_1628 : i32 to index
        %get3A_1630 = arith.index_cast %scan3A_1618 : i32 to index
        %get3A_1631 = arith.constant 0 : index
        %get3A_1632 = tpu.vector_load %arg13[%get3A_1629, %get3A_1630, %get3A_1631] {strides = array<i32>} : memref<3x20x128xf32, #tpu.memory_space<vmem>>, vector<1x1x16xf32>,
        %get3A_1633 = vector.shape_cast %get3A_1632 : vector<1x1x16xf32> to vector<16xf32>
        %add3A_1634 = arith.addf %get3A_1627, %get3A_1633 : vector<16xf32>
        %max3A = arith.constant 0.000000e+00 : f32
        %max3A_1635 = vector.broadcast %max3A : f32 to vector<16xf32>
        %max3A_1636 = arith.maximumf %add3A_1634, %max3A_1635 : vector<16xf32>
        %add3A_1637 = arith.constant 0 : i32
        %add3A_1638 = arith.addi %mul3A_1620, %add3A_1637 : i32
        %swap3A = arith.constant 0 : i32
        %swap3A_1639 = arith.index_cast %swap3A : i32 to index
        %swap3A_1640 = arith.index_cast %add3A_1638 : i32 to index
        %swap3A_1641 = arith.constant 0 : index
        %swap3A_1642 = tpu.vector_load %arg12[%swap3A_1639, %swap3A_1640, %swap3A_1641] {strides = array<i32>} : memref<3x80x32xf32, #tpu.memory_space<vmem>>, vector<1x1x16xf32>,
        %swap3A_1643 = vector.shape_cast %swap3A_1642 : vector<1x1x16xf32> to vector<16xf32>
        %swap3A_1644 = vector.shape_cast %max3A_1636 : vector<16xf32> to vector<1x1x16xf32>
        tpu.vector_store %arg12[%swap3A_1639, %swap3A_1640, %swap3A_1641], %swap3A_1644 {strides = array<i32>} : memref<3x80x32xf32, #tpu.memory_space<vmem>>, vector<1x1x16xf32>,
        %add3A_1645 = arith.constant 0 : i32
        %add3A_1646 = arith.addi %mul3A_1620, %add3A_1645 : i32
        %get3A_1647 = arith.constant 0 : i32
        %get3A_1648 = arith.index_cast %get3A_1647 : i32 to index
        %get3A_1649 = arith.index_cast %add3A_1646 : i32 to index
        %get3A_1650 = arith.constant 16 : index
        %get3A_1651 = tpu.vector_load %arg12[%get3A_1648, %get3A_1649, %get3A_1650] {strides = array<i32>} : memref<3x80x32xf32, #tpu.memory_space<vmem>>, vector<1x1x16xf32>,
        %get3A_1652 = vector.shape_cast %get3A_1651 : vector<1x1x16xf32> to vector<16xf32>
        %get3A_1653 = arith.constant 0 : i32
        %get3A_1654 = arith.index_cast %get3A_1653 : i32 to index
        %get3A_1655 = arith.index_cast %scan3A_1618 : i32 to index
        %get3A_1656 = arith.constant 16 : index
        %get3A_1657 = tpu.vector_load %arg13[%get3A_1654, %get3A_1655, %get3A_1656] {strides = array<i32>} : memref<3x20x128xf32, #tpu.memory_space<vmem>>, vector<1x1x16xf32>,
        %get3A_1658 = vector.shape_cast %get3A_1657 : vector<1x1x16xf32> to vector<16xf32>
        %add3A_1659 = arith.addf %get3A_1652, %get3A_1658 : vector<16xf32>
        %max3A_1660 = arith.constant 0.000000e+00 : f32
        %max3A_1661 = vector.broadcast %max3A_1660 : f32 to vector<16xf32>
        %max3A_1662 = arith.maximumf %add3A_1659, %max3A_1661 : vector<16xf32>
        %add3A_1663 = arith.constant 0 : i32
        %add3A_1664 = arith.addi %mul3A_1620, %add3A_1663 : i32
        %swap3A_1665 = arith.constant 0 : i32
        %swap3A_1666 = arith.index_cast %swap3A_1665 : i32 to index
        %swap3A_1667 = arith.index_cast %add3A_1664 : i32 to index
        %swap3A_1668 = arith.constant 16 : index
        %swap3A_1669 = tpu.vector_load %arg12[%swap3A_1666, %swap3A_1667, %swap3A_1668] {strides = array<i32>} : memref<3x80x32xf32, #tpu.memory_space<vmem>>, vector<1x1x16xf32>,
        %swap3A_1670 = vector.shape_cast %swap3A_1669 : vector<1x1x16xf32> to vector<16xf32>
        %swap3A_1671 = vector.shape_cast %max3A_1662 : vector<16xf32> to vector<1x1x16xf32>
        tpu.vector_store %arg12[%swap3A_1666, %swap3A_1667, %swap3A_1668], %swap3A_1671 {strides = array<i32>} : memref<3x80x32xf32, #tpu.memory_space<vmem>>, vector<1x1x16xf32>,
        %add3A_1672 = arith.constant 1 : i32
        %add3A_1673 = arith.addi %mul3A_1620, %add3A_1672 : i32
        %get3A_1674 = arith.constant 0 : i32
        %get3A_1675 = arith.index_cast %get3A_1674 : i32 to index
        %get3A_1676 = arith.index_cast %add3A_1673 : i32 to index
        %get3A_1677 = arith.constant 0 : index
        %get3A_1678 = tpu.vector_load %arg12[%get3A_1675, %get3A_1676, %get3A_1677] {strides = array<i32>} : memref<3x80x32xf32, #tpu.memory_space<vmem>>, vector<1x1x16xf32>,
        %get3A_1679 = vector.shape_cast %get3A_1678 : vector<1x1x16xf32> to vector<16xf32>
        %get3A_1680 = arith.constant 0 : i32
        %get3A_1681 = arith.index_cast %get3A_1680 : i32 to index
        %get3A_1682 = arith.index_cast %scan3A_1618 : i32 to index
        %get3A_1683 = arith.constant 32 : index
        %get3A_1684 = tpu.vector_load %arg13[%get3A_1681, %get3A_1682, %get3A_1683] {strides = array<i32>} : memref<3x20x128xf32, #tpu.memory_space<vmem>>, vector<1x1x16xf32>,
        %get3A_1685 = vector.shape_cast %get3A_1684 : vector<1x1x16xf32> to vector<16xf32>
        %add3A_1686 = arith.addf %get3A_1679, %get3A_1685 : vector<16xf32>
        %max3A_1687 = arith.constant 0.000000e+00 : f32
        %max3A_1688 = vector.broadcast %max3A_1687 : f32 to vector<16xf32>
        %max3A_1689 = arith.maximumf %add3A_1686, %max3A_1688 : vector<16xf32>
        %add3A_1690 = arith.constant 1 : i32
        %add3A_1691 = arith.addi %mul3A_1620, %add3A_1690 : i32
        %swap3A_1692 = arith.constant 0 : i32
        %swap3A_1693 = arith.index_cast %swap3A_1692 : i32 to index
        %swap3A_1694 = arith.index_cast %add3A_1691 : i32 to index
        %swap3A_1695 = arith.constant 0 : index
        %swap3A_1696 = tpu.vector_load %arg12[%swap3A_1693, %swap3A_1694, %swap3A_1695] {strides = array<i32>} : memref<3x80x32xf32, #tpu.memory_space<vmem>>, vector<1x1x16xf32>,
        %swap3A_1697 = vector.shape_cast %swap3A_1696 : vector<1x1x16xf32> to vector<16xf32>
        %swap3A_1698 = vector.shape_cast %max3A_1689 : vector<16xf32> to vector<1x1x16xf32>
        tpu.vector_store %arg12[%swap3A_1693, %swap3A_1694, %swap3A_1695], %swap3A_1698 {strides = array<i32>} : memref<3x80x32xf32, #tpu.memory_space<vmem>>, vector<1x1x16xf32>,
        %add3A_1699 = arith.constant 1 : i32
        %add3A_1700 = arith.addi %mul3A_1620, %add3A_1699 : i32
        %get3A_1701 = arith.constant 0 : i32
        %get3A_1702 = arith.index_cast %get3A_1701 : i32 to index
        %get3A_1703 = arith.index_cast %add3A_1700 : i32 to index
        %get3A_1704 = arith.constant 16 : index
        %get3A_1705 = tpu.vector_load %arg12[%get3A_1702, %get3A_1703, %get3A_1704] {strides = array<i32>} : memref<3x80x32xf32, #tpu.memory_space<vmem>>, vector<1x1x16xf32>,
        %get3A_1706 = vector.shape_cast %get3A_1705 : vector<1x1x16xf32> to vector<16xf32>
        %get3A_1707 = arith.constant 0 : i32
        %get3A_1708 = arith.index_cast %get3A_1707 : i32 to index
        %get3A_1709 = arith.index_cast %scan3A_1618 : i32 to index
        %get3A_1710 = arith.constant 48 : index
        %get3A_1711 = tpu.vector_load %arg13[%get3A_1708, %get3A_1709, %get3A_1710] {strides = array<i32>} : memref<3x20x128xf32, #tpu.memory_space<vmem>>, vector<1x1x16xf32>,
        %get3A_1712 = vector.shape_cast %get3A_1711 : vector<1x1x16xf32> to vector<16xf32>
        %add3A_1713 = arith.addf %get3A_1706, %get3A_1712 : vector<16xf32>
        %max3A_1714 = arith.constant 0.000000e+00 : f32
        %max3A_1715 = vector.broadcast %max3A_1714 : f32 to vector<16xf32>
        %max3A_1716 = arith.maximumf %add3A_1713, %max3A_1715 : vector<16xf32>
        %add3A_1717 = arith.constant 1 : i32
        %add3A_1718 = arith.addi %mul3A_1620, %add3A_1717 : i32
        %swap3A_1719 = arith.constant 0 : i32
        %swap3A_1720 = arith.index_cast %swap3A_1719 : i32 to index
        %swap3A_1721 = arith.index_cast %add3A_1718 : i32 to index
        %swap3A_1722 = arith.constant 16 : index
        %swap3A_1723 = tpu.vector_load %arg12[%swap3A_1720, %swap3A_1721, %swap3A_1722] {strides = array<i32>} : memref<3x80x32xf32, #tpu.memory_space<vmem>>, vector<1x1x16xf32>,
        %swap3A_1724 = vector.shape_cast %swap3A_1723 : vector<1x1x16xf32> to vector<16xf32>
        %swap3A_1725 = vector.shape_cast %max3A_1716 : vector<16xf32> to vector<1x1x16xf32>
        tpu.vector_store %arg12[%swap3A_1720, %swap3A_1721, %swap3A_1722], %swap3A_1725 {strides = array<i32>} : memref<3x80x32xf32, #tpu.memory_space<vmem>>, vector<1x1x16xf32>,
        %add3A_1726 = arith.constant 2 : i32
        %add3A_1727 = arith.addi %mul3A_1620, %add3A_1726 : i32
        %get3A_1728 = arith.constant 0 : i32
        %get3A_1729 = arith.index_cast %get3A_1728 : i32 to index
        %get3A_1730 = arith.index_cast %add3A_1727 : i32 to index
        %get3A_1731 = arith.constant 0 : index
        %get3A_1732 = tpu.vector_load %arg12[%get3A_1729, %get3A_1730, %get3A_1731] {strides = array<i32>} : memref<3x80x32xf32, #tpu.memory_space<vmem>>, vector<1x1x16xf32>,
        %get3A_1733 = vector.shape_cast %get3A_1732 : vector<1x1x16xf32> to vector<16xf32>
        %get3A_1734 = arith.constant 0 : i32
        %get3A_1735 = arith.index_cast %get3A_1734 : i32 to index
        %get3A_1736 = arith.index_cast %scan3A_1618 : i32 to index
        %get3A_1737 = arith.constant 64 : index
        %get3A_1738 = tpu.vector_load %arg13[%get3A_1735, %get3A_1736, %get3A_1737] {strides = array<i32>} : memref<3x20x128xf32, #tpu.memory_space<vmem>>, vector<1x1x16xf32>,
        %get3A_1739 = vector.shape_cast %get3A_1738 : vector<1x1x16xf32> to vector<16xf32>
        %add3A_1740 = arith.addf %get3A_1733, %get3A_1739 : vector<16xf32>
        %max3A_1741 = arith.constant 0.000000e+00 : f32
        %max3A_1742 = vector.broadcast %max3A_1741 : f32 to vector<16xf32>
        %max3A_1743 = arith.maximumf %add3A_1740, %max3A_1742 : vector<16xf32>
        %add3A_1744 = arith.constant 2 : i32
        %add3A_1745 = arith.addi %mul3A_1620, %add3A_1744 : i32
        %swap3A_1746 = arith.constant 0 : i32
        %swap3A_1747 = arith.index_cast %swap3A_1746 : i32 to index
        %swap3A_1748 = arith.index_cast %add3A_1745 : i32 to index
        %swap3A_1749 = arith.constant 0 : index
        %swap3A_1750 = tpu.vector_load %arg12[%swap3A_1747, %swap3A_1748, %swap3A_1749] {strides = array<i32>} : memref<3x80x32xf32, #tpu.memory_space<vmem>>, vector<1x1x16xf32>,
        %swap3A_1751 = vector.shape_cast %swap3A_1750 : vector<1x1x16xf32> to vector<16xf32>
        %swap3A_1752 = vector.shape_cast %max3A_1743 : vector<16xf32> to vector<1x1x16xf32>
        tpu.vector_store %arg12[%swap3A_1747, %swap3A_1748, %swap3A_1749], %swap3A_1752 {strides = array<i32>} : memref<3x80x32xf32, #tpu.memory_space<vmem>>, vector<1x1x16xf32>,
        %add3A_1753 = arith.constant 2 : i32
        %add3A_1754 = arith.addi %mul3A_1620, %add3A_1753 : i32
        %get3A_1755 = arith.constant 0 : i32
        %get3A_1756 = arith.index_cast %get3A_1755 : i32 to index
        %get3A_1757 = arith.index_cast %add3A_1754 : i32 to index
        %get3A_1758 = arith.constant 16 : index
        %get3A_1759 = tpu.vector_load %arg12[%get3A_1756, %get3A_1757, %get3A_1758] {strides = array<i32>} : memref<3x80x32xf32, #tpu.memory_space<vmem>>, vector<1x1x16xf32>,
        %get3A_1760 = vector.shape_cast %get3A_1759 : vector<1x1x16xf32> to vector<16xf32>
        %get3A_1761 = arith.constant 0 : i32
        %get3A_1762 = arith.index_cast %get3A_1761 : i32 to index
        %get3A_1763 = arith.index_cast %scan3A_1618 : i32 to index
        %get3A_1764 = arith.constant 80 : index
        %get3A_1765 = tpu.vector_load %arg13[%get3A_1762, %get3A_1763, %get3A_1764] {strides = array<i32>} : memref<3x20x128xf32, #tpu.memory_space<vmem>>, vector<1x1x16xf32>,
        %get3A_1766 = vector.shape_cast %get3A_1765 : vector<1x1x16xf32> to vector<16xf32>
        %add3A_1767 = arith.addf %get3A_1760, %get3A_1766 : vector<16xf32>
        %max3A_1768 = arith.constant 0.000000e+00 : f32
        %max3A_1769 = vector.broadcast %max3A_1768 : f32 to vector<16xf32>
        %max3A_1770 = arith.maximumf %add3A_1767, %max3A_1769 : vector<16xf32>
        %add3A_1771 = arith.constant 2 : i32
        %add3A_1772 = arith.addi %mul3A_1620, %add3A_1771 : i32
        %swap3A_1773 = arith.constant 0 : i32
        %swap3A_1774 = arith.index_cast %swap3A_1773 : i32 to index
        %swap3A_1775 = arith.index_cast %add3A_1772 : i32 to index
        %swap3A_1776 = arith.constant 16 : index
        %swap3A_1777 = tpu.vector_load %arg12[%swap3A_1774, %swap3A_1775, %swap3A_1776] {strides = array<i32>} : memref<3x80x32xf32, #tpu.memory_space<vmem>>, vector<1x1x16xf32>,
        %swap3A_1778 = vector.shape_cast %swap3A_1777 : vector<1x1x16xf32> to vector<16xf32>
        %swap3A_1779 = vector.shape_cast %max3A_1770 : vector<16xf32> to vector<1x1x16xf32>
        tpu.vector_store %arg12[%swap3A_1774, %swap3A_1775, %swap3A_1776], %swap3A_1779 {strides = array<i32>} : memref<3x80x32xf32, #tpu.memory_space<vmem>>, vector<1x1x16xf32>,
        %add3A_1780 = arith.constant 3 : i32
        %add3A_1781 = arith.addi %mul3A_1620, %add3A_1780 : i32
        %get3A_1782 = arith.constant 0 : i32
        %get3A_1783 = arith.index_cast %get3A_1782 : i32 to index
        %get3A_1784 = arith.index_cast %add3A_1781 : i32 to index
        %get3A_1785 = arith.constant 0 : index
        %get3A_1786 = tpu.vector_load %arg12[%get3A_1783, %get3A_1784, %get3A_1785] {strides = array<i32>} : memref<3x80x32xf32, #tpu.memory_space<vmem>>, vector<1x1x16xf32>,
        %get3A_1787 = vector.shape_cast %get3A_1786 : vector<1x1x16xf32> to vector<16xf32>
        %get3A_1788 = arith.constant 0 : i32
        %get3A_1789 = arith.index_cast %get3A_1788 : i32 to index
        %get3A_1790 = arith.index_cast %scan3A_1618 : i32 to index
        %get3A_1791 = arith.constant 96 : index
        %get3A_1792 = tpu.vector_load %arg13[%get3A_1789, %get3A_1790, %get3A_1791] {strides = array<i32>} : memref<3x20x128xf32, #tpu.memory_space<vmem>>, vector<1x1x16xf32>,
        %get3A_1793 = vector.shape_cast %get3A_1792 : vector<1x1x16xf32> to vector<16xf32>
        %add3A_1794 = arith.addf %get3A_1787, %get3A_1793 : vector<16xf32>
        %max3A_1795 = arith.constant 0.000000e+00 : f32
        %max3A_1796 = vector.broadcast %max3A_1795 : f32 to vector<16xf32>
        %max3A_1797 = arith.maximumf %add3A_1794, %max3A_1796 : vector<16xf32>
        %add3A_1798 = arith.constant 3 : i32
        %add3A_1799 = arith.addi %mul3A_1620, %add3A_1798 : i32
        %swap3A_1800 = arith.constant 0 : i32
        %swap3A_1801 = arith.index_cast %swap3A_1800 : i32 to index
        %swap3A_1802 = arith.index_cast %add3A_1799 : i32 to index
        %swap3A_1803 = arith.constant 0 : index
        %swap3A_1804 = tpu.vector_load %arg12[%swap3A_1801, %swap3A_1802, %swap3A_1803] {strides = array<i32>} : memref<3x80x32xf32, #tpu.memory_space<vmem>>, vector<1x1x16xf32>,
        %swap3A_1805 = vector.shape_cast %swap3A_1804 : vector<1x1x16xf32> to vector<16xf32>
        %swap3A_1806 = vector.shape_cast %max3A_1797 : vector<16xf32> to vector<1x1x16xf32>
        tpu.vector_store %arg12[%swap3A_1801, %swap3A_1802, %swap3A_1803], %swap3A_1806 {strides = array<i32>} : memref<3x80x32xf32, #tpu.memory_space<vmem>>, vector<1x1x16xf32>,
        %add3A_1807 = arith.constant 3 : i32
        %add3A_1808 = arith.addi %mul3A_1620, %add3A_1807 : i32
        %get3A_1809 = arith.constant 0 : i32
        %get3A_1810 = arith.index_cast %get3A_1809 : i32 to index
        %get3A_1811 = arith.index_cast %add3A_1808 : i32 to index
        %get3A_1812 = arith.constant 16 : index
        %get3A_1813 = tpu.vector_load %arg12[%get3A_1810, %get3A_1811, %get3A_1812] {strides = array<i32>} : memref<3x80x32xf32, #tpu.memory_space<vmem>>, vector<1x1x16xf32>,
        %get3A_1814 = vector.shape_cast %get3A_1813 : vector<1x1x16xf32> to vector<16xf32>
        %get3A_1815 = arith.constant 0 : i32
        %get3A_1816 = arith.index_cast %get3A_1815 : i32 to index
        %get3A_1817 = arith.index_cast %scan3A_1618 : i32 to index
        %get3A_1818 = arith.constant 112 : index
        %get3A_1819 = tpu.vector_load %arg13[%get3A_1816, %get3A_1817, %get3A_1818] {strides = array<i32>} : memref<3x20x128xf32, #tpu.memory_space<vmem>>, vector<1x1x16xf32>,
        %get3A_1820 = vector.shape_cast %get3A_1819 : vector<1x1x16xf32> to vector<16xf32>
        %add3A_1821 = arith.addf %get3A_1814, %get3A_1820 : vector<16xf32>
        %max3A_1822 = arith.constant 0.000000e+00 : f32
        %max3A_1823 = vector.broadcast %max3A_1822 : f32 to vector<16xf32>
        %max3A_1824 = arith.maximumf %add3A_1821, %max3A_1823 : vector<16xf32>
        %add3A_1825 = arith.constant 3 : i32
        %add3A_1826 = arith.addi %mul3A_1620, %add3A_1825 : i32
        %swap3A_1827 = arith.constant 0 : i32
        %swap3A_1828 = arith.index_cast %swap3A_1827 : i32 to index
        %swap3A_1829 = arith.index_cast %add3A_1826 : i32 to index
        %swap3A_1830 = arith.constant 16 : index
        %swap3A_1831 = tpu.vector_load %arg12[%swap3A_1828, %swap3A_1829, %swap3A_1830] {strides = array<i32>} : memref<3x80x32xf32, #tpu.memory_space<vmem>>, vector<1x1x16xf32>,
        %swap3A_1832 = vector.shape_cast %swap3A_1831 : vector<1x1x16xf32> to vector<16xf32>
        %swap3A_1833 = vector.shape_cast %max3A_1824 : vector<16xf32> to vector<1x1x16xf32>
        tpu.vector_store %arg12[%swap3A_1828, %swap3A_1829, %swap3A_1830], %swap3A_1833 {strides = array<i32>} : memref<3x80x32xf32, #tpu.memory_space<vmem>>, vector<1x1x16xf32>,
      }
      %scan3A_1189 = arith.constant 20 : i32
      %dma_start3A_1190 = arith.constant 0 : i32
      %dma_start3A_1191 = arith.constant 0 : i32
      %dma_start3A_1192 = arith.constant 0 : i32
      %dma_start3A_1193 = arith.constant 0 : i32
      %dma_start3A_1194 = tpu.memref_slice %arg12[%dma_start3A_1190, %dma_start3A_1192, %dma_start3A_1193] : memref<3x80x32xf32, #tpu.memory_space<vmem>> -> memref<1x80x32xf32, #tpu.memory_space<vmem>>
      %dma_start3A_1195 = tpu.memref_squeeze %dma_start3A_1194 : memref<1x80x32xf32, #tpu.memory_space<vmem>> -> memref<80x32xf32, #tpu.memory_space<vmem>>
      %dma_start3A_1196 = arith.constant 0 : i32
      %dma_start3A_1197 = tpu.memref_slice %arg10[%dma_start3A_1191, %dma_start3A_1196] : memref<3x80xi32, #tpu.memory_space<vmem>> -> memref<1x80xi32, #tpu.memory_space<vmem>>
      %dma_start3A_1198 = tpu.memref_squeeze %dma_start3A_1197 : memref<1x80xi32, #tpu.memory_space<vmem>> -> memref<80xi32, #tpu.memory_space<vmem>>
      %dma_start3A_1199 = arith.constant 0 : i32
      %dma_start3A_1200 = arith.constant 0 : i32
      %dma_start3A_1201 = tpu.memref_slice %arg8[%dma_start3A_1199, %dma_start3A_1200] : memref<10240x32xf32, #tpu.memory_space<vmem_shared>> -> memref<10240x32xf32, #tpu.memory_space<vmem_shared>>
      tpu.enqueue_indirect_dma source(%dma_start3A_1195 : memref<80x32xf32, #tpu.memory_space<vmem>>) target(%dma_start3A_1201 : memref<10240x32xf32, #tpu.memory_space<vmem_shared>>) offsets(%dma_start3A_1198 : memref<80xi32, #tpu.memory_space<vmem>>) semaphore(%arg23 : memref<!tpu.dma_semaphore, #tpu.memory_space<semaphore_mem>>) {add = true}
      %dma_start3A_1202 = arith.constant 0 : i32
      %dma_start3A_1203 = arith.constant 0 : i32
      %dma_start3A_1204 = tpu.memref_slice %arg10[%dma_start3A_1202, %dma_start3A_1203] : memref<3x80xi32, #tpu.memory_space<vmem>> -> memref<1x80xi32, #tpu.memory_space<vmem>>
      %dma_start3A_1205 = tpu.memref_squeeze %dma_start3A_1204 : memref<1x80xi32, #tpu.memory_space<vmem>> -> memref<80xi32, #tpu.memory_space<vmem>>
      %dma_start3A_1206 = arith.constant 0 : i32
      %dma_start3A_1207 = tpu.memref_slice %arg9[%dma_start3A_1206] : memref<10240xf32, #tpu.memory_space<vmem_shared>> -> memref<10240xf32, #tpu.memory_space<vmem_shared>>
      tpu.enqueue_indirect_dma source(%arg14 : memref<80xf32, #tpu.memory_space<vmem>>) target(%dma_start3A_1207 : memref<10240xf32, #tpu.memory_space<vmem_shared>>) offsets(%dma_start3A_1205 : memref<80xi32, #tpu.memory_space<vmem>>) semaphore(%arg23 : memref<!tpu.dma_semaphore, #tpu.memory_space<semaphore_mem>>) {add = true}
      %add3A_1208 = arith.constant 1 : i32
      %add3A_1209 = arith.addi %mul3A_1004, %add3A_1208 : i32
      %dma_wait3A_1210 = arith.constant 1 : i32
      %dma_wait3A_1211 = arith.constant 1 : i32
      %dma_wait3A_1212 = arith.constant 0 : i32
      %dma_wait3A_1213 = arith.constant 0 : i32
      %dma_wait3A_1214 = tpu.memref_slice %arg12[%dma_wait3A_1211, %dma_wait3A_1212, %dma_wait3A_1213] : memref<3x80x32xf32, #tpu.memory_space<vmem>> -> memref<1x80x32xf32, #tpu.memory_space<vmem>>
      %dma_wait3A_1215 = tpu.memref_squeeze %dma_wait3A_1214 : memref<1x80x32xf32, #tpu.memory_space<vmem>> -> memref<80x32xf32, #tpu.memory_space<vmem>>
      %dma_wait3A_1216 = arith.constant 0 : i32
      %dma_wait3A_1217 = tpu.memref_slice %arg11[%dma_wait3A_1210, %dma_wait3A_1216] : memref<3x80xi32, #tpu.memory_space<vmem>> -> memref<1x80xi32, #tpu.memory_space<vmem>>
      %dma_wait3A_1218 = tpu.memref_squeeze %dma_wait3A_1217 : memref<1x80xi32, #tpu.memory_space<vmem>> -> memref<80xi32, #tpu.memory_space<vmem>>
      %dma_wait3A_1219 = arith.constant 0 : i32
      %dma_wait3A_1220 = arith.constant 0 : i32
      %dma_wait3A_1221 = tpu.memref_slice %arg2[%dma_wait3A_1219, %dma_wait3A_1220] : memref<10000x32xf32, #tpu.memory_space<hbm>> -> memref<10000x32xf32, #tpu.memory_space<hbm>>
      tpu.wait_indirect_dma semaphore(%arg21 : memref<!tpu.dma_semaphore, #tpu.memory_space<semaphore_mem>>) src(%dma_wait3A_1221 : memref<10000x32xf32, #tpu.memory_space<hbm>>) dst(%dma_wait3A_1215 : memref<80x32xf32, #tpu.memory_space<vmem>>)
      %add3A_1222 = arith.constant 1 : i32
      %add3A_1223 = arith.addi %add3A_1209, %add3A_1222 : i32
      %mul3A_1224 = arith.constant 10000 : i32
      %mul3A_1225 = arith.muli %add3A, %mul3A_1224 : i32
      %mul3A_1226 = arith.constant 80 : i32
      %mul3A_1227 = arith.muli %add3A_1223, %mul3A_1226 : i32
      %add3A_1228 = arith.addi %mul3A_1225, %mul3A_1227 : i32
      %multiple_of3A_1229 = tpu.assume_multiple %add3A_1228, 8 : i32
      %dma_wait3A_1230 = arith.constant 2 : i32
      %dma_wait3A_1231 = arith.constant 0 : i32
      %dma_wait3A_1232 = tpu.memref_slice %arg11[%dma_wait3A_1230, %dma_wait3A_1231] : memref<3x80xi32, #tpu.memory_space<vmem>> -> memref<1x80xi32, #tpu.memory_space<vmem>>
      %dma_wait3A_1233 = tpu.memref_squeeze %dma_wait3A_1232 : memref<1x80xi32, #tpu.memory_space<vmem>> -> memref<80xi32, #tpu.memory_space<vmem>>
      %dma_wait3A_1234 = tpu.memref_slice %arg4[%multiple_of3A_1229] : memref<320000xi32, #tpu.memory_space<hbm>> -> memref<80xi32, #tpu.memory_space<hbm>>
      %dma_wait3A_1235 = arith.constant 0 : i32
      %dma_wait3A_1236 = tpu.memref_slice %arg11[%dma_wait3A_1230, %dma_wait3A_1235] : memref<3x80xi32, #tpu.memory_space<vmem>> -> memref<1x80xi32, #tpu.memory_space<vmem>>
      %dma_wait3A_1237 = tpu.memref_squeeze %dma_wait3A_1236 : memref<1x80xi32, #tpu.memory_space<vmem>> -> memref<80xi32, #tpu.memory_space<vmem>>
      %dma_wait3A_1238 = tpu.memref_slice %arg4[%multiple_of3A_1229] : memref<320000xi32, #tpu.memory_space<hbm>> -> memref<80xi32, #tpu.memory_space<hbm>>
      tpu.wait_dma2 semaphore(%arg19 : memref<!tpu.dma_semaphore, #tpu.memory_space<semaphore_mem>>) src(%dma_wait3A_1238 : memref<80xi32, #tpu.memory_space<hbm>>) dst(%dma_wait3A_1237 : memref<80xi32, #tpu.memory_space<vmem>>)
      %dma_wait3A_1239 = arith.constant 2 : i32
      %dma_wait3A_1240 = arith.constant 0 : i32
      %dma_wait3A_1241 = tpu.memref_slice %arg10[%dma_wait3A_1239, %dma_wait3A_1240] : memref<3x80xi32, #tpu.memory_space<vmem>> -> memref<1x80xi32, #tpu.memory_space<vmem>>
      %dma_wait3A_1242 = tpu.memref_squeeze %dma_wait3A_1241 : memref<1x80xi32, #tpu.memory_space<vmem>> -> memref<80xi32, #tpu.memory_space<vmem>>
      %dma_wait3A_1243 = tpu.memref_slice %arg5[%multiple_of3A_1229] : memref<320000xi32, #tpu.memory_space<hbm>> -> memref<80xi32, #tpu.memory_space<hbm>>
      %dma_wait3A_1244 = arith.constant 0 : i32
      %dma_wait3A_1245 = tpu.memref_slice %arg10[%dma_wait3A_1239, %dma_wait3A_1244] : memref<3x80xi32, #tpu.memory_space<vmem>> -> memref<1x80xi32, #tpu.memory_space<vmem>>
      %dma_wait3A_1246 = tpu.memref_squeeze %dma_wait3A_1245 : memref<1x80xi32, #tpu.memory_space<vmem>> -> memref<80xi32, #tpu.memory_space<vmem>>
      %dma_wait3A_1247 = tpu.memref_slice %arg5[%multiple_of3A_1229] : memref<320000xi32, #tpu.memory_space<hbm>> -> memref<80xi32, #tpu.memory_space<hbm>>
      tpu.wait_dma2 semaphore(%arg19 : memref<!tpu.dma_semaphore, #tpu.memory_space<semaphore_mem>>) src(%dma_wait3A_1247 : memref<80xi32, #tpu.memory_space<hbm>>) dst(%dma_wait3A_1246 : memref<80xi32, #tpu.memory_space<vmem>>)
      %mul3A_1248 = arith.constant 10000 : i32
      %mul3A_1249 = arith.muli %add3A, %mul3A_1248 : i32
      %jit3A_1250 = arith.constant 4 : i32
      %div3A_1251 = arith.divsi %mul3A_1249, %jit3A_1250 : i32
      %sign3A_1252 = arith.constant 0 : i32
      %sign3A_1253 = arith.cmpi sgt, %mul3A_1249, %sign3A_1252 : i32
      %sign3A_1254 = arith.extui %sign3A_1253 : i1 to i32
      %sign3A_1255 = arith.constant 0 : i32
      %sign3A_1256 = arith.cmpi slt, %mul3A_1249, %sign3A_1255 : i32
      %sign3A_1257 = arith.extui %sign3A_1256 : i1 to i32
      %sign3A_1258 = arith.subi %sign3A_1254, %sign3A_1257 : i32
      %sign3A_1259 = arith.constant 0 : i32
      %sign3A_1260 = arith.cmpi sgt, %jit3A_1250, %sign3A_1259 : i32
      %sign3A_1261 = arith.extui %sign3A_1260 : i1 to i32
      %sign3A_1262 = arith.constant 0 : i32
      %sign3A_1263 = arith.cmpi slt, %jit3A_1250, %sign3A_1262 : i32
      %sign3A_1264 = arith.extui %sign3A_1263 : i1 to i32
      %sign3A_1265 = arith.subi %sign3A_1261, %sign3A_1264 : i32
      %ne3A_1266 = arith.cmpi ne, %sign3A_1258, %sign3A_1265 : i32
      %rem3A_1267 = arith.remsi %mul3A_1249, %jit3A_1250 : i32
      %ne3A_1268 = arith.constant 0 : i32
      %ne3A_1269 = arith.cmpi ne, %rem3A_1267, %ne3A_1268 : i32
      %and3A_1270 = arith.andi %ne3A_1266, %ne3A_1269 : i1
      %sub3A_1271 = arith.constant 1 : i32
      %sub3A_1272 = arith.subi %div3A_1251, %sub3A_1271 : i32
      %select_n3A_1273 = arith.select %and3A_1270, %sub3A_1272, %div3A_1251 : i32
      %mul3A_1274 = arith.constant 20 : i32
      %mul3A_1275 = arith.muli %add3A_1223, %mul3A_1274 : i32
      %add3A_1276 = arith.addi %select_n3A_1273, %mul3A_1275 : i32
      %multiple_of3A_1277 = tpu.assume_multiple %add3A_1276, 4 : i32
      %dma_wait3A_1278 = arith.constant 2 : i32
      %dma_wait3A_1279 = arith.constant 0 : i32
      %dma_wait3A_1280 = arith.constant 0 : i32
      %dma_wait3A_1281 = tpu.memref_slice %arg13[%dma_wait3A_1278, %dma_wait3A_1279, %dma_wait3A_1280] : memref<3x20x128xf32, #tpu.memory_space<vmem>> -> memref<1x20x128xf32, #tpu.memory_space<vmem>>
      %dma_wait3A_1282 = tpu.memref_squeeze %dma_wait3A_1281 : memref<1x20x128xf32, #tpu.memory_space<vmem>> -> memref<20x128xf32, #tpu.memory_space<vmem>>
      %dma_wait3A_1283 = arith.constant 0 : i32
      %dma_wait3A_1284 = tpu.memref_slice %arg3[%multiple_of3A_1277, %dma_wait3A_1283] : memref<80000x128xf32, #tpu.memory_space<hbm>> -> memref<20x128xf32, #tpu.memory_space<hbm>>
      %dma_wait3A_1285 = arith.constant 0 : i32
      %dma_wait3A_1286 = arith.constant 0 : i32
      %dma_wait3A_1287 = tpu.memref_slice %arg13[%dma_wait3A_1278, %dma_wait3A_1285, %dma_wait3A_1286] : memref<3x20x128xf32, #tpu.memory_space<vmem>> -> memref<1x20x128xf32, #tpu.memory_space<vmem>>
      %dma_wait3A_1288 = tpu.memref_squeeze %dma_wait3A_1287 : memref<1x20x128xf32, #tpu.memory_space<vmem>> -> memref<20x128xf32, #tpu.memory_space<vmem>>
      %dma_wait3A_1289 = arith.constant 0 : i32
      %dma_wait3A_1290 = tpu.memref_slice %arg3[%multiple_of3A_1277, %dma_wait3A_1289] : memref<80000x128xf32, #tpu.memory_space<hbm>> -> memref<20x128xf32, #tpu.memory_space<hbm>>
      tpu.wait_dma2 semaphore(%arg19 : memref<!tpu.dma_semaphore, #tpu.memory_space<semaphore_mem>>) src(%dma_wait3A_1290 : memref<20x128xf32, #tpu.memory_space<hbm>>) dst(%dma_wait3A_1288 : memref<20x128xf32, #tpu.memory_space<vmem>>)
      %dma_start3A_1291 = arith.constant 2 : i32
      %dma_start3A_1292 = arith.constant 2 : i32
      %dma_start3A_1293 = arith.constant 0 : i32
      %dma_start3A_1294 = arith.constant 0 : i32
      %dma_start3A_1295 = tpu.memref_slice %arg12[%dma_start3A_1292, %dma_start3A_1293, %dma_start3A_1294] : memref<3x80x32xf32, #tpu.memory_space<vmem>> -> memref<1x80x32xf32, #tpu.memory_space<vmem>>
      %dma_start3A_1296 = tpu.memref_squeeze %dma_start3A_1295 : memref<1x80x32xf32, #tpu.memory_space<vmem>> -> memref<80x32xf32, #tpu.memory_space<vmem>>
      %dma_start3A_1297 = arith.constant 0 : i32
      %dma_start3A_1298 = tpu.memref_slice %arg11[%dma_start3A_1291, %dma_start3A_1297] : memref<3x80xi32, #tpu.memory_space<vmem>> -> memref<1x80xi32, #tpu.memory_space<vmem>>
      %dma_start3A_1299 = tpu.memref_squeeze %dma_start3A_1298 : memref<1x80xi32, #tpu.memory_space<vmem>> -> memref<80xi32, #tpu.memory_space<vmem>>
      %dma_start3A_1300 = arith.constant 0 : i32
      %dma_start3A_1301 = arith.constant 0 : i32
      %dma_start3A_1302 = tpu.memref_slice %arg2[%dma_start3A_1300, %dma_start3A_1301] : memref<10000x32xf32, #tpu.memory_space<hbm>> -> memref<10000x32xf32, #tpu.memory_space<hbm>>
      tpu.enqueue_indirect_dma source(%dma_start3A_1302 : memref<10000x32xf32, #tpu.memory_space<hbm>>) target(%dma_start3A_1296 : memref<80x32xf32, #tpu.memory_space<vmem>>) offsets(%dma_start3A_1299 : memref<80xi32, #tpu.memory_space<vmem>>) semaphore(%arg22 : memref<!tpu.dma_semaphore, #tpu.memory_space<semaphore_mem>>)
      %dma_wait3A_1303 = arith.constant 0 : i32
      %dma_wait3A_1304 = arith.constant 0 : i32
      %dma_wait3A_1305 = arith.constant 0 : i32
      %dma_wait3A_1306 = arith.constant 0 : i32
      %dma_wait3A_1307 = tpu.memref_slice %arg12[%dma_wait3A_1303, %dma_wait3A_1305, %dma_wait3A_1306] : memref<3x80x32xf32, #tpu.memory_space<vmem>> -> memref<1x80x32xf32, #tpu.memory_space<vmem>>
      %dma_wait3A_1308 = tpu.memref_squeeze %dma_wait3A_1307 : memref<1x80x32xf32, #tpu.memory_space<vmem>> -> memref<80x32xf32, #tpu.memory_space<vmem>>
      %dma_wait3A_1309 = arith.constant 0 : i32
      %dma_wait3A_1310 = tpu.memref_slice %arg10[%dma_wait3A_1304, %dma_wait3A_1309] : memref<3x80xi32, #tpu.memory_space<vmem>> -> memref<1x80xi32, #tpu.memory_space<vmem>>
      %dma_wait3A_1311 = tpu.memref_squeeze %dma_wait3A_1310 : memref<1x80xi32, #tpu.memory_space<vmem>> -> memref<80xi32, #tpu.memory_space<vmem>>
      %dma_wait3A_1312 = arith.constant 0 : i32
      %dma_wait3A_1313 = arith.constant 0 : i32
      %dma_wait3A_1314 = tpu.memref_slice %arg8[%dma_wait3A_1312, %dma_wait3A_1313] : memref<10240x32xf32, #tpu.memory_space<vmem_shared>> -> memref<10240x32xf32, #tpu.memory_space<vmem_shared>>
      tpu.wait_indirect_dma semaphore(%arg23 : memref<!tpu.dma_semaphore, #tpu.memory_space<semaphore_mem>>) src(%dma_wait3A_1308 : memref<80x32xf32, #tpu.memory_space<vmem>>) dst(%dma_wait3A_1314 : memref<10240x32xf32, #tpu.memory_space<vmem_shared>>)
      %dma_wait3A_1315 = arith.constant 0 : i32
      %dma_wait3A_1316 = arith.constant 0 : i32
      %dma_wait3A_1317 = tpu.memref_slice %arg10[%dma_wait3A_1315, %dma_wait3A_1316] : memref<3x80xi32, #tpu.memory_space<vmem>> -> memref<1x80xi32, #tpu.memory_space<vmem>>
      %dma_wait3A_1318 = tpu.memref_squeeze %dma_wait3A_1317 : memref<1x80xi32, #tpu.memory_space<vmem>> -> memref<80xi32, #tpu.memory_space<vmem>>
      %dma_wait3A_1319 = arith.constant 0 : i32
      %dma_wait3A_1320 = tpu.memref_slice %arg9[%dma_wait3A_1319] : memref<10240xf32, #tpu.memory_space<vmem_shared>> -> memref<10240xf32, #tpu.memory_space<vmem_shared>>
      tpu.wait_indirect_dma semaphore(%arg23 : memref<!tpu.dma_semaphore, #tpu.memory_space<semaphore_mem>>) src(%arg14 : memref<80xf32, #tpu.memory_space<vmem>>) dst(%dma_wait3A_1320 : memref<10240xf32, #tpu.memory_space<vmem_shared>>)
      %add3A_1321 = arith.constant 2 : i32
      %add3A_1322 = arith.addi %add3A_1209, %add3A_1321 : i32
      %mul3A_1323 = arith.constant 10000 : i32
      %mul3A_1324 = arith.muli %add3A, %mul3A_1323 : i32
      %mul3A_1325 = arith.constant 80 : i32
      %mul3A_1326 = arith.muli %add3A_1322, %mul3A_1325 : i32
      %add3A_1327 = arith.addi %mul3A_1324, %mul3A_1326 : i32
      %multiple_of3A_1328 = tpu.assume_multiple %add3A_1327, 8 : i32
      %dma_start3A_1329 = arith.constant 0 : i32
      %dma_start3A_1330 = arith.constant 0 : i32
      %dma_start3A_1331 = tpu.memref_slice %arg11[%dma_start3A_1329, %dma_start3A_1330] : memref<3x80xi32, #tpu.memory_space<vmem>> -> memref<1x80xi32, #tpu.memory_space<vmem>>
      %dma_start3A_1332 = tpu.memref_squeeze %dma_start3A_1331 : memref<1x80xi32, #tpu.memory_space<vmem>> -> memref<80xi32, #tpu.memory_space<vmem>>
      %dma_start3A_1333 = tpu.memref_slice %arg4[%multiple_of3A_1328] : memref<320000xi32, #tpu.memory_space<hbm>> -> memref<80xi32, #tpu.memory_space<hbm>>
      %dma_start3A_1334 = arith.constant 0 : i32
      %dma_start3A_1335 = tpu.memref_slice %arg11[%dma_start3A_1329, %dma_start3A_1334] : memref<3x80xi32, #tpu.memory_space<vmem>> -> memref<1x80xi32, #tpu.memory_space<vmem>>
      %dma_start3A_1336 = tpu.memref_squeeze %dma_start3A_1335 : memref<1x80xi32, #tpu.memory_space<vmem>> -> memref<80xi32, #tpu.memory_space<vmem>>
      %dma_start3A_1337 = tpu.memref_slice %arg4[%multiple_of3A_1328] : memref<320000xi32, #tpu.memory_space<hbm>> -> memref<80xi32, #tpu.memory_space<hbm>>
      tpu.enqueue_dma source(%dma_start3A_1337 : memref<80xi32, #tpu.memory_space<hbm>>) target(%dma_start3A_1336 : memref<80xi32, #tpu.memory_space<vmem>>) target_semaphore(%arg17 : memref<!tpu.dma_semaphore, #tpu.memory_space<semaphore_mem>>)
      %dma_start3A_1338 = arith.constant 0 : i32
      %dma_start3A_1339 = arith.constant 0 : i32
      %dma_start3A_1340 = tpu.memref_slice %arg10[%dma_start3A_1338, %dma_start3A_1339] : memref<3x80xi32, #tpu.memory_space<vmem>> -> memref<1x80xi32, #tpu.memory_space<vmem>>
      %dma_start3A_1341 = tpu.memref_squeeze %dma_start3A_1340 : memref<1x80xi32, #tpu.memory_space<vmem>> -> memref<80xi32, #tpu.memory_space<vmem>>
      %dma_start3A_1342 = tpu.memref_slice %arg5[%multiple_of3A_1328] : memref<320000xi32, #tpu.memory_space<hbm>> -> memref<80xi32, #tpu.memory_space<hbm>>
      %dma_start3A_1343 = arith.constant 0 : i32
      %dma_start3A_1344 = tpu.memref_slice %arg10[%dma_start3A_1338, %dma_start3A_1343] : memref<3x80xi32, #tpu.memory_space<vmem>> -> memref<1x80xi32, #tpu.memory_space<vmem>>
      %dma_start3A_1345 = tpu.memref_squeeze %dma_start3A_1344 : memref<1x80xi32, #tpu.memory_space<vmem>> -> memref<80xi32, #tpu.memory_space<vmem>>
      %dma_start3A_1346 = tpu.memref_slice %arg5[%multiple_of3A_1328] : memref<320000xi32, #tpu.memory_space<hbm>> -> memref<80xi32, #tpu.memory_space<hbm>>
      tpu.enqueue_dma source(%dma_start3A_1346 : memref<80xi32, #tpu.memory_space<hbm>>) target(%dma_start3A_1345 : memref<80xi32, #tpu.memory_space<vmem>>) target_semaphore(%arg17 : memref<!tpu.dma_semaphore, #tpu.memory_space<semaphore_mem>>)
      %mul3A_1347 = arith.constant 10000 : i32
      %mul3A_1348 = arith.muli %add3A, %mul3A_1347 : i32
      %jit3A_1349 = arith.constant 4 : i32
      %div3A_1350 = arith.divsi %mul3A_1348, %jit3A_1349 : i32
      %sign3A_1351 = arith.constant 0 : i32
      %sign3A_1352 = arith.cmpi sgt, %mul3A_1348, %sign3A_1351 : i32
      %sign3A_1353 = arith.extui %sign3A_1352 : i1 to i32
      %sign3A_1354 = arith.constant 0 : i32
      %sign3A_1355 = arith.cmpi slt, %mul3A_1348, %sign3A_1354 : i32
      %sign3A_1356 = arith.extui %sign3A_1355 : i1 to i32
      %sign3A_1357 = arith.subi %sign3A_1353, %sign3A_1356 : i32
      %sign3A_1358 = arith.constant 0 : i32
      %sign3A_1359 = arith.cmpi sgt, %jit3A_1349, %sign3A_1358 : i32
      %sign3A_1360 = arith.extui %sign3A_1359 : i1 to i32
      %sign3A_1361 = arith.constant 0 : i32
      %sign3A_1362 = arith.cmpi slt, %jit3A_1349, %sign3A_1361 : i32
      %sign3A_1363 = arith.extui %sign3A_1362 : i1 to i32
      %sign3A_1364 = arith.subi %sign3A_1360, %sign3A_1363 : i32
      %ne3A_1365 = arith.cmpi ne, %sign3A_1357, %sign3A_1364 : i32
      %rem3A_1366 = arith.remsi %mul3A_1348, %jit3A_1349 : i32
      %ne3A_1367 = arith.constant 0 : i32
      %ne3A_1368 = arith.cmpi ne, %rem3A_1366, %ne3A_1367 : i32
      %and3A_1369 = arith.andi %ne3A_1365, %ne3A_1368 : i1
      %sub3A_1370 = arith.constant 1 : i32
      %sub3A_1371 = arith.subi %div3A_1350, %sub3A_1370 : i32
      %select_n3A_1372 = arith.select %and3A_1369, %sub3A_1371, %div3A_1350 : i32
      %mul3A_1373 = arith.constant 20 : i32
      %mul3A_1374 = arith.muli %add3A_1322, %mul3A_1373 : i32
      %add3A_1375 = arith.addi %select_n3A_1372, %mul3A_1374 : i32
      %multiple_of3A_1376 = tpu.assume_multiple %add3A_1375, 4 : i32
      %dma_start3A_1377 = arith.constant 0 : i32
      %dma_start3A_1378 = arith.constant 0 : i32
      %dma_start3A_1379 = arith.constant 0 : i32
      %dma_start3A_1380 = tpu.memref_slice %arg13[%dma_start3A_1377, %dma_start3A_1378, %dma_start3A_1379] : memref<3x20x128xf32, #tpu.memory_space<vmem>> -> memref<1x20x128xf32, #tpu.memory_space<vmem>>
      %dma_start3A_1381 = tpu.memref_squeeze %dma_start3A_1380 : memref<1x20x128xf32, #tpu.memory_space<vmem>> -> memref<20x128xf32, #tpu.memory_space<vmem>>
      %dma_start3A_1382 = arith.constant 0 : i32
      %dma_start3A_1383 = tpu.memref_slice %arg3[%multiple_of3A_1376, %dma_start3A_1382] : memref<80000x128xf32, #tpu.memory_space<hbm>> -> memref<20x128xf32, #tpu.memory_space<hbm>>
      %dma_start3A_1384 = arith.constant 0 : i32
      %dma_start3A_1385 = arith.constant 0 : i32
      %dma_start3A_1386 = tpu.memref_slice %arg13[%dma_start3A_1377, %dma_start3A_1384, %dma_start3A_1385] : memref<3x20x128xf32, #tpu.memory_space<vmem>> -> memref<1x20x128xf32, #tpu.memory_space<vmem>>
      %dma_start3A_1387 = tpu.memref_squeeze %dma_start3A_1386 : memref<1x20x128xf32, #tpu.memory_space<vmem>> -> memref<20x128xf32, #tpu.memory_space<vmem>>
      %dma_start3A_1388 = arith.constant 0 : i32
      %dma_start3A_1389 = tpu.memref_slice %arg3[%multiple_of3A_1376, %dma_start3A_1388] : memref<80000x128xf32, #tpu.memory_space<hbm>> -> memref<20x128xf32, #tpu.memory_space<hbm>>
      tpu.enqueue_dma source(%dma_start3A_1389 : memref<20x128xf32, #tpu.memory_space<hbm>>) target(%dma_start3A_1387 : memref<20x128xf32, #tpu.memory_space<vmem>>) target_semaphore(%arg17 : memref<!tpu.dma_semaphore, #tpu.memory_space<semaphore_mem>>)
      %scan3A_1390 = arith.constant 0 : i32
      %scan3A_1391 = arith.constant 20 : i32
      %scan3A_1392 = arith.addi %scan3A_1390, %scan3A_1391 : i32
      %scan3A_1393 = arith.constant 1 : i32
      scf.for %scan3A_1618 = %scan3A_1390 to %scan3A_1392 step %scan3A_1393  : i32 {
        %mul3A_1619 = arith.constant 4 : i32
        %mul3A_1620 = arith.muli %mul3A_1619, %scan3A_1618 : i32
        %add3A_1621 = arith.constant 0 : i32
        %add3A_1622 = arith.addi %mul3A_1620, %add3A_1621 : i32
        %get3A = arith.constant 1 : i32
        %get3A_1623 = arith.index_cast %get3A : i32 to index
        %get3A_1624 = arith.index_cast %add3A_1622 : i32 to index
        %get3A_1625 = arith.constant 0 : index
        %get3A_1626 = tpu.vector_load %arg12[%get3A_1623, %get3A_1624, %get3A_1625] {strides = array<i32>} : memref<3x80x32xf32, #tpu.memory_space<vmem>>, vector<1x1x16xf32>,
        %get3A_1627 = vector.shape_cast %get3A_1626 : vector<1x1x16xf32> to vector<16xf32>
        %get3A_1628 = arith.constant 1 : i32
        %get3A_1629 = arith.index_cast %get3A_1628 : i32 to index
        %get3A_1630 = arith.index_cast %scan3A_1618 : i32 to index
        %get3A_1631 = arith.constant 0 : index
        %get3A_1632 = tpu.vector_load %arg13[%get3A_1629, %get3A_1630, %get3A_1631] {strides = array<i32>} : memref<3x20x128xf32, #tpu.memory_space<vmem>>, vector<1x1x16xf32>,
        %get3A_1633 = vector.shape_cast %get3A_1632 : vector<1x1x16xf32> to vector<16xf32>
        %add3A_1634 = arith.addf %get3A_1627, %get3A_1633 : vector<16xf32>
        %max3A = arith.constant 0.000000e+00 : f32
        %max3A_1635 = vector.broadcast %max3A : f32 to vector<16xf32>
        %max3A_1636 = arith.maximumf %add3A_1634, %max3A_1635 : vector<16xf32>
        %add3A_1637 = arith.constant 0 : i32
        %add3A_1638 = arith.addi %mul3A_1620, %add3A_1637 : i32
        %swap3A = arith.constant 1 : i32
        %swap3A_1639 = arith.index_cast %swap3A : i32 to index
        %swap3A_1640 = arith.index_cast %add3A_1638 : i32 to index
        %swap3A_1641 = arith.constant 0 : index
        %swap3A_1642 = tpu.vector_load %arg12[%swap3A_1639, %swap3A_1640, %swap3A_1641] {strides = array<i32>} : memref<3x80x32xf32, #tpu.memory_space<vmem>>, vector<1x1x16xf32>,
        %swap3A_1643 = vector.shape_cast %swap3A_1642 : vector<1x1x16xf32> to vector<16xf32>
        %swap3A_1644 = vector.shape_cast %max3A_1636 : vector<16xf32> to vector<1x1x16xf32>
        tpu.vector_store %arg12[%swap3A_1639, %swap3A_1640, %swap3A_1641], %swap3A_1644 {strides = array<i32>} : memref<3x80x32xf32, #tpu.memory_space<vmem>>, vector<1x1x16xf32>,
        %add3A_1645 = arith.constant 0 : i32
        %add3A_1646 = arith.addi %mul3A_1620, %add3A_1645 : i32
        %get3A_1647 = arith.constant 1 : i32
        %get3A_1648 = arith.index_cast %get3A_1647 : i32 to index
        %get3A_1649 = arith.index_cast %add3A_1646 : i32 to index
        %get3A_1650 = arith.constant 16 : index
        %get3A_1651 = tpu.vector_load %arg12[%get3A_1648, %get3A_1649, %get3A_1650] {strides = array<i32>} : memref<3x80x32xf32, #tpu.memory_space<vmem>>, vector<1x1x16xf32>,
        %get3A_1652 = vector.shape_cast %get3A_1651 : vector<1x1x16xf32> to vector<16xf32>
        %get3A_1653 = arith.constant 1 : i32
        %get3A_1654 = arith.index_cast %get3A_1653 : i32 to index
        %get3A_1655 = arith.index_cast %scan3A_1618 : i32 to index
        %get3A_1656 = arith.constant 16 : index
        %get3A_1657 = tpu.vector_load %arg13[%get3A_1654, %get3A_1655, %get3A_1656] {strides = array<i32>} : memref<3x20x128xf32, #tpu.memory_space<vmem>>, vector<1x1x16xf32>,
        %get3A_1658 = vector.shape_cast %get3A_1657 : vector<1x1x16xf32> to vector<16xf32>
        %add3A_1659 = arith.addf %get3A_1652, %get3A_1658 : vector<16xf32>
        %max3A_1660 = arith.constant 0.000000e+00 : f32
        %max3A_1661 = vector.broadcast %max3A_1660 : f32 to vector<16xf32>
        %max3A_1662 = arith.maximumf %add3A_1659, %max3A_1661 : vector<16xf32>
        %add3A_1663 = arith.constant 0 : i32
        %add3A_1664 = arith.addi %mul3A_1620, %add3A_1663 : i32
        %swap3A_1665 = arith.constant 1 : i32
        %swap3A_1666 = arith.index_cast %swap3A_1665 : i32 to index
        %swap3A_1667 = arith.index_cast %add3A_1664 : i32 to index
        %swap3A_1668 = arith.constant 16 : index
        %swap3A_1669 = tpu.vector_load %arg12[%swap3A_1666, %swap3A_1667, %swap3A_1668] {strides = array<i32>} : memref<3x80x32xf32, #tpu.memory_space<vmem>>, vector<1x1x16xf32>,
        %swap3A_1670 = vector.shape_cast %swap3A_1669 : vector<1x1x16xf32> to vector<16xf32>
        %swap3A_1671 = vector.shape_cast %max3A_1662 : vector<16xf32> to vector<1x1x16xf32>
        tpu.vector_store %arg12[%swap3A_1666, %swap3A_1667, %swap3A_1668], %swap3A_1671 {strides = array<i32>} : memref<3x80x32xf32, #tpu.memory_space<vmem>>, vector<1x1x16xf32>,
        %add3A_1672 = arith.constant 1 : i32
        %add3A_1673 = arith.addi %mul3A_1620, %add3A_1672 : i32
        %get3A_1674 = arith.constant 1 : i32
        %get3A_1675 = arith.index_cast %get3A_1674 : i32 to index
        %get3A_1676 = arith.index_cast %add3A_1673 : i32 to index
        %get3A_1677 = arith.constant 0 : index
        %get3A_1678 = tpu.vector_load %arg12[%get3A_1675, %get3A_1676, %get3A_1677] {strides = array<i32>} : memref<3x80x32xf32, #tpu.memory_space<vmem>>, vector<1x1x16xf32>,
        %get3A_1679 = vector.shape_cast %get3A_1678 : vector<1x1x16xf32> to vector<16xf32>
        %get3A_1680 = arith.constant 1 : i32
        %get3A_1681 = arith.index_cast %get3A_1680 : i32 to index
        %get3A_1682 = arith.index_cast %scan3A_1618 : i32 to index
        %get3A_1683 = arith.constant 32 : index
        %get3A_1684 = tpu.vector_load %arg13[%get3A_1681, %get3A_1682, %get3A_1683] {strides = array<i32>} : memref<3x20x128xf32, #tpu.memory_space<vmem>>, vector<1x1x16xf32>,
        %get3A_1685 = vector.shape_cast %get3A_1684 : vector<1x1x16xf32> to vector<16xf32>
        %add3A_1686 = arith.addf %get3A_1679, %get3A_1685 : vector<16xf32>
        %max3A_1687 = arith.constant 0.000000e+00 : f32
        %max3A_1688 = vector.broadcast %max3A_1687 : f32 to vector<16xf32>
        %max3A_1689 = arith.maximumf %add3A_1686, %max3A_1688 : vector<16xf32>
        %add3A_1690 = arith.constant 1 : i32
        %add3A_1691 = arith.addi %mul3A_1620, %add3A_1690 : i32
        %swap3A_1692 = arith.constant 1 : i32
        %swap3A_1693 = arith.index_cast %swap3A_1692 : i32 to index
        %swap3A_1694 = arith.index_cast %add3A_1691 : i32 to index
        %swap3A_1695 = arith.constant 0 : index
        %swap3A_1696 = tpu.vector_load %arg12[%swap3A_1693, %swap3A_1694, %swap3A_1695] {strides = array<i32>} : memref<3x80x32xf32, #tpu.memory_space<vmem>>, vector<1x1x16xf32>,
        %swap3A_1697 = vector.shape_cast %swap3A_1696 : vector<1x1x16xf32> to vector<16xf32>
        %swap3A_1698 = vector.shape_cast %max3A_1689 : vector<16xf32> to vector<1x1x16xf32>
        tpu.vector_store %arg12[%swap3A_1693, %swap3A_1694, %swap3A_1695], %swap3A_1698 {strides = array<i32>} : memref<3x80x32xf32, #tpu.memory_space<vmem>>, vector<1x1x16xf32>,
        %add3A_1699 = arith.constant 1 : i32
        %add3A_1700 = arith.addi %mul3A_1620, %add3A_1699 : i32
        %get3A_1701 = arith.constant 1 : i32
        %get3A_1702 = arith.index_cast %get3A_1701 : i32 to index
        %get3A_1703 = arith.index_cast %add3A_1700 : i32 to index
        %get3A_1704 = arith.constant 16 : index
        %get3A_1705 = tpu.vector_load %arg12[%get3A_1702, %get3A_1703, %get3A_1704] {strides = array<i32>} : memref<3x80x32xf32, #tpu.memory_space<vmem>>, vector<1x1x16xf32>,
        %get3A_1706 = vector.shape_cast %get3A_1705 : vector<1x1x16xf32> to vector<16xf32>
        %get3A_1707 = arith.constant 1 : i32
        %get3A_1708 = arith.index_cast %get3A_1707 : i32 to index
        %get3A_1709 = arith.index_cast %scan3A_1618 : i32 to index
        %get3A_1710 = arith.constant 48 : index
        %get3A_1711 = tpu.vector_load %arg13[%get3A_1708, %get3A_1709, %get3A_1710] {strides = array<i32>} : memref<3x20x128xf32, #tpu.memory_space<vmem>>, vector<1x1x16xf32>,
        %get3A_1712 = vector.shape_cast %get3A_1711 : vector<1x1x16xf32> to vector<16xf32>
        %add3A_1713 = arith.addf %get3A_1706, %get3A_1712 : vector<16xf32>
        %max3A_1714 = arith.constant 0.000000e+00 : f32
        %max3A_1715 = vector.broadcast %max3A_1714 : f32 to vector<16xf32>
        %max3A_1716 = arith.maximumf %add3A_1713, %max3A_1715 : vector<16xf32>
        %add3A_1717 = arith.constant 1 : i32
        %add3A_1718 = arith.addi %mul3A_1620, %add3A_1717 : i32
        %swap3A_1719 = arith.constant 1 : i32
        %swap3A_1720 = arith.index_cast %swap3A_1719 : i32 to index
        %swap3A_1721 = arith.index_cast %add3A_1718 : i32 to index
        %swap3A_1722 = arith.constant 16 : index
        %swap3A_1723 = tpu.vector_load %arg12[%swap3A_1720, %swap3A_1721, %swap3A_1722] {strides = array<i32>} : memref<3x80x32xf32, #tpu.memory_space<vmem>>, vector<1x1x16xf32>,
        %swap3A_1724 = vector.shape_cast %swap3A_1723 : vector<1x1x16xf32> to vector<16xf32>
        %swap3A_1725 = vector.shape_cast %max3A_1716 : vector<16xf32> to vector<1x1x16xf32>
        tpu.vector_store %arg12[%swap3A_1720, %swap3A_1721, %swap3A_1722], %swap3A_1725 {strides = array<i32>} : memref<3x80x32xf32, #tpu.memory_space<vmem>>, vector<1x1x16xf32>,
        %add3A_1726 = arith.constant 2 : i32
        %add3A_1727 = arith.addi %mul3A_1620, %add3A_1726 : i32
        %get3A_1728 = arith.constant 1 : i32
        %get3A_1729 = arith.index_cast %get3A_1728 : i32 to index
        %get3A_1730 = arith.index_cast %add3A_1727 : i32 to index
        %get3A_1731 = arith.constant 0 : index
        %get3A_1732 = tpu.vector_load %arg12[%get3A_1729, %get3A_1730, %get3A_1731] {strides = array<i32>} : memref<3x80x32xf32, #tpu.memory_space<vmem>>, vector<1x1x16xf32>,
        %get3A_1733 = vector.shape_cast %get3A_1732 : vector<1x1x16xf32> to vector<16xf32>
        %get3A_1734 = arith.constant 1 : i32
        %get3A_1735 = arith.index_cast %get3A_1734 : i32 to index
        %get3A_1736 = arith.index_cast %scan3A_1618 : i32 to index
        %get3A_1737 = arith.constant 64 : index
        %get3A_1738 = tpu.vector_load %arg13[%get3A_1735, %get3A_1736, %get3A_1737] {strides = array<i32>} : memref<3x20x128xf32, #tpu.memory_space<vmem>>, vector<1x1x16xf32>,
        %get3A_1739 = vector.shape_cast %get3A_1738 : vector<1x1x16xf32> to vector<16xf32>
        %add3A_1740 = arith.addf %get3A_1733, %get3A_1739 : vector<16xf32>
        %max3A_1741 = arith.constant 0.000000e+00 : f32
        %max3A_1742 = vector.broadcast %max3A_1741 : f32 to vector<16xf32>
        %max3A_1743 = arith.maximumf %add3A_1740, %max3A_1742 : vector<16xf32>
        %add3A_1744 = arith.constant 2 : i32
        %add3A_1745 = arith.addi %mul3A_1620, %add3A_1744 : i32
        %swap3A_1746 = arith.constant 1 : i32
        %swap3A_1747 = arith.index_cast %swap3A_1746 : i32 to index
        %swap3A_1748 = arith.index_cast %add3A_1745 : i32 to index
        %swap3A_1749 = arith.constant 0 : index
        %swap3A_1750 = tpu.vector_load %arg12[%swap3A_1747, %swap3A_1748, %swap3A_1749] {strides = array<i32>} : memref<3x80x32xf32, #tpu.memory_space<vmem>>, vector<1x1x16xf32>,
        %swap3A_1751 = vector.shape_cast %swap3A_1750 : vector<1x1x16xf32> to vector<16xf32>
        %swap3A_1752 = vector.shape_cast %max3A_1743 : vector<16xf32> to vector<1x1x16xf32>
        tpu.vector_store %arg12[%swap3A_1747, %swap3A_1748, %swap3A_1749], %swap3A_1752 {strides = array<i32>} : memref<3x80x32xf32, #tpu.memory_space<vmem>>, vector<1x1x16xf32>,
        %add3A_1753 = arith.constant 2 : i32
        %add3A_1754 = arith.addi %mul3A_1620, %add3A_1753 : i32
        %get3A_1755 = arith.constant 1 : i32
        %get3A_1756 = arith.index_cast %get3A_1755 : i32 to index
        %get3A_1757 = arith.index_cast %add3A_1754 : i32 to index
        %get3A_1758 = arith.constant 16 : index
        %get3A_1759 = tpu.vector_load %arg12[%get3A_1756, %get3A_1757, %get3A_1758] {strides = array<i32>} : memref<3x80x32xf32, #tpu.memory_space<vmem>>, vector<1x1x16xf32>,
        %get3A_1760 = vector.shape_cast %get3A_1759 : vector<1x1x16xf32> to vector<16xf32>
        %get3A_1761 = arith.constant 1 : i32
        %get3A_1762 = arith.index_cast %get3A_1761 : i32 to index
        %get3A_1763 = arith.index_cast %scan3A_1618 : i32 to index
        %get3A_1764 = arith.constant 80 : index
        %get3A_1765 = tpu.vector_load %arg13[%get3A_1762, %get3A_1763, %get3A_1764] {strides = array<i32>} : memref<3x20x128xf32, #tpu.memory_space<vmem>>, vector<1x1x16xf32>,
        %get3A_1766 = vector.shape_cast %get3A_1765 : vector<1x1x16xf32> to vector<16xf32>
        %add3A_1767 = arith.addf %get3A_1760, %get3A_1766 : vector<16xf32>
        %max3A_1768 = arith.constant 0.000000e+00 : f32
        %max3A_1769 = vector.broadcast %max3A_1768 : f32 to vector<16xf32>
        %max3A_1770 = arith.maximumf %add3A_1767, %max3A_1769 : vector<16xf32>
        %add3A_1771 = arith.constant 2 : i32
        %add3A_1772 = arith.addi %mul3A_1620, %add3A_1771 : i32
        %swap3A_1773 = arith.constant 1 : i32
        %swap3A_1774 = arith.index_cast %swap3A_1773 : i32 to index
        %swap3A_1775 = arith.index_cast %add3A_1772 : i32 to index
        %swap3A_1776 = arith.constant 16 : index
        %swap3A_1777 = tpu.vector_load %arg12[%swap3A_1774, %swap3A_1775, %swap3A_1776] {strides = array<i32>} : memref<3x80x32xf32, #tpu.memory_space<vmem>>, vector<1x1x16xf32>,
        %swap3A_1778 = vector.shape_cast %swap3A_1777 : vector<1x1x16xf32> to vector<16xf32>
        %swap3A_1779 = vector.shape_cast %max3A_1770 : vector<16xf32> to vector<1x1x16xf32>
        tpu.vector_store %arg12[%swap3A_1774, %swap3A_1775, %swap3A_1776], %swap3A_1779 {strides = array<i32>} : memref<3x80x32xf32, #tpu.memory_space<vmem>>, vector<1x1x16xf32>,
        %add3A_1780 = arith.constant 3 : i32
        %add3A_1781 = arith.addi %mul3A_1620, %add3A_1780 : i32
        %get3A_1782 = arith.constant 1 : i32
        %get3A_1783 = arith.index_cast %get3A_1782 : i32 to index
        %get3A_1784 = arith.index_cast %add3A_1781 : i32 to index
        %get3A_1785 = arith.constant 0 : index
        %get3A_1786 = tpu.vector_load %arg12[%get3A_1783, %get3A_1784, %get3A_1785] {strides = array<i32>} : memref<3x80x32xf32, #tpu.memory_space<vmem>>, vector<1x1x16xf32>,
        %get3A_1787 = vector.shape_cast %get3A_1786 : vector<1x1x16xf32> to vector<16xf32>
        %get3A_1788 = arith.constant 1 : i32
        %get3A_1789 = arith.index_cast %get3A_1788 : i32 to index
        %get3A_1790 = arith.index_cast %scan3A_1618 : i32 to index
        %get3A_1791 = arith.constant 96 : index
        %get3A_1792 = tpu.vector_load %arg13[%get3A_1789, %get3A_1790, %get3A_1791] {strides = array<i32>} : memref<3x20x128xf32, #tpu.memory_space<vmem>>, vector<1x1x16xf32>,
        %get3A_1793 = vector.shape_cast %get3A_1792 : vector<1x1x16xf32> to vector<16xf32>
        %add3A_1794 = arith.addf %get3A_1787, %get3A_1793 : vector<16xf32>
        %max3A_1795 = arith.constant 0.000000e+00 : f32
        %max3A_1796 = vector.broadcast %max3A_1795 : f32 to vector<16xf32>
        %max3A_1797 = arith.maximumf %add3A_1794, %max3A_1796 : vector<16xf32>
        %add3A_1798 = arith.constant 3 : i32
        %add3A_1799 = arith.addi %mul3A_1620, %add3A_1798 : i32
        %swap3A_1800 = arith.constant 1 : i32
        %swap3A_1801 = arith.index_cast %swap3A_1800 : i32 to index
        %swap3A_1802 = arith.index_cast %add3A_1799 : i32 to index
        %swap3A_1803 = arith.constant 0 : index
        %swap3A_1804 = tpu.vector_load %arg12[%swap3A_1801, %swap3A_1802, %swap3A_1803] {strides = array<i32>} : memref<3x80x32xf32, #tpu.memory_space<vmem>>, vector<1x1x16xf32>,
        %swap3A_1805 = vector.shape_cast %swap3A_1804 : vector<1x1x16xf32> to vector<16xf32>
        %swap3A_1806 = vector.shape_cast %max3A_1797 : vector<16xf32> to vector<1x1x16xf32>
        tpu.vector_store %arg12[%swap3A_1801, %swap3A_1802, %swap3A_1803], %swap3A_1806 {strides = array<i32>} : memref<3x80x32xf32, #tpu.memory_space<vmem>>, vector<1x1x16xf32>,
        %add3A_1807 = arith.constant 3 : i32
        %add3A_1808 = arith.addi %mul3A_1620, %add3A_1807 : i32
        %get3A_1809 = arith.constant 1 : i32
        %get3A_1810 = arith.index_cast %get3A_1809 : i32 to index
        %get3A_1811 = arith.index_cast %add3A_1808 : i32 to index
        %get3A_1812 = arith.constant 16 : index
        %get3A_1813 = tpu.vector_load %arg12[%get3A_1810, %get3A_1811, %get3A_1812] {strides = array<i32>} : memref<3x80x32xf32, #tpu.memory_space<vmem>>, vector<1x1x16xf32>,
        %get3A_1814 = vector.shape_cast %get3A_1813 : vector<1x1x16xf32> to vector<16xf32>
        %get3A_1815 = arith.constant 1 : i32
        %get3A_1816 = arith.index_cast %get3A_1815 : i32 to index
        %get3A_1817 = arith.index_cast %scan3A_1618 : i32 to index
        %get3A_1818 = arith.constant 112 : index
        %get3A_1819 = tpu.vector_load %arg13[%get3A_1816, %get3A_1817, %get3A_1818] {strides = array<i32>} : memref<3x20x128xf32, #tpu.memory_space<vmem>>, vector<1x1x16xf32>,
        %get3A_1820 = vector.shape_cast %get3A_1819 : vector<1x1x16xf32> to vector<16xf32>
        %add3A_1821 = arith.addf %get3A_1814, %get3A_1820 : vector<16xf32>
        %max3A_1822 = arith.constant 0.000000e+00 : f32
        %max3A_1823 = vector.broadcast %max3A_1822 : f32 to vector<16xf32>
        %max3A_1824 = arith.maximumf %add3A_1821, %max3A_1823 : vector<16xf32>
        %add3A_1825 = arith.constant 3 : i32
        %add3A_1826 = arith.addi %mul3A_1620, %add3A_1825 : i32
        %swap3A_1827 = arith.constant 1 : i32
        %swap3A_1828 = arith.index_cast %swap3A_1827 : i32 to index
        %swap3A_1829 = arith.index_cast %add3A_1826 : i32 to index
        %swap3A_1830 = arith.constant 16 : index
        %swap3A_1831 = tpu.vector_load %arg12[%swap3A_1828, %swap3A_1829, %swap3A_1830] {strides = array<i32>} : memref<3x80x32xf32, #tpu.memory_space<vmem>>, vector<1x1x16xf32>,
        %swap3A_1832 = vector.shape_cast %swap3A_1831 : vector<1x1x16xf32> to vector<16xf32>
        %swap3A_1833 = vector.shape_cast %max3A_1824 : vector<16xf32> to vector<1x1x16xf32>
        tpu.vector_store %arg12[%swap3A_1828, %swap3A_1829, %swap3A_1830], %swap3A_1833 {strides = array<i32>} : memref<3x80x32xf32, #tpu.memory_space<vmem>>, vector<1x1x16xf32>,
      }
      %scan3A_1394 = arith.constant 20 : i32
      %dma_start3A_1395 = arith.constant 1 : i32
      %dma_start3A_1396 = arith.constant 1 : i32
      %dma_start3A_1397 = arith.constant 0 : i32
      %dma_start3A_1398 = arith.constant 0 : i32
      %dma_start3A_1399 = tpu.memref_slice %arg12[%dma_start3A_1395, %dma_start3A_1397, %dma_start3A_1398] : memref<3x80x32xf32, #tpu.memory_space<vmem>> -> memref<1x80x32xf32, #tpu.memory_space<vmem>>
      %dma_start3A_1400 = tpu.memref_squeeze %dma_start3A_1399 : memref<1x80x32xf32, #tpu.memory_space<vmem>> -> memref<80x32xf32, #tpu.memory_space<vmem>>
      %dma_start3A_1401 = arith.constant 0 : i32
      %dma_start3A_1402 = tpu.memref_slice %arg10[%dma_start3A_1396, %dma_start3A_1401] : memref<3x80xi32, #tpu.memory_space<vmem>> -> memref<1x80xi32, #tpu.memory_space<vmem>>
      %dma_start3A_1403 = tpu.memref_squeeze %dma_start3A_1402 : memref<1x80xi32, #tpu.memory_space<vmem>> -> memref<80xi32, #tpu.memory_space<vmem>>
      %dma_start3A_1404 = arith.constant 0 : i32
      %dma_start3A_1405 = arith.constant 0 : i32
      %dma_start3A_1406 = tpu.memref_slice %arg8[%dma_start3A_1404, %dma_start3A_1405] : memref<10240x32xf32, #tpu.memory_space<vmem_shared>> -> memref<10240x32xf32, #tpu.memory_space<vmem_shared>>
      tpu.enqueue_indirect_dma source(%dma_start3A_1400 : memref<80x32xf32, #tpu.memory_space<vmem>>) target(%dma_start3A_1406 : memref<10240x32xf32, #tpu.memory_space<vmem_shared>>) offsets(%dma_start3A_1403 : memref<80xi32, #tpu.memory_space<vmem>>) semaphore(%arg24 : memref<!tpu.dma_semaphore, #tpu.memory_space<semaphore_mem>>) {add = true}
      %dma_start3A_1407 = arith.constant 1 : i32
      %dma_start3A_1408 = arith.constant 0 : i32
      %dma_start3A_1409 = tpu.memref_slice %arg10[%dma_start3A_1407, %dma_start3A_1408] : memref<3x80xi32, #tpu.memory_space<vmem>> -> memref<1x80xi32, #tpu.memory_space<vmem>>
      %dma_start3A_1410 = tpu.memref_squeeze %dma_start3A_1409 : memref<1x80xi32, #tpu.memory_space<vmem>> -> memref<80xi32, #tpu.memory_space<vmem>>
      %dma_start3A_1411 = arith.constant 0 : i32
      %dma_start3A_1412 = tpu.memref_slice %arg9[%dma_start3A_1411] : memref<10240xf32, #tpu.memory_space<vmem_shared>> -> memref<10240xf32, #tpu.memory_space<vmem_shared>>
      tpu.enqueue_indirect_dma source(%arg14 : memref<80xf32, #tpu.memory_space<vmem>>) target(%dma_start3A_1412 : memref<10240xf32, #tpu.memory_space<vmem_shared>>) offsets(%dma_start3A_1410 : memref<80xi32, #tpu.memory_space<vmem>>) semaphore(%arg24 : memref<!tpu.dma_semaphore, #tpu.memory_space<semaphore_mem>>) {add = true}
      %add3A_1413 = arith.constant 2 : i32
      %add3A_1414 = arith.addi %mul3A_1004, %add3A_1413 : i32
      %dma_wait3A_1415 = arith.constant 2 : i32
      %dma_wait3A_1416 = arith.constant 2 : i32
      %dma_wait3A_1417 = arith.constant 0 : i32
      %dma_wait3A_1418 = arith.constant 0 : i32
      %dma_wait3A_1419 = tpu.memref_slice %arg12[%dma_wait3A_1416, %dma_wait3A_1417, %dma_wait3A_1418] : memref<3x80x32xf32, #tpu.memory_space<vmem>> -> memref<1x80x32xf32, #tpu.memory_space<vmem>>
      %dma_wait3A_1420 = tpu.memref_squeeze %dma_wait3A_1419 : memref<1x80x32xf32, #tpu.memory_space<vmem>> -> memref<80x32xf32, #tpu.memory_space<vmem>>
      %dma_wait3A_1421 = arith.constant 0 : i32
      %dma_wait3A_1422 = tpu.memref_slice %arg11[%dma_wait3A_1415, %dma_wait3A_1421] : memref<3x80xi32, #tpu.memory_space<vmem>> -> memref<1x80xi32, #tpu.memory_space<vmem>>
      %dma_wait3A_1423 = tpu.memref_squeeze %dma_wait3A_1422 : memref<1x80xi32, #tpu.memory_space<vmem>> -> memref<80xi32, #tpu.memory_space<vmem>>
      %dma_wait3A_1424 = arith.constant 0 : i32
      %dma_wait3A_1425 = arith.constant 0 : i32
      %dma_wait3A_1426 = tpu.memref_slice %arg2[%dma_wait3A_1424, %dma_wait3A_1425] : memref<10000x32xf32, #tpu.memory_space<hbm>> -> memref<10000x32xf32, #tpu.memory_space<hbm>>
      tpu.wait_indirect_dma semaphore(%arg22 : memref<!tpu.dma_semaphore, #tpu.memory_space<semaphore_mem>>) src(%dma_wait3A_1426 : memref<10000x32xf32, #tpu.memory_space<hbm>>) dst(%dma_wait3A_1420 : memref<80x32xf32, #tpu.memory_space<vmem>>)
      %add3A_1427 = arith.constant 1 : i32
      %add3A_1428 = arith.addi %add3A_1414, %add3A_1427 : i32
      %mul3A_1429 = arith.constant 10000 : i32
      %mul3A_1430 = arith.muli %add3A, %mul3A_1429 : i32
      %mul3A_1431 = arith.constant 80 : i32
      %mul3A_1432 = arith.muli %add3A_1428, %mul3A_1431 : i32
      %add3A_1433 = arith.addi %mul3A_1430, %mul3A_1432 : i32
      %multiple_of3A_1434 = tpu.assume_multiple %add3A_1433, 8 : i32
      %dma_wait3A_1435 = arith.constant 0 : i32
      %dma_wait3A_1436 = arith.constant 0 : i32
      %dma_wait3A_1437 = tpu.memref_slice %arg11[%dma_wait3A_1435, %dma_wait3A_1436] : memref<3x80xi32, #tpu.memory_space<vmem>> -> memref<1x80xi32, #tpu.memory_space<vmem>>
      %dma_wait3A_1438 = tpu.memref_squeeze %dma_wait3A_1437 : memref<1x80xi32, #tpu.memory_space<vmem>> -> memref<80xi32, #tpu.memory_space<vmem>>
      %dma_wait3A_1439 = tpu.memref_slice %arg4[%multiple_of3A_1434] : memref<320000xi32, #tpu.memory_space<hbm>> -> memref<80xi32, #tpu.memory_space<hbm>>
      %dma_wait3A_1440 = arith.constant 0 : i32
      %dma_wait3A_1441 = tpu.memref_slice %arg11[%dma_wait3A_1435, %dma_wait3A_1440] : memref<3x80xi32, #tpu.memory_space<vmem>> -> memref<1x80xi32, #tpu.memory_space<vmem>>
      %dma_wait3A_1442 = tpu.memref_squeeze %dma_wait3A_1441 : memref<1x80xi32, #tpu.memory_space<vmem>> -> memref<80xi32, #tpu.memory_space<vmem>>
      %dma_wait3A_1443 = tpu.memref_slice %arg4[%multiple_of3A_1434] : memref<320000xi32, #tpu.memory_space<hbm>> -> memref<80xi32, #tpu.memory_space<hbm>>
      tpu.wait_dma2 semaphore(%arg17 : memref<!tpu.dma_semaphore, #tpu.memory_space<semaphore_mem>>) src(%dma_wait3A_1443 : memref<80xi32, #tpu.memory_space<hbm>>) dst(%dma_wait3A_1442 : memref<80xi32, #tpu.memory_space<vmem>>)
      %dma_wait3A_1444 = arith.constant 0 : i32
      %dma_wait3A_1445 = arith.constant 0 : i32
      %dma_wait3A_1446 = tpu.memref_slice %arg10[%dma_wait3A_1444, %dma_wait3A_1445] : memref<3x80xi32, #tpu.memory_space<vmem>> -> memref<1x80xi32, #tpu.memory_space<vmem>>
      %dma_wait3A_1447 = tpu.memref_squeeze %dma_wait3A_1446 : memref<1x80xi32, #tpu.memory_space<vmem>> -> memref<80xi32, #tpu.memory_space<vmem>>
      %dma_wait3A_1448 = tpu.memref_slice %arg5[%multiple_of3A_1434] : memref<320000xi32, #tpu.memory_space<hbm>> -> memref<80xi32, #tpu.memory_space<hbm>>
      %dma_wait3A_1449 = arith.constant 0 : i32
      %dma_wait3A_1450 = tpu.memref_slice %arg10[%dma_wait3A_1444, %dma_wait3A_1449] : memref<3x80xi32, #tpu.memory_space<vmem>> -> memref<1x80xi32, #tpu.memory_space<vmem>>
      %dma_wait3A_1451 = tpu.memref_squeeze %dma_wait3A_1450 : memref<1x80xi32, #tpu.memory_space<vmem>> -> memref<80xi32, #tpu.memory_space<vmem>>
      %dma_wait3A_1452 = tpu.memref_slice %arg5[%multiple_of3A_1434] : memref<320000xi32, #tpu.memory_space<hbm>> -> memref<80xi32, #tpu.memory_space<hbm>>
      tpu.wait_dma2 semaphore(%arg17 : memref<!tpu.dma_semaphore, #tpu.memory_space<semaphore_mem>>) src(%dma_wait3A_1452 : memref<80xi32, #tpu.memory_space<hbm>>) dst(%dma_wait3A_1451 : memref<80xi32, #tpu.memory_space<vmem>>)
      %mul3A_1453 = arith.constant 10000 : i32
      %mul3A_1454 = arith.muli %add3A, %mul3A_1453 : i32
      %jit3A_1455 = arith.constant 4 : i32
      %div3A_1456 = arith.divsi %mul3A_1454, %jit3A_1455 : i32
      %sign3A_1457 = arith.constant 0 : i32
      %sign3A_1458 = arith.cmpi sgt, %mul3A_1454, %sign3A_1457 : i32
      %sign3A_1459 = arith.extui %sign3A_1458 : i1 to i32
      %sign3A_1460 = arith.constant 0 : i32
      %sign3A_1461 = arith.cmpi slt, %mul3A_1454, %sign3A_1460 : i32
      %sign3A_1462 = arith.extui %sign3A_1461 : i1 to i32
      %sign3A_1463 = arith.subi %sign3A_1459, %sign3A_1462 : i32
      %sign3A_1464 = arith.constant 0 : i32
      %sign3A_1465 = arith.cmpi sgt, %jit3A_1455, %sign3A_1464 : i32
      %sign3A_1466 = arith.extui %sign3A_1465 : i1 to i32
      %sign3A_1467 = arith.constant 0 : i32
      %sign3A_1468 = arith.cmpi slt, %jit3A_1455, %sign3A_1467 : i32
      %sign3A_1469 = arith.extui %sign3A_1468 : i1 to i32
      %sign3A_1470 = arith.subi %sign3A_1466, %sign3A_1469 : i32
      %ne3A_1471 = arith.cmpi ne, %sign3A_1463, %sign3A_1470 : i32
      %rem3A_1472 = arith.remsi %mul3A_1454, %jit3A_1455 : i32
      %ne3A_1473 = arith.constant 0 : i32
      %ne3A_1474 = arith.cmpi ne, %rem3A_1472, %ne3A_1473 : i32
      %and3A_1475 = arith.andi %ne3A_1471, %ne3A_1474 : i1
      %sub3A_1476 = arith.constant 1 : i32
      %sub3A_1477 = arith.subi %div3A_1456, %sub3A_1476 : i32
      %select_n3A_1478 = arith.select %and3A_1475, %sub3A_1477, %div3A_1456 : i32
      %mul3A_1479 = arith.constant 20 : i32
      %mul3A_1480 = arith.muli %add3A_1428, %mul3A_1479 : i32
      %add3A_1481 = arith.addi %select_n3A_1478, %mul3A_1480 : i32
      %multiple_of3A_1482 = tpu.assume_multiple %add3A_1481, 4 : i32
      %dma_wait3A_1483 = arith.constant 0 : i32
      %dma_wait3A_1484 = arith.constant 0 : i32
      %dma_wait3A_1485 = arith.constant 0 : i32
      %dma_wait3A_1486 = tpu.memref_slice %arg13[%dma_wait3A_1483, %dma_wait3A_1484, %dma_wait3A_1485] : memref<3x20x128xf32, #tpu.memory_space<vmem>> -> memref<1x20x128xf32, #tpu.memory_space<vmem>>
      %dma_wait3A_1487 = tpu.memref_squeeze %dma_wait3A_1486 : memref<1x20x128xf32, #tpu.memory_space<vmem>> -> memref<20x128xf32, #tpu.memory_space<vmem>>
      %dma_wait3A_1488 = arith.constant 0 : i32
      %dma_wait3A_1489 = tpu.memref_slice %arg3[%multiple_of3A_1482, %dma_wait3A_1488] : memref<80000x128xf32, #tpu.memory_space<hbm>> -> memref<20x128xf32, #tpu.memory_space<hbm>>
      %dma_wait3A_1490 = arith.constant 0 : i32
      %dma_wait3A_1491 = arith.constant 0 : i32
      %dma_wait3A_1492 = tpu.memref_slice %arg13[%dma_wait3A_1483, %dma_wait3A_1490, %dma_wait3A_1491] : memref<3x20x128xf32, #tpu.memory_space<vmem>> -> memref<1x20x128xf32, #tpu.memory_space<vmem>>
      %dma_wait3A_1493 = tpu.memref_squeeze %dma_wait3A_1492 : memref<1x20x128xf32, #tpu.memory_space<vmem>> -> memref<20x128xf32, #tpu.memory_space<vmem>>
      %dma_wait3A_1494 = arith.constant 0 : i32
      %dma_wait3A_1495 = tpu.memref_slice %arg3[%multiple_of3A_1482, %dma_wait3A_1494] : memref<80000x128xf32, #tpu.memory_space<hbm>> -> memref<20x128xf32, #tpu.memory_space<hbm>>
      tpu.wait_dma2 semaphore(%arg17 : memref<!tpu.dma_semaphore, #tpu.memory_space<semaphore_mem>>) src(%dma_wait3A_1495 : memref<20x128xf32, #tpu.memory_space<hbm>>) dst(%dma_wait3A_1493 : memref<20x128xf32, #tpu.memory_space<vmem>>)
      %dma_start3A_1496 = arith.constant 0 : i32
      %dma_start3A_1497 = arith.constant 0 : i32
      %dma_start3A_1498 = arith.constant 0 : i32
      %dma_start3A_1499 = arith.constant 0 : i32
      %dma_start3A_1500 = tpu.memref_slice %arg12[%dma_start3A_1497, %dma_start3A_1498, %dma_start3A_1499] : memref<3x80x32xf32, #tpu.memory_space<vmem>> -> memref<1x80x32xf32, #tpu.memory_space<vmem>>
      %dma_start3A_1501 = tpu.memref_squeeze %dma_start3A_1500 : memref<1x80x32xf32, #tpu.memory_space<vmem>> -> memref<80x32xf32, #tpu.memory_space<vmem>>
      %dma_start3A_1502 = arith.constant 0 : i32
      %dma_start3A_1503 = tpu.memref_slice %arg11[%dma_start3A_1496, %dma_start3A_1502] : memref<3x80xi32, #tpu.memory_space<vmem>> -> memref<1x80xi32, #tpu.memory_space<vmem>>
      %dma_start3A_1504 = tpu.memref_squeeze %dma_start3A_1503 : memref<1x80xi32, #tpu.memory_space<vmem>> -> memref<80xi32, #tpu.memory_space<vmem>>
      %dma_start3A_1505 = arith.constant 0 : i32
      %dma_start3A_1506 = arith.constant 0 : i32
      %dma_start3A_1507 = tpu.memref_slice %arg2[%dma_start3A_1505, %dma_start3A_1506] : memref<10000x32xf32, #tpu.memory_space<hbm>> -> memref<10000x32xf32, #tpu.memory_space<hbm>>
      tpu.enqueue_indirect_dma source(%dma_start3A_1507 : memref<10000x32xf32, #tpu.memory_space<hbm>>) target(%dma_start3A_1501 : memref<80x32xf32, #tpu.memory_space<vmem>>) offsets(%dma_start3A_1504 : memref<80xi32, #tpu.memory_space<vmem>>) semaphore(%arg20 : memref<!tpu.dma_semaphore, #tpu.memory_space<semaphore_mem>>)
      %dma_wait3A_1508 = arith.constant 1 : i32
      %dma_wait3A_1509 = arith.constant 1 : i32
      %dma_wait3A_1510 = arith.constant 0 : i32
      %dma_wait3A_1511 = arith.constant 0 : i32
      %dma_wait3A_1512 = tpu.memref_slice %arg12[%dma_wait3A_1508, %dma_wait3A_1510, %dma_wait3A_1511] : memref<3x80x32xf32, #tpu.memory_space<vmem>> -> memref<1x80x32xf32, #tpu.memory_space<vmem>>
      %dma_wait3A_1513 = tpu.memref_squeeze %dma_wait3A_1512 : memref<1x80x32xf32, #tpu.memory_space<vmem>> -> memref<80x32xf32, #tpu.memory_space<vmem>>
      %dma_wait3A_1514 = arith.constant 0 : i32
      %dma_wait3A_1515 = tpu.memref_slice %arg10[%dma_wait3A_1509, %dma_wait3A_1514] : memref<3x80xi32, #tpu.memory_space<vmem>> -> memref<1x80xi32, #tpu.memory_space<vmem>>
      %dma_wait3A_1516 = tpu.memref_squeeze %dma_wait3A_1515 : memref<1x80xi32, #tpu.memory_space<vmem>> -> memref<80xi32, #tpu.memory_space<vmem>>
      %dma_wait3A_1517 = arith.constant 0 : i32
      %dma_wait3A_1518 = arith.constant 0 : i32
      %dma_wait3A_1519 = tpu.memref_slice %arg8[%dma_wait3A_1517, %dma_wait3A_1518] : memref<10240x32xf32, #tpu.memory_space<vmem_shared>> -> memref<10240x32xf32, #tpu.memory_space<vmem_shared>>
      tpu.wait_indirect_dma semaphore(%arg24 : memref<!tpu.dma_semaphore, #tpu.memory_space<semaphore_mem>>) src(%dma_wait3A_1513 : memref<80x32xf32, #tpu.memory_space<vmem>>) dst(%dma_wait3A_1519 : memref<10240x32xf32, #tpu.memory_space<vmem_shared>>)
      %dma_wait3A_1520 = arith.constant 1 : i32
      %dma_wait3A_1521 = arith.constant 0 : i32
      %dma_wait3A_1522 = tpu.memref_slice %arg10[%dma_wait3A_1520, %dma_wait3A_1521] : memref<3x80xi32, #tpu.memory_space<vmem>> -> memref<1x80xi32, #tpu.memory_space<vmem>>
      %dma_wait3A_1523 = tpu.memref_squeeze %dma_wait3A_1522 : memref<1x80xi32, #tpu.memory_space<vmem>> -> memref<80xi32, #tpu.memory_space<vmem>>
      %dma_wait3A_1524 = arith.constant 0 : i32
      %dma_wait3A_1525 = tpu.memref_slice %arg9[%dma_wait3A_1524] : memref<10240xf32, #tpu.memory_space<vmem_shared>> -> memref<10240xf32, #tpu.memory_space<vmem_shared>>
      tpu.wait_indirect_dma semaphore(%arg24 : memref<!tpu.dma_semaphore, #tpu.memory_space<semaphore_mem>>) src(%arg14 : memref<80xf32, #tpu.memory_space<vmem>>) dst(%dma_wait3A_1525 : memref<10240xf32, #tpu.memory_space<vmem_shared>>)
      %add3A_1526 = arith.constant 2 : i32
      %add3A_1527 = arith.addi %add3A_1414, %add3A_1526 : i32
      %mul3A_1528 = arith.constant 10000 : i32
      %mul3A_1529 = arith.muli %add3A, %mul3A_1528 : i32
      %mul3A_1530 = arith.constant 80 : i32
      %mul3A_1531 = arith.muli %add3A_1527, %mul3A_1530 : i32
      %add3A_1532 = arith.addi %mul3A_1529, %mul3A_1531 : i32
      %multiple_of3A_1533 = tpu.assume_multiple %add3A_1532, 8 : i32
      %dma_start3A_1534 = arith.constant 1 : i32
      %dma_start3A_1535 = arith.constant 0 : i32
      %dma_start3A_1536 = tpu.memref_slice %arg11[%dma_start3A_1534, %dma_start3A_1535] : memref<3x80xi32, #tpu.memory_space<vmem>> -> memref<1x80xi32, #tpu.memory_space<vmem>>
      %dma_start3A_1537 = tpu.memref_squeeze %dma_start3A_1536 : memref<1x80xi32, #tpu.memory_space<vmem>> -> memref<80xi32, #tpu.memory_space<vmem>>
      %dma_start3A_1538 = tpu.memref_slice %arg4[%multiple_of3A_1533] : memref<320000xi32, #tpu.memory_space<hbm>> -> memref<80xi32, #tpu.memory_space<hbm>>
      %dma_start3A_1539 = arith.constant 0 : i32
      %dma_start3A_1540 = tpu.memref_slice %arg11[%dma_start3A_1534, %dma_start3A_1539] : memref<3x80xi32, #tpu.memory_space<vmem>> -> memref<1x80xi32, #tpu.memory_space<vmem>>
      %dma_start3A_1541 = tpu.memref_squeeze %dma_start3A_1540 : memref<1x80xi32, #tpu.memory_space<vmem>> -> memref<80xi32, #tpu.memory_space<vmem>>
      %dma_start3A_1542 = tpu.memref_slice %arg4[%multiple_of3A_1533] : memref<320000xi32, #tpu.memory_space<hbm>> -> memref<80xi32, #tpu.memory_space<hbm>>
      tpu.enqueue_dma source(%dma_start3A_1542 : memref<80xi32, #tpu.memory_space<hbm>>) target(%dma_start3A_1541 : memref<80xi32, #tpu.memory_space<vmem>>) target_semaphore(%arg18 : memref<!tpu.dma_semaphore, #tpu.memory_space<semaphore_mem>>)
      %dma_start3A_1543 = arith.constant 1 : i32
      %dma_start3A_1544 = arith.constant 0 : i32
      %dma_start3A_1545 = tpu.memref_slice %arg10[%dma_start3A_1543, %dma_start3A_1544] : memref<3x80xi32, #tpu.memory_space<vmem>> -> memref<1x80xi32, #tpu.memory_space<vmem>>
      %dma_start3A_1546 = tpu.memref_squeeze %dma_start3A_1545 : memref<1x80xi32, #tpu.memory_space<vmem>> -> memref<80xi32, #tpu.memory_space<vmem>>
      %dma_start3A_1547 = tpu.memref_slice %arg5[%multiple_of3A_1533] : memref<320000xi32, #tpu.memory_space<hbm>> -> memref<80xi32, #tpu.memory_space<hbm>>
      %dma_start3A_1548 = arith.constant 0 : i32
      %dma_start3A_1549 = tpu.memref_slice %arg10[%dma_start3A_1543, %dma_start3A_1548] : memref<3x80xi32, #tpu.memory_space<vmem>> -> memref<1x80xi32, #tpu.memory_space<vmem>>
      %dma_start3A_1550 = tpu.memref_squeeze %dma_start3A_1549 : memref<1x80xi32, #tpu.memory_space<vmem>> -> memref<80xi32, #tpu.memory_space<vmem>>
      %dma_start3A_1551 = tpu.memref_slice %arg5[%multiple_of3A_1533] : memref<320000xi32, #tpu.memory_space<hbm>> -> memref<80xi32, #tpu.memory_space<hbm>>
      tpu.enqueue_dma source(%dma_start3A_1551 : memref<80xi32, #tpu.memory_space<hbm>>) target(%dma_start3A_1550 : memref<80xi32, #tpu.memory_space<vmem>>) target_semaphore(%arg18 : memref<!tpu.dma_semaphore, #tpu.memory_space<semaphore_mem>>)
      %mul3A_1552 = arith.constant 10000 : i32
      %mul3A_1553 = arith.muli %add3A, %mul3A_1552 : i32
      %jit3A_1554 = arith.constant 4 : i32
      %div3A_1555 = arith.divsi %mul3A_1553, %jit3A_1554 : i32
      %sign3A_1556 = arith.constant 0 : i32
      %sign3A_1557 = arith.cmpi sgt, %mul3A_1553, %sign3A_1556 : i32
      %sign3A_1558 = arith.extui %sign3A_1557 : i1 to i32
      %sign3A_1559 = arith.constant 0 : i32
      %sign3A_1560 = arith.cmpi slt, %mul3A_1553, %sign3A_1559 : i32
      %sign3A_1561 = arith.extui %sign3A_1560 : i1 to i32
      %sign3A_1562 = arith.subi %sign3A_1558, %sign3A_1561 : i32
      %sign3A_1563 = arith.constant 0 : i32
      %sign3A_1564 = arith.cmpi sgt, %jit3A_1554, %sign3A_1563 : i32
      %sign3A_1565 = arith.extui %sign3A_1564 : i1 to i32
      %sign3A_1566 = arith.constant 0 : i32
      %sign3A_1567 = arith.cmpi slt, %jit3A_1554, %sign3A_1566 : i32
      %sign3A_1568 = arith.extui %sign3A_1567 : i1 to i32
      %sign3A_1569 = arith.subi %sign3A_1565, %sign3A_1568 : i32
      %ne3A_1570 = arith.cmpi ne, %sign3A_1562, %sign3A_1569 : i32
      %rem3A_1571 = arith.remsi %mul3A_1553, %jit3A_1554 : i32
      %ne3A_1572 = arith.constant 0 : i32
      %ne3A_1573 = arith.cmpi ne, %rem3A_1571, %ne3A_1572 : i32
      %and3A_1574 = arith.andi %ne3A_1570, %ne3A_1573 : i1
      %sub3A_1575 = arith.constant 1 : i32
      %sub3A_1576 = arith.subi %div3A_1555, %sub3A_1575 : i32
      %select_n3A_1577 = arith.select %and3A_1574, %sub3A_1576, %div3A_1555 : i32
      %mul3A_1578 = arith.constant 20 : i32
      %mul3A_1579 = arith.muli %add3A_1527, %mul3A_1578 : i32
      %add3A_1580 = arith.addi %select_n3A_1577, %mul3A_1579 : i32
      %multiple_of3A_1581 = tpu.assume_multiple %add3A_1580, 4 : i32
      %dma_start3A_1582 = arith.constant 1 : i32
      %dma_start3A_1583 = arith.constant 0 : i32
      %dma_start3A_1584 = arith.constant 0 : i32
      %dma_start3A_1585 = tpu.memref_slice %arg13[%dma_start3A_1582, %dma_start3A_1583, %dma_start3A_1584] : memref<3x20x128xf32, #tpu.memory_space<vmem>> -> memref<1x20x128xf32, #tpu.memory_space<vmem>>
      %dma_start3A_1586 = tpu.memref_squeeze %dma_start3A_1585 : memref<1x20x128xf32, #tpu.memory_space<vmem>> -> memref<20x128xf32, #tpu.memory_space<vmem>>
      %dma_start3A_1587 = arith.constant 0 : i32
      %dma_start3A_1588 = tpu.memref_slice %arg3[%multiple_of3A_1581, %dma_start3A_1587] : memref<80000x128xf32, #tpu.memory_space<hbm>> -> memref<20x128xf32, #tpu.memory_space<hbm>>
      %dma_start3A_1589 = arith.constant 0 : i32
      %dma_start3A_1590 = arith.constant 0 : i32
      %dma_start3A_1591 = tpu.memref_slice %arg13[%dma_start3A_1582, %dma_start3A_1589, %dma_start3A_1590] : memref<3x20x128xf32, #tpu.memory_space<vmem>> -> memref<1x20x128xf32, #tpu.memory_space<vmem>>
      %dma_start3A_1592 = tpu.memref_squeeze %dma_start3A_1591 : memref<1x20x128xf32, #tpu.memory_space<vmem>> -> memref<20x128xf32, #tpu.memory_space<vmem>>
      %dma_start3A_1593 = arith.constant 0 : i32
      %dma_start3A_1594 = tpu.memref_slice %arg3[%multiple_of3A_1581, %dma_start3A_1593] : memref<80000x128xf32, #tpu.memory_space<hbm>> -> memref<20x128xf32, #tpu.memory_space<hbm>>
      tpu.enqueue_dma source(%dma_start3A_1594 : memref<20x128xf32, #tpu.memory_space<hbm>>) target(%dma_start3A_1592 : memref<20x128xf32, #tpu.memory_space<vmem>>) target_semaphore(%arg18 : memref<!tpu.dma_semaphore, #tpu.memory_space<semaphore_mem>>)
      %scan3A_1595 = arith.constant 0 : i32
      %scan3A_1596 = arith.constant 20 : i32
      %scan3A_1597 = arith.addi %scan3A_1595, %scan3A_1596 : i32
      %scan3A_1598 = arith.constant 1 : i32
      scf.for %scan3A_1618 = %scan3A_1595 to %scan3A_1597 step %scan3A_1598  : i32 {
        %mul3A_1619 = arith.constant 4 : i32
        %mul3A_1620 = arith.muli %mul3A_1619, %scan3A_1618 : i32
        %add3A_1621 = arith.constant 0 : i32
        %add3A_1622 = arith.addi %mul3A_1620, %add3A_1621 : i32
        %get3A = arith.constant 2 : i32
        %get3A_1623 = arith.index_cast %get3A : i32 to index
        %get3A_1624 = arith.index_cast %add3A_1622 : i32 to index
        %get3A_1625 = arith.constant 0 : index
        %get3A_1626 = tpu.vector_load %arg12[%get3A_1623, %get3A_1624, %get3A_1625] {strides = array<i32>} : memref<3x80x32xf32, #tpu.memory_space<vmem>>, vector<1x1x16xf32>,
        %get3A_1627 = vector.shape_cast %get3A_1626 : vector<1x1x16xf32> to vector<16xf32>
        %get3A_1628 = arith.constant 2 : i32
        %get3A_1629 = arith.index_cast %get3A_1628 : i32 to index
        %get3A_1630 = arith.index_cast %scan3A_1618 : i32 to index
        %get3A_1631 = arith.constant 0 : index
        %get3A_1632 = tpu.vector_load %arg13[%get3A_1629, %get3A_1630, %get3A_1631] {strides = array<i32>} : memref<3x20x128xf32, #tpu.memory_space<vmem>>, vector<1x1x16xf32>,
        %get3A_1633 = vector.shape_cast %get3A_1632 : vector<1x1x16xf32> to vector<16xf32>
        %add3A_1634 = arith.addf %get3A_1627, %get3A_1633 : vector<16xf32>
        %max3A = arith.constant 0.000000e+00 : f32
        %max3A_1635 = vector.broadcast %max3A : f32 to vector<16xf32>
        %max3A_1636 = arith.maximumf %add3A_1634, %max3A_1635 : vector<16xf32>
        %add3A_1637 = arith.constant 0 : i32
        %add3A_1638 = arith.addi %mul3A_1620, %add3A_1637 : i32
        %swap3A = arith.constant 2 : i32
        %swap3A_1639 = arith.index_cast %swap3A : i32 to index
        %swap3A_1640 = arith.index_cast %add3A_1638 : i32 to index
        %swap3A_1641 = arith.constant 0 : index
        %swap3A_1642 = tpu.vector_load %arg12[%swap3A_1639, %swap3A_1640, %swap3A_1641] {strides = array<i32>} : memref<3x80x32xf32, #tpu.memory_space<vmem>>, vector<1x1x16xf32>,
        %swap3A_1643 = vector.shape_cast %swap3A_1642 : vector<1x1x16xf32> to vector<16xf32>
        %swap3A_1644 = vector.shape_cast %max3A_1636 : vector<16xf32> to vector<1x1x16xf32>
        tpu.vector_store %arg12[%swap3A_1639, %swap3A_1640, %swap3A_1641], %swap3A_1644 {strides = array<i32>} : memref<3x80x32xf32, #tpu.memory_space<vmem>>, vector<1x1x16xf32>,
        %add3A_1645 = arith.constant 0 : i32
        %add3A_1646 = arith.addi %mul3A_1620, %add3A_1645 : i32
        %get3A_1647 = arith.constant 2 : i32
        %get3A_1648 = arith.index_cast %get3A_1647 : i32 to index
        %get3A_1649 = arith.index_cast %add3A_1646 : i32 to index
        %get3A_1650 = arith.constant 16 : index
        %get3A_1651 = tpu.vector_load %arg12[%get3A_1648, %get3A_1649, %get3A_1650] {strides = array<i32>} : memref<3x80x32xf32, #tpu.memory_space<vmem>>, vector<1x1x16xf32>,
        %get3A_1652 = vector.shape_cast %get3A_1651 : vector<1x1x16xf32> to vector<16xf32>
        %get3A_1653 = arith.constant 2 : i32
        %get3A_1654 = arith.index_cast %get3A_1653 : i32 to index
        %get3A_1655 = arith.index_cast %scan3A_1618 : i32 to index
        %get3A_1656 = arith.constant 16 : index
        %get3A_1657 = tpu.vector_load %arg13[%get3A_1654, %get3A_1655, %get3A_1656] {strides = array<i32>} : memref<3x20x128xf32, #tpu.memory_space<vmem>>, vector<1x1x16xf32>,
        %get3A_1658 = vector.shape_cast %get3A_1657 : vector<1x1x16xf32> to vector<16xf32>
        %add3A_1659 = arith.addf %get3A_1652, %get3A_1658 : vector<16xf32>
        %max3A_1660 = arith.constant 0.000000e+00 : f32
        %max3A_1661 = vector.broadcast %max3A_1660 : f32 to vector<16xf32>
        %max3A_1662 = arith.maximumf %add3A_1659, %max3A_1661 : vector<16xf32>
        %add3A_1663 = arith.constant 0 : i32
        %add3A_1664 = arith.addi %mul3A_1620, %add3A_1663 : i32
        %swap3A_1665 = arith.constant 2 : i32
        %swap3A_1666 = arith.index_cast %swap3A_1665 : i32 to index
        %swap3A_1667 = arith.index_cast %add3A_1664 : i32 to index
        %swap3A_1668 = arith.constant 16 : index
        %swap3A_1669 = tpu.vector_load %arg12[%swap3A_1666, %swap3A_1667, %swap3A_1668] {strides = array<i32>} : memref<3x80x32xf32, #tpu.memory_space<vmem>>, vector<1x1x16xf32>,
        %swap3A_1670 = vector.shape_cast %swap3A_1669 : vector<1x1x16xf32> to vector<16xf32>
        %swap3A_1671 = vector.shape_cast %max3A_1662 : vector<16xf32> to vector<1x1x16xf32>
        tpu.vector_store %arg12[%swap3A_1666, %swap3A_1667, %swap3A_1668], %swap3A_1671 {strides = array<i32>} : memref<3x80x32xf32, #tpu.memory_space<vmem>>, vector<1x1x16xf32>,
        %add3A_1672 = arith.constant 1 : i32
        %add3A_1673 = arith.addi %mul3A_1620, %add3A_1672 : i32
        %get3A_1674 = arith.constant 2 : i32
        %get3A_1675 = arith.index_cast %get3A_1674 : i32 to index
        %get3A_1676 = arith.index_cast %add3A_1673 : i32 to index
        %get3A_1677 = arith.constant 0 : index
        %get3A_1678 = tpu.vector_load %arg12[%get3A_1675, %get3A_1676, %get3A_1677] {strides = array<i32>} : memref<3x80x32xf32, #tpu.memory_space<vmem>>, vector<1x1x16xf32>,
        %get3A_1679 = vector.shape_cast %get3A_1678 : vector<1x1x16xf32> to vector<16xf32>
        %get3A_1680 = arith.constant 2 : i32
        %get3A_1681 = arith.index_cast %get3A_1680 : i32 to index
        %get3A_1682 = arith.index_cast %scan3A_1618 : i32 to index
        %get3A_1683 = arith.constant 32 : index
        %get3A_1684 = tpu.vector_load %arg13[%get3A_1681, %get3A_1682, %get3A_1683] {strides = array<i32>} : memref<3x20x128xf32, #tpu.memory_space<vmem>>, vector<1x1x16xf32>,
        %get3A_1685 = vector.shape_cast %get3A_1684 : vector<1x1x16xf32> to vector<16xf32>
        %add3A_1686 = arith.addf %get3A_1679, %get3A_1685 : vector<16xf32>
        %max3A_1687 = arith.constant 0.000000e+00 : f32
        %max3A_1688 = vector.broadcast %max3A_1687 : f32 to vector<16xf32>
        %max3A_1689 = arith.maximumf %add3A_1686, %max3A_1688 : vector<16xf32>
        %add3A_1690 = arith.constant 1 : i32
        %add3A_1691 = arith.addi %mul3A_1620, %add3A_1690 : i32
        %swap3A_1692 = arith.constant 2 : i32
        %swap3A_1693 = arith.index_cast %swap3A_1692 : i32 to index
        %swap3A_1694 = arith.index_cast %add3A_1691 : i32 to index
        %swap3A_1695 = arith.constant 0 : index
        %swap3A_1696 = tpu.vector_load %arg12[%swap3A_1693, %swap3A_1694, %swap3A_1695] {strides = array<i32>} : memref<3x80x32xf32, #tpu.memory_space<vmem>>, vector<1x1x16xf32>,
        %swap3A_1697 = vector.shape_cast %swap3A_1696 : vector<1x1x16xf32> to vector<16xf32>
        %swap3A_1698 = vector.shape_cast %max3A_1689 : vector<16xf32> to vector<1x1x16xf32>
        tpu.vector_store %arg12[%swap3A_1693, %swap3A_1694, %swap3A_1695], %swap3A_1698 {strides = array<i32>} : memref<3x80x32xf32, #tpu.memory_space<vmem>>, vector<1x1x16xf32>,
        %add3A_1699 = arith.constant 1 : i32
        %add3A_1700 = arith.addi %mul3A_1620, %add3A_1699 : i32
        %get3A_1701 = arith.constant 2 : i32
        %get3A_1702 = arith.index_cast %get3A_1701 : i32 to index
        %get3A_1703 = arith.index_cast %add3A_1700 : i32 to index
        %get3A_1704 = arith.constant 16 : index
        %get3A_1705 = tpu.vector_load %arg12[%get3A_1702, %get3A_1703, %get3A_1704] {strides = array<i32>} : memref<3x80x32xf32, #tpu.memory_space<vmem>>, vector<1x1x16xf32>,
        %get3A_1706 = vector.shape_cast %get3A_1705 : vector<1x1x16xf32> to vector<16xf32>
        %get3A_1707 = arith.constant 2 : i32
        %get3A_1708 = arith.index_cast %get3A_1707 : i32 to index
        %get3A_1709 = arith.index_cast %scan3A_1618 : i32 to index
        %get3A_1710 = arith.constant 48 : index
        %get3A_1711 = tpu.vector_load %arg13[%get3A_1708, %get3A_1709, %get3A_1710] {strides = array<i32>} : memref<3x20x128xf32, #tpu.memory_space<vmem>>, vector<1x1x16xf32>,
        %get3A_1712 = vector.shape_cast %get3A_1711 : vector<1x1x16xf32> to vector<16xf32>
        %add3A_1713 = arith.addf %get3A_1706, %get3A_1712 : vector<16xf32>
        %max3A_1714 = arith.constant 0.000000e+00 : f32
        %max3A_1715 = vector.broadcast %max3A_1714 : f32 to vector<16xf32>
        %max3A_1716 = arith.maximumf %add3A_1713, %max3A_1715 : vector<16xf32>
        %add3A_1717 = arith.constant 1 : i32
        %add3A_1718 = arith.addi %mul3A_1620, %add3A_1717 : i32
        %swap3A_1719 = arith.constant 2 : i32
        %swap3A_1720 = arith.index_cast %swap3A_1719 : i32 to index
        %swap3A_1721 = arith.index_cast %add3A_1718 : i32 to index
        %swap3A_1722 = arith.constant 16 : index
        %swap3A_1723 = tpu.vector_load %arg12[%swap3A_1720, %swap3A_1721, %swap3A_1722] {strides = array<i32>} : memref<3x80x32xf32, #tpu.memory_space<vmem>>, vector<1x1x16xf32>,
        %swap3A_1724 = vector.shape_cast %swap3A_1723 : vector<1x1x16xf32> to vector<16xf32>
        %swap3A_1725 = vector.shape_cast %max3A_1716 : vector<16xf32> to vector<1x1x16xf32>
        tpu.vector_store %arg12[%swap3A_1720, %swap3A_1721, %swap3A_1722], %swap3A_1725 {strides = array<i32>} : memref<3x80x32xf32, #tpu.memory_space<vmem>>, vector<1x1x16xf32>,
        %add3A_1726 = arith.constant 2 : i32
        %add3A_1727 = arith.addi %mul3A_1620, %add3A_1726 : i32
        %get3A_1728 = arith.constant 2 : i32
        %get3A_1729 = arith.index_cast %get3A_1728 : i32 to index
        %get3A_1730 = arith.index_cast %add3A_1727 : i32 to index
        %get3A_1731 = arith.constant 0 : index
        %get3A_1732 = tpu.vector_load %arg12[%get3A_1729, %get3A_1730, %get3A_1731] {strides = array<i32>} : memref<3x80x32xf32, #tpu.memory_space<vmem>>, vector<1x1x16xf32>,
        %get3A_1733 = vector.shape_cast %get3A_1732 : vector<1x1x16xf32> to vector<16xf32>
        %get3A_1734 = arith.constant 2 : i32
        %get3A_1735 = arith.index_cast %get3A_1734 : i32 to index
        %get3A_1736 = arith.index_cast %scan3A_1618 : i32 to index
        %get3A_1737 = arith.constant 64 : index
        %get3A_1738 = tpu.vector_load %arg13[%get3A_1735, %get3A_1736, %get3A_1737] {strides = array<i32>} : memref<3x20x128xf32, #tpu.memory_space<vmem>>, vector<1x1x16xf32>,
        %get3A_1739 = vector.shape_cast %get3A_1738 : vector<1x1x16xf32> to vector<16xf32>
        %add3A_1740 = arith.addf %get3A_1733, %get3A_1739 : vector<16xf32>
        %max3A_1741 = arith.constant 0.000000e+00 : f32
        %max3A_1742 = vector.broadcast %max3A_1741 : f32 to vector<16xf32>
        %max3A_1743 = arith.maximumf %add3A_1740, %max3A_1742 : vector<16xf32>
        %add3A_1744 = arith.constant 2 : i32
        %add3A_1745 = arith.addi %mul3A_1620, %add3A_1744 : i32
        %swap3A_1746 = arith.constant 2 : i32
        %swap3A_1747 = arith.index_cast %swap3A_1746 : i32 to index
        %swap3A_1748 = arith.index_cast %add3A_1745 : i32 to index
        %swap3A_1749 = arith.constant 0 : index
        %swap3A_1750 = tpu.vector_load %arg12[%swap3A_1747, %swap3A_1748, %swap3A_1749] {strides = array<i32>} : memref<3x80x32xf32, #tpu.memory_space<vmem>>, vector<1x1x16xf32>,
        %swap3A_1751 = vector.shape_cast %swap3A_1750 : vector<1x1x16xf32> to vector<16xf32>
        %swap3A_1752 = vector.shape_cast %max3A_1743 : vector<16xf32> to vector<1x1x16xf32>
        tpu.vector_store %arg12[%swap3A_1747, %swap3A_1748, %swap3A_1749], %swap3A_1752 {strides = array<i32>} : memref<3x80x32xf32, #tpu.memory_space<vmem>>, vector<1x1x16xf32>,
        %add3A_1753 = arith.constant 2 : i32
        %add3A_1754 = arith.addi %mul3A_1620, %add3A_1753 : i32
        %get3A_1755 = arith.constant 2 : i32
        %get3A_1756 = arith.index_cast %get3A_1755 : i32 to index
        %get3A_1757 = arith.index_cast %add3A_1754 : i32 to index
        %get3A_1758 = arith.constant 16 : index
        %get3A_1759 = tpu.vector_load %arg12[%get3A_1756, %get3A_1757, %get3A_1758] {strides = array<i32>} : memref<3x80x32xf32, #tpu.memory_space<vmem>>, vector<1x1x16xf32>,
        %get3A_1760 = vector.shape_cast %get3A_1759 : vector<1x1x16xf32> to vector<16xf32>
        %get3A_1761 = arith.constant 2 : i32
        %get3A_1762 = arith.index_cast %get3A_1761 : i32 to index
        %get3A_1763 = arith.index_cast %scan3A_1618 : i32 to index
        %get3A_1764 = arith.constant 80 : index
        %get3A_1765 = tpu.vector_load %arg13[%get3A_1762, %get3A_1763, %get3A_1764] {strides = array<i32>} : memref<3x20x128xf32, #tpu.memory_space<vmem>>, vector<1x1x16xf32>,
        %get3A_1766 = vector.shape_cast %get3A_1765 : vector<1x1x16xf32> to vector<16xf32>
        %add3A_1767 = arith.addf %get3A_1760, %get3A_1766 : vector<16xf32>
        %max3A_1768 = arith.constant 0.000000e+00 : f32
        %max3A_1769 = vector.broadcast %max3A_1768 : f32 to vector<16xf32>
        %max3A_1770 = arith.maximumf %add3A_1767, %max3A_1769 : vector<16xf32>
        %add3A_1771 = arith.constant 2 : i32
        %add3A_1772 = arith.addi %mul3A_1620, %add3A_1771 : i32
        %swap3A_1773 = arith.constant 2 : i32
        %swap3A_1774 = arith.index_cast %swap3A_1773 : i32 to index
        %swap3A_1775 = arith.index_cast %add3A_1772 : i32 to index
        %swap3A_1776 = arith.constant 16 : index
        %swap3A_1777 = tpu.vector_load %arg12[%swap3A_1774, %swap3A_1775, %swap3A_1776] {strides = array<i32>} : memref<3x80x32xf32, #tpu.memory_space<vmem>>, vector<1x1x16xf32>,
        %swap3A_1778 = vector.shape_cast %swap3A_1777 : vector<1x1x16xf32> to vector<16xf32>
        %swap3A_1779 = vector.shape_cast %max3A_1770 : vector<16xf32> to vector<1x1x16xf32>
        tpu.vector_store %arg12[%swap3A_1774, %swap3A_1775, %swap3A_1776], %swap3A_1779 {strides = array<i32>} : memref<3x80x32xf32, #tpu.memory_space<vmem>>, vector<1x1x16xf32>,
        %add3A_1780 = arith.constant 3 : i32
        %add3A_1781 = arith.addi %mul3A_1620, %add3A_1780 : i32
        %get3A_1782 = arith.constant 2 : i32
        %get3A_1783 = arith.index_cast %get3A_1782 : i32 to index
        %get3A_1784 = arith.index_cast %add3A_1781 : i32 to index
        %get3A_1785 = arith.constant 0 : index
        %get3A_1786 = tpu.vector_load %arg12[%get3A_1783, %get3A_1784, %get3A_1785] {strides = array<i32>} : memref<3x80x32xf32, #tpu.memory_space<vmem>>, vector<1x1x16xf32>,
        %get3A_1787 = vector.shape_cast %get3A_1786 : vector<1x1x16xf32> to vector<16xf32>
        %get3A_1788 = arith.constant 2 : i32
        %get3A_1789 = arith.index_cast %get3A_1788 : i32 to index
        %get3A_1790 = arith.index_cast %scan3A_1618 : i32 to index
        %get3A_1791 = arith.constant 96 : index
        %get3A_1792 = tpu.vector_load %arg13[%get3A_1789, %get3A_1790, %get3A_1791] {strides = array<i32>} : memref<3x20x128xf32, #tpu.memory_space<vmem>>, vector<1x1x16xf32>,
        %get3A_1793 = vector.shape_cast %get3A_1792 : vector<1x1x16xf32> to vector<16xf32>
        %add3A_1794 = arith.addf %get3A_1787, %get3A_1793 : vector<16xf32>
        %max3A_1795 = arith.constant 0.000000e+00 : f32
        %max3A_1796 = vector.broadcast %max3A_1795 : f32 to vector<16xf32>
        %max3A_1797 = arith.maximumf %add3A_1794, %max3A_1796 : vector<16xf32>
        %add3A_1798 = arith.constant 3 : i32
        %add3A_1799 = arith.addi %mul3A_1620, %add3A_1798 : i32
        %swap3A_1800 = arith.constant 2 : i32
        %swap3A_1801 = arith.index_cast %swap3A_1800 : i32 to index
        %swap3A_1802 = arith.index_cast %add3A_1799 : i32 to index
        %swap3A_1803 = arith.constant 0 : index
        %swap3A_1804 = tpu.vector_load %arg12[%swap3A_1801, %swap3A_1802, %swap3A_1803] {strides = array<i32>} : memref<3x80x32xf32, #tpu.memory_space<vmem>>, vector<1x1x16xf32>,
        %swap3A_1805 = vector.shape_cast %swap3A_1804 : vector<1x1x16xf32> to vector<16xf32>
        %swap3A_1806 = vector.shape_cast %max3A_1797 : vector<16xf32> to vector<1x1x16xf32>
        tpu.vector_store %arg12[%swap3A_1801, %swap3A_1802, %swap3A_1803], %swap3A_1806 {strides = array<i32>} : memref<3x80x32xf32, #tpu.memory_space<vmem>>, vector<1x1x16xf32>,
        %add3A_1807 = arith.constant 3 : i32
        %add3A_1808 = arith.addi %mul3A_1620, %add3A_1807 : i32
        %get3A_1809 = arith.constant 2 : i32
        %get3A_1810 = arith.index_cast %get3A_1809 : i32 to index
        %get3A_1811 = arith.index_cast %add3A_1808 : i32 to index
        %get3A_1812 = arith.constant 16 : index
        %get3A_1813 = tpu.vector_load %arg12[%get3A_1810, %get3A_1811, %get3A_1812] {strides = array<i32>} : memref<3x80x32xf32, #tpu.memory_space<vmem>>, vector<1x1x16xf32>,
        %get3A_1814 = vector.shape_cast %get3A_1813 : vector<1x1x16xf32> to vector<16xf32>
        %get3A_1815 = arith.constant 2 : i32
        %get3A_1816 = arith.index_cast %get3A_1815 : i32 to index
        %get3A_1817 = arith.index_cast %scan3A_1618 : i32 to index
        %get3A_1818 = arith.constant 112 : index
        %get3A_1819 = tpu.vector_load %arg13[%get3A_1816, %get3A_1817, %get3A_1818] {strides = array<i32>} : memref<3x20x128xf32, #tpu.memory_space<vmem>>, vector<1x1x16xf32>,
        %get3A_1820 = vector.shape_cast %get3A_1819 : vector<1x1x16xf32> to vector<16xf32>
        %add3A_1821 = arith.addf %get3A_1814, %get3A_1820 : vector<16xf32>
        %max3A_1822 = arith.constant 0.000000e+00 : f32
        %max3A_1823 = vector.broadcast %max3A_1822 : f32 to vector<16xf32>
        %max3A_1824 = arith.maximumf %add3A_1821, %max3A_1823 : vector<16xf32>
        %add3A_1825 = arith.constant 3 : i32
        %add3A_1826 = arith.addi %mul3A_1620, %add3A_1825 : i32
        %swap3A_1827 = arith.constant 2 : i32
        %swap3A_1828 = arith.index_cast %swap3A_1827 : i32 to index
        %swap3A_1829 = arith.index_cast %add3A_1826 : i32 to index
        %swap3A_1830 = arith.constant 16 : index
        %swap3A_1831 = tpu.vector_load %arg12[%swap3A_1828, %swap3A_1829, %swap3A_1830] {strides = array<i32>} : memref<3x80x32xf32, #tpu.memory_space<vmem>>, vector<1x1x16xf32>,
        %swap3A_1832 = vector.shape_cast %swap3A_1831 : vector<1x1x16xf32> to vector<16xf32>
        %swap3A_1833 = vector.shape_cast %max3A_1824 : vector<16xf32> to vector<1x1x16xf32>
        tpu.vector_store %arg12[%swap3A_1828, %swap3A_1829, %swap3A_1830], %swap3A_1833 {strides = array<i32>} : memref<3x80x32xf32, #tpu.memory_space<vmem>>, vector<1x1x16xf32>,
      }
      %scan3A_1599 = arith.constant 20 : i32
      %dma_start3A_1600 = arith.constant 2 : i32
      %dma_start3A_1601 = arith.constant 2 : i32
      %dma_start3A_1602 = arith.constant 0 : i32
      %dma_start3A_1603 = arith.constant 0 : i32
      %dma_start3A_1604 = tpu.memref_slice %arg12[%dma_start3A_1600, %dma_start3A_1602, %dma_start3A_1603] : memref<3x80x32xf32, #tpu.memory_space<vmem>> -> memref<1x80x32xf32, #tpu.memory_space<vmem>>
      %dma_start3A_1605 = tpu.memref_squeeze %dma_start3A_1604 : memref<1x80x32xf32, #tpu.memory_space<vmem>> -> memref<80x32xf32, #tpu.memory_space<vmem>>
      %dma_start3A_1606 = arith.constant 0 : i32
      %dma_start3A_1607 = tpu.memref_slice %arg10[%dma_start3A_1601, %dma_start3A_1606] : memref<3x80xi32, #tpu.memory_space<vmem>> -> memref<1x80xi32, #tpu.memory_space<vmem>>
      %dma_start3A_1608 = tpu.memref_squeeze %dma_start3A_1607 : memref<1x80xi32, #tpu.memory_space<vmem>> -> memref<80xi32, #tpu.memory_space<vmem>>
      %dma_start3A_1609 = arith.constant 0 : i32
      %dma_start3A_1610 = arith.constant 0 : i32
      %dma_start3A_1611 = tpu.memref_slice %arg8[%dma_start3A_1609, %dma_start3A_1610] : memref<10240x32xf32, #tpu.memory_space<vmem_shared>> -> memref<10240x32xf32, #tpu.memory_space<vmem_shared>>
      tpu.enqueue_indirect_dma source(%dma_start3A_1605 : memref<80x32xf32, #tpu.memory_space<vmem>>) target(%dma_start3A_1611 : memref<10240x32xf32, #tpu.memory_space<vmem_shared>>) offsets(%dma_start3A_1608 : memref<80xi32, #tpu.memory_space<vmem>>) semaphore(%arg25 : memref<!tpu.dma_semaphore, #tpu.memory_space<semaphore_mem>>) {add = true}
      %dma_start3A_1612 = arith.constant 2 : i32
      %dma_start3A_1613 = arith.constant 0 : i32
      %dma_start3A_1614 = tpu.memref_slice %arg10[%dma_start3A_1612, %dma_start3A_1613] : memref<3x80xi32, #tpu.memory_space<vmem>> -> memref<1x80xi32, #tpu.memory_space<vmem>>
      %dma_start3A_1615 = tpu.memref_squeeze %dma_start3A_1614 : memref<1x80xi32, #tpu.memory_space<vmem>> -> memref<80xi32, #tpu.memory_space<vmem>>
      %dma_start3A_1616 = arith.constant 0 : i32
      %dma_start3A_1617 = tpu.memref_slice %arg9[%dma_start3A_1616] : memref<10240xf32, #tpu.memory_space<vmem_shared>> -> memref<10240xf32, #tpu.memory_space<vmem_shared>>
      tpu.enqueue_indirect_dma source(%arg14 : memref<80xf32, #tpu.memory_space<vmem>>) target(%dma_start3A_1617 : memref<10240xf32, #tpu.memory_space<vmem_shared>>) offsets(%dma_start3A_1615 : memref<80xi32, #tpu.memory_space<vmem>>) semaphore(%arg25 : memref<!tpu.dma_semaphore, #tpu.memory_space<semaphore_mem>>) {add = true}
    }
    %scan3A_793 = arith.constant 40 : i32
    %dma_wait3A_794 = arith.constant 0 : i32
    %dma_wait3A_795 = arith.constant 0 : i32
    %dma_wait3A_796 = arith.constant 0 : i32
    %dma_wait3A_797 = arith.constant 0 : i32
    %dma_wait3A_798 = tpu.memref_slice %arg12[%dma_wait3A_795, %dma_wait3A_796, %dma_wait3A_797] : memref<3x80x32xf32, #tpu.memory_space<vmem>> -> memref<1x80x32xf32, #tpu.memory_space<vmem>>
    %dma_wait3A_799 = tpu.memref_squeeze %dma_wait3A_798 : memref<1x80x32xf32, #tpu.memory_space<vmem>> -> memref<80x32xf32, #tpu.memory_space<vmem>>
    %dma_wait3A_800 = arith.constant 0 : i32
    %dma_wait3A_801 = tpu.memref_slice %arg11[%dma_wait3A_794, %dma_wait3A_800] : memref<3x80xi32, #tpu.memory_space<vmem>> -> memref<1x80xi32, #tpu.memory_space<vmem>>
    %dma_wait3A_802 = tpu.memref_squeeze %dma_wait3A_801 : memref<1x80xi32, #tpu.memory_space<vmem>> -> memref<80xi32, #tpu.memory_space<vmem>>
    %dma_wait3A_803 = arith.constant 0 : i32
    %dma_wait3A_804 = arith.constant 0 : i32
    %dma_wait3A_805 = tpu.memref_slice %arg2[%dma_wait3A_803, %dma_wait3A_804] : memref<10000x32xf32, #tpu.memory_space<hbm>> -> memref<10000x32xf32, #tpu.memory_space<hbm>>
    tpu.wait_indirect_dma semaphore(%arg20 : memref<!tpu.dma_semaphore, #tpu.memory_space<semaphore_mem>>) src(%dma_wait3A_805 : memref<10000x32xf32, #tpu.memory_space<hbm>>) dst(%dma_wait3A_799 : memref<80x32xf32, #tpu.memory_space<vmem>>)
    %mul3A_806 = arith.constant 10000 : i32
    %mul3A_807 = arith.muli %add3A, %mul3A_806 : i32
    %add3A_808 = arith.constant 9920 : i32
    %add3A_809 = arith.addi %mul3A_807, %add3A_808 : i32
    %multiple_of3A_810 = tpu.assume_multiple %add3A_809, 8 : i32
    %dma_wait3A_811 = arith.constant 1 : i32
    %dma_wait3A_812 = arith.constant 0 : i32
    %dma_wait3A_813 = tpu.memref_slice %arg11[%dma_wait3A_811, %dma_wait3A_812] : memref<3x80xi32, #tpu.memory_space<vmem>> -> memref<1x80xi32, #tpu.memory_space<vmem>>
    %dma_wait3A_814 = tpu.memref_squeeze %dma_wait3A_813 : memref<1x80xi32, #tpu.memory_space<vmem>> -> memref<80xi32, #tpu.memory_space<vmem>>
    %dma_wait3A_815 = tpu.memref_slice %arg4[%multiple_of3A_810] : memref<320000xi32, #tpu.memory_space<hbm>> -> memref<80xi32, #tpu.memory_space<hbm>>
    %dma_wait3A_816 = arith.constant 0 : i32
    %dma_wait3A_817 = tpu.memref_slice %arg11[%dma_wait3A_811, %dma_wait3A_816] : memref<3x80xi32, #tpu.memory_space<vmem>> -> memref<1x80xi32, #tpu.memory_space<vmem>>
    %dma_wait3A_818 = tpu.memref_squeeze %dma_wait3A_817 : memref<1x80xi32, #tpu.memory_space<vmem>> -> memref<80xi32, #tpu.memory_space<vmem>>
    %dma_wait3A_819 = tpu.memref_slice %arg4[%multiple_of3A_810] : memref<320000xi32, #tpu.memory_space<hbm>> -> memref<80xi32, #tpu.memory_space<hbm>>
    tpu.wait_dma2 semaphore(%arg18 : memref<!tpu.dma_semaphore, #tpu.memory_space<semaphore_mem>>) src(%dma_wait3A_819 : memref<80xi32, #tpu.memory_space<hbm>>) dst(%dma_wait3A_818 : memref<80xi32, #tpu.memory_space<vmem>>)
    %dma_wait3A_820 = arith.constant 1 : i32
    %dma_wait3A_821 = arith.constant 0 : i32
    %dma_wait3A_822 = tpu.memref_slice %arg10[%dma_wait3A_820, %dma_wait3A_821] : memref<3x80xi32, #tpu.memory_space<vmem>> -> memref<1x80xi32, #tpu.memory_space<vmem>>
    %dma_wait3A_823 = tpu.memref_squeeze %dma_wait3A_822 : memref<1x80xi32, #tpu.memory_space<vmem>> -> memref<80xi32, #tpu.memory_space<vmem>>
    %dma_wait3A_824 = tpu.memref_slice %arg5[%multiple_of3A_810] : memref<320000xi32, #tpu.memory_space<hbm>> -> memref<80xi32, #tpu.memory_space<hbm>>
    %dma_wait3A_825 = arith.constant 0 : i32
    %dma_wait3A_826 = tpu.memref_slice %arg10[%dma_wait3A_820, %dma_wait3A_825] : memref<3x80xi32, #tpu.memory_space<vmem>> -> memref<1x80xi32, #tpu.memory_space<vmem>>
    %dma_wait3A_827 = tpu.memref_squeeze %dma_wait3A_826 : memref<1x80xi32, #tpu.memory_space<vmem>> -> memref<80xi32, #tpu.memory_space<vmem>>
    %dma_wait3A_828 = tpu.memref_slice %arg5[%multiple_of3A_810] : memref<320000xi32, #tpu.memory_space<hbm>> -> memref<80xi32, #tpu.memory_space<hbm>>
    tpu.wait_dma2 semaphore(%arg18 : memref<!tpu.dma_semaphore, #tpu.memory_space<semaphore_mem>>) src(%dma_wait3A_828 : memref<80xi32, #tpu.memory_space<hbm>>) dst(%dma_wait3A_827 : memref<80xi32, #tpu.memory_space<vmem>>)
    %mul3A_829 = arith.constant 10000 : i32
    %mul3A_830 = arith.muli %add3A, %mul3A_829 : i32
    %jit3A_831 = arith.constant 4 : i32
    %div3A_832 = arith.divsi %mul3A_830, %jit3A_831 : i32
    %sign3A_833 = arith.constant 0 : i32
    %sign3A_834 = arith.cmpi sgt, %mul3A_830, %sign3A_833 : i32
    %sign3A_835 = arith.extui %sign3A_834 : i1 to i32
    %sign3A_836 = arith.constant 0 : i32
    %sign3A_837 = arith.cmpi slt, %mul3A_830, %sign3A_836 : i32
    %sign3A_838 = arith.extui %sign3A_837 : i1 to i32
    %sign3A_839 = arith.subi %sign3A_835, %sign3A_838 : i32
    %sign3A_840 = arith.constant 0 : i32
    %sign3A_841 = arith.cmpi sgt, %jit3A_831, %sign3A_840 : i32
    %sign3A_842 = arith.extui %sign3A_841 : i1 to i32
    %sign3A_843 = arith.constant 0 : i32
    %sign3A_844 = arith.cmpi slt, %jit3A_831, %sign3A_843 : i32
    %sign3A_845 = arith.extui %sign3A_844 : i1 to i32
    %sign3A_846 = arith.subi %sign3A_842, %sign3A_845 : i32
    %ne3A_847 = arith.cmpi ne, %sign3A_839, %sign3A_846 : i32
    %rem3A_848 = arith.remsi %mul3A_830, %jit3A_831 : i32
    %ne3A_849 = arith.constant 0 : i32
    %ne3A_850 = arith.cmpi ne, %rem3A_848, %ne3A_849 : i32
    %and3A_851 = arith.andi %ne3A_847, %ne3A_850 : i1
    %sub3A_852 = arith.constant 1 : i32
    %sub3A_853 = arith.subi %div3A_832, %sub3A_852 : i32
    %select_n3A_854 = arith.select %and3A_851, %sub3A_853, %div3A_832 : i32
    %add3A_855 = arith.constant 2480 : i32
    %add3A_856 = arith.addi %select_n3A_854, %add3A_855 : i32
    %multiple_of3A_857 = tpu.assume_multiple %add3A_856, 4 : i32
    %dma_wait3A_858 = arith.constant 1 : i32
    %dma_wait3A_859 = arith.constant 0 : i32
    %dma_wait3A_860 = arith.constant 0 : i32
    %dma_wait3A_861 = tpu.memref_slice %arg13[%dma_wait3A_858, %dma_wait3A_859, %dma_wait3A_860] : memref<3x20x128xf32, #tpu.memory_space<vmem>> -> memref<1x20x128xf32, #tpu.memory_space<vmem>>
    %dma_wait3A_862 = tpu.memref_squeeze %dma_wait3A_861 : memref<1x20x128xf32, #tpu.memory_space<vmem>> -> memref<20x128xf32, #tpu.memory_space<vmem>>
    %dma_wait3A_863 = arith.constant 0 : i32
    %dma_wait3A_864 = tpu.memref_slice %arg3[%multiple_of3A_857, %dma_wait3A_863] : memref<80000x128xf32, #tpu.memory_space<hbm>> -> memref<20x128xf32, #tpu.memory_space<hbm>>
    %dma_wait3A_865 = arith.constant 0 : i32
    %dma_wait3A_866 = arith.constant 0 : i32
    %dma_wait3A_867 = tpu.memref_slice %arg13[%dma_wait3A_858, %dma_wait3A_865, %dma_wait3A_866] : memref<3x20x128xf32, #tpu.memory_space<vmem>> -> memref<1x20x128xf32, #tpu.memory_space<vmem>>
    %dma_wait3A_868 = tpu.memref_squeeze %dma_wait3A_867 : memref<1x20x128xf32, #tpu.memory_space<vmem>> -> memref<20x128xf32, #tpu.memory_space<vmem>>
    %dma_wait3A_869 = arith.constant 0 : i32
    %dma_wait3A_870 = tpu.memref_slice %arg3[%multiple_of3A_857, %dma_wait3A_869] : memref<80000x128xf32, #tpu.memory_space<hbm>> -> memref<20x128xf32, #tpu.memory_space<hbm>>
    tpu.wait_dma2 semaphore(%arg18 : memref<!tpu.dma_semaphore, #tpu.memory_space<semaphore_mem>>) src(%dma_wait3A_870 : memref<20x128xf32, #tpu.memory_space<hbm>>) dst(%dma_wait3A_868 : memref<20x128xf32, #tpu.memory_space<vmem>>)
    %dma_start3A_871 = arith.constant 1 : i32
    %dma_start3A_872 = arith.constant 1 : i32
    %dma_start3A_873 = arith.constant 0 : i32
    %dma_start3A_874 = arith.constant 0 : i32
    %dma_start3A_875 = tpu.memref_slice %arg12[%dma_start3A_872, %dma_start3A_873, %dma_start3A_874] : memref<3x80x32xf32, #tpu.memory_space<vmem>> -> memref<1x80x32xf32, #tpu.memory_space<vmem>>
    %dma_start3A_876 = tpu.memref_squeeze %dma_start3A_875 : memref<1x80x32xf32, #tpu.memory_space<vmem>> -> memref<80x32xf32, #tpu.memory_space<vmem>>
    %dma_start3A_877 = arith.constant 0 : i32
    %dma_start3A_878 = tpu.memref_slice %arg11[%dma_start3A_871, %dma_start3A_877] : memref<3x80xi32, #tpu.memory_space<vmem>> -> memref<1x80xi32, #tpu.memory_space<vmem>>
    %dma_start3A_879 = tpu.memref_squeeze %dma_start3A_878 : memref<1x80xi32, #tpu.memory_space<vmem>> -> memref<80xi32, #tpu.memory_space<vmem>>
    %dma_start3A_880 = arith.constant 0 : i32
    %dma_start3A_881 = arith.constant 0 : i32
    %dma_start3A_882 = tpu.memref_slice %arg2[%dma_start3A_880, %dma_start3A_881] : memref<10000x32xf32, #tpu.memory_space<hbm>> -> memref<10000x32xf32, #tpu.memory_space<hbm>>
    tpu.enqueue_indirect_dma source(%dma_start3A_882 : memref<10000x32xf32, #tpu.memory_space<hbm>>) target(%dma_start3A_876 : memref<80x32xf32, #tpu.memory_space<vmem>>) offsets(%dma_start3A_879 : memref<80xi32, #tpu.memory_space<vmem>>) semaphore(%arg21 : memref<!tpu.dma_semaphore, #tpu.memory_space<semaphore_mem>>)
    %dma_wait3A_883 = arith.constant 2 : i32
    %dma_wait3A_884 = arith.constant 2 : i32
    %dma_wait3A_885 = arith.constant 0 : i32
    %dma_wait3A_886 = arith.constant 0 : i32
    %dma_wait3A_887 = tpu.memref_slice %arg12[%dma_wait3A_883, %dma_wait3A_885, %dma_wait3A_886] : memref<3x80x32xf32, #tpu.memory_space<vmem>> -> memref<1x80x32xf32, #tpu.memory_space<vmem>>
    %dma_wait3A_888 = tpu.memref_squeeze %dma_wait3A_887 : memref<1x80x32xf32, #tpu.memory_space<vmem>> -> memref<80x32xf32, #tpu.memory_space<vmem>>
    %dma_wait3A_889 = arith.constant 0 : i32
    %dma_wait3A_890 = tpu.memref_slice %arg10[%dma_wait3A_884, %dma_wait3A_889] : memref<3x80xi32, #tpu.memory_space<vmem>> -> memref<1x80xi32, #tpu.memory_space<vmem>>
    %dma_wait3A_891 = tpu.memref_squeeze %dma_wait3A_890 : memref<1x80xi32, #tpu.memory_space<vmem>> -> memref<80xi32, #tpu.memory_space<vmem>>
    %dma_wait3A_892 = arith.constant 0 : i32
    %dma_wait3A_893 = arith.constant 0 : i32
    %dma_wait3A_894 = tpu.memref_slice %arg8[%dma_wait3A_892, %dma_wait3A_893] : memref<10240x32xf32, #tpu.memory_space<vmem_shared>> -> memref<10240x32xf32, #tpu.memory_space<vmem_shared>>
    tpu.wait_indirect_dma semaphore(%arg25 : memref<!tpu.dma_semaphore, #tpu.memory_space<semaphore_mem>>) src(%dma_wait3A_888 : memref<80x32xf32, #tpu.memory_space<vmem>>) dst(%dma_wait3A_894 : memref<10240x32xf32, #tpu.memory_space<vmem_shared>>)
    %dma_wait3A_895 = arith.constant 2 : i32
    %dma_wait3A_896 = arith.constant 0 : i32
    %dma_wait3A_897 = tpu.memref_slice %arg10[%dma_wait3A_895, %dma_wait3A_896] : memref<3x80xi32, #tpu.memory_space<vmem>> -> memref<1x80xi32, #tpu.memory_space<vmem>>
    %dma_wait3A_898 = tpu.memref_squeeze %dma_wait3A_897 : memref<1x80xi32, #tpu.memory_space<vmem>> -> memref<80xi32, #tpu.memory_space<vmem>>
    %dma_wait3A_899 = arith.constant 0 : i32
    %dma_wait3A_900 = tpu.memref_slice %arg9[%dma_wait3A_899] : memref<10240xf32, #tpu.memory_space<vmem_shared>> -> memref<10240xf32, #tpu.memory_space<vmem_shared>>
    tpu.wait_indirect_dma semaphore(%arg25 : memref<!tpu.dma_semaphore, #tpu.memory_space<semaphore_mem>>) src(%arg14 : memref<80xf32, #tpu.memory_space<vmem>>) dst(%dma_wait3A_900 : memref<10240xf32, #tpu.memory_space<vmem_shared>>)
    %scan3A_901 = arith.constant 0 : i32
    %scan3A_902 = arith.constant 20 : i32
    %scan3A_903 = arith.addi %scan3A_901, %scan3A_902 : i32
    %scan3A_904 = arith.constant 1 : i32
    scf.for %scan3A_1002 = %scan3A_901 to %scan3A_903 step %scan3A_904  : i32 {
      %mul3A_1003 = arith.constant 4 : i32
      %mul3A_1004 = arith.muli %mul3A_1003, %scan3A_1002 : i32
      %add3A_1005 = arith.constant 0 : i32
      %add3A_1006 = arith.addi %mul3A_1004, %add3A_1005 : i32
      %get3A = arith.constant 0 : i32
      %get3A_1007 = arith.index_cast %get3A : i32 to index
      %get3A_1008 = arith.index_cast %add3A_1006 : i32 to index
      %get3A_1009 = arith.constant 0 : index
      %get3A_1010 = tpu.vector_load %arg12[%get3A_1007, %get3A_1008, %get3A_1009] {strides = array<i32>} : memref<3x80x32xf32, #tpu.memory_space<vmem>>, vector<1x1x16xf32>,
      %get3A_1011 = vector.shape_cast %get3A_1010 : vector<1x1x16xf32> to vector<16xf32>
      %get3A_1012 = arith.constant 0 : i32
      %get3A_1013 = arith.index_cast %get3A_1012 : i32 to index
      %get3A_1014 = arith.index_cast %scan3A_1002 : i32 to index
      %get3A_1015 = arith.constant 0 : index
      %get3A_1016 = tpu.vector_load %arg13[%get3A_1013, %get3A_1014, %get3A_1015] {strides = array<i32>} : memref<3x20x128xf32, #tpu.memory_space<vmem>>, vector<1x1x16xf32>,
      %get3A_1017 = vector.shape_cast %get3A_1016 : vector<1x1x16xf32> to vector<16xf32>
      %add3A_1018 = arith.addf %get3A_1011, %get3A_1017 : vector<16xf32>
      %max3A = arith.constant 0.000000e+00 : f32
      %max3A_1019 = vector.broadcast %max3A : f32 to vector<16xf32>
      %max3A_1020 = arith.maximumf %add3A_1018, %max3A_1019 : vector<16xf32>
      %add3A_1021 = arith.constant 0 : i32
      %add3A_1022 = arith.addi %mul3A_1004, %add3A_1021 : i32
      %swap3A = arith.constant 0 : i32
      %swap3A_1023 = arith.index_cast %swap3A : i32 to index
      %swap3A_1024 = arith.index_cast %add3A_1022 : i32 to index
      %swap3A_1025 = arith.constant 0 : index
      %swap3A_1026 = tpu.vector_load %arg12[%swap3A_1023, %swap3A_1024, %swap3A_1025] {strides = array<i32>} : memref<3x80x32xf32, #tpu.memory_space<vmem>>, vector<1x1x16xf32>,
      %swap3A_1027 = vector.shape_cast %swap3A_1026 : vector<1x1x16xf32> to vector<16xf32>
      %swap3A_1028 = vector.shape_cast %max3A_1020 : vector<16xf32> to vector<1x1x16xf32>
      tpu.vector_store %arg12[%swap3A_1023, %swap3A_1024, %swap3A_1025], %swap3A_1028 {strides = array<i32>} : memref<3x80x32xf32, #tpu.memory_space<vmem>>, vector<1x1x16xf32>,
      %add3A_1029 = arith.constant 0 : i32
      %add3A_1030 = arith.addi %mul3A_1004, %add3A_1029 : i32
      %get3A_1031 = arith.constant 0 : i32
      %get3A_1032 = arith.index_cast %get3A_1031 : i32 to index
      %get3A_1033 = arith.index_cast %add3A_1030 : i32 to index
      %get3A_1034 = arith.constant 16 : index
      %get3A_1035 = tpu.vector_load %arg12[%get3A_1032, %get3A_1033, %get3A_1034] {strides = array<i32>} : memref<3x80x32xf32, #tpu.memory_space<vmem>>, vector<1x1x16xf32>,
      %get3A_1036 = vector.shape_cast %get3A_1035 : vector<1x1x16xf32> to vector<16xf32>
      %get3A_1037 = arith.constant 0 : i32
      %get3A_1038 = arith.index_cast %get3A_1037 : i32 to index
      %get3A_1039 = arith.index_cast %scan3A_1002 : i32 to index
      %get3A_1040 = arith.constant 16 : index
      %get3A_1041 = tpu.vector_load %arg13[%get3A_1038, %get3A_1039, %get3A_1040] {strides = array<i32>} : memref<3x20x128xf32, #tpu.memory_space<vmem>>, vector<1x1x16xf32>,
      %get3A_1042 = vector.shape_cast %get3A_1041 : vector<1x1x16xf32> to vector<16xf32>
      %add3A_1043 = arith.addf %get3A_1036, %get3A_1042 : vector<16xf32>
      %max3A_1044 = arith.constant 0.000000e+00 : f32
      %max3A_1045 = vector.broadcast %max3A_1044 : f32 to vector<16xf32>
      %max3A_1046 = arith.maximumf %add3A_1043, %max3A_1045 : vector<16xf32>
      %add3A_1047 = arith.constant 0 : i32
      %add3A_1048 = arith.addi %mul3A_1004, %add3A_1047 : i32
      %swap3A_1049 = arith.constant 0 : i32
      %swap3A_1050 = arith.index_cast %swap3A_1049 : i32 to index
      %swap3A_1051 = arith.index_cast %add3A_1048 : i32 to index
      %swap3A_1052 = arith.constant 16 : index
      %swap3A_1053 = tpu.vector_load %arg12[%swap3A_1050, %swap3A_1051, %swap3A_1052] {strides = array<i32>} : memref<3x80x32xf32, #tpu.memory_space<vmem>>, vector<1x1x16xf32>,
      %swap3A_1054 = vector.shape_cast %swap3A_1053 : vector<1x1x16xf32> to vector<16xf32>
      %swap3A_1055 = vector.shape_cast %max3A_1046 : vector<16xf32> to vector<1x1x16xf32>
      tpu.vector_store %arg12[%swap3A_1050, %swap3A_1051, %swap3A_1052], %swap3A_1055 {strides = array<i32>} : memref<3x80x32xf32, #tpu.memory_space<vmem>>, vector<1x1x16xf32>,
      %add3A_1056 = arith.constant 1 : i32
      %add3A_1057 = arith.addi %mul3A_1004, %add3A_1056 : i32
      %get3A_1058 = arith.constant 0 : i32
      %get3A_1059 = arith.index_cast %get3A_1058 : i32 to index
      %get3A_1060 = arith.index_cast %add3A_1057 : i32 to index
      %get3A_1061 = arith.constant 0 : index
      %get3A_1062 = tpu.vector_load %arg12[%get3A_1059, %get3A_1060, %get3A_1061] {strides = array<i32>} : memref<3x80x32xf32, #tpu.memory_space<vmem>>, vector<1x1x16xf32>,
      %get3A_1063 = vector.shape_cast %get3A_1062 : vector<1x1x16xf32> to vector<16xf32>
      %get3A_1064 = arith.constant 0 : i32
      %get3A_1065 = arith.index_cast %get3A_1064 : i32 to index
      %get3A_1066 = arith.index_cast %scan3A_1002 : i32 to index
      %get3A_1067 = arith.constant 32 : index
      %get3A_1068 = tpu.vector_load %arg13[%get3A_1065, %get3A_1066, %get3A_1067] {strides = array<i32>} : memref<3x20x128xf32, #tpu.memory_space<vmem>>, vector<1x1x16xf32>,
      %get3A_1069 = vector.shape_cast %get3A_1068 : vector<1x1x16xf32> to vector<16xf32>
      %add3A_1070 = arith.addf %get3A_1063, %get3A_1069 : vector<16xf32>
      %max3A_1071 = arith.constant 0.000000e+00 : f32
      %max3A_1072 = vector.broadcast %max3A_1071 : f32 to vector<16xf32>
      %max3A_1073 = arith.maximumf %add3A_1070, %max3A_1072 : vector<16xf32>
      %add3A_1074 = arith.constant 1 : i32
      %add3A_1075 = arith.addi %mul3A_1004, %add3A_1074 : i32
      %swap3A_1076 = arith.constant 0 : i32
      %swap3A_1077 = arith.index_cast %swap3A_1076 : i32 to index
      %swap3A_1078 = arith.index_cast %add3A_1075 : i32 to index
      %swap3A_1079 = arith.constant 0 : index
      %swap3A_1080 = tpu.vector_load %arg12[%swap3A_1077, %swap3A_1078, %swap3A_1079] {strides = array<i32>} : memref<3x80x32xf32, #tpu.memory_space<vmem>>, vector<1x1x16xf32>,
      %swap3A_1081 = vector.shape_cast %swap3A_1080 : vector<1x1x16xf32> to vector<16xf32>
      %swap3A_1082 = vector.shape_cast %max3A_1073 : vector<16xf32> to vector<1x1x16xf32>
      tpu.vector_store %arg12[%swap3A_1077, %swap3A_1078, %swap3A_1079], %swap3A_1082 {strides = array<i32>} : memref<3x80x32xf32, #tpu.memory_space<vmem>>, vector<1x1x16xf32>,
      %add3A_1083 = arith.constant 1 : i32
      %add3A_1084 = arith.addi %mul3A_1004, %add3A_1083 : i32
      %get3A_1085 = arith.constant 0 : i32
      %get3A_1086 = arith.index_cast %get3A_1085 : i32 to index
      %get3A_1087 = arith.index_cast %add3A_1084 : i32 to index
      %get3A_1088 = arith.constant 16 : index
      %get3A_1089 = tpu.vector_load %arg12[%get3A_1086, %get3A_1087, %get3A_1088] {strides = array<i32>} : memref<3x80x32xf32, #tpu.memory_space<vmem>>, vector<1x1x16xf32>,
      %get3A_1090 = vector.shape_cast %get3A_1089 : vector<1x1x16xf32> to vector<16xf32>
      %get3A_1091 = arith.constant 0 : i32
      %get3A_1092 = arith.index_cast %get3A_1091 : i32 to index
      %get3A_1093 = arith.index_cast %scan3A_1002 : i32 to index
      %get3A_1094 = arith.constant 48 : index
      %get3A_1095 = tpu.vector_load %arg13[%get3A_1092, %get3A_1093, %get3A_1094] {strides = array<i32>} : memref<3x20x128xf32, #tpu.memory_space<vmem>>, vector<1x1x16xf32>,
      %get3A_1096 = vector.shape_cast %get3A_1095 : vector<1x1x16xf32> to vector<16xf32>
      %add3A_1097 = arith.addf %get3A_1090, %get3A_1096 : vector<16xf32>
      %max3A_1098 = arith.constant 0.000000e+00 : f32
      %max3A_1099 = vector.broadcast %max3A_1098 : f32 to vector<16xf32>
      %max3A_1100 = arith.maximumf %add3A_1097, %max3A_1099 : vector<16xf32>
      %add3A_1101 = arith.constant 1 : i32
      %add3A_1102 = arith.addi %mul3A_1004, %add3A_1101 : i32
      %swap3A_1103 = arith.constant 0 : i32
      %swap3A_1104 = arith.index_cast %swap3A_1103 : i32 to index
      %swap3A_1105 = arith.index_cast %add3A_1102 : i32 to index
      %swap3A_1106 = arith.constant 16 : index
      %swap3A_1107 = tpu.vector_load %arg12[%swap3A_1104, %swap3A_1105, %swap3A_1106] {strides = array<i32>} : memref<3x80x32xf32, #tpu.memory_space<vmem>>, vector<1x1x16xf32>,
      %swap3A_1108 = vector.shape_cast %swap3A_1107 : vector<1x1x16xf32> to vector<16xf32>
      %swap3A_1109 = vector.shape_cast %max3A_1100 : vector<16xf32> to vector<1x1x16xf32>
      tpu.vector_store %arg12[%swap3A_1104, %swap3A_1105, %swap3A_1106], %swap3A_1109 {strides = array<i32>} : memref<3x80x32xf32, #tpu.memory_space<vmem>>, vector<1x1x16xf32>,
      %add3A_1110 = arith.constant 2 : i32
      %add3A_1111 = arith.addi %mul3A_1004, %add3A_1110 : i32
      %get3A_1112 = arith.constant 0 : i32
      %get3A_1113 = arith.index_cast %get3A_1112 : i32 to index
      %get3A_1114 = arith.index_cast %add3A_1111 : i32 to index
      %get3A_1115 = arith.constant 0 : index
      %get3A_1116 = tpu.vector_load %arg12[%get3A_1113, %get3A_1114, %get3A_1115] {strides = array<i32>} : memref<3x80x32xf32, #tpu.memory_space<vmem>>, vector<1x1x16xf32>,
      %get3A_1117 = vector.shape_cast %get3A_1116 : vector<1x1x16xf32> to vector<16xf32>
      %get3A_1118 = arith.constant 0 : i32
      %get3A_1119 = arith.index_cast %get3A_1118 : i32 to index
      %get3A_1120 = arith.index_cast %scan3A_1002 : i32 to index
      %get3A_1121 = arith.constant 64 : index
      %get3A_1122 = tpu.vector_load %arg13[%get3A_1119, %get3A_1120, %get3A_1121] {strides = array<i32>} : memref<3x20x128xf32, #tpu.memory_space<vmem>>, vector<1x1x16xf32>,
      %get3A_1123 = vector.shape_cast %get3A_1122 : vector<1x1x16xf32> to vector<16xf32>
      %add3A_1124 = arith.addf %get3A_1117, %get3A_1123 : vector<16xf32>
      %max3A_1125 = arith.constant 0.000000e+00 : f32
      %max3A_1126 = vector.broadcast %max3A_1125 : f32 to vector<16xf32>
      %max3A_1127 = arith.maximumf %add3A_1124, %max3A_1126 : vector<16xf32>
      %add3A_1128 = arith.constant 2 : i32
      %add3A_1129 = arith.addi %mul3A_1004, %add3A_1128 : i32
      %swap3A_1130 = arith.constant 0 : i32
      %swap3A_1131 = arith.index_cast %swap3A_1130 : i32 to index
      %swap3A_1132 = arith.index_cast %add3A_1129 : i32 to index
      %swap3A_1133 = arith.constant 0 : index
      %swap3A_1134 = tpu.vector_load %arg12[%swap3A_1131, %swap3A_1132, %swap3A_1133] {strides = array<i32>} : memref<3x80x32xf32, #tpu.memory_space<vmem>>, vector<1x1x16xf32>,
      %swap3A_1135 = vector.shape_cast %swap3A_1134 : vector<1x1x16xf32> to vector<16xf32>
      %swap3A_1136 = vector.shape_cast %max3A_1127 : vector<16xf32> to vector<1x1x16xf32>
      tpu.vector_store %arg12[%swap3A_1131, %swap3A_1132, %swap3A_1133], %swap3A_1136 {strides = array<i32>} : memref<3x80x32xf32, #tpu.memory_space<vmem>>, vector<1x1x16xf32>,
      %add3A_1137 = arith.constant 2 : i32
      %add3A_1138 = arith.addi %mul3A_1004, %add3A_1137 : i32
      %get3A_1139 = arith.constant 0 : i32
      %get3A_1140 = arith.index_cast %get3A_1139 : i32 to index
      %get3A_1141 = arith.index_cast %add3A_1138 : i32 to index
      %get3A_1142 = arith.constant 16 : index
      %get3A_1143 = tpu.vector_load %arg12[%get3A_1140, %get3A_1141, %get3A_1142] {strides = array<i32>} : memref<3x80x32xf32, #tpu.memory_space<vmem>>, vector<1x1x16xf32>,
      %get3A_1144 = vector.shape_cast %get3A_1143 : vector<1x1x16xf32> to vector<16xf32>
      %get3A_1145 = arith.constant 0 : i32
      %get3A_1146 = arith.index_cast %get3A_1145 : i32 to index
      %get3A_1147 = arith.index_cast %scan3A_1002 : i32 to index
      %get3A_1148 = arith.constant 80 : index
      %get3A_1149 = tpu.vector_load %arg13[%get3A_1146, %get3A_1147, %get3A_1148] {strides = array<i32>} : memref<3x20x128xf32, #tpu.memory_space<vmem>>, vector<1x1x16xf32>,
      %get3A_1150 = vector.shape_cast %get3A_1149 : vector<1x1x16xf32> to vector<16xf32>
      %add3A_1151 = arith.addf %get3A_1144, %get3A_1150 : vector<16xf32>
      %max3A_1152 = arith.constant 0.000000e+00 : f32
      %max3A_1153 = vector.broadcast %max3A_1152 : f32 to vector<16xf32>
      %max3A_1154 = arith.maximumf %add3A_1151, %max3A_1153 : vector<16xf32>
      %add3A_1155 = arith.constant 2 : i32
      %add3A_1156 = arith.addi %mul3A_1004, %add3A_1155 : i32
      %swap3A_1157 = arith.constant 0 : i32
      %swap3A_1158 = arith.index_cast %swap3A_1157 : i32 to index
      %swap3A_1159 = arith.index_cast %add3A_1156 : i32 to index
      %swap3A_1160 = arith.constant 16 : index
      %swap3A_1161 = tpu.vector_load %arg12[%swap3A_1158, %swap3A_1159, %swap3A_1160] {strides = array<i32>} : memref<3x80x32xf32, #tpu.memory_space<vmem>>, vector<1x1x16xf32>,
      %swap3A_1162 = vector.shape_cast %swap3A_1161 : vector<1x1x16xf32> to vector<16xf32>
      %swap3A_1163 = vector.shape_cast %max3A_1154 : vector<16xf32> to vector<1x1x16xf32>
      tpu.vector_store %arg12[%swap3A_1158, %swap3A_1159, %swap3A_1160], %swap3A_1163 {strides = array<i32>} : memref<3x80x32xf32, #tpu.memory_space<vmem>>, vector<1x1x16xf32>,
      %add3A_1164 = arith.constant 3 : i32
      %add3A_1165 = arith.addi %mul3A_1004, %add3A_1164 : i32
      %get3A_1166 = arith.constant 0 : i32
      %get3A_1167 = arith.index_cast %get3A_1166 : i32 to index
      %get3A_1168 = arith.index_cast %add3A_1165 : i32 to index
      %get3A_1169 = arith.constant 0 : index
      %get3A_1170 = tpu.vector_load %arg12[%get3A_1167, %get3A_1168, %get3A_1169] {strides = array<i32>} : memref<3x80x32xf32, #tpu.memory_space<vmem>>, vector<1x1x16xf32>,
      %get3A_1171 = vector.shape_cast %get3A_1170 : vector<1x1x16xf32> to vector<16xf32>
      %get3A_1172 = arith.constant 0 : i32
      %get3A_1173 = arith.index_cast %get3A_1172 : i32 to index
      %get3A_1174 = arith.index_cast %scan3A_1002 : i32 to index
      %get3A_1175 = arith.constant 96 : index
      %get3A_1176 = tpu.vector_load %arg13[%get3A_1173, %get3A_1174, %get3A_1175] {strides = array<i32>} : memref<3x20x128xf32, #tpu.memory_space<vmem>>, vector<1x1x16xf32>,
      %get3A_1177 = vector.shape_cast %get3A_1176 : vector<1x1x16xf32> to vector<16xf32>
      %add3A_1178 = arith.addf %get3A_1171, %get3A_1177 : vector<16xf32>
      %max3A_1179 = arith.constant 0.000000e+00 : f32
      %max3A_1180 = vector.broadcast %max3A_1179 : f32 to vector<16xf32>
      %max3A_1181 = arith.maximumf %add3A_1178, %max3A_1180 : vector<16xf32>
      %add3A_1182 = arith.constant 3 : i32
      %add3A_1183 = arith.addi %mul3A_1004, %add3A_1182 : i32
      %swap3A_1184 = arith.constant 0 : i32
      %swap3A_1185 = arith.index_cast %swap3A_1184 : i32 to index
      %swap3A_1186 = arith.index_cast %add3A_1183 : i32 to index
      %swap3A_1187 = arith.constant 0 : index
      %swap3A_1188 = tpu.vector_load %arg12[%swap3A_1185, %swap3A_1186, %swap3A_1187] {strides = array<i32>} : memref<3x80x32xf32, #tpu.memory_space<vmem>>, vector<1x1x16xf32>,
      %swap3A_1189 = vector.shape_cast %swap3A_1188 : vector<1x1x16xf32> to vector<16xf32>
      %swap3A_1190 = vector.shape_cast %max3A_1181 : vector<16xf32> to vector<1x1x16xf32>
      tpu.vector_store %arg12[%swap3A_1185, %swap3A_1186, %swap3A_1187], %swap3A_1190 {strides = array<i32>} : memref<3x80x32xf32, #tpu.memory_space<vmem>>, vector<1x1x16xf32>,
      %add3A_1191 = arith.constant 3 : i32
      %add3A_1192 = arith.addi %mul3A_1004, %add3A_1191 : i32
      %get3A_1193 = arith.constant 0 : i32
      %get3A_1194 = arith.index_cast %get3A_1193 : i32 to index
      %get3A_1195 = arith.index_cast %add3A_1192 : i32 to index
      %get3A_1196 = arith.constant 16 : index
      %get3A_1197 = tpu.vector_load %arg12[%get3A_1194, %get3A_1195, %get3A_1196] {strides = array<i32>} : memref<3x80x32xf32, #tpu.memory_space<vmem>>, vector<1x1x16xf32>,
      %get3A_1198 = vector.shape_cast %get3A_1197 : vector<1x1x16xf32> to vector<16xf32>
      %get3A_1199 = arith.constant 0 : i32
      %get3A_1200 = arith.index_cast %get3A_1199 : i32 to index
      %get3A_1201 = arith.index_cast %scan3A_1002 : i32 to index
      %get3A_1202 = arith.constant 112 : index
      %get3A_1203 = tpu.vector_load %arg13[%get3A_1200, %get3A_1201, %get3A_1202] {strides = array<i32>} : memref<3x20x128xf32, #tpu.memory_space<vmem>>, vector<1x1x16xf32>,
      %get3A_1204 = vector.shape_cast %get3A_1203 : vector<1x1x16xf32> to vector<16xf32>
      %add3A_1205 = arith.addf %get3A_1198, %get3A_1204 : vector<16xf32>
      %max3A_1206 = arith.constant 0.000000e+00 : f32
      %max3A_1207 = vector.broadcast %max3A_1206 : f32 to vector<16xf32>
      %max3A_1208 = arith.maximumf %add3A_1205, %max3A_1207 : vector<16xf32>
      %add3A_1209 = arith.constant 3 : i32
      %add3A_1210 = arith.addi %mul3A_1004, %add3A_1209 : i32
      %swap3A_1211 = arith.constant 0 : i32
      %swap3A_1212 = arith.index_cast %swap3A_1211 : i32 to index
      %swap3A_1213 = arith.index_cast %add3A_1210 : i32 to index
      %swap3A_1214 = arith.constant 16 : index
      %swap3A_1215 = tpu.vector_load %arg12[%swap3A_1212, %swap3A_1213, %swap3A_1214] {strides = array<i32>} : memref<3x80x32xf32, #tpu.memory_space<vmem>>, vector<1x1x16xf32>,
      %swap3A_1216 = vector.shape_cast %swap3A_1215 : vector<1x1x16xf32> to vector<16xf32>
      %swap3A_1217 = vector.shape_cast %max3A_1208 : vector<16xf32> to vector<1x1x16xf32>
      tpu.vector_store %arg12[%swap3A_1212, %swap3A_1213, %swap3A_1214], %swap3A_1217 {strides = array<i32>} : memref<3x80x32xf32, #tpu.memory_space<vmem>>, vector<1x1x16xf32>,
    }
    %scan3A_905 = arith.constant 20 : i32
    %dma_start3A_906 = arith.constant 0 : i32
    %dma_start3A_907 = arith.constant 0 : i32
    %dma_start3A_908 = arith.constant 0 : i32
    %dma_start3A_909 = arith.constant 0 : i32
    %dma_start3A_910 = tpu.memref_slice %arg12[%dma_start3A_906, %dma_start3A_908, %dma_start3A_909] : memref<3x80x32xf32, #tpu.memory_space<vmem>> -> memref<1x80x32xf32, #tpu.memory_space<vmem>>
    %dma_start3A_911 = tpu.memref_squeeze %dma_start3A_910 : memref<1x80x32xf32, #tpu.memory_space<vmem>> -> memref<80x32xf32, #tpu.memory_space<vmem>>
    %dma_start3A_912 = arith.constant 0 : i32
    %dma_start3A_913 = tpu.memref_slice %arg10[%dma_start3A_907, %dma_start3A_912] : memref<3x80xi32, #tpu.memory_space<vmem>> -> memref<1x80xi32, #tpu.memory_space<vmem>>
    %dma_start3A_914 = tpu.memref_squeeze %dma_start3A_913 : memref<1x80xi32, #tpu.memory_space<vmem>> -> memref<80xi32, #tpu.memory_space<vmem>>
    %dma_start3A_915 = arith.constant 0 : i32
    %dma_start3A_916 = arith.constant 0 : i32
    %dma_start3A_917 = tpu.memref_slice %arg8[%dma_start3A_915, %dma_start3A_916] : memref<10240x32xf32, #tpu.memory_space<vmem_shared>> -> memref<10240x32xf32, #tpu.memory_space<vmem_shared>>
    tpu.enqueue_indirect_dma source(%dma_start3A_911 : memref<80x32xf32, #tpu.memory_space<vmem>>) target(%dma_start3A_917 : memref<10240x32xf32, #tpu.memory_space<vmem_shared>>) offsets(%dma_start3A_914 : memref<80xi32, #tpu.memory_space<vmem>>) semaphore(%arg23 : memref<!tpu.dma_semaphore, #tpu.memory_space<semaphore_mem>>) {add = true}
    %dma_start3A_918 = arith.constant 0 : i32
    %dma_start3A_919 = arith.constant 0 : i32
    %dma_start3A_920 = tpu.memref_slice %arg10[%dma_start3A_918, %dma_start3A_919] : memref<3x80xi32, #tpu.memory_space<vmem>> -> memref<1x80xi32, #tpu.memory_space<vmem>>
    %dma_start3A_921 = tpu.memref_squeeze %dma_start3A_920 : memref<1x80xi32, #tpu.memory_space<vmem>> -> memref<80xi32, #tpu.memory_space<vmem>>
    %dma_start3A_922 = arith.constant 0 : i32
    %dma_start3A_923 = tpu.memref_slice %arg9[%dma_start3A_922] : memref<10240xf32, #tpu.memory_space<vmem_shared>> -> memref<10240xf32, #tpu.memory_space<vmem_shared>>
    tpu.enqueue_indirect_dma source(%arg14 : memref<80xf32, #tpu.memory_space<vmem>>) target(%dma_start3A_923 : memref<10240xf32, #tpu.memory_space<vmem_shared>>) offsets(%dma_start3A_921 : memref<80xi32, #tpu.memory_space<vmem>>) semaphore(%arg23 : memref<!tpu.dma_semaphore, #tpu.memory_space<semaphore_mem>>) {add = true}
    %dma_wait3A_924 = arith.constant 1 : i32
    %dma_wait3A_925 = arith.constant 1 : i32
    %dma_wait3A_926 = arith.constant 0 : i32
    %dma_wait3A_927 = arith.constant 0 : i32
    %dma_wait3A_928 = tpu.memref_slice %arg12[%dma_wait3A_925, %dma_wait3A_926, %dma_wait3A_927] : memref<3x80x32xf32, #tpu.memory_space<vmem>> -> memref<1x80x32xf32, #tpu.memory_space<vmem>>
    %dma_wait3A_929 = tpu.memref_squeeze %dma_wait3A_928 : memref<1x80x32xf32, #tpu.memory_space<vmem>> -> memref<80x32xf32, #tpu.memory_space<vmem>>
    %dma_wait3A_930 = arith.constant 0 : i32
    %dma_wait3A_931 = tpu.memref_slice %arg11[%dma_wait3A_924, %dma_wait3A_930] : memref<3x80xi32, #tpu.memory_space<vmem>> -> memref<1x80xi32, #tpu.memory_space<vmem>>
    %dma_wait3A_932 = tpu.memref_squeeze %dma_wait3A_931 : memref<1x80xi32, #tpu.memory_space<vmem>> -> memref<80xi32, #tpu.memory_space<vmem>>
    %dma_wait3A_933 = arith.constant 0 : i32
    %dma_wait3A_934 = arith.constant 0 : i32
    %dma_wait3A_935 = tpu.memref_slice %arg2[%dma_wait3A_933, %dma_wait3A_934] : memref<10000x32xf32, #tpu.memory_space<hbm>> -> memref<10000x32xf32, #tpu.memory_space<hbm>>
    tpu.wait_indirect_dma semaphore(%arg21 : memref<!tpu.dma_semaphore, #tpu.memory_space<semaphore_mem>>) src(%dma_wait3A_935 : memref<10000x32xf32, #tpu.memory_space<hbm>>) dst(%dma_wait3A_929 : memref<80x32xf32, #tpu.memory_space<vmem>>)
    %dma_wait3A_936 = arith.constant 0 : i32
    %dma_wait3A_937 = arith.constant 0 : i32
    %dma_wait3A_938 = arith.constant 0 : i32
    %dma_wait3A_939 = arith.constant 0 : i32
    %dma_wait3A_940 = tpu.memref_slice %arg12[%dma_wait3A_936, %dma_wait3A_938, %dma_wait3A_939] : memref<3x80x32xf32, #tpu.memory_space<vmem>> -> memref<1x80x32xf32, #tpu.memory_space<vmem>>
    %dma_wait3A_941 = tpu.memref_squeeze %dma_wait3A_940 : memref<1x80x32xf32, #tpu.memory_space<vmem>> -> memref<80x32xf32, #tpu.memory_space<vmem>>
    %dma_wait3A_942 = arith.constant 0 : i32
    %dma_wait3A_943 = tpu.memref_slice %arg10[%dma_wait3A_937, %dma_wait3A_942] : memref<3x80xi32, #tpu.memory_space<vmem>> -> memref<1x80xi32, #tpu.memory_space<vmem>>
    %dma_wait3A_944 = tpu.memref_squeeze %dma_wait3A_943 : memref<1x80xi32, #tpu.memory_space<vmem>> -> memref<80xi32, #tpu.memory_space<vmem>>
    %dma_wait3A_945 = arith.constant 0 : i32
    %dma_wait3A_946 = arith.constant 0 : i32
    %dma_wait3A_947 = tpu.memref_slice %arg8[%dma_wait3A_945, %dma_wait3A_946] : memref<10240x32xf32, #tpu.memory_space<vmem_shared>> -> memref<10240x32xf32, #tpu.memory_space<vmem_shared>>
    tpu.wait_indirect_dma semaphore(%arg23 : memref<!tpu.dma_semaphore, #tpu.memory_space<semaphore_mem>>) src(%dma_wait3A_941 : memref<80x32xf32, #tpu.memory_space<vmem>>) dst(%dma_wait3A_947 : memref<10240x32xf32, #tpu.memory_space<vmem_shared>>)
    %dma_wait3A_948 = arith.constant 0 : i32
    %dma_wait3A_949 = arith.constant 0 : i32
    %dma_wait3A_950 = tpu.memref_slice %arg10[%dma_wait3A_948, %dma_wait3A_949] : memref<3x80xi32, #tpu.memory_space<vmem>> -> memref<1x80xi32, #tpu.memory_space<vmem>>
    %dma_wait3A_951 = tpu.memref_squeeze %dma_wait3A_950 : memref<1x80xi32, #tpu.memory_space<vmem>> -> memref<80xi32, #tpu.memory_space<vmem>>
    %dma_wait3A_952 = arith.constant 0 : i32
    %dma_wait3A_953 = tpu.memref_slice %arg9[%dma_wait3A_952] : memref<10240xf32, #tpu.memory_space<vmem_shared>> -> memref<10240xf32, #tpu.memory_space<vmem_shared>>
    tpu.wait_indirect_dma semaphore(%arg23 : memref<!tpu.dma_semaphore, #tpu.memory_space<semaphore_mem>>) src(%arg14 : memref<80xf32, #tpu.memory_space<vmem>>) dst(%dma_wait3A_953 : memref<10240xf32, #tpu.memory_space<vmem_shared>>)
    %scan3A_954 = arith.constant 0 : i32
    %scan3A_955 = arith.constant 20 : i32
    %scan3A_956 = arith.addi %scan3A_954, %scan3A_955 : i32
    %scan3A_957 = arith.constant 1 : i32
    scf.for %scan3A_1002 = %scan3A_954 to %scan3A_956 step %scan3A_957  : i32 {
      %mul3A_1003 = arith.constant 4 : i32
      %mul3A_1004 = arith.muli %mul3A_1003, %scan3A_1002 : i32
      %add3A_1005 = arith.constant 0 : i32
      %add3A_1006 = arith.addi %mul3A_1004, %add3A_1005 : i32
      %get3A = arith.constant 1 : i32
      %get3A_1007 = arith.index_cast %get3A : i32 to index
      %get3A_1008 = arith.index_cast %add3A_1006 : i32 to index
      %get3A_1009 = arith.constant 0 : index
      %get3A_1010 = tpu.vector_load %arg12[%get3A_1007, %get3A_1008, %get3A_1009] {strides = array<i32>} : memref<3x80x32xf32, #tpu.memory_space<vmem>>, vector<1x1x16xf32>,
      %get3A_1011 = vector.shape_cast %get3A_1010 : vector<1x1x16xf32> to vector<16xf32>
      %get3A_1012 = arith.constant 1 : i32
      %get3A_1013 = arith.index_cast %get3A_1012 : i32 to index
      %get3A_1014 = arith.index_cast %scan3A_1002 : i32 to index
      %get3A_1015 = arith.constant 0 : index
      %get3A_1016 = tpu.vector_load %arg13[%get3A_1013, %get3A_1014, %get3A_1015] {strides = array<i32>} : memref<3x20x128xf32, #tpu.memory_space<vmem>>, vector<1x1x16xf32>,
      %get3A_1017 = vector.shape_cast %get3A_1016 : vector<1x1x16xf32> to vector<16xf32>
      %add3A_1018 = arith.addf %get3A_1011, %get3A_1017 : vector<16xf32>
      %max3A = arith.constant 0.000000e+00 : f32
      %max3A_1019 = vector.broadcast %max3A : f32 to vector<16xf32>
      %max3A_1020 = arith.maximumf %add3A_1018, %max3A_1019 : vector<16xf32>
      %add3A_1021 = arith.constant 0 : i32
      %add3A_1022 = arith.addi %mul3A_1004, %add3A_1021 : i32
      %swap3A = arith.constant 1 : i32
      %swap3A_1023 = arith.index_cast %swap3A : i32 to index
      %swap3A_1024 = arith.index_cast %add3A_1022 : i32 to index
      %swap3A_1025 = arith.constant 0 : index
      %swap3A_1026 = tpu.vector_load %arg12[%swap3A_1023, %swap3A_1024, %swap3A_1025] {strides = array<i32>} : memref<3x80x32xf32, #tpu.memory_space<vmem>>, vector<1x1x16xf32>,
      %swap3A_1027 = vector.shape_cast %swap3A_1026 : vector<1x1x16xf32> to vector<16xf32>
      %swap3A_1028 = vector.shape_cast %max3A_1020 : vector<16xf32> to vector<1x1x16xf32>
      tpu.vector_store %arg12[%swap3A_1023, %swap3A_1024, %swap3A_1025], %swap3A_1028 {strides = array<i32>} : memref<3x80x32xf32, #tpu.memory_space<vmem>>, vector<1x1x16xf32>,
      %add3A_1029 = arith.constant 0 : i32
      %add3A_1030 = arith.addi %mul3A_1004, %add3A_1029 : i32
      %get3A_1031 = arith.constant 1 : i32
      %get3A_1032 = arith.index_cast %get3A_1031 : i32 to index
      %get3A_1033 = arith.index_cast %add3A_1030 : i32 to index
      %get3A_1034 = arith.constant 16 : index
      %get3A_1035 = tpu.vector_load %arg12[%get3A_1032, %get3A_1033, %get3A_1034] {strides = array<i32>} : memref<3x80x32xf32, #tpu.memory_space<vmem>>, vector<1x1x16xf32>,
      %get3A_1036 = vector.shape_cast %get3A_1035 : vector<1x1x16xf32> to vector<16xf32>
      %get3A_1037 = arith.constant 1 : i32
      %get3A_1038 = arith.index_cast %get3A_1037 : i32 to index
      %get3A_1039 = arith.index_cast %scan3A_1002 : i32 to index
      %get3A_1040 = arith.constant 16 : index
      %get3A_1041 = tpu.vector_load %arg13[%get3A_1038, %get3A_1039, %get3A_1040] {strides = array<i32>} : memref<3x20x128xf32, #tpu.memory_space<vmem>>, vector<1x1x16xf32>,
      %get3A_1042 = vector.shape_cast %get3A_1041 : vector<1x1x16xf32> to vector<16xf32>
      %add3A_1043 = arith.addf %get3A_1036, %get3A_1042 : vector<16xf32>
      %max3A_1044 = arith.constant 0.000000e+00 : f32
      %max3A_1045 = vector.broadcast %max3A_1044 : f32 to vector<16xf32>
      %max3A_1046 = arith.maximumf %add3A_1043, %max3A_1045 : vector<16xf32>
      %add3A_1047 = arith.constant 0 : i32
      %add3A_1048 = arith.addi %mul3A_1004, %add3A_1047 : i32
      %swap3A_1049 = arith.constant 1 : i32
      %swap3A_1050 = arith.index_cast %swap3A_1049 : i32 to index
      %swap3A_1051 = arith.index_cast %add3A_1048 : i32 to index
      %swap3A_1052 = arith.constant 16 : index
      %swap3A_1053 = tpu.vector_load %arg12[%swap3A_1050, %swap3A_1051, %swap3A_1052] {strides = array<i32>} : memref<3x80x32xf32, #tpu.memory_space<vmem>>, vector<1x1x16xf32>,
      %swap3A_1054 = vector.shape_cast %swap3A_1053 : vector<1x1x16xf32> to vector<16xf32>
      %swap3A_1055 = vector.shape_cast %max3A_1046 : vector<16xf32> to vector<1x1x16xf32>
      tpu.vector_store %arg12[%swap3A_1050, %swap3A_1051, %swap3A_1052], %swap3A_1055 {strides = array<i32>} : memref<3x80x32xf32, #tpu.memory_space<vmem>>, vector<1x1x16xf32>,
      %add3A_1056 = arith.constant 1 : i32
      %add3A_1057 = arith.addi %mul3A_1004, %add3A_1056 : i32
      %get3A_1058 = arith.constant 1 : i32
      %get3A_1059 = arith.index_cast %get3A_1058 : i32 to index
      %get3A_1060 = arith.index_cast %add3A_1057 : i32 to index
      %get3A_1061 = arith.constant 0 : index
      %get3A_1062 = tpu.vector_load %arg12[%get3A_1059, %get3A_1060, %get3A_1061] {strides = array<i32>} : memref<3x80x32xf32, #tpu.memory_space<vmem>>, vector<1x1x16xf32>,
      %get3A_1063 = vector.shape_cast %get3A_1062 : vector<1x1x16xf32> to vector<16xf32>
      %get3A_1064 = arith.constant 1 : i32
      %get3A_1065 = arith.index_cast %get3A_1064 : i32 to index
      %get3A_1066 = arith.index_cast %scan3A_1002 : i32 to index
      %get3A_1067 = arith.constant 32 : index
      %get3A_1068 = tpu.vector_load %arg13[%get3A_1065, %get3A_1066, %get3A_1067] {strides = array<i32>} : memref<3x20x128xf32, #tpu.memory_space<vmem>>, vector<1x1x16xf32>,
      %get3A_1069 = vector.shape_cast %get3A_1068 : vector<1x1x16xf32> to vector<16xf32>
      %add3A_1070 = arith.addf %get3A_1063, %get3A_1069 : vector<16xf32>
      %max3A_1071 = arith.constant 0.000000e+00 : f32
      %max3A_1072 = vector.broadcast %max3A_1071 : f32 to vector<16xf32>
      %max3A_1073 = arith.maximumf %add3A_1070, %max3A_1072 : vector<16xf32>
      %add3A_1074 = arith.constant 1 : i32
      %add3A_1075 = arith.addi %mul3A_1004, %add3A_1074 : i32
      %swap3A_1076 = arith.constant 1 : i32
      %swap3A_1077 = arith.index_cast %swap3A_1076 : i32 to index
      %swap3A_1078 = arith.index_cast %add3A_1075 : i32 to index
      %swap3A_1079 = arith.constant 0 : index
      %swap3A_1080 = tpu.vector_load %arg12[%swap3A_1077, %swap3A_1078, %swap3A_1079] {strides = array<i32>} : memref<3x80x32xf32, #tpu.memory_space<vmem>>, vector<1x1x16xf32>,
      %swap3A_1081 = vector.shape_cast %swap3A_1080 : vector<1x1x16xf32> to vector<16xf32>
      %swap3A_1082 = vector.shape_cast %max3A_1073 : vector<16xf32> to vector<1x1x16xf32>
      tpu.vector_store %arg12[%swap3A_1077, %swap3A_1078, %swap3A_1079], %swap3A_1082 {strides = array<i32>} : memref<3x80x32xf32, #tpu.memory_space<vmem>>, vector<1x1x16xf32>,
      %add3A_1083 = arith.constant 1 : i32
      %add3A_1084 = arith.addi %mul3A_1004, %add3A_1083 : i32
      %get3A_1085 = arith.constant 1 : i32
      %get3A_1086 = arith.index_cast %get3A_1085 : i32 to index
      %get3A_1087 = arith.index_cast %add3A_1084 : i32 to index
      %get3A_1088 = arith.constant 16 : index
      %get3A_1089 = tpu.vector_load %arg12[%get3A_1086, %get3A_1087, %get3A_1088] {strides = array<i32>} : memref<3x80x32xf32, #tpu.memory_space<vmem>>, vector<1x1x16xf32>,
      %get3A_1090 = vector.shape_cast %get3A_1089 : vector<1x1x16xf32> to vector<16xf32>
      %get3A_1091 = arith.constant 1 : i32
      %get3A_1092 = arith.index_cast %get3A_1091 : i32 to index
      %get3A_1093 = arith.index_cast %scan3A_1002 : i32 to index
      %get3A_1094 = arith.constant 48 : index
      %get3A_1095 = tpu.vector_load %arg13[%get3A_1092, %get3A_1093, %get3A_1094] {strides = array<i32>} : memref<3x20x128xf32, #tpu.memory_space<vmem>>, vector<1x1x16xf32>,
      %get3A_1096 = vector.shape_cast %get3A_1095 : vector<1x1x16xf32> to vector<16xf32>
      %add3A_1097 = arith.addf %get3A_1090, %get3A_1096 : vector<16xf32>
      %max3A_1098 = arith.constant 0.000000e+00 : f32
      %max3A_1099 = vector.broadcast %max3A_1098 : f32 to vector<16xf32>
      %max3A_1100 = arith.maximumf %add3A_1097, %max3A_1099 : vector<16xf32>
      %add3A_1101 = arith.constant 1 : i32
      %add3A_1102 = arith.addi %mul3A_1004, %add3A_1101 : i32
      %swap3A_1103 = arith.constant 1 : i32
      %swap3A_1104 = arith.index_cast %swap3A_1103 : i32 to index
      %swap3A_1105 = arith.index_cast %add3A_1102 : i32 to index
      %swap3A_1106 = arith.constant 16 : index
      %swap3A_1107 = tpu.vector_load %arg12[%swap3A_1104, %swap3A_1105, %swap3A_1106] {strides = array<i32>} : memref<3x80x32xf32, #tpu.memory_space<vmem>>, vector<1x1x16xf32>,
      %swap3A_1108 = vector.shape_cast %swap3A_1107 : vector<1x1x16xf32> to vector<16xf32>
      %swap3A_1109 = vector.shape_cast %max3A_1100 : vector<16xf32> to vector<1x1x16xf32>
      tpu.vector_store %arg12[%swap3A_1104, %swap3A_1105, %swap3A_1106], %swap3A_1109 {strides = array<i32>} : memref<3x80x32xf32, #tpu.memory_space<vmem>>, vector<1x1x16xf32>,
      %add3A_1110 = arith.constant 2 : i32
      %add3A_1111 = arith.addi %mul3A_1004, %add3A_1110 : i32
      %get3A_1112 = arith.constant 1 : i32
      %get3A_1113 = arith.index_cast %get3A_1112 : i32 to index
      %get3A_1114 = arith.index_cast %add3A_1111 : i32 to index
      %get3A_1115 = arith.constant 0 : index
      %get3A_1116 = tpu.vector_load %arg12[%get3A_1113, %get3A_1114, %get3A_1115] {strides = array<i32>} : memref<3x80x32xf32, #tpu.memory_space<vmem>>, vector<1x1x16xf32>,
      %get3A_1117 = vector.shape_cast %get3A_1116 : vector<1x1x16xf32> to vector<16xf32>
      %get3A_1118 = arith.constant 1 : i32
      %get3A_1119 = arith.index_cast %get3A_1118 : i32 to index
      %get3A_1120 = arith.index_cast %scan3A_1002 : i32 to index
      %get3A_1121 = arith.constant 64 : index
      %get3A_1122 = tpu.vector_load %arg13[%get3A_1119, %get3A_1120, %get3A_1121] {strides = array<i32>} : memref<3x20x128xf32, #tpu.memory_space<vmem>>, vector<1x1x16xf32>,
      %get3A_1123 = vector.shape_cast %get3A_1122 : vector<1x1x16xf32> to vector<16xf32>
      %add3A_1124 = arith.addf %get3A_1117, %get3A_1123 : vector<16xf32>
      %max3A_1125 = arith.constant 0.000000e+00 : f32
      %max3A_1126 = vector.broadcast %max3A_1125 : f32 to vector<16xf32>
      %max3A_1127 = arith.maximumf %add3A_1124, %max3A_1126 : vector<16xf32>
      %add3A_1128 = arith.constant 2 : i32
      %add3A_1129 = arith.addi %mul3A_1004, %add3A_1128 : i32
      %swap3A_1130 = arith.constant 1 : i32
      %swap3A_1131 = arith.index_cast %swap3A_1130 : i32 to index
      %swap3A_1132 = arith.index_cast %add3A_1129 : i32 to index
      %swap3A_1133 = arith.constant 0 : index
      %swap3A_1134 = tpu.vector_load %arg12[%swap3A_1131, %swap3A_1132, %swap3A_1133] {strides = array<i32>} : memref<3x80x32xf32, #tpu.memory_space<vmem>>, vector<1x1x16xf32>,
      %swap3A_1135 = vector.shape_cast %swap3A_1134 : vector<1x1x16xf32> to vector<16xf32>
      %swap3A_1136 = vector.shape_cast %max3A_1127 : vector<16xf32> to vector<1x1x16xf32>
      tpu.vector_store %arg12[%swap3A_1131, %swap3A_1132, %swap3A_1133], %swap3A_1136 {strides = array<i32>} : memref<3x80x32xf32, #tpu.memory_space<vmem>>, vector<1x1x16xf32>,
      %add3A_1137 = arith.constant 2 : i32
      %add3A_1138 = arith.addi %mul3A_1004, %add3A_1137 : i32
      %get3A_1139 = arith.constant 1 : i32
      %get3A_1140 = arith.index_cast %get3A_1139 : i32 to index
      %get3A_1141 = arith.index_cast %add3A_1138 : i32 to index
      %get3A_1142 = arith.constant 16 : index
      %get3A_1143 = tpu.vector_load %arg12[%get3A_1140, %get3A_1141, %get3A_1142] {strides = array<i32>} : memref<3x80x32xf32, #tpu.memory_space<vmem>>, vector<1x1x16xf32>,
      %get3A_1144 = vector.shape_cast %get3A_1143 : vector<1x1x16xf32> to vector<16xf32>
      %get3A_1145 = arith.constant 1 : i32
      %get3A_1146 = arith.index_cast %get3A_1145 : i32 to index
      %get3A_1147 = arith.index_cast %scan3A_1002 : i32 to index
      %get3A_1148 = arith.constant 80 : index
      %get3A_1149 = tpu.vector_load %arg13[%get3A_1146, %get3A_1147, %get3A_1148] {strides = array<i32>} : memref<3x20x128xf32, #tpu.memory_space<vmem>>, vector<1x1x16xf32>,
      %get3A_1150 = vector.shape_cast %get3A_1149 : vector<1x1x16xf32> to vector<16xf32>
      %add3A_1151 = arith.addf %get3A_1144, %get3A_1150 : vector<16xf32>
      %max3A_1152 = arith.constant 0.000000e+00 : f32
      %max3A_1153 = vector.broadcast %max3A_1152 : f32 to vector<16xf32>
      %max3A_1154 = arith.maximumf %add3A_1151, %max3A_1153 : vector<16xf32>
      %add3A_1155 = arith.constant 2 : i32
      %add3A_1156 = arith.addi %mul3A_1004, %add3A_1155 : i32
      %swap3A_1157 = arith.constant 1 : i32
      %swap3A_1158 = arith.index_cast %swap3A_1157 : i32 to index
      %swap3A_1159 = arith.index_cast %add3A_1156 : i32 to index
      %swap3A_1160 = arith.constant 16 : index
      %swap3A_1161 = tpu.vector_load %arg12[%swap3A_1158, %swap3A_1159, %swap3A_1160] {strides = array<i32>} : memref<3x80x32xf32, #tpu.memory_space<vmem>>, vector<1x1x16xf32>,
      %swap3A_1162 = vector.shape_cast %swap3A_1161 : vector<1x1x16xf32> to vector<16xf32>
      %swap3A_1163 = vector.shape_cast %max3A_1154 : vector<16xf32> to vector<1x1x16xf32>
      tpu.vector_store %arg12[%swap3A_1158, %swap3A_1159, %swap3A_1160], %swap3A_1163 {strides = array<i32>} : memref<3x80x32xf32, #tpu.memory_space<vmem>>, vector<1x1x16xf32>,
      %add3A_1164 = arith.constant 3 : i32
      %add3A_1165 = arith.addi %mul3A_1004, %add3A_1164 : i32
      %get3A_1166 = arith.constant 1 : i32
      %get3A_1167 = arith.index_cast %get3A_1166 : i32 to index
      %get3A_1168 = arith.index_cast %add3A_1165 : i32 to index
      %get3A_1169 = arith.constant 0 : index
      %get3A_1170 = tpu.vector_load %arg12[%get3A_1167, %get3A_1168, %get3A_1169] {strides = array<i32>} : memref<3x80x32xf32, #tpu.memory_space<vmem>>, vector<1x1x16xf32>,
      %get3A_1171 = vector.shape_cast %get3A_1170 : vector<1x1x16xf32> to vector<16xf32>
      %get3A_1172 = arith.constant 1 : i32
      %get3A_1173 = arith.index_cast %get3A_1172 : i32 to index
      %get3A_1174 = arith.index_cast %scan3A_1002 : i32 to index
      %get3A_1175 = arith.constant 96 : index
      %get3A_1176 = tpu.vector_load %arg13[%get3A_1173, %get3A_1174, %get3A_1175] {strides = array<i32>} : memref<3x20x128xf32, #tpu.memory_space<vmem>>, vector<1x1x16xf32>,
      %get3A_1177 = vector.shape_cast %get3A_1176 : vector<1x1x16xf32> to vector<16xf32>
      %add3A_1178 = arith.addf %get3A_1171, %get3A_1177 : vector<16xf32>
      %max3A_1179 = arith.constant 0.000000e+00 : f32
      %max3A_1180 = vector.broadcast %max3A_1179 : f32 to vector<16xf32>
      %max3A_1181 = arith.maximumf %add3A_1178, %max3A_1180 : vector<16xf32>
      %add3A_1182 = arith.constant 3 : i32
      %add3A_1183 = arith.addi %mul3A_1004, %add3A_1182 : i32
      %swap3A_1184 = arith.constant 1 : i32
      %swap3A_1185 = arith.index_cast %swap3A_1184 : i32 to index
      %swap3A_1186 = arith.index_cast %add3A_1183 : i32 to index
      %swap3A_1187 = arith.constant 0 : index
      %swap3A_1188 = tpu.vector_load %arg12[%swap3A_1185, %swap3A_1186, %swap3A_1187] {strides = array<i32>} : memref<3x80x32xf32, #tpu.memory_space<vmem>>, vector<1x1x16xf32>,
      %swap3A_1189 = vector.shape_cast %swap3A_1188 : vector<1x1x16xf32> to vector<16xf32>
      %swap3A_1190 = vector.shape_cast %max3A_1181 : vector<16xf32> to vector<1x1x16xf32>
      tpu.vector_store %arg12[%swap3A_1185, %swap3A_1186, %swap3A_1187], %swap3A_1190 {strides = array<i32>} : memref<3x80x32xf32, #tpu.memory_space<vmem>>, vector<1x1x16xf32>,
      %add3A_1191 = arith.constant 3 : i32
      %add3A_1192 = arith.addi %mul3A_1004, %add3A_1191 : i32
      %get3A_1193 = arith.constant 1 : i32
      %get3A_1194 = arith.index_cast %get3A_1193 : i32 to index
      %get3A_1195 = arith.index_cast %add3A_1192 : i32 to index
      %get3A_1196 = arith.constant 16 : index
      %get3A_1197 = tpu.vector_load %arg12[%get3A_1194, %get3A_1195, %get3A_1196] {strides = array<i32>} : memref<3x80x32xf32, #tpu.memory_space<vmem>>, vector<1x1x16xf32>,
      %get3A_1198 = vector.shape_cast %get3A_1197 : vector<1x1x16xf32> to vector<16xf32>
      %get3A_1199 = arith.constant 1 : i32
      %get3A_1200 = arith.index_cast %get3A_1199 : i32 to index
      %get3A_1201 = arith.index_cast %scan3A_1002 : i32 to index
      %get3A_1202 = arith.constant 112 : index
      %get3A_1203 = tpu.vector_load %arg13[%get3A_1200, %get3A_1201, %get3A_1202] {strides = array<i32>} : memref<3x20x128xf32, #tpu.memory_space<vmem>>, vector<1x1x16xf32>,
      %get3A_1204 = vector.shape_cast %get3A_1203 : vector<1x1x16xf32> to vector<16xf32>
      %add3A_1205 = arith.addf %get3A_1198, %get3A_1204 : vector<16xf32>
      %max3A_1206 = arith.constant 0.000000e+00 : f32
      %max3A_1207 = vector.broadcast %max3A_1206 : f32 to vector<16xf32>
      %max3A_1208 = arith.maximumf %add3A_1205, %max3A_1207 : vector<16xf32>
      %add3A_1209 = arith.constant 3 : i32
      %add3A_1210 = arith.addi %mul3A_1004, %add3A_1209 : i32
      %swap3A_1211 = arith.constant 1 : i32
      %swap3A_1212 = arith.index_cast %swap3A_1211 : i32 to index
      %swap3A_1213 = arith.index_cast %add3A_1210 : i32 to index
      %swap3A_1214 = arith.constant 16 : index
      %swap3A_1215 = tpu.vector_load %arg12[%swap3A_1212, %swap3A_1213, %swap3A_1214] {strides = array<i32>} : memref<3x80x32xf32, #tpu.memory_space<vmem>>, vector<1x1x16xf32>,
      %swap3A_1216 = vector.shape_cast %swap3A_1215 : vector<1x1x16xf32> to vector<16xf32>
      %swap3A_1217 = vector.shape_cast %max3A_1208 : vector<16xf32> to vector<1x1x16xf32>
      tpu.vector_store %arg12[%swap3A_1212, %swap3A_1213, %swap3A_1214], %swap3A_1217 {strides = array<i32>} : memref<3x80x32xf32, #tpu.memory_space<vmem>>, vector<1x1x16xf32>,
    }
    %scan3A_958 = arith.constant 20 : i32
    %dma_start3A_959 = arith.constant 1 : i32
    %dma_start3A_960 = arith.constant 1 : i32
    %dma_start3A_961 = arith.constant 0 : i32
    %dma_start3A_962 = arith.constant 0 : i32
    %dma_start3A_963 = tpu.memref_slice %arg12[%dma_start3A_959, %dma_start3A_961, %dma_start3A_962] : memref<3x80x32xf32, #tpu.memory_space<vmem>> -> memref<1x80x32xf32, #tpu.memory_space<vmem>>
    %dma_start3A_964 = tpu.memref_squeeze %dma_start3A_963 : memref<1x80x32xf32, #tpu.memory_space<vmem>> -> memref<80x32xf32, #tpu.memory_space<vmem>>
    %dma_start3A_965 = arith.constant 0 : i32
    %dma_start3A_966 = tpu.memref_slice %arg10[%dma_start3A_960, %dma_start3A_965] : memref<3x80xi32, #tpu.memory_space<vmem>> -> memref<1x80xi32, #tpu.memory_space<vmem>>
    %dma_start3A_967 = tpu.memref_squeeze %dma_start3A_966 : memref<1x80xi32, #tpu.memory_space<vmem>> -> memref<80xi32, #tpu.memory_space<vmem>>
    %dma_start3A_968 = arith.constant 0 : i32
    %dma_start3A_969 = arith.constant 0 : i32
    %dma_start3A_970 = tpu.memref_slice %arg8[%dma_start3A_968, %dma_start3A_969] : memref<10240x32xf32, #tpu.memory_space<vmem_shared>> -> memref<10240x32xf32, #tpu.memory_space<vmem_shared>>
    tpu.enqueue_indirect_dma source(%dma_start3A_964 : memref<80x32xf32, #tpu.memory_space<vmem>>) target(%dma_start3A_970 : memref<10240x32xf32, #tpu.memory_space<vmem_shared>>) offsets(%dma_start3A_967 : memref<80xi32, #tpu.memory_space<vmem>>) semaphore(%arg24 : memref<!tpu.dma_semaphore, #tpu.memory_space<semaphore_mem>>) {add = true}
    %dma_start3A_971 = arith.constant 1 : i32
    %dma_start3A_972 = arith.constant 0 : i32
    %dma_start3A_973 = tpu.memref_slice %arg10[%dma_start3A_971, %dma_start3A_972] : memref<3x80xi32, #tpu.memory_space<vmem>> -> memref<1x80xi32, #tpu.memory_space<vmem>>
    %dma_start3A_974 = tpu.memref_squeeze %dma_start3A_973 : memref<1x80xi32, #tpu.memory_space<vmem>> -> memref<80xi32, #tpu.memory_space<vmem>>
    %dma_start3A_975 = arith.constant 0 : i32
    %dma_start3A_976 = tpu.memref_slice %arg9[%dma_start3A_975] : memref<10240xf32, #tpu.memory_space<vmem_shared>> -> memref<10240xf32, #tpu.memory_space<vmem_shared>>
    tpu.enqueue_indirect_dma source(%arg14 : memref<80xf32, #tpu.memory_space<vmem>>) target(%dma_start3A_976 : memref<10240xf32, #tpu.memory_space<vmem_shared>>) offsets(%dma_start3A_974 : memref<80xi32, #tpu.memory_space<vmem>>) semaphore(%arg24 : memref<!tpu.dma_semaphore, #tpu.memory_space<semaphore_mem>>) {add = true}
    %dma_wait3A_977 = arith.constant 1 : i32
    %dma_wait3A_978 = arith.constant 1 : i32
    %dma_wait3A_979 = arith.constant 0 : i32
    %dma_wait3A_980 = arith.constant 0 : i32
    %dma_wait3A_981 = tpu.memref_slice %arg12[%dma_wait3A_977, %dma_wait3A_979, %dma_wait3A_980] : memref<3x80x32xf32, #tpu.memory_space<vmem>> -> memref<1x80x32xf32, #tpu.memory_space<vmem>>
    %dma_wait3A_982 = tpu.memref_squeeze %dma_wait3A_981 : memref<1x80x32xf32, #tpu.memory_space<vmem>> -> memref<80x32xf32, #tpu.memory_space<vmem>>
    %dma_wait3A_983 = arith.constant 0 : i32
    %dma_wait3A_984 = tpu.memref_slice %arg10[%dma_wait3A_978, %dma_wait3A_983] : memref<3x80xi32, #tpu.memory_space<vmem>> -> memref<1x80xi32, #tpu.memory_space<vmem>>
    %dma_wait3A_985 = tpu.memref_squeeze %dma_wait3A_984 : memref<1x80xi32, #tpu.memory_space<vmem>> -> memref<80xi32, #tpu.memory_space<vmem>>
    %dma_wait3A_986 = arith.constant 0 : i32
    %dma_wait3A_987 = arith.constant 0 : i32
    %dma_wait3A_988 = tpu.memref_slice %arg8[%dma_wait3A_986, %dma_wait3A_987] : memref<10240x32xf32, #tpu.memory_space<vmem_shared>> -> memref<10240x32xf32, #tpu.memory_space<vmem_shared>>
    tpu.wait_indirect_dma semaphore(%arg24 : memref<!tpu.dma_semaphore, #tpu.memory_space<semaphore_mem>>) src(%dma_wait3A_982 : memref<80x32xf32, #tpu.memory_space<vmem>>) dst(%dma_wait3A_988 : memref<10240x32xf32, #tpu.memory_space<vmem_shared>>)
    %dma_wait3A_989 = arith.constant 1 : i32
    %dma_wait3A_990 = arith.constant 0 : i32
    %dma_wait3A_991 = tpu.memref_slice %arg10[%dma_wait3A_989, %dma_wait3A_990] : memref<3x80xi32, #tpu.memory_space<vmem>> -> memref<1x80xi32, #tpu.memory_space<vmem>>
    %dma_wait3A_992 = tpu.memref_squeeze %dma_wait3A_991 : memref<1x80xi32, #tpu.memory_space<vmem>> -> memref<80xi32, #tpu.memory_space<vmem>>
    %dma_wait3A_993 = arith.constant 0 : i32
    %dma_wait3A_994 = tpu.memref_slice %arg9[%dma_wait3A_993] : memref<10240xf32, #tpu.memory_space<vmem_shared>> -> memref<10240xf32, #tpu.memory_space<vmem_shared>>
    tpu.wait_indirect_dma semaphore(%arg24 : memref<!tpu.dma_semaphore, #tpu.memory_space<semaphore_mem>>) src(%arg14 : memref<80xf32, #tpu.memory_space<vmem>>) dst(%dma_wait3A_994 : memref<10240xf32, #tpu.memory_space<vmem_shared>>)
    %barrier3A_995 = arith.constant 0 : index
    tpu.barrier barrier_id(%barrier3A_995)
    %mul3A_996 = arith.constant 640 : i32
    %mul3A_997 = arith.muli %mul3A_996, %arg1 : i32
    %multiple_of3A_998 = tpu.assume_multiple %mul3A_997, 8 : i32
    "tpu.region"() ({
      %run_scoped3A = tpu.sem_alloc : memref<!tpu.dma_semaphore, #tpu.memory_space<semaphore_mem>>
      %dma_start3A_1002 = arith.constant 0 : i32
      %dma_start3A_1003 = tpu.memref_slice %arg6[%arg0, %multiple_of3A_998, %dma_start3A_1002] : memref<2x10240x32xf32, #tpu.memory_space<hbm>> -> memref<1x640x32xf32, #tpu.memory_space<hbm>>
      %dma_start3A_1004 = tpu.memref_squeeze %dma_start3A_1003 : memref<1x640x32xf32, #tpu.memory_space<hbm>> -> memref<640x32xf32, #tpu.memory_space<hbm>>
      %dma_start3A_1005 = arith.constant 0 : i32
      %dma_start3A_1006 = tpu.memref_slice %arg8[%multiple_of3A_998, %dma_start3A_1005] : memref<10240x32xf32, #tpu.memory_space<vmem_shared>> -> memref<640x32xf32, #tpu.memory_space<vmem_shared>>
      tpu.enqueue_dma source(%dma_start3A_1006 : memref<640x32xf32, #tpu.memory_space<vmem_shared>>) target(%dma_start3A_1004 : memref<640x32xf32, #tpu.memory_space<hbm>>) target_semaphore(%run_scoped3A : memref<!tpu.dma_semaphore, #tpu.memory_space<semaphore_mem>>)
      %dma_wait3A_1007 = arith.constant 0 : i32
      %dma_wait3A_1008 = tpu.memref_slice %arg6[%arg0, %multiple_of3A_998, %dma_wait3A_1007] : memref<2x10240x32xf32, #tpu.memory_space<hbm>> -> memref<1x640x32xf32, #tpu.memory_space<hbm>>
      %dma_wait3A_1009 = tpu.memref_squeeze %dma_wait3A_1008 : memref<1x640x32xf32, #tpu.memory_space<hbm>> -> memref<640x32xf32, #tpu.memory_space<hbm>>
      %dma_wait3A_1010 = arith.constant 0 : i32
      %dma_wait3A_1011 = tpu.memref_slice %arg8[%multiple_of3A_998, %dma_wait3A_1010] : memref<10240x32xf32, #tpu.memory_space<vmem_shared>> -> memref<640x32xf32, #tpu.memory_space<vmem_shared>>
      tpu.wait_dma2 semaphore(%run_scoped3A : memref<!tpu.dma_semaphore, #tpu.memory_space<semaphore_mem>>) src(%dma_wait3A_1011 : memref<640x32xf32, #tpu.memory_space<vmem_shared>>) dst(%dma_wait3A_1009 : memref<640x32xf32, #tpu.memory_space<hbm>>)
      tpu.yield
    }) : () -> ()
    %mul3A_999 = arith.constant 640 : i32
    %mul3A_1000 = arith.muli %mul3A_999, %arg1 : i32
    %multiple_of3A_1001 = tpu.assume_multiple %mul3A_1000, 8 : i32
    "tpu.region"() ({
      %run_scoped3A = tpu.sem_alloc : memref<!tpu.dma_semaphore, #tpu.memory_space<semaphore_mem>>
      %dma_start3A_1002 = tpu.memref_slice %arg7[%arg0, %multiple_of3A_1001] : memref<2x10240xf32, #tpu.memory_space<hbm>> -> memref<1x640xf32, #tpu.memory_space<hbm>>
      %dma_start3A_1003 = tpu.memref_squeeze %dma_start3A_1002 : memref<1x640xf32, #tpu.memory_space<hbm>> -> memref<640xf32, #tpu.memory_space<hbm>>
      %dma_start3A_1004 = tpu.memref_slice %arg9[%multiple_of3A_1001] : memref<10240xf32, #tpu.memory_space<vmem_shared>> -> memref<640xf32, #tpu.memory_space<vmem_shared>>
      tpu.enqueue_dma source(%dma_start3A_1004 : memref<640xf32, #tpu.memory_space<vmem_shared>>) target(%dma_start3A_1003 : memref<640xf32, #tpu.memory_space<hbm>>) target_semaphore(%run_scoped3A : memref<!tpu.dma_semaphore, #tpu.memory_space<semaphore_mem>>)
      %dma_wait3A_1005 = tpu.memref_slice %arg7[%arg0, %multiple_of3A_1001] : memref<2x10240xf32, #tpu.memory_space<hbm>> -> memref<1x640xf32, #tpu.memory_space<hbm>>
      %dma_wait3A_1006 = tpu.memref_squeeze %dma_wait3A_1005 : memref<1x640xf32, #tpu.memory_space<hbm>> -> memref<640xf32, #tpu.memory_space<hbm>>
      %dma_wait3A_1007 = tpu.memref_slice %arg9[%multiple_of3A_1001] : memref<10240xf32, #tpu.memory_space<vmem_shared>> -> memref<640xf32, #tpu.memory_space<vmem_shared>>
      tpu.wait_dma2 semaphore(%run_scoped3A : memref<!tpu.dma_semaphore, #tpu.memory_space<semaphore_mem>>) src(%dma_wait3A_1007 : memref<640xf32, #tpu.memory_space<vmem_shared>>) dst(%dma_wait3A_1006 : memref<640xf32, #tpu.memory_space<hbm>>)
      tpu.yield
    }) : () -> ()
    return
  }
}

module attributes {stable_mosaic.version = 14 : i64} {
  func.func @_pq_body(%arg0: i32, %arg1: memref<10000x128xf32, #tpu.memory_space<vmem>>, %arg2: memref<2000x128xf32, #tpu.memory_space<vmem>>, %arg3: memref<160x32xf32, #tpu.memory_space<vmem>>, %arg4: memref<1x32xf32, #tpu.memory_space<vmem>>, %arg5: memref<2000x128xf32, #tpu.memory_space<vmem>>, %arg6: memref<10000x32xf32, #tpu.memory_space<vmem>>) attributes {dimension_semantics = [#tpu.dimension_semantics<arbitrary>], iteration_bounds = array<i64: 40>, scalar_prefetch = 0 : i64, scratch_operands = 0 : i64, tpu.core_type = #tpu.core_type<tc>, window_params = [{pipeline_mode = #tpu.pipeline_mode<synchronous>, transform_indices = @transform_0, window_bounds = array<i64: 10000, 128>}, {transform_indices = @transform_1, window_bounds = array<i64: 2000, 128>}, {pipeline_mode = #tpu.pipeline_mode<synchronous>, transform_indices = @transform_2, window_bounds = array<i64: 160, 32>}, {pipeline_mode = #tpu.pipeline_mode<synchronous>, transform_indices = @transform_3, window_bounds = array<i64: 1, 32>}, {transform_indices = @transform_4, window_bounds = array<i64: 2000, 128>}, {pipeline_mode = #tpu.pipeline_mode<synchronous>, transform_indices = @transform_5, window_bounds = array<i64: 10000, 32>}]} {
    %get3A = arith.constant 0 : index
    %get3A_0 = arith.constant 0 : index
    %get3A_1 = vector.load %arg3[%get3A, %get3A_0] : memref<160x32xf32, #tpu.memory_space<vmem>>, vector<160x32xf32>
    %slice3A = vector.extract_strided_slice %get3A_1 {offsets = [128, 0], sizes = [32, 32], strides = [1, 1]} : vector<160x32xf32> to vector<32x32xf32>
    %get3A_2 = arith.constant 0 : index
    %get3A_3 = arith.constant 0 : index
    %get3A_4 = vector.load %arg2[%get3A_2, %get3A_3] : memref<2000x128xf32, #tpu.memory_space<vmem>>, vector<2000x128xf32>
    %slice3A_5 = vector.extract_strided_slice %get3A_4 {offsets = [0, 0], sizes = [2000, 32], strides = [1, 1]} : vector<2000x128xf32> to vector<2000x32xf32>
    %dot_general3A = arith.constant dense<0.000000e+00> : vector<2000x32xf32>
    %dot_general3A_6 = tpu.matmul %slice3A_5, %slice3A, %dot_general3A {dimension_numbers = #tpu.dot_dimension_numbers<[1], [0], [0], [1], [0, 0, 1, 1], [], []>, transpose_lhs_hint = false} : vector<2000x32xf32>, vector<32x32xf32>, vector<2000x32xf32> -> vector<2000x32xf32>
    %get3A_7 = arith.constant 0 : index
    %get3A_8 = arith.constant 0 : index
    %get3A_9 = vector.load %arg4[%get3A_7, %get3A_8] : memref<1x32xf32, #tpu.memory_space<vmem>>, vector<1x32xf32>
    %add3A = vector.broadcast %get3A_9 : vector<1x32xf32> to vector<2000x32xf32>
    %add3A_10 = arith.addf %dot_general3A_6, %add3A : vector<2000x32xf32>
    %swap3A = arith.constant 0 : index
    %swap3A_11 = arith.constant 0 : index
    %swap3A_12 = vector.load %arg5[%swap3A, %swap3A_11] : memref<2000x128xf32, #tpu.memory_space<vmem>>, vector<2000x32xf32>
    tpu.vector_store %arg5[%swap3A, %swap3A_11], %add3A_10 {strides = array<i32>} : memref<2000x128xf32, #tpu.memory_space<vmem>>, vector<2000x32xf32>,
    %slice3A_13 = vector.extract_strided_slice %get3A_4 {offsets = [0, 32], sizes = [2000, 32], strides = [1, 1]} : vector<2000x128xf32> to vector<2000x32xf32>
    %dot_general3A_14 = arith.constant dense<0.000000e+00> : vector<2000x32xf32>
    %dot_general3A_15 = tpu.matmul %slice3A_13, %slice3A, %dot_general3A_14 {dimension_numbers = #tpu.dot_dimension_numbers<[1], [0], [0], [1], [0, 0, 1, 1], [], []>, transpose_lhs_hint = false} : vector<2000x32xf32>, vector<32x32xf32>, vector<2000x32xf32> -> vector<2000x32xf32>
    %get3A_16 = arith.constant 0 : index
    %get3A_17 = arith.constant 0 : index
    %get3A_18 = vector.load %arg4[%get3A_16, %get3A_17] : memref<1x32xf32, #tpu.memory_space<vmem>>, vector<1x32xf32>
    %add3A_19 = vector.broadcast %get3A_18 : vector<1x32xf32> to vector<2000x32xf32>
    %add3A_20 = arith.addf %dot_general3A_15, %add3A_19 : vector<2000x32xf32>
    %swap3A_21 = arith.constant 0 : index
    %swap3A_22 = arith.constant 32 : index
    %swap3A_23 = vector.load %arg5[%swap3A_21, %swap3A_22] : memref<2000x128xf32, #tpu.memory_space<vmem>>, vector<2000x32xf32>
    tpu.vector_store %arg5[%swap3A_21, %swap3A_22], %add3A_20 {strides = array<i32>} : memref<2000x128xf32, #tpu.memory_space<vmem>>, vector<2000x32xf32>,
    %slice3A_24 = vector.extract_strided_slice %get3A_4 {offsets = [0, 64], sizes = [2000, 32], strides = [1, 1]} : vector<2000x128xf32> to vector<2000x32xf32>
    %dot_general3A_25 = arith.constant dense<0.000000e+00> : vector<2000x32xf32>
    %dot_general3A_26 = tpu.matmul %slice3A_24, %slice3A, %dot_general3A_25 {dimension_numbers = #tpu.dot_dimension_numbers<[1], [0], [0], [1], [0, 0, 1, 1], [], []>, transpose_lhs_hint = false} : vector<2000x32xf32>, vector<32x32xf32>, vector<2000x32xf32> -> vector<2000x32xf32>
    %get3A_27 = arith.constant 0 : index
    %get3A_28 = arith.constant 0 : index
    %get3A_29 = vector.load %arg4[%get3A_27, %get3A_28] : memref<1x32xf32, #tpu.memory_space<vmem>>, vector<1x32xf32>
    %add3A_30 = vector.broadcast %get3A_29 : vector<1x32xf32> to vector<2000x32xf32>
    %add3A_31 = arith.addf %dot_general3A_26, %add3A_30 : vector<2000x32xf32>
    %swap3A_32 = arith.constant 0 : index
    %swap3A_33 = arith.constant 64 : index
    %swap3A_34 = vector.load %arg5[%swap3A_32, %swap3A_33] : memref<2000x128xf32, #tpu.memory_space<vmem>>, vector<2000x32xf32>
    tpu.vector_store %arg5[%swap3A_32, %swap3A_33], %add3A_31 {strides = array<i32>} : memref<2000x128xf32, #tpu.memory_space<vmem>>, vector<2000x32xf32>,
    %slice3A_35 = vector.extract_strided_slice %get3A_4 {offsets = [0, 96], sizes = [2000, 32], strides = [1, 1]} : vector<2000x128xf32> to vector<2000x32xf32>
    %dot_general3A_36 = arith.constant dense<0.000000e+00> : vector<2000x32xf32>
    %dot_general3A_37 = tpu.matmul %slice3A_35, %slice3A, %dot_general3A_36 {dimension_numbers = #tpu.dot_dimension_numbers<[1], [0], [0], [1], [0, 0, 1, 1], [], []>, transpose_lhs_hint = false} : vector<2000x32xf32>, vector<32x32xf32>, vector<2000x32xf32> -> vector<2000x32xf32>
    %get3A_38 = arith.constant 0 : index
    %get3A_39 = arith.constant 0 : index
    %get3A_40 = vector.load %arg4[%get3A_38, %get3A_39] : memref<1x32xf32, #tpu.memory_space<vmem>>, vector<1x32xf32>
    %add3A_41 = vector.broadcast %get3A_40 : vector<1x32xf32> to vector<2000x32xf32>
    %add3A_42 = arith.addf %dot_general3A_37, %add3A_41 : vector<2000x32xf32>
    %swap3A_43 = arith.constant 0 : index
    %swap3A_44 = arith.constant 96 : index
    %swap3A_45 = vector.load %arg5[%swap3A_43, %swap3A_44] : memref<2000x128xf32, #tpu.memory_space<vmem>>, vector<2000x32xf32>
    tpu.vector_store %arg5[%swap3A_43, %swap3A_44], %add3A_42 {strides = array<i32>} : memref<2000x128xf32, #tpu.memory_space<vmem>>, vector<2000x32xf32>,
    %eq3A = arith.constant 0 : i32
    %eq3A_46 = arith.cmpi eq, %arg0, %eq3A : i32
    %convert_element_type3A = arith.extui %eq3A_46 : i1 to i32
    %cond3A = arith.constant 0 : i32
    %cond3A_47 = arith.cmpi ne, %convert_element_type3A, %cond3A : i32
    scf.if %cond3A_47 {
      %get3A_48 = arith.constant 0 : index
      %get3A_49 = arith.constant 0 : index
      %get3A_50 = vector.load %arg1[%get3A_48, %get3A_49] : memref<10000x128xf32, #tpu.memory_space<vmem>>, vector<10000x128xf32>
      %get3A_51 = arith.constant 0 : index
      %get3A_52 = arith.constant 0 : index
      %get3A_53 = vector.load %arg3[%get3A_51, %get3A_52] : memref<160x32xf32, #tpu.memory_space<vmem>>, vector<160x32xf32>
      %slice3A_54 = vector.extract_strided_slice %get3A_53 {offsets = [0, 0], sizes = [128, 32], strides = [1, 1]} : vector<160x32xf32> to vector<128x32xf32>
      %dot_general3A_55 = arith.constant dense<0.000000e+00> : vector<10000x32xf32>
      %dot_general3A_56 = tpu.matmul %get3A_50, %slice3A_54, %dot_general3A_55 {dimension_numbers = #tpu.dot_dimension_numbers<[1], [0], [0], [1], [0, 0, 1, 1], [], []>, transpose_lhs_hint = false} : vector<10000x128xf32>, vector<128x32xf32>, vector<10000x32xf32> -> vector<10000x32xf32>
      %swap3A_57 = arith.constant 0 : index
      %swap3A_58 = arith.constant 0 : index
      %swap3A_59 = vector.load %arg6[%swap3A_57, %swap3A_58] : memref<10000x32xf32, #tpu.memory_space<vmem>>, vector<10000x32xf32>
      tpu.vector_store %arg6[%swap3A_57, %swap3A_58], %dot_general3A_56 {strides = array<i32>} : memref<10000x32xf32, #tpu.memory_space<vmem>>, vector<10000x32xf32>,
    } else {
    }
    return
  }
  func.func @transform_0(%arg0: i32) -> (i32, i32) {
    %c0_i32 = arith.constant 0 : i32
    %c0_i32_0 = arith.constant 0 : i32
    %c0_i32_1 = arith.constant 0 : i32
    return %c0_i32, %c0_i32_0 : i32, i32
  }
  func.func @transform_1(%arg0: i32) -> (i32, i32) {
    %c0_i32 = arith.constant 0 : i32
    %c0_i32_0 = arith.constant 0 : i32
    return %arg0, %c0_i32 : i32, i32
  }
  func.func @transform_2(%arg0: i32) -> (i32, i32) {
    %c0_i32 = arith.constant 0 : i32
    %c0_i32_0 = arith.constant 0 : i32
    %c0_i32_1 = arith.constant 0 : i32
    return %c0_i32, %c0_i32_0 : i32, i32
  }
  func.func @transform_3(%arg0: i32) -> (i32, i32) {
    %c0_i32 = arith.constant 0 : i32
    %c0_i32_0 = arith.constant 0 : i32
    %c0_i32_1 = arith.constant 0 : i32
    return %c0_i32, %c0_i32_0 : i32, i32
  }
  func.func @transform_4(%arg0: i32) -> (i32, i32) {
    %c0_i32 = arith.constant 0 : i32
    %c0_i32_0 = arith.constant 0 : i32
    return %arg0, %c0_i32 : i32, i32
  }
  func.func @transform_5(%arg0: i32) -> (i32, i32) {
    %c0_i32 = arith.constant 0 : i32
    %c0_i32_0 = arith.constant 0 : i32
    %c0_i32_1 = arith.constant 0 : i32
    return %c0_i32, %c0_i32_0 : i32, i32
  }
}

module attributes {stable_mosaic.version = 14 : i64} {
  func.func @_zx_body(%arg0: memref<10000x128xf32, #tpu.memory_space<vmem>>, %arg1: memref<10000x1xi32, #tpu.memory_space<vmem>>, %arg2: memref<16x128xf32, #tpu.memory_space<vmem>>, %arg3: memref<288x64xf32, #tpu.memory_space<vmem>>, %arg4: memref<1x64xf32, #tpu.memory_space<vmem>>, %arg5: memref<10000x64xf32, #tpu.memory_space<vmem>>) attributes {dimension_semantics = [], scalar_prefetch = 0 : i64, scratch_operands = 0 : i64, tpu.core_type = #tpu.core_type<tc>} {
    %get3A = arith.constant 0 : index
    %get3A_0 = arith.constant 0 : index
    %get3A_1 = vector.load %arg3[%get3A, %get3A_0] : memref<288x64xf32, #tpu.memory_space<vmem>>, vector<288x64xf32>
    %get3A_2 = arith.constant 0 : index
    %get3A_3 = arith.constant 0 : index
    %get3A_4 = vector.load %arg2[%get3A_2, %get3A_3] : memref<16x128xf32, #tpu.memory_space<vmem>>, vector<16x128xf32>
    %slice3A = vector.extract_strided_slice %get3A_1 {offsets = [160, 0], sizes = [128, 64], strides = [1, 1]} : vector<288x64xf32> to vector<128x64xf32>
    %dot_general3A = arith.constant dense<0.000000e+00> : vector<16x64xf32>
    %dot_general3A_5 = tpu.matmul %get3A_4, %slice3A, %dot_general3A {dimension_numbers = #tpu.dot_dimension_numbers<[1], [0], [0], [1], [0, 0, 1, 1], [], []>, transpose_lhs_hint = false} : vector<16x128xf32>, vector<128x64xf32>, vector<16x64xf32> -> vector<16x64xf32>
    %get3A_6 = arith.constant 0 : index
    %get3A_7 = arith.constant 0 : index
    %get3A_8 = vector.load %arg1[%get3A_6, %get3A_7] : memref<10000x1xi32, #tpu.memory_space<vmem>>, vector<10000x1xi32>
    %iota3A = tpu.iota {dimensions = array<i32: 1>} : vector<10000x16xi32>
    %eq3A = vector.broadcast %get3A_8 : vector<10000x1xi32> to vector<10000x16xi32>
    %eq3A_9 = arith.cmpi eq, %eq3A, %iota3A : vector<10000x16xi32>
    %convert_element_type3A = arith.extui %eq3A_9 : vector<10000x16xi1> to vector<10000x16xi32>
    %convert_element_type3A_10 = arith.sitofp %convert_element_type3A : vector<10000x16xi32> to vector<10000x16xf32>
    %get3A_11 = arith.constant 0 : index
    %get3A_12 = arith.constant 0 : index
    %get3A_13 = vector.load %arg0[%get3A_11, %get3A_12] : memref<10000x128xf32, #tpu.memory_space<vmem>>, vector<10000x128xf32>
    %slice3A_14 = vector.extract_strided_slice %get3A_1 {offsets = [0, 0], sizes = [128, 64], strides = [1, 1]} : vector<288x64xf32> to vector<128x64xf32>
    %dot_general3A_15 = arith.constant dense<0.000000e+00> : vector<10000x64xf32>
    %dot_general3A_16 = tpu.matmul %get3A_13, %slice3A_14, %dot_general3A_15 {dimension_numbers = #tpu.dot_dimension_numbers<[1], [0], [0], [1], [0, 0, 1, 1], [], []>, transpose_lhs_hint = false} : vector<10000x128xf32>, vector<128x64xf32>, vector<10000x64xf32> -> vector<10000x64xf32>
    %dot_general3A_17 = arith.constant dense<0.000000e+00> : vector<10000x64xf32>
    %dot_general3A_18 = tpu.matmul %convert_element_type3A_10, %dot_general3A_5, %dot_general3A_17 {dimension_numbers = #tpu.dot_dimension_numbers<[1], [0], [0], [1], [0, 0, 1, 1], [], []>, transpose_lhs_hint = false} : vector<10000x16xf32>, vector<16x64xf32>, vector<10000x64xf32> -> vector<10000x64xf32>
    %add3A = arith.addf %dot_general3A_16, %dot_general3A_18 : vector<10000x64xf32>
    %get3A_19 = arith.constant 0 : index
    %get3A_20 = arith.constant 0 : index
    %get3A_21 = vector.load %arg4[%get3A_19, %get3A_20] : memref<1x64xf32, #tpu.memory_space<vmem>>, vector<1x64xf32>
    %add3A_22 = vector.broadcast %get3A_21 : vector<1x64xf32> to vector<10000x64xf32>
    %add3A_23 = arith.addf %add3A, %add3A_22 : vector<10000x64xf32>
    %swap3A = arith.constant 0 : index
    %swap3A_24 = arith.constant 0 : index
    %swap3A_25 = vector.load %arg5[%swap3A, %swap3A_24] : memref<10000x64xf32, #tpu.memory_space<vmem>>, vector<10000x64xf32>
    tpu.vector_store %arg5[%swap3A, %swap3A_24], %add3A_23 {strides = array<i32>} : memref<10000x64xf32, #tpu.memory_space<vmem>>, vector<10000x64xf32>,
    return
  }
}

module attributes {stable_mosaic.version = 14 : i64} {
  func.func @_fin_body(%arg0: i32, %arg1: memref<10000x64xf32, #tpu.memory_space<vmem>>, %arg2: memref<2x10000x32xf32, #tpu.memory_space<vmem>>, %arg3: memref<10000x2xf32, #tpu.memory_space<vmem>>, %arg4: memref<32x32xf32, #tpu.memory_space<vmem>>, %arg5: memref<1x32xf32, #tpu.memory_space<vmem>>, %arg6: memref<288x64xf32, #tpu.memory_space<vmem>>, %arg7: memref<64x128xf32, #tpu.memory_space<vmem>>, %arg8: memref<1x128xf32, #tpu.memory_space<vmem>>, %arg9: memref<10000x128xf32, #tpu.memory_space<vmem>>) attributes {dimension_semantics = [#tpu.dimension_semantics<arbitrary>], iteration_bounds = array<i64: 1>, scalar_prefetch = 0 : i64, scratch_operands = 0 : i64, tpu.core_type = #tpu.core_type<tc>, window_params = [{pipeline_mode = #tpu.pipeline_mode<synchronous>, transform_indices = @transform_0, window_bounds = array<i64: 10000, 64>}, {transform_indices = @transform_1, window_bounds = array<i64: 2, 10000, 32>}, {pipeline_mode = #tpu.pipeline_mode<synchronous>, transform_indices = @transform_2, window_bounds = array<i64: 10000, 2>}, {pipeline_mode = #tpu.pipeline_mode<synchronous>, transform_indices = @transform_3, window_bounds = array<i64: 32, 32>}, {pipeline_mode = #tpu.pipeline_mode<synchronous>, transform_indices = @transform_4, window_bounds = array<i64: 1, 32>}, {pipeline_mode = #tpu.pipeline_mode<synchronous>, transform_indices = @transform_5, window_bounds = array<i64: 288, 64>}, {pipeline_mode = #tpu.pipeline_mode<synchronous>, transform_indices = @transform_6, window_bounds = array<i64: 64, 128>}, {pipeline_mode = #tpu.pipeline_mode<synchronous>, transform_indices = @transform_7, window_bounds = array<i64: 1, 128>}, {pipeline_mode = #tpu.pipeline_mode<synchronous>, transform_indices = @transform_8, window_bounds = array<i64: 10000, 128>}]} {
    %get3A = arith.constant 0 : index
    %get3A_0 = arith.constant 0 : index
    %get3A_1 = arith.constant 0 : index
    %get3A_2 = vector.load %arg2[%get3A, %get3A_0, %get3A_1] : memref<2x10000x32xf32, #tpu.memory_space<vmem>>, vector<1x10000x32xf32>
    %get3A_3 = vector.shape_cast %get3A_2 : vector<1x10000x32xf32> to vector<10000x32xf32>
    %get3A_4 = arith.constant 1 : index
    %get3A_5 = arith.constant 0 : index
    %get3A_6 = arith.constant 0 : index
    %get3A_7 = vector.load %arg2[%get3A_4, %get3A_5, %get3A_6] : memref<2x10000x32xf32, #tpu.memory_space<vmem>>, vector<1x10000x32xf32>
    %get3A_8 = vector.shape_cast %get3A_7 : vector<1x10000x32xf32> to vector<10000x32xf32>
    %add3A = arith.addf %get3A_3, %get3A_8 : vector<10000x32xf32>
    %get3A_9 = arith.constant 0 : index
    %get3A_10 = arith.constant 0 : index
    %get3A_11 = vector.load %arg3[%get3A_9, %get3A_10] : memref<10000x2xf32, #tpu.memory_space<vmem>>, vector<10000x2xf32>
    %slice3A = vector.extract_strided_slice %get3A_11 {offsets = [0, 0], sizes = [10000, 1], strides = [1, 1]} : vector<10000x2xf32> to vector<10000x1xf32>
    %slice3A_12 = vector.extract_strided_slice %get3A_11 {offsets = [0, 1], sizes = [10000, 1], strides = [1, 1]} : vector<10000x2xf32> to vector<10000x1xf32>
    %add3A_13 = arith.addf %slice3A, %slice3A_12 : vector<10000x1xf32>
    %max3A = arith.constant 1.000000e+00 : f32
    %max3A_14 = vector.broadcast %max3A : f32 to vector<10000x1xf32>
    %max3A_15 = arith.maximumf %add3A_13, %max3A_14 : vector<10000x1xf32>
    %div3A = vector.broadcast %max3A_15 : vector<10000x1xf32> to vector<10000x32xf32>
    %div3A_16 = arith.divf %add3A, %div3A : vector<10000x32xf32>
    %gt3A = arith.constant 0.000000e+00 : f32
    %gt3A_17 = vector.broadcast %gt3A : f32 to vector<10000x1xf32>
    %gt3A_18 = arith.cmpf ogt, %add3A_13, %gt3A_17 : vector<10000x1xf32>
    %jit3A = arith.constant 1.000000e+00 : f32
    %jit3A_19 = arith.constant 0.000000e+00 : f32
    %broadcast_in_dim3A = vector.broadcast %jit3A : f32 to vector<10000x1xf32>
    %broadcast_in_dim3A_20 = vector.broadcast %jit3A_19 : f32 to vector<10000x1xf32>
    %select_n3A = arith.select %gt3A_18, %broadcast_in_dim3A, %broadcast_in_dim3A_20 : vector<10000x1xi1>, vector<10000x1xf32>
    %get3A_21 = arith.constant 0 : index
    %get3A_22 = arith.constant 0 : index
    %get3A_23 = vector.load %arg4[%get3A_21, %get3A_22] : memref<32x32xf32, #tpu.memory_space<vmem>>, vector<32x32xf32>
    %dot_general3A = arith.constant dense<0.000000e+00> : vector<10000x32xf32>
    %dot_general3A_24 = tpu.matmul %div3A_16, %get3A_23, %dot_general3A {dimension_numbers = #tpu.dot_dimension_numbers<[1], [0], [0], [1], [0, 0, 1, 1], [], []>, transpose_lhs_hint = false} : vector<10000x32xf32>, vector<32x32xf32>, vector<10000x32xf32> -> vector<10000x32xf32>
    %get3A_25 = arith.constant 0 : index
    %get3A_26 = arith.constant 0 : index
    %get3A_27 = vector.load %arg5[%get3A_25, %get3A_26] : memref<1x32xf32, #tpu.memory_space<vmem>>, vector<1x32xf32>
    %mul3A = vector.broadcast %select_n3A : vector<10000x1xf32> to vector<10000x32xf32>
    %mul3A_28 = vector.broadcast %get3A_27 : vector<1x32xf32> to vector<10000x32xf32>
    %mul3A_29 = arith.mulf %mul3A, %mul3A_28 : vector<10000x32xf32>
    %add3A_30 = arith.addf %dot_general3A_24, %mul3A_29 : vector<10000x32xf32>
    %get3A_31 = arith.constant 0 : index
    %get3A_32 = arith.constant 0 : index
    %get3A_33 = vector.load %arg1[%get3A_31, %get3A_32] : memref<10000x64xf32, #tpu.memory_space<vmem>>, vector<10000x64xf32>
    %get3A_34 = arith.constant 0 : index
    %get3A_35 = arith.constant 0 : index
    %get3A_36 = vector.load %arg6[%get3A_34, %get3A_35] : memref<288x64xf32, #tpu.memory_space<vmem>>, vector<288x64xf32>
    %slice3A_37 = vector.extract_strided_slice %get3A_36 {offsets = [128, 0], sizes = [32, 64], strides = [1, 1]} : vector<288x64xf32> to vector<32x64xf32>
    %dot_general3A_38 = arith.constant dense<0.000000e+00> : vector<10000x64xf32>
    %dot_general3A_39 = tpu.matmul %add3A_30, %slice3A_37, %dot_general3A_38 {dimension_numbers = #tpu.dot_dimension_numbers<[1], [0], [0], [1], [0, 0, 1, 1], [], []>, transpose_lhs_hint = false} : vector<10000x32xf32>, vector<32x64xf32>, vector<10000x64xf32> -> vector<10000x64xf32>
    %add3A_40 = arith.addf %get3A_33, %dot_general3A_39 : vector<10000x64xf32>
    %max3A_41 = arith.constant 0.000000e+00 : f32
    %max3A_42 = vector.broadcast %max3A_41 : f32 to vector<10000x64xf32>
    %max3A_43 = arith.maximumf %add3A_40, %max3A_42 : vector<10000x64xf32>
    %get3A_44 = arith.constant 0 : index
    %get3A_45 = arith.constant 0 : index
    %get3A_46 = vector.load %arg7[%get3A_44, %get3A_45] : memref<64x128xf32, #tpu.memory_space<vmem>>, vector<64x128xf32>
    %dot_general3A_47 = arith.constant dense<0.000000e+00> : vector<10000x128xf32>
    %dot_general3A_48 = tpu.matmul %max3A_43, %get3A_46, %dot_general3A_47 {dimension_numbers = #tpu.dot_dimension_numbers<[1], [0], [0], [1], [0, 0, 1, 1], [], []>, transpose_lhs_hint = false} : vector<10000x64xf32>, vector<64x128xf32>, vector<10000x128xf32> -> vector<10000x128xf32>
    %get3A_49 = arith.constant 0 : index
    %get3A_50 = arith.constant 0 : index
    %get3A_51 = vector.load %arg8[%get3A_49, %get3A_50] : memref<1x128xf32, #tpu.memory_space<vmem>>, vector<1x128xf32>
    %add3A_52 = vector.broadcast %get3A_51 : vector<1x128xf32> to vector<10000x128xf32>
    %add3A_53 = arith.addf %dot_general3A_48, %add3A_52 : vector<10000x128xf32>
    %swap3A = arith.constant 0 : index
    %swap3A_54 = arith.constant 0 : index
    %swap3A_55 = vector.load %arg9[%swap3A, %swap3A_54] : memref<10000x128xf32, #tpu.memory_space<vmem>>, vector<10000x128xf32>
    tpu.vector_store %arg9[%swap3A, %swap3A_54], %add3A_53 {strides = array<i32>} : memref<10000x128xf32, #tpu.memory_space<vmem>>, vector<10000x128xf32>,
    return
  }
  func.func @transform_0(%arg0: i32) -> (i32, i32) {
    %c0_i32 = arith.constant 0 : i32
    %c0_i32_0 = arith.constant 0 : i32
    %c0_i32_1 = arith.constant 0 : i32
    return %c0_i32, %c0_i32_0 : i32, i32
  }
  func.func @transform_1(%arg0: i32) -> (i32, i32, i32) {
    %c0_i32 = arith.constant 0 : i32
    %c0_i32_0 = arith.constant 0 : i32
    %c0_i32_1 = arith.constant 0 : i32
    %c0_i32_2 = arith.constant 0 : i32
    return %c0_i32, %c0_i32_0, %c0_i32_1 : i32, i32, i32
  }
  func.func @transform_2(%arg0: i32) -> (i32, i32) {
    %c0_i32 = arith.constant 0 : i32
    %c0_i32_0 = arith.constant 0 : i32
    %c0_i32_1 = arith.constant 0 : i32
    return %c0_i32, %c0_i32_0 : i32, i32
  }
  func.func @transform_3(%arg0: i32) -> (i32, i32) {
    %c0_i32 = arith.constant 0 : i32
    %c0_i32_0 = arith.constant 0 : i32
    %c0_i32_1 = arith.constant 0 : i32
    return %c0_i32, %c0_i32_0 : i32, i32
  }
  func.func @transform_4(%arg0: i32) -> (i32, i32) {
    %c0_i32 = arith.constant 0 : i32
    %c0_i32_0 = arith.constant 0 : i32
    %c0_i32_1 = arith.constant 0 : i32
    return %c0_i32, %c0_i32_0 : i32, i32
  }
  func.func @transform_5(%arg0: i32) -> (i32, i32) {
    %c0_i32 = arith.constant 0 : i32
    %c0_i32_0 = arith.constant 0 : i32
    %c0_i32_1 = arith.constant 0 : i32
    return %c0_i32, %c0_i32_0 : i32, i32
  }
  func.func @transform_6(%arg0: i32) -> (i32, i32) {
    %c0_i32 = arith.constant 0 : i32
    %c0_i32_0 = arith.constant 0 : i32
    %c0_i32_1 = arith.constant 0 : i32
    return %c0_i32, %c0_i32_0 : i32, i32
  }
  func.func @transform_7(%arg0: i32) -> (i32, i32) {
    %c0_i32 = arith.constant 0 : i32
    %c0_i32_0 = arith.constant 0 : i32
    %c0_i32_1 = arith.constant 0 : i32
    return %c0_i32, %c0_i32_0 : i32, i32
  }
  func.func @transform_8(%arg0: i32) -> (i32, i32) {
    %c0_i32 = arith.constant 0 : i32
    %c0_i32_0 = arith.constant 0 : i32
    %c0_i32_1 = arith.constant 0 : i32
    return %c0_i32, %c0_i32_0 : i32, i32
  }
}

</mosaic_0001>

<sc_bundles>
// kernel: kernel.6.cloned.1.call-start
scs
__scs_entry_jumppad:
0x0: {  	(pc) =	sbr.rel $0x88, $3  }
0x1: {  	(tag) =	ssettag $0x0;
	lr =	simm.s32 $0x1  }
0x2: {  	[smem:$0x3F94] =	sst lr;
	_ =	strace $0xD0000000  }
0x3: {  	_ = 	snop  }
0x4: {  	_ = 	snop  }
0x5: {  	_ = 	snop  }
0x6: {  	_ = 	snop  }
0x7: {  	_ = 	snop  }
__scs_overlays_trampoline_lowered:
0x8: {  	[smem:$0x3FA3] =	sst s0  }
0x9: {  	[smem:$0x3FA4] =	sst s1  }
0xa: {  	[smem:$0x3FA5] =	sst s2  }
0xb: {  	[smem:$0x3FA6] =	sst s3  }
0xc: {  	[smem:$0x3FA7] =	sst s4  }
0xd: {  	[smem:$0x3FA8] =	sst s5  }
0xe: {  	[smem:$0x3FA9] =	sst s6  }
0xf: {  	[smem:$0x3FAA] =	sst s7  }
0x10: {  	[smem:$0x3FAB] =	sst s8  }
0x11: {  	[smem:$0x3FAC] =	sst s9;
	s0 =	simm.s32 @!p0 $0x0  }
0x12: {  	s1 =	sld [smem:$0x3F92];
	s0 =	simm.s32 @p0 $0x1  }
0x13: {  	[smem:$0x3FAD] =	sst s0;
	s0 =	simm.s32 @!p1 $0x0  }
0x14: {  	s2 =	sld [smem:$0x3F91];
	s0 =	simm.s32 @p1 $0x1  }
0x15: {  	[smem:$0x3FAE] =	sst s0;
	s0 =	simm.s32 @!p2 $0x0  }
0x16: {  	s3 =	sld [smem:$0x3FDB];
	s0 =	simm.s32 @p2 $0x1  }
0x17: {  	s4 =	simm.s32 $0x1BF5;
	[smem:$0x3FB0] =	sst s0  }
0x18: {  	s0 =	sld [smem:$0x3F93];
	_ =	swait.ge [sflag:s4], $0x0  }
0x19: {  	s7 =	sld [smem:$0x3F94]  }
0x1a: {  	s8 =	sadd.s32 $0xFFFFE003, lr  }
0x1b: {  	s9 =	sadd.s32 $0xFFFFFEF7, lr;
	s5 =	simm.s32 $0xFFFFFFFF;
	p2 =	slt.u32 s8, $0xFFFFF086  }
0x1c: {  	p1 =	slt.u32 s9, $0xF7A;
	s5 =	simm.s32 @!p2 $0x0  }
0x1d: {  	s5 =	simm.s32 @p1 $0x1;
	p0 =	seq.s32 s7, s2  }
0x1e: {  	s7 =	smul.u32 @!p0 $0xF7A, s2;
	p2 =	seq.s32 @!p0 s5, $0x0  }
0x1f: {  	s9 =	smul.u32 $0xF7A, s1;
	s8 =	simm.s32 @!p0 $0x1BF5;
	p2 =	por !p2, p0  }
0x20: {  	[sflag:s8] =	ssyncset.s32 @!p0 $0xFFFFF086;
	s6 =	sadd.s32 @!p0 s3, s7;
	s7 =	simm.s32 @!p0 $0x108  }
0x21: {  	s3 =	sadd.s32 s3, s9;
	s6 =	sadd.s32 @!p0 $0x88, s6;
	s7 =	simm.s32 @p2 $0x1082  }
0x22: {  	[simem:s7], [sflag:s8] =	dma.local @!p0 [hbm:s6], $0xF7A  }
0x23: {  	s9 =	sor.u32 $0xD0000000, s2;
	s6 =	simm.s32 $0x108;
	_ =	swait.ge @!p0 [sflag:s8], $0x0  }
0x24: {  	s3 =	sadd.s32 $0x88, s3;
	s6 =	simm.s32 @!p1 $0x1082;
	[sflag:s4] =	ssyncset.s32 $0xFFFFF086  }
0x25: {  	[simem:s6], [sflag:s4] =	dma.local [hbm:s3], $0xF7A  }
0x26: {  	[smem:$0x3F94] =	sst s1;
	(tag) =	ssettag s2;
	_ =	strace s9  }
0x27: {  	s1 =	sld [smem:$0x3FA4]  }
0x28: {  	s2 =	sld [smem:$0x3FA5]  }
0x29: {  	s4 =	sld [smem:$0x3FA7]  }
0x2a: {  	p0 =	seq.s32 s5, $0x0;
	s5 =	sld [smem:$0x3FA8]  }
0x2b: {  	s6 =	sld [smem:$0x3FA9]  }
0x2c: {  	s7 =	sld [smem:$0x3FAA]  }
0x2d: {  	s3 =	simm.s32 $0x108;
	s8 =	sld [smem:$0x3FAB]  }
0x2e: {  	s3 =	simm.s32 @!p0 $0x1082;
	s9 =	sld [smem:$0x3FAC]  }
0x2f: {  	lr =	sadd.s32 s0, s3;
	s0 =	sld [smem:$0x3FA3]  }
0x30: {  	s3 =	sld [smem:$0x3FA6]  }
0x31: {  	[smem:$0x3FAF] =	sst s10  }
0x32: {  	s10 =	sld [smem:$0x3FAD];
	_ =	sdelay $0x3  }
0x33: {  	p0 =	seq.s32 s10, $0x1;
	s10 =	sld [smem:$0x3FAF];
	_ =	sdelay $0x3  }
0x34: {  	[smem:$0x3FAF] =	sst s10  }
0x35: {  	s10 =	sld [smem:$0x3FAE];
	_ =	sdelay $0x3  }
0x36: {  	p1 =	seq.s32 s10, $0x1;
	s10 =	sld [smem:$0x3FAF];
	_ =	sdelay $0x3  }
0x37: {  	[smem:$0x3FAF] =	sst s10  }
0x38: {  	s10 =	sld [smem:$0x3FB0]  }
0x39: {  	_ = 	snop;
	(pc) =	sbr.ind lr, $3  }
0x3a: {  	_ = 	snop  }
0x3b: {  	_ = 	snop  }
0x3c: {  	p2 =	seq.s32 s10, $0x1;
	s10 =	sld [smem:$0x3FAF]  }
0x3d: {  	_ =	shalt  }
0x3e: {  	_ =	shalt  }
0x3f: {  	_ =	shalt  }
0x40: {  	_ =	shalt  }
0x41: {  	_ =	shalt  }
0x42: {  	_ =	shalt  }
0x43: {  	_ =	shalt  }
0x44: {  	_ =	shalt  }
0x45: {  	_ =	shalt  }
0x46: {  	_ =	shalt  }
0x47: {  	_ =	shalt  }
0x48: {  	_ =	shalt  }
0x49: {  	_ =	shalt  }
0x4a: {  	_ =	shalt  }
0x4b: {  	_ =	shalt  }
0x4c: {  	_ =	shalt  }
0x4d: {  	_ =	shalt  }
0x4e: {  	_ =	shalt  }
0x4f: {  	_ =	shalt  }
0x50: {  	_ =	shalt  }
0x51: {  	_ =	shalt  }
0x52: {  	_ =	shalt  }
0x53: {  	_ =	shalt  }
0x54: {  	_ =	shalt  }
0x55: {  	_ =	shalt  }
0x56: {  	_ =	shalt  }
0x57: {  	_ =	shalt  }
0x58: {  	_ =	shalt  }
0x59: {  	_ =	shalt  }
0x5a: {  	_ =	shalt  }
0x5b: {  	_ =	shalt  }
0x5c: {  	_ =	shalt  }
0x5d: {  	_ =	shalt  }
0x5e: {  	_ =	shalt  }
0x5f: {  	_ =	shalt  }
0x60: {  	_ =	shalt  }
0x61: {  	_ =	shalt  }
0x62: {  	_ =	shalt  }
0x63: {  	_ =	shalt  }
0x64: {  	_ =	shalt  }
0x65: {  	_ =	shalt  }
0x66: {  	_ =	shalt  }
0x67: {  	_ =	shalt  }
0x68: {  	_ =	shalt  }
0x69: {  	_ =	shalt  }
0x6a: {  	_ =	shalt  }
0x6b: {  	_ =	shalt  }
0x6c: {  	_ =	shalt  }
0x6d: {  	_ =	shalt  }
0x6e: {  	_ =	shalt  }
0x6f: {  	_ =	shalt  }
0x70: {  	_ =	shalt  }
0x71: {  	_ =	shalt  }
0x72: {  	_ =	shalt  }
0x73: {  	_ =	shalt  }
0x74: {  	_ =	shalt  }
0x75: {  	_ =	shalt  }
0x76: {  	_ =	shalt  }
0x77: {  	_ =	shalt  }
0x78: {  	_ =	shalt  }
0x79: {  	_ =	shalt  }
0x7a: {  	_ =	shalt  }
0x7b: {  	_ =	shalt  }
0x7c: {  	_ =	shalt  }
0x7d: {  	_ =	shalt  }
0x7e: {  	_ =	shalt  }
0x7f: {  	_ =	shalt  }
0x80: {  	_ =	shalt  }
0x81: {  	_ =	shalt  }
0x82: {  	_ =	shalt  }
0x83: {  	_ =	shalt  }
0x84: {  	_ =	shalt  }
0x85: {  	_ =	shalt  }
0x86: {  	_ =	shalt  }
0x87: {  	_ =	shalt  }
.Lfunc_end0:
.L_simem_size_0:
called_computation_lowered:
.L_overlay_start_0:
0x88: {  	s2 =	sld [smem:$0x3FD9]  }
0x89: {  	s3 =	sld [smem:$0x3FFE];
	_ =	sdelay $0x1  }
0x8a: {  	s1 =	srdreg.scid  }
0x8b: {  	s0 =	sand.u32 $0x1, s1  }
0x8c: {  	s17 =	sshll.u32 s0, $0xA;
	s2 =	sadd.s32 s3, s2  }
0x8d: {  	s2 =	sadd.s32 s2, s17  }
0x8e: {  	[smem:$0x3FBB] =	sst s2  }
0x8f: {  	_ = 	snop  }
0x90: {  	s2 =	sld [smem:$0x3FD0];
	(tm) =	ssettm $0x1  }
0x91: {  	s18 =	sld [smem:$0x3FFB];
	_ =	sdelay $0x3  }
0x92: {  	_ =	strace s18  }
0x93: {  	s3 =	sld [smem:$0x3FFC];
	_ =	sdelay $0x3  }
0x94: {  	_ =	strace s3  }
0x95: {  	s3 =	sld [smem:$0x3FFD];
	_ =	sdelay $0x3  }
0x96: {  	_ =	strace s3  }
0x97: {  	_ =	strace $0x8FFFFFFF  }
0x98: {  	s19 =	sld [smem:$0x3FDB];
	_ =	sdelay $0x1  }
0x99: {  	s4 =	simm.s32 $_scs_section_size  }
0x9a: {  	s5 =	simm.s32 $_size__tile_overlayer_lowered;
	s6 =	simm.s32 $_tile_overlayer_lowered  }
0x9b: {  	s22 =	simm.s32 $0x1BFF;
	s21 =	sshll.u32 s6, $0x1;
	s3 =	sadd.s32 s4, s19  }
0x9c: {  	s7 =	simm.s32 $0x0;
	s20 =	sshll.u32 s5, $0x1;
	s5 =	sadd.s32 s21, s3  }
0x9d: {  	[timem:s7], [sflag:s22] =	dma.local [hbm:s5], s20  }
0x9e: {  	_ =	swait.ge [sflag:s22], s20  }
0x9f: {  	s4 =	ssub.s32 $0x0, s20;
	[sflag:s22] =	ssyncset.done $0x0  }
0xa0: {  	[sflag:s22] =	ssyncadd.s32 s4;
	_ =	sdelay $0x1  }
0xa1: {  	s23 =	simm.s32 $0x1B8B  }
0xa2: {  	_ =	swait.ge [sflag:s23], $0x1  }
0xa3: {  	[sflag:s23] =	ssyncset.done $0x0  }
0xa4: {  	s25 =	simm.s32 $0x1B8E;
	s24 =	sld [smem:$0x3FFE];
	[sflag:s23] =	ssyncadd.s32 $0xFFFFFFFF  }
0xa5: {  	s26 =	simm.s32 $execute0_lowered;
	[smem:$0x3FD2] =	sst s25  }
0xa6: {  	s5 =	sshll.u32 s26, $0x1;
	_ =	strace $0x80000046;
	[dreg:$0x1] =	wrdreg $0xFFFFFFFF  }
0xa7: {  	s28 =	simm.s32 $_size_execute0_lowered;
	s3 =	sadd.s32 s3, s5;
	[dreg:$0x0] =	wrdreg $0x0  }
0xa8: {  	s5 =	sshll.u32 s28, $0x1;
	[dreg:$0x2] =	wrdreg s3  }
0xa9: {  	[dreg:$0x3] =	wrdreg s5  }
0xaa: {  	[dreg:$0x4] =	wrdreg $0xC0  }
0xab: {  	_ =	task [dreg:s7], $0x5FFFF  }
0xac: {  	[dreg:$0x1] =	wrdreg $0xFFFFFFFF  }
0xad: {  	[dreg:$0x0] =	wrdreg $0x60  }
0xae: {  	[dreg:$0x2] =	wrdreg s24  }
0xaf: {  	[dreg:$0x3] =	wrdreg s2  }
0xb0: {  	[dreg:$0x4] =	wrdreg $0x0  }
0xb1: {  	[dreg:$0x5] =	wrdreg $0x50000  }
0xb2: {  	[dreg:$0x6] =	wrdreg $0x9  }
0xb3: {  	_ =	task.clear_ibuf [dreg:s7], $0x7FFFF;
	_ =	strace $0x90000046  }
0xb4: {  	s29 =	simm.s32 $0x9;
	_ =	strace $0x80000048  }
0xb5: {  	_ =	swait.ge [sflag:s29], $0x1  }
0xb6: {  	[sflag:s29] =	ssyncadd.s32 $0xFFFFFFFF  }
0xb7: {  	_ =	strace $0x90000048  }
0xb8: {  	_ =	sfence  }
0xb9: {  	s30 =	sld [smem:$0x0];
	_ =	sdelay $0x2  }
0xba: {  	s31 =	sshll.u32 s1, $0xD;
	s1 =	sshrl.u32 s1, $0x2  }
0xbb: {  	s3 =	sand.u32 $0x4000, s31;
	s1 =	sadd.s32 s1, s30  }
0xbc: {  	s0 =	sor.u32 s3, s0;
	s1 =	sshll.u32 s1, $0x11  }
0xbd: {  	s0 =	sor.u32 s1, s0  }
0xbe: {  	s0 =	sadd.s32 $0x8F2B, s0  }
0xbf: {  	[sflag:s0] =	ssyncadd.remote.s32 $0x1  }
0xc0: {  	_ =	sfence.sel $0xFFFF  }
0xc1: {  	[dreg:$0x0] =	wrdreg $0xFFFFFFFF;
	(pc) =	sbr.abs _section_cstart, $3  }
0xc2: {  	[dreg:$0x1] =	wrdreg $0xFFFFFFFF  }
0xc3: {  	_ =	task.clear_ibuf [dreg:s7], $0x2FFFF;
	_ =	strace $0x9FFFFFFF  }
0xc4: {  	(tm) =	ssettm $0x7FFFFFFF  }
0xc5: {  	_ =	shalt  }
tec
execute0_lowered:
.L_overlay_start_1:
0x0: {  	(tag) =	ssettag $0x1  }
0x1: {  	s0 =	rddreg [dreg:$0x0]  }
0x2: {  	s3 =	rddreg [dreg:$0x1]  }
0x3: {  	s1 =	rddreg [dreg:$0x2]  }
0x4: {  	s2 =	rddreg [dreg:$0x3]  }
0x5: {  	s17 =	simm.s32 $0x0;
	s4 =	srdreg.scid;
	s16 =	stileid.u32  }
0x6: {  	[smem:$0x7FF] =	sst s17;
	s10 =	smul.u32 $0x280, s16  }
0x7: {  	s4 =	sand.u32 $0x1, s4;
	s5 =	sadd.s32 $0x13AA00, s0;
	s7 =	sadd.s32 $0x14E600, s0  }
0x8: {  	s6 =	sadd.s32 $0x2200, s0;
	s8 =	sadd.s32 $0x144800, s0;
	s12 =	smul.u32 $0x14000, s16  }
0x9: {  	s11 =	sshll.u32 s16, $0x1;
	_ =	strace $0x80000047;
	s9 =	smul.u32 $0x2800, s4  }
0xa: {  	s11 =	sor.u32 s4, s11;
	s13 =	ssub.s32 $0x2, s4;
	s4 =	smul.u32 $0x50000, s4  }
0xb: {  	s14 =	sshrl.u32 s13, $0x1;
	s12 =	sshrl.u32 s12, $0x2;
	s15 =	smul.u32 $0x9C40, s11  }
0xc: {  	s30 =	sadd.s32 s10, s2;
	s9 =	sadd.s32 s10, s9;
	s13 =	ssub.s32 s13, s14  }
0xd: {  	s18 =	sadd.s32 s12, s1;
	s14 =	smul.u32 $0x5000, s16;
	[dreg:$0x7] =	wrdreg s30  }
0xe: {  	s9 =	sshrl.u32 s9, $0x3;
	s15 =	sadd.s32 s6, s15;
	[dreg:$0x6] =	wrdreg s18  }
0xf: {  	s0 =	sadd.s32 s9, s0;
	s9 =	smul.u32 $0x2710, s11;
	s4 =	sadd.s32 s14, s4  }
0x10: {  	[dreg:$0xa] =	wrdreg s15;
	s4 =	sshrl.u32 s4, $0x3;
	s0 =	sadd.s32 $0x158400, s0  }
0x11: {  	s10 =	sshrl.u32 s9, $0x3;
	s3 =	sadd.s32 s3, s4;
	[dreg:$0x18] =	wrdreg s0  }
0x12: {  	s24 =	sadd.s32 s7, s10;
	[dreg:$0xe] =	wrdreg s3  }
0x13: {  	s25 =	sadd.s32 $0xA, s10;
	s26 =	sadd.s32 s8, s10;
	[dreg:$0x8] =	wrdreg s24  }
0x14: {  	[dreg:$0x9] =	wrdreg s26;
	s19 =	sadd.s32 s7, s25  }
0x15: {  	s20 =	sadd.s32 $0x14, s10;
	s12 =	sadd.s32 s8, s25;
	[dreg:$0xb] =	wrdreg s19  }
0x16: {  	s11 =	smul.u32 $0x4E200, s11;
	s21 =	sadd.s32 s7, s20;
	[dreg:$0xc] =	wrdreg s12  }
0x17: {  	s22 =	sadd.s32 $0x1E, s10;
	s23 =	sadd.s32 s8, s20;
	[dreg:$0xd] =	wrdreg s21  }
0x18: {  	s11 =	sshrl.u32 s11, $0x3;
	s25 =	sadd.s32 s7, s22;
	[dreg:$0xf] =	wrdreg s23  }
0x19: {  	s11 =	sadd.s32 s6, s11;
	s3 =	sadd.s32 s8, s22;
	[dreg:$0x10] =	wrdreg s25  }
0x1a: {  	s15 =	sadd.s32 $0x280, s11;
	[dreg:$0x11] =	wrdreg s3  }
0x1b: {  	s24 =	sadd.s32 $0x28, s10;
	s16 =	sadd.s32 $0x3C0, s11;
	[dreg:$0x15] =	wrdreg s15  }
0x1c: {  	s28 =	simm.s32 $0x2;
	s26 =	sadd.s32 s7, s24;
	[dreg:$0x16] =	wrdreg s16  }
0x1d: {  	s29 =	simm.s32 $0x5E60;
	s10 =	sadd.s32 s8, s24;
	[dreg:$0x12] =	wrdreg s26  }
0x1e: {  	s31 =	simm.s32 $0x5320;
	s12 =	sadd.s32 $0x140, s11;
	[dreg:$0x13] =	wrdreg s10  }
0x1f: {  	s0 =	sshrl.u32 s9, $0x2;
	s19 =	sadd.s32 $0x500, s11;
	[dreg:$0x14] =	wrdreg s12  }
0x20: {  	s20 =	sadd.s32 s14, s1;
	s21 =	smax.u32 s13, $0x1;
	[dreg:$0x17] =	wrdreg s19  }
0x21: {  	s4 =	simm.s32 $0x8;
	s22 =	sshrl.u32 s20, $0x3;
	[dreg:$0x19] =	wrdreg s21  }
0x22: {  	s14 =	simm.s32 $0x3;
	s23 =	sadd.s32 $0x1000, s18;
	[dreg:$0x1a] =	wrdreg s22  }
0x23: {  	s24 =	sadd.s32 $0x2000, s18;
	s25 =	sadd.s32 $0x3000, s18;
	[dreg:$0x1b] =	wrdreg s23  }
0x24: {  	s13 =	simm.s32 $0x5;
	s11 =	simm.s32 $0x7;
	[dreg:$0x1c] =	wrdreg s24  }
0x25: {  	s15 =	simm.s32 $0x6;
	s16 =	simm.s32 $0x9;
	[dreg:$0x1d] =	wrdreg s25  }
0x26: {  	s26 =	sadd.s32 $0x4000, s18;
	s18 =	simm.s32 $0x5280;
	s21 =	simm.s32 $0x52D0  }
0x27: {  	s23 =	simm.s32 $0x1;
	s24 =	simm.s32 $0x50;
	s12 =	simm.s32 $0x9060  }
0x28: {  	v0 =	vimm.f32 $0.0e+00;
	v1 =	vimm.f32 $1.000000000e+00;
	s25 =	simm.s32 $0x53C0;
	[dreg:$0x1e] =	wrdreg s26;
	s26 =	simm.s32 $0x4  }
.LBB2_1:
0x29: {  	s3 =	simm.s32 $0x80;
	s19 =	simm.s32 $0x0  }
.LBB2_2:
0x2a: {  	p0 =	sne.s32 s3, $0x3F80;
	[tilespmem:s19+$0x90B0] =	vst v0;
	s22 =	smov.u32 s3;
	s3 =	sadd.s32 $0x80, s3  }
.Ltmp0:
0x2b: {  	[tilespmem:s19+$0x90C0] =	vst v0;
	(pc) =	sbr.rel @p0 .LBB2_2-.Ltmp0, $2  }
0x2c: {  	_ =	sdelay $0x2  }
0x2d: {  	s19 =	sshra.s32 s22, $0x2  }
0x2e: {  	[tilespmem:s19+$0x90B0] =	vst v0  }
0x2f: {  	[tilespmem:s19+$0x90C0] =	vst v0  }
0x30: {  	[tilespmem:$0xA0B0] =	vst v0  }
0x31: {  	[tilespmem:$0xA0C0] =	vst v0  }
0x32: {  	[tilespmem:$0xA0D0] =	vst v0  }
0x33: {  	[tilespmem:$0xA0E0] =	vst v0  }
0x34: {  	[tilespmem:$0xA0F0] =	vst v0  }
0x35: {  	[tilespmem:$0xA100] =	vst v0  }
0x36: {  	[tilespmem:$0xA110] =	vst v0  }
0x37: {  	[tilespmem:$0xA120] =	vst v0  }
0x38: {  	[tilespmem:$0xA130] =	vst v0  }
0x39: {  	[tilespmem:$0xA140] =	vst v0  }
0x3a: {  	[tilespmem:$0xA150] =	vst v0  }
0x3b: {  	[tilespmem:$0xA160] =	vst v0  }
0x3c: {  	[tilespmem:$0xA170] =	vst v0  }
0x3d: {  	[tilespmem:$0xA180] =	vst v0  }
0x3e: {  	[tilespmem:$0xA190] =	vst v0  }
0x3f: {  	[tilespmem:$0xA1A0] =	vst v0  }
0x40: {  	[tilespmem:$0xA1B0] =	vst v0  }
0x41: {  	[tilespmem:$0xA1C0] =	vst v0  }
0x42: {  	[tilespmem:$0xA1D0] =	vst v0  }
0x43: {  	[tilespmem:$0xA1E0] =	vst v0  }
0x44: {  	[tilespmem:$0xA1F0] =	vst v0  }
0x45: {  	[tilespmem:$0xA200] =	vst v0  }
0x46: {  	[tilespmem:$0xA210] =	vst v0  }
0x47: {  	[tilespmem:$0xA220] =	vst v0  }
0x48: {  	[tilespmem:$0xA230] =	vst v0  }
0x49: {  	[tilespmem:$0xA240] =	vst v0  }
0x4a: {  	[tilespmem:$0xA250] =	vst v0  }
0x4b: {  	[tilespmem:$0xA260] =	vst v0  }
0x4c: {  	[tilespmem:$0xA270] =	vst v0  }
0x4d: {  	[tilespmem:$0xA280] =	vst v0  }
0x4e: {  	[tilespmem:$0xA290] =	vst v0  }
0x4f: {  	[tilespmem:$0xA2A0] =	vst v0  }
0x50: {  	[tilespmem:$0xA2B0] =	vst v0  }
0x51: {  	[tilespmem:$0xA2C0] =	vst v0  }
0x52: {  	[tilespmem:$0xA2D0] =	vst v0  }
0x53: {  	[tilespmem:$0xA2E0] =	vst v0  }
0x54: {  	[tilespmem:$0xA2F0] =	vst v0  }
0x55: {  	[tilespmem:$0xA300] =	vst v0  }
0x56: {  	[tilespmem:$0xA310] =	vst v0  }
0x57: {  	[tilespmem:$0xA320] =	vst v0  }
0x58: {  	[tilespmem:$0x9060] =	vst v1  }
0x59: {  	[tilespmem:$0x9070] =	vst v1  }
0x5a: {  	[tilespmem:$0x9080] =	vst v1  }
0x5b: {  	[tilespmem:$0x9090] =	vst v1  }
0x5c: {  	s3 =	rddreg [dreg:$0x6];
	s10 =	simm.s32 $0x90B0;
	s19 =	simm.s32 $0xA;
	[tilespmem:$0x90A0] =	vst v1  }
0x5d: {  	[spmem:s3] =	stream.linear.scatter [tilespmem:s10], [sflag:$0xA], $0x1000, $0x38;
	[tilespmem:$0xA330] =	vst v63  }
0x5e: {  	_ =	swait.ge [sflag:s19], $0x1000  }
0x5f: {  	[sflag:s19] =	ssyncset.done $0x0  }
0x60: {  	s20 =	rddreg [dreg:$0x1b];
	[sflag:s19] =	ssyncadd.s32 $0xFFFFF000  }
0x61: {  	[spmem:s20] =	stream.linear.scatter [tilespmem:s10], [sflag:$0xA], $0x1000, $0x38;
	[tilespmem:$0xA330] =	vst v63  }
0x62: {  	_ =	swait.ge [sflag:s19], $0x1000  }
0x63: {  	[sflag:s19] =	ssyncset.done $0x0  }
0x64: {  	s22 =	rddreg [dreg:$0x1c];
	[sflag:s19] =	ssyncadd.s32 $0xFFFFF000  }
0x65: {  	[spmem:s22] =	stream.linear.scatter [tilespmem:s10], [sflag:$0xA], $0x1000, $0x38;
	[tilespmem:$0xA330] =	vst v63  }
0x66: {  	_ =	swait.ge [sflag:s19], $0x1000  }
0x67: {  	[sflag:s19] =	ssyncset.done $0x0  }
0x68: {  	s20 =	rddreg [dreg:$0x1d];
	[sflag:s19] =	ssyncadd.s32 $0xFFFFF000  }
0x69: {  	[spmem:s20] =	stream.linear.scatter [tilespmem:s10], [sflag:$0xA], $0x1000, $0x38;
	[tilespmem:$0xA330] =	vst v63  }
0x6a: {  	_ =	swait.ge [sflag:s19], $0x1000  }
0x6b: {  	[sflag:s19] =	ssyncset.done $0x0  }
0x6c: {  	s22 =	rddreg [dreg:$0x1e];
	[sflag:s19] =	ssyncadd.s32 $0xFFFFF000  }
0x6d: {  	[spmem:s22] =	stream.linear.scatter [tilespmem:s10], [sflag:$0xA], $0x1000, $0x38;
	[tilespmem:$0xA330] =	vst v63  }
0x6e: {  	_ =	swait.ge [sflag:s19], $0x1000  }
0x6f: {  	[sflag:s19] =	ssyncset.done $0x0  }
0x70: {  	s10 =	simm.s32 $0xA0B0;
	[sflag:s19] =	ssyncadd.s32 $0xFFFFF000  }
0x71: {  	[spmem:s30] =	stream.linear.scatter [tilespmem:s10], [sflag:$0xA], $0x280, $0x38;
	[tilespmem:$0xA330] =	vst v63  }
0x72: {  	_ =	swait.ge [sflag:s19], $0x280  }
0x73: {  	[sflag:s19] =	ssyncset.done $0x0  }
0x74: {  	[sflag:s19] =	ssyncadd.s32 $0xFFFFFD80  }
0x75: {  	[bflag:$0x0] =	sbarrier.arrive $0xFFFF  }
0x76: {  	s3 =	simm.s32 $0x0;
	s19 =	simm.s32 $0x5370;
	s20 =	rddreg [dreg:$0x8]  }
0x77: {  	[tilespmem:s19], [sflag:$0x1] =	stream.linear.gather [hbm4b:s20+s3], $0x50, $0x38;
	[tilespmem:$0xA330] =	vst v63  }
0x78: {  	s22 =	rddreg [dreg:$0x9]  }
0x79: {  	[tilespmem:s18], [sflag:$0x1] =	stream.linear.gather [hbm4b:s22+s3], $0x50, $0x38;
	[tilespmem:$0xA330] =	vst v63  }
0x7a: {  	s30 =	rddreg [dreg:$0xa];
	s20 =	simm.s32 $0x7260  }
0x7b: {  	[tilespmem:s20], [sflag:$0x1] =	stream.linear.gather [hbm4b:s30+s3], $0xA00, $0x38;
	[tilespmem:$0xA330] =	vst v63  }
0x7c: {  	s22 =	simm.s32 $0x53C0;
	s20 =	rddreg [dreg:$0xb]  }
0x7d: {  	[tilespmem:s22], [sflag:$0x2] =	stream.linear.gather [hbm4b:s20+s3], $0x50, $0x38;
	[tilespmem:$0xA330] =	vst v63  }
0x7e: {  	s30 =	rddreg [dreg:$0xc]  }
0x7f: {  	[tilespmem:s21], [sflag:$0x2] =	stream.linear.gather [hbm4b:s30+s3], $0x50, $0x38;
	[tilespmem:$0xA330] =	vst v63  }
0x80: {  	s20 =	rddreg [dreg:$0x14];
	s30 =	simm.s32 $0x7C60  }
0x81: {  	[tilespmem:s30], [sflag:$0x2] =	stream.linear.gather [hbm4b:s20+s3], $0xA00, $0x38;
	[tilespmem:$0xA330] =	vst v63  }
0x82: {  	_ =	swait.ge [sflag:s23], $0x50  }
0x83: {  	[sflag:s23] =	ssyncset.done $0x0  }
0x84: {  	[sflag:s23] =	ssyncadd.s32 $0xFFFFFFB0  }
0x85: {  	_ =	swait.ge [sflag:s23], $0x50  }
0x86: {  	[sflag:s23] =	ssyncset.done $0x0  }
0x87: {  	[sflag:s23] =	ssyncadd.s32 $0xFFFFFFB0  }
0x88: {  	_ =	swait.ge [sflag:s23], $0xA00  }
0x89: {  	[sflag:s23] =	ssyncset.done $0x0  }
0x8a: {  	s30 =	simm.s32 $0x5460;
	[sflag:s23] =	ssyncadd.s32 $0xFFFFF600  }
0x8b: {  	[tilespmem:s30], [sflag:$0x4] =	stream.indirect.gather [hbm4b:s5+s24], $0x20, s19, s24, $0xb8;
	[tilespmem:$0xA330] =	vst v63  }
0x8c: {  	_ =	swait.ge [sflag:s26], $0xA00  }
0x8d: {  	[sflag:s26] =	ssyncset.done $0x0  }
0x8e: {  	[sflag:s26] =	ssyncadd.s32 $0xFFFFF600  }
0x8f: {  	_ =	swait.ge [sflag:s28], $0x50  }
0x90: {  	[sflag:s28] =	ssyncset.done $0x0  }
0x91: {  	[sflag:s28] =	ssyncadd.s32 $0xFFFFFFB0  }
0x92: {  	_ =	swait.ge [sflag:s28], $0x50  }
0x93: {  	[sflag:s28] =	ssyncset.done $0x0  }
0x94: {  	[sflag:s28] =	ssyncadd.s32 $0xFFFFFFB0  }
0x95: {  	_ =	swait.ge [sflag:s28], $0xA00  }
0x96: {  	[sflag:s28] =	ssyncset.done $0x0  }
0x97: {  	[sflag:s28] =	ssyncadd.s32 $0xFFFFF600  }
0x98: {  	[tilespmem:s29], [sflag:$0x5] =	stream.indirect.gather [hbm4b:s5+s24], $0x20, s22, s24, $0xb8;
	[tilespmem:$0xA330] =	vst v63  }
0x99: {  	s30 =	simm.s32 $0x5410;
	s22 =	rddreg [dreg:$0xd]  }
0x9a: {  	[tilespmem:s30], [sflag:$0x3] =	stream.linear.gather [hbm4b:s22+s3], $0x50, $0x38;
	[tilespmem:$0xA330] =	vst v63  }
0x9b: {  	s19 =	rddreg [dreg:$0xf]  }
0x9c: {  	[tilespmem:s31], [sflag:$0x3] =	stream.linear.gather [hbm4b:s19+s3], $0x50, $0x38;
	[tilespmem:$0xA330] =	vst v63  }
0x9d: {  	s22 =	rddreg [dreg:$0x15];
	s30 =	simm.s32 $0x8660  }
0x9e: {  	[tilespmem:s30], [sflag:$0x3] =	stream.linear.gather [hbm4b:s22+s3], $0xA00, $0x38;
	[tilespmem:$0xA330] =	vst v63  }
0x9f: {  	s3 =	simm.s32 $0x0  }
0xa0: {  	v8 =	vld [tilespmem:s3+$0x7260]  }
0xa1: {  	v13 =	vld [tilespmem:s3+$0x7270]  }
0xa2: {  	v7 =	vld [tilespmem:s3+$0x7280]  }
0xa3: {  	v6 =	vld [tilespmem:s3+$0x7290]  }
0xa4: {  	v5 =	vld [tilespmem:s3+$0x72A0]  }
0xa5: {  	v4 =	vld [tilespmem:s3+$0x72B0]  }
0xa6: {  	v3 =	vld [tilespmem:s3+$0x72C0]  }
0xa7: {  	v2 =	vld [tilespmem:s3+$0x72D0]  }
0xa8: {  	v14 =	vld [tilespmem:s3+$0x5460]  }
0xa9: {  	v15 =	vld [tilespmem:s3+$0x5470]  }
0xaa: {  	v12 =	vld [tilespmem:s3+$0x5480]  }
0xab: {  	v11 =	vld [tilespmem:s3+$0x5490]  }
0xac: {  	v10 =	vld [tilespmem:s3+$0x54A0]  }
0xad: {  	v9 =	vld [tilespmem:s3+$0x54B0];
	v14 =	vadd.f32 v8, v14  }
0xae: {  	s20 =	simm.s32 $0x5370;
	s19 =	simm.s32 $0x200;
	v13 =	vadd.f32 v13, v15;
	v8 =	vld [tilespmem:s3+$0x54C0]  }
.LBB2_4:
0xaf: {  	s22 =	sshra.s32 s19, $0x2;
	p0 =	sne.s32 s19, $0x2600;
	v14 =	vmax.f32 v14, $0.0e+00;
	v7 =	vadd.f32 v7, v12;
	v12 =	vld [tilespmem:s3+$0x54D0]  }
0xb0: {  	v15 =	vld [tilespmem:s22+$0x7260];
	[tilespmem:s3+$0x5460] =	vst v14;
	v13 =	vmax.f32 v13, $0.0e+00;
	v6 =	vadd.f32 v6, v11  }
0xb1: {  	v16 =	vld [tilespmem:s22+$0x7270];
	[tilespmem:s3+$0x5470] =	vst v13;
	v11 =	vmax.f32 v7, $0.0e+00;
	v5 =	vadd.f32 v5, v10  }
0xb2: {  	v7 =	vld [tilespmem:s22+$0x7280];
	[tilespmem:s3+$0x5480] =	vst v11;
	v10 =	vmax.f32 v6, $0.0e+00;
	v4 =	vadd.f32 v4, v9  }
0xb3: {  	v6 =	vld [tilespmem:s22+$0x7290];
	[tilespmem:s3+$0x5490] =	vst v10;
	v9 =	vmax.f32 v5, $0.0e+00;
	v3 =	vadd.f32 v3, v8  }
0xb4: {  	v5 =	vld [tilespmem:s22+$0x72A0];
	[tilespmem:s3+$0x54A0] =	vst v9;
	v8 =	vmax.f32 v4, $0.0e+00;
	v2 =	vadd.f32 v2, v12  }
0xb5: {  	v4 =	vld [tilespmem:s22+$0x72B0];
	[tilespmem:s3+$0x54B0] =	vst v8;
	v8 =	vmax.f32 v3, $0.0e+00  }
0xb6: {  	v3 =	vld [tilespmem:s22+$0x72C0];
	[tilespmem:s3+$0x54C0] =	vst v8;
	v8 =	vmax.f32 v2, $0.0e+00  }
0xb7: {  	v2 =	vld [tilespmem:s22+$0x72D0];
	[tilespmem:s3+$0x54D0] =	vst v8;
	s3 =	smov.u32 s22  }
0xb8: {  	v8 =	vld [tilespmem:s3+$0x5460]  }
0xb9: {  	v13 =	vld [tilespmem:s3+$0x5470]  }
.Ltmp1:
0xba: {  	v12 =	vld [tilespmem:s3+$0x5480];
	(pc) =	sbr.rel @p0 .LBB2_4-.Ltmp1, $4  }
0xbb: {  	v11 =	vld [tilespmem:s3+$0x5490]  }
0xbc: {  	v10 =	vld [tilespmem:s3+$0x54A0]  }
0xbd: {  	v14 =	vadd.f32 v15, v8;
	v9 =	vld [tilespmem:s3+$0x54B0]  }
0xbe: {  	s19 =	sadd.s32 $0x200, s19;
	v13 =	vadd.f32 v16, v13;
	v8 =	vld [tilespmem:s3+$0x54C0]  }
0xbf: {  	v14 =	vmax.f32 v14, $0.0e+00;
	v7 =	vadd.f32 v7, v12;
	v12 =	vld [tilespmem:s3+$0x54D0]  }
0xc0: {  	[tilespmem:s3+$0x5460] =	vst v14;
	v13 =	vmax.f32 v13, $0.0e+00;
	v6 =	vadd.f32 v6, v11  }
0xc1: {  	[tilespmem:s3+$0x5470] =	vst v13;
	v7 =	vmax.f32 v7, $0.0e+00;
	v5 =	vadd.f32 v5, v10  }
0xc2: {  	[tilespmem:s3+$0x5480] =	vst v7;
	v6 =	vmax.f32 v6, $0.0e+00;
	v4 =	vadd.f32 v4, v9  }
0xc3: {  	[tilespmem:s3+$0x5490] =	vst v6;
	v5 =	vmax.f32 v5, $0.0e+00;
	v3 =	vadd.f32 v3, v8  }
0xc4: {  	[tilespmem:s3+$0x54A0] =	vst v5;
	v4 =	vmax.f32 v4, $0.0e+00;
	v2 =	vadd.f32 v2, v12  }
0xc5: {  	[tilespmem:s3+$0x54B0] =	vst v4;
	v3 =	vmax.f32 v3, $0.0e+00  }
0xc6: {  	[tilespmem:s3+$0x54C0] =	vst v3;
	v2 =	vmax.f32 v2, $0.0e+00  }
0xc7: {  	s22 =	simm.s32 $0x5460;
	[tilespmem:s3+$0x54D0] =	vst v2  }
0xc8: {  	[spmem:s1] =	stream.indirect.scatter.add.f32 [tilespmem:s22], [sflag:$0x7], $0x20, s18, s24, $0xb8;
	[tilespmem:$0xA330] =	vst v63  }
0xc9: {  	_ = 	snop  }
0xca: {  	[spmem:s2] =	stream.indirect.scatter.add.f32 [tilespmem:s12], [sflag:$0x7], $0x1, s18, s24, $0xb8;
	[tilespmem:$0xA330] =	vst v63  }
0xcb: {  	_ =	swait.ge [sflag:s13], $0xA00  }
0xcc: {  	[sflag:s13] =	ssyncset.done $0x0  }
0xcd: {  	[sflag:s13] =	ssyncadd.s32 $0xFFFFF600  }
0xce: {  	_ =	swait.ge [sflag:s14], $0x50  }
0xcf: {  	[sflag:s14] =	ssyncset.done $0x0  }
0xd0: {  	[sflag:s14] =	ssyncadd.s32 $0xFFFFFFB0  }
0xd1: {  	_ =	swait.ge [sflag:s14], $0x50  }
0xd2: {  	[sflag:s14] =	ssyncset.done $0x0  }
0xd3: {  	[sflag:s14] =	ssyncadd.s32 $0xFFFFFFB0  }
0xd4: {  	_ =	swait.ge [sflag:s14], $0xA00  }
0xd5: {  	[sflag:s14] =	ssyncset.done $0x0  }
0xd6: {  	s30 =	simm.s32 $0x5410;
	s10 =	simm.s32 $0x6860;
	[sflag:s14] =	ssyncadd.s32 $0xFFFFF600  }
0xd7: {  	[tilespmem:s10], [sflag:$0x6] =	stream.indirect.gather [hbm4b:s5+s24], $0x20, s30, s24, $0xb8;
	[tilespmem:$0xA330] =	vst v63  }
0xd8: {  	_ =	swait.ge [sflag:s11], $0xA00  }
0xd9: {  	[sflag:s11] =	ssyncset.done $0x0  }
0xda: {  	[sflag:s11] =	ssyncadd.s32 $0xFFFFF600  }
0xdb: {  	_ =	swait.ge [sflag:s11], $0x50  }
0xdc: {  	[sflag:s11] =	ssyncset.done $0x0  }
0xdd: {  	s3 =	simm.s32 $0x0;
	s19 =	rddreg [dreg:$0x10];
	[sflag:s11] =	ssyncadd.s32 $0xFFFFFFB0  }
0xde: {  	[tilespmem:s20], [sflag:$0x1] =	stream.linear.gather [hbm4b:s19+s3], $0x50, $0x38;
	[tilespmem:$0xA330] =	vst v63  }
0xdf: {  	s22 =	rddreg [dreg:$0x11]  }
0xe0: {  	[tilespmem:s18], [sflag:$0x1] =	stream.linear.gather [hbm4b:s22+s3], $0x50, $0x38;
	[tilespmem:$0xA330] =	vst v63  }
0xe1: {  	s30 =	rddreg [dreg:$0x16];
	s19 =	simm.s32 $0x7260  }
0xe2: {  	[tilespmem:s19], [sflag:$0x1] =	stream.linear.gather [hbm4b:s30+s3], $0xA00, $0x38;
	[tilespmem:$0xA330] =	vst v63  }
0xe3: {  	s3 =	simm.s32 $0x0  }
0xe4: {  	v8 =	vld [tilespmem:s3+$0x7C60]  }
0xe5: {  	v13 =	vld [tilespmem:s3+$0x7C70]  }
0xe6: {  	v7 =	vld [tilespmem:s3+$0x7C80]  }
0xe7: {  	v6 =	vld [tilespmem:s3+$0x7C90]  }
0xe8: {  	v5 =	vld [tilespmem:s3+$0x7CA0]  }
0xe9: {  	v4 =	vld [tilespmem:s3+$0x7CB0]  }
0xea: {  	v3 =	vld [tilespmem:s3+$0x7CC0]  }
0xeb: {  	v2 =	vld [tilespmem:s3+$0x7CD0]  }
0xec: {  	v14 =	vld [tilespmem:s3+$0x5E60]  }
0xed: {  	v15 =	vld [tilespmem:s3+$0x5E70]  }
0xee: {  	v12 =	vld [tilespmem:s3+$0x5E80]  }
0xef: {  	v11 =	vld [tilespmem:s3+$0x5E90]  }
0xf0: {  	v10 =	vld [tilespmem:s3+$0x5EA0]  }
0xf1: {  	v9 =	vld [tilespmem:s3+$0x5EB0];
	v14 =	vadd.f32 v8, v14  }
0xf2: {  	s19 =	simm.s32 $0x200;
	v13 =	vadd.f32 v13, v15;
	v8 =	vld [tilespmem:s3+$0x5EC0]  }
.LBB2_6:
0xf3: {  	s22 =	sshra.s32 s19, $0x2;
	p0 =	sne.s32 s19, $0x2600;
	v14 =	vmax.f32 v14, $0.0e+00;
	v7 =	vadd.f32 v7, v12;
	v12 =	vld [tilespmem:s3+$0x5ED0]  }
0xf4: {  	v15 =	vld [tilespmem:s22+$0x7C60];
	[tilespmem:s3+$0x5E60] =	vst v14;
	v13 =	vmax.f32 v13, $0.0e+00;
	v6 =	vadd.f32 v6, v11  }
0xf5: {  	v16 =	vld [tilespmem:s22+$0x7C70];
	[tilespmem:s3+$0x5E70] =	vst v13;
	v11 =	vmax.f32 v7, $0.0e+00;
	v5 =	vadd.f32 v5, v10  }
0xf6: {  	v7 =	vld [tilespmem:s22+$0x7C80];
	[tilespmem:s3+$0x5E80] =	vst v11;
	v10 =	vmax.f32 v6, $0.0e+00;
	v4 =	vadd.f32 v4, v9  }
0xf7: {  	v6 =	vld [tilespmem:s22+$0x7C90];
	[tilespmem:s3+$0x5E90] =	vst v10;
	v9 =	vmax.f32 v5, $0.0e+00;
	v3 =	vadd.f32 v3, v8  }
0xf8: {  	v5 =	vld [tilespmem:s22+$0x7CA0];
	[tilespmem:s3+$0x5EA0] =	vst v9;
	v8 =	vmax.f32 v4, $0.0e+00;
	v2 =	vadd.f32 v2, v12  }
0xf9: {  	v4 =	vld [tilespmem:s22+$0x7CB0];
	[tilespmem:s3+$0x5EB0] =	vst v8;
	v8 =	vmax.f32 v3, $0.0e+00  }
0xfa: {  	v3 =	vld [tilespmem:s22+$0x7CC0];
	[tilespmem:s3+$0x5EC0] =	vst v8;
	v8 =	vmax.f32 v2, $0.0e+00  }
0xfb: {  	v2 =	vld [tilespmem:s22+$0x7CD0];
	[tilespmem:s3+$0x5ED0] =	vst v8;
	s3 =	smov.u32 s22  }
0xfc: {  	v8 =	vld [tilespmem:s3+$0x5E60]  }
0xfd: {  	v13 =	vld [tilespmem:s3+$0x5E70]  }
.Ltmp2:
0xfe: {  	v12 =	vld [tilespmem:s3+$0x5E80];
	(pc) =	sbr.rel @p0 .LBB2_6-.Ltmp2, $4  }
0xff: {  	v11 =	vld [tilespmem:s3+$0x5E90]  }
0x100: {  	v10 =	vld [tilespmem:s3+$0x5EA0]  }
0x101: {  	v14 =	vadd.f32 v15, v8;
	v9 =	vld [tilespmem:s3+$0x5EB0]  }
0x102: {  	s19 =	sadd.s32 $0x200, s19;
	v13 =	vadd.f32 v16, v13;
	v8 =	vld [tilespmem:s3+$0x5EC0]  }
0x103: {  	v14 =	vmax.f32 v14, $0.0e+00;
	v7 =	vadd.f32 v7, v12;
	v12 =	vld [tilespmem:s3+$0x5ED0]  }
0x104: {  	[tilespmem:s3+$0x5E60] =	vst v14;
	v13 =	vmax.f32 v13, $0.0e+00;
	v6 =	vadd.f32 v6, v11  }
0x105: {  	[tilespmem:s3+$0x5E70] =	vst v13;
	v7 =	vmax.f32 v7, $0.0e+00;
	v5 =	vadd.f32 v5, v10  }
0x106: {  	[tilespmem:s3+$0x5E80] =	vst v7;
	v6 =	vmax.f32 v6, $0.0e+00;
	v4 =	vadd.f32 v4, v9  }
0x107: {  	[tilespmem:s3+$0x5E90] =	vst v6;
	v5 =	vmax.f32 v5, $0.0e+00;
	v3 =	vadd.f32 v3, v8  }
0x108: {  	[tilespmem:s3+$0x5EA0] =	vst v5;
	v4 =	vmax.f32 v4, $0.0e+00;
	v2 =	vadd.f32 v2, v12  }
0x109: {  	[tilespmem:s3+$0x5EB0] =	vst v4;
	v3 =	vmax.f32 v3, $0.0e+00  }
0x10a: {  	[tilespmem:s3+$0x5EC0] =	vst v3;
	v2 =	vmax.f32 v2, $0.0e+00  }
0x10b: {  	[tilespmem:s3+$0x5ED0] =	vst v2  }
0x10c: {  	[spmem:s1] =	stream.indirect.scatter.add.f32 [tilespmem:s29], [sflag:$0x8], $0x20, s21, s24, $0xb8;
	[tilespmem:$0xA330] =	vst v63  }
0x10d: {  	[dreg:$0x5] =	wrdreg s17  }
0x10e: {  	[spmem:s2] =	stream.indirect.scatter.add.f32 [tilespmem:s12], [sflag:$0x8], $0x1, s21, s24, $0xb8;
	[tilespmem:$0xA330] =	vst v63  }
0x10f: {  	_ =	swait.ge [sflag:s15], $0xA00  }
0x110: {  	[sflag:s15] =	ssyncset.done $0x0  }
0x111: {  	[sflag:s15] =	ssyncadd.s32 $0xFFFFF600  }
0x112: {  	_ =	swait.ge [sflag:s23], $0x50  }
0x113: {  	[sflag:s23] =	ssyncset.done $0x0  }
0x114: {  	[sflag:s23] =	ssyncadd.s32 $0xFFFFFFB0  }
0x115: {  	_ =	swait.ge [sflag:s23], $0x50  }
0x116: {  	[sflag:s23] =	ssyncset.done $0x0  }
0x117: {  	[sflag:s23] =	ssyncadd.s32 $0xFFFFFFB0  }
0x118: {  	_ =	swait.ge [sflag:s23], $0xA00  }
0x119: {  	[sflag:s23] =	ssyncset.done $0x0  }
0x11a: {  	s10 =	simm.s32 $0x5460;
	[sflag:s23] =	ssyncadd.s32 $0xFFFFF600  }
0x11b: {  	[tilespmem:s10], [sflag:$0x4] =	stream.indirect.gather [hbm4b:s5+s24], $0x20, s20, s24, $0xb8;
	[tilespmem:$0xA330] =	vst v63  }
0x11c: {  	_ =	swait.ge [sflag:s4], $0xA00  }
0x11d: {  	[sflag:s4] =	ssyncset.done $0x0  }
0x11e: {  	[sflag:s4] =	ssyncadd.s32 $0xFFFFF600  }
0x11f: {  	_ =	swait.ge [sflag:s4], $0x50  }
0x120: {  	[sflag:s4] =	ssyncset.done $0x0  }
0x121: {  	s17 =	simm.s32 $0x0;
	s10 =	rddreg [dreg:$0x12];
	[sflag:s4] =	ssyncadd.s32 $0xFFFFFFB0  }
0x122: {  	[tilespmem:s25], [sflag:$0x2] =	stream.linear.gather [hbm4b:s10+s17], $0x50, $0x38;
	[tilespmem:$0xA330] =	vst v63  }
0x123: {  	s19 =	rddreg [dreg:$0x13]  }
0x124: {  	[tilespmem:s21], [sflag:$0x2] =	stream.linear.gather [hbm4b:s19+s17], $0x50, $0x38;
	[tilespmem:$0xA330] =	vst v63  }
0x125: {  	s30 =	simm.s32 $0x7C60;
	s3 =	simm.s32 $0x0;
	s22 =	rddreg [dreg:$0x17]  }
0x126: {  	[tilespmem:s30], [sflag:$0x2] =	stream.linear.gather [hbm4b:s22+s17], $0xA00, $0x38;
	[tilespmem:$0xA330] =	vst v63  }
0x127: {  	v8 =	vld [tilespmem:s3+$0x8660]  }
0x128: {  	v13 =	vld [tilespmem:s3+$0x8670]  }
0x129: {  	v7 =	vld [tilespmem:s3+$0x8680]  }
0x12a: {  	v6 =	vld [tilespmem:s3+$0x8690]  }
0x12b: {  	v5 =	vld [tilespmem:s3+$0x86A0]  }
0x12c: {  	v4 =	vld [tilespmem:s3+$0x86B0]  }
0x12d: {  	v3 =	vld [tilespmem:s3+$0x86C0]  }
0x12e: {  	v2 =	vld [tilespmem:s3+$0x86D0]  }
0x12f: {  	v14 =	vld [tilespmem:s3+$0x6860]  }
0x130: {  	v15 =	vld [tilespmem:s3+$0x6870]  }
0x131: {  	v12 =	vld [tilespmem:s3+$0x6880]  }
0x132: {  	v11 =	vld [tilespmem:s3+$0x6890]  }
0x133: {  	v10 =	vld [tilespmem:s3+$0x68A0]  }
0x134: {  	v9 =	vld [tilespmem:s3+$0x68B0];
	v14 =	vadd.f32 v8, v14  }
0x135: {  	s19 =	simm.s32 $0x200;
	v13 =	vadd.f32 v13, v15;
	v8 =	vld [tilespmem:s3+$0x68C0]  }
.LBB2_8:
0x136: {  	s22 =	sshra.s32 s19, $0x2;
	p0 =	sne.s32 s19, $0x2600;
	v14 =	vmax.f32 v14, $0.0e+00;
	v7 =	vadd.f32 v7, v12;
	v12 =	vld [tilespmem:s3+$0x68D0]  }
0x137: {  	v15 =	vld [tilespmem:s22+$0x8660];
	[tilespmem:s3+$0x6860] =	vst v14;
	v13 =	vmax.f32 v13, $0.0e+00;
	v6 =	vadd.f32 v6, v11  }
0x138: {  	v16 =	vld [tilespmem:s22+$0x8670];
	[tilespmem:s3+$0x6870] =	vst v13;
	v11 =	vmax.f32 v7, $0.0e+00;
	v5 =	vadd.f32 v5, v10  }
0x139: {  	v7 =	vld [tilespmem:s22+$0x8680];
	[tilespmem:s3+$0x6880] =	vst v11;
	v10 =	vmax.f32 v6, $0.0e+00;
	v4 =	vadd.f32 v4, v9  }
0x13a: {  	v6 =	vld [tilespmem:s22+$0x8690];
	[tilespmem:s3+$0x6890] =	vst v10;
	v9 =	vmax.f32 v5, $0.0e+00;
	v3 =	vadd.f32 v3, v8  }
0x13b: {  	v5 =	vld [tilespmem:s22+$0x86A0];
	[tilespmem:s3+$0x68A0] =	vst v9;
	v8 =	vmax.f32 v4, $0.0e+00;
	v2 =	vadd.f32 v2, v12  }
0x13c: {  	v4 =	vld [tilespmem:s22+$0x86B0];
	[tilespmem:s3+$0x68B0] =	vst v8;
	v8 =	vmax.f32 v3, $0.0e+00  }
0x13d: {  	v3 =	vld [tilespmem:s22+$0x86C0];
	[tilespmem:s3+$0x68C0] =	vst v8;
	v8 =	vmax.f32 v2, $0.0e+00  }
0x13e: {  	v2 =	vld [tilespmem:s22+$0x86D0];
	[tilespmem:s3+$0x68D0] =	vst v8;
	s3 =	smov.u32 s22  }
0x13f: {  	v8 =	vld [tilespmem:s3+$0x6860]  }
0x140: {  	v13 =	vld [tilespmem:s3+$0x6870]  }
.Ltmp3:
0x141: {  	v12 =	vld [tilespmem:s3+$0x6880];
	(pc) =	sbr.rel @p0 .LBB2_8-.Ltmp3, $4  }
0x142: {  	v11 =	vld [tilespmem:s3+$0x6890]  }
0x143: {  	v10 =	vld [tilespmem:s3+$0x68A0]  }
0x144: {  	v14 =	vadd.f32 v15, v8;
	v9 =	vld [tilespmem:s3+$0x68B0]  }
0x145: {  	s19 =	sadd.s32 $0x200, s19;
	v13 =	vadd.f32 v16, v13;
	v8 =	vld [tilespmem:s3+$0x68C0]  }
0x146: {  	v14 =	vmax.f32 v14, $0.0e+00;
	v7 =	vadd.f32 v7, v12;
	v63 =	vld [tilespmem:s3+$0x68D0]  }
0x147: {  	[tilespmem:s3+$0x6860] =	vst v14;
	v13 =	vmax.f32 v13, $0.0e+00;
	v6 =	vadd.f32 v6, v11  }
0x148: {  	[tilespmem:s3+$0x6870] =	vst v13;
	v7 =	vmax.f32 v7, $0.0e+00;
	v5 =	vadd.f32 v5, v10  }
0x149: {  	[tilespmem:s3+$0x6880] =	vst v7;
	v6 =	vmax.f32 v6, $0.0e+00;
	v4 =	vadd.f32 v4, v9  }
0x14a: {  	[tilespmem:s3+$0x6890] =	vst v6;
	v5 =	vmax.f32 v5, $0.0e+00;
	v3 =	vadd.f32 v3, v8  }
0x14b: {  	[tilespmem:s3+$0x68A0] =	vst v5;
	v4 =	vmax.f32 v4, $0.0e+00;
	v2 =	vadd.f32 v2, v63  }
0x14c: {  	[tilespmem:s3+$0x68B0] =	vst v4;
	v3 =	vmax.f32 v3, $0.0e+00  }
0x14d: {  	[tilespmem:s3+$0x68C0] =	vst v3;
	v2 =	vmax.f32 v2, $0.0e+00  }
0x14e: {  	s30 =	simm.s32 $0x6860;
	[tilespmem:s3+$0x68D0] =	vst v2  }
0x14f: {  	[spmem:s1] =	stream.indirect.scatter.add.f32 [tilespmem:s30], [sflag:$0x9], $0x20, s31, s24, $0xb8;
	[tilespmem:$0xA330] =	vst v63  }
0x150: {  	s3 =	simm.s32 $0x1  }
0x151: {  	[spmem:s2] =	stream.indirect.scatter.add.f32 [tilespmem:s12], [sflag:$0x9], $0x1, s31, s24, $0xb8;
	[tilespmem:$0xA330] =	vst v63  }
.LBB2_10:
0x152: {  	_ =	swait.ge [sflag:s26], $0xA00  }
0x153: {  	[sflag:s26] =	ssyncset.done $0x0  }
0x154: {  	[sflag:s26] =	ssyncadd.s32 $0xFFFFF600  }
0x155: {  	_ =	swait.ge [sflag:s28], $0x50  }
0x156: {  	[sflag:s28] =	ssyncset.done $0x0  }
0x157: {  	[sflag:s28] =	ssyncadd.s32 $0xFFFFFFB0  }
0x158: {  	_ =	swait.ge [sflag:s28], $0x50  }
0x159: {  	[sflag:s28] =	ssyncset.done $0x0  }
0x15a: {  	[sflag:s28] =	ssyncadd.s32 $0xFFFFFFB0  }
0x15b: {  	_ =	swait.ge [sflag:s28], $0xA00  }
0x15c: {  	[sflag:s28] =	ssyncset.done $0x0  }
0x15d: {  	s19 =	smul.u32 $0x3, s3;
	[sflag:s28] =	ssyncadd.s32 $0xFFFFF600  }
0x15e: {  	[tilespmem:s29], [sflag:$0x5] =	stream.indirect.gather [hbm4b:s5+s24], $0x20, s25, s24, $0xb8;
	[tilespmem:$0xA330] =	vst v63  }
0x15f: {  	s22 =	sadd.s32 $0x2, s19;
	_ =	swait.ge [sflag:s16], $0xA00  }
0x160: {  	s30 =	smul.u32 $0x50, s22;
	[sflag:s16] =	ssyncset.done $0x0  }
0x161: {  	s22 =	smul.u32 $0x14, s22;
	[sflag:s16] =	ssyncadd.s32 $0xFFFFF600  }
0x162: {  	s17 =	simm.s32 $0x0;
	s30 =	sadd.s32 s9, s30;
	_ =	swait.ge [sflag:s16], $0x50  }
0x163: {  	s22 =	sadd.s32 s0, s22;
	s30 =	sshrl.u32 s30, $0x3;
	[sflag:s16] =	ssyncset.done $0x0  }
0x164: {  	s10 =	sadd.s32 s7, s30;
	s29 =	simm.s32 $0x5410;
	[sflag:s16] =	ssyncadd.s32 $0xFFFFFFB0  }
0x165: {  	[tilespmem:s29], [sflag:$0x3] =	stream.linear.gather [hbm4b:s10+s17], $0x50, $0x38;
	[tilespmem:$0xA330] =	vst v63  }
0x166: {  	s29 =	sadd.s32 s8, s30;
	s10 =	sshll.u32 s22, $0x4  }
0x167: {  	[tilespmem:s31], [sflag:$0x3] =	stream.linear.gather [hbm4b:s29+s17], $0x50, $0x38;
	[tilespmem:$0xA330] =	vst v63  }
0x168: {  	s22 =	simm.s32 $0x0;
	s10 =	sadd.s32 s6, s10;
	s29 =	simm.s32 $0x8660  }
0x169: {  	[tilespmem:s29], [sflag:$0x3] =	stream.linear.gather [hbm4b:s10+s17], $0xA00, $0x38;
	[tilespmem:$0xA330] =	vst v63  }
0x16a: {  	v8 =	vld [tilespmem:s22+$0x7260]  }
0x16b: {  	v13 =	vld [tilespmem:s22+$0x7270]  }
0x16c: {  	v7 =	vld [tilespmem:s22+$0x7280]  }
0x16d: {  	v6 =	vld [tilespmem:s22+$0x7290]  }
0x16e: {  	v5 =	vld [tilespmem:s22+$0x72A0]  }
0x16f: {  	v4 =	vld [tilespmem:s22+$0x72B0]  }
0x170: {  	v3 =	vld [tilespmem:s22+$0x72C0]  }
0x171: {  	v2 =	vld [tilespmem:s22+$0x72D0]  }
0x172: {  	v14 =	vld [tilespmem:s22+$0x5460]  }
0x173: {  	v15 =	vld [tilespmem:s22+$0x5470]  }
0x174: {  	v12 =	vld [tilespmem:s22+$0x5480]  }
0x175: {  	v11 =	vld [tilespmem:s22+$0x5490]  }
0x176: {  	v10 =	vld [tilespmem:s22+$0x54A0]  }
0x177: {  	v9 =	vld [tilespmem:s22+$0x54B0];
	v14 =	vadd.f32 v8, v14  }
0x178: {  	s30 =	simm.s32 $0x200;
	v13 =	vadd.f32 v13, v15;
	v8 =	vld [tilespmem:s22+$0x54C0]  }
.LBB2_11:
0x179: {  	s10 =	sshra.s32 s30, $0x2;
	p0 =	sne.s32 s30, $0x2600;
	v14 =	vmax.f32 v14, $0.0e+00;
	v7 =	vadd.f32 v7, v12;
	v12 =	vld [tilespmem:s22+$0x54D0]  }
0x17a: {  	v15 =	vld [tilespmem:s10+$0x7260];
	[tilespmem:s22+$0x5460] =	vst v14;
	v13 =	vmax.f32 v13, $0.0e+00;
	v6 =	vadd.f32 v6, v11  }
0x17b: {  	v16 =	vld [tilespmem:s10+$0x7270];
	[tilespmem:s22+$0x5470] =	vst v13;
	v11 =	vmax.f32 v7, $0.0e+00;
	v5 =	vadd.f32 v5, v10  }
0x17c: {  	v7 =	vld [tilespmem:s10+$0x7280];
	[tilespmem:s22+$0x5480] =	vst v11;
	v10 =	vmax.f32 v6, $0.0e+00;
	v4 =	vadd.f32 v4, v9  }
0x17d: {  	v6 =	vld [tilespmem:s10+$0x7290];
	[tilespmem:s22+$0x5490] =	vst v10;
	v9 =	vmax.f32 v5, $0.0e+00;
	v3 =	vadd.f32 v3, v8  }
0x17e: {  	v5 =	vld [tilespmem:s10+$0x72A0];
	[tilespmem:s22+$0x54A0] =	vst v9;
	v8 =	vmax.f32 v4, $0.0e+00;
	v2 =	vadd.f32 v2, v12  }
0x17f: {  	v4 =	vld [tilespmem:s10+$0x72B0];
	[tilespmem:s22+$0x54B0] =	vst v8;
	v8 =	vmax.f32 v3, $0.0e+00  }
0x180: {  	v3 =	vld [tilespmem:s10+$0x72C0];
	[tilespmem:s22+$0x54C0] =	vst v8;
	v8 =	vmax.f32 v2, $0.0e+00  }
0x181: {  	v2 =	vld [tilespmem:s10+$0x72D0];
	[tilespmem:s22+$0x54D0] =	vst v8;
	s22 =	smov.u32 s10  }
0x182: {  	v8 =	vld [tilespmem:s22+$0x5460]  }
0x183: {  	v13 =	vld [tilespmem:s22+$0x5470]  }
.Ltmp4:
0x184: {  	v12 =	vld [tilespmem:s22+$0x5480];
	(pc) =	sbr.rel @p0 .LBB2_11-.Ltmp4, $4  }
0x185: {  	v11 =	vld [tilespmem:s22+$0x5490]  }
0x186: {  	v10 =	vld [tilespmem:s22+$0x54A0]  }
0x187: {  	v14 =	vadd.f32 v15, v8;
	v9 =	vld [tilespmem:s22+$0x54B0]  }
0x188: {  	s30 =	sadd.s32 $0x200, s30;
	v13 =	vadd.f32 v16, v13;
	v8 =	vld [tilespmem:s22+$0x54C0]  }
0x189: {  	v14 =	vmax.f32 v14, $0.0e+00;
	v7 =	vadd.f32 v7, v12;
	v12 =	vld [tilespmem:s22+$0x54D0]  }
0x18a: {  	[tilespmem:s22+$0x5460] =	vst v14;
	v13 =	vmax.f32 v13, $0.0e+00;
	v6 =	vadd.f32 v6, v11  }
0x18b: {  	[tilespmem:s22+$0x5470] =	vst v13;
	v7 =	vmax.f32 v7, $0.0e+00;
	v5 =	vadd.f32 v5, v10  }
0x18c: {  	[tilespmem:s22+$0x5480] =	vst v7;
	v6 =	vmax.f32 v6, $0.0e+00;
	v4 =	vadd.f32 v4, v9  }
0x18d: {  	[tilespmem:s22+$0x5490] =	vst v6;
	v5 =	vmax.f32 v5, $0.0e+00;
	v3 =	vadd.f32 v3, v8  }
0x18e: {  	[tilespmem:s22+$0x54A0] =	vst v5;
	v4 =	vmax.f32 v4, $0.0e+00;
	v2 =	vadd.f32 v2, v12  }
0x18f: {  	[tilespmem:s22+$0x54B0] =	vst v4;
	v3 =	vmax.f32 v3, $0.0e+00  }
0x190: {  	[tilespmem:s22+$0x54C0] =	vst v3;
	v2 =	vmax.f32 v2, $0.0e+00  }
0x191: {  	s10 =	simm.s32 $0x5460;
	[tilespmem:s22+$0x54D0] =	vst v2  }
0x192: {  	[spmem:s1] =	stream.indirect.scatter.add.f32 [tilespmem:s10], [sflag:$0x7], $0x20, s18, s24, $0xb8;
	[tilespmem:$0xA330] =	vst v63  }
0x193: {  	_ = 	snop  }
0x194: {  	[spmem:s2] =	stream.indirect.scatter.add.f32 [tilespmem:s12], [sflag:$0x7], $0x1, s18, s24, $0xb8;
	[tilespmem:$0xA330] =	vst v63  }
0x195: {  	_ =	swait.ge [sflag:s13], $0xA00  }
0x196: {  	[sflag:s13] =	ssyncset.done $0x0  }
0x197: {  	[sflag:s13] =	ssyncadd.s32 $0xFFFFF600  }
0x198: {  	_ =	swait.ge [sflag:s14], $0x50  }
0x199: {  	[sflag:s14] =	ssyncset.done $0x0  }
0x19a: {  	[sflag:s14] =	ssyncadd.s32 $0xFFFFFFB0  }
0x19b: {  	_ =	swait.ge [sflag:s14], $0x50  }
0x19c: {  	[sflag:s14] =	ssyncset.done $0x0  }
0x19d: {  	[sflag:s14] =	ssyncadd.s32 $0xFFFFFFB0  }
0x19e: {  	_ =	swait.ge [sflag:s14], $0xA00  }
0x19f: {  	[sflag:s14] =	ssyncset.done $0x0  }
0x1a0: {  	s29 =	simm.s32 $0x5410;
	s17 =	simm.s32 $0x6860;
	[sflag:s14] =	ssyncadd.s32 $0xFFFFF600  }
0x1a1: {  	[tilespmem:s17], [sflag:$0x6] =	stream.indirect.gather [hbm4b:s5+s24], $0x20, s29, s24, $0xb8;
	[tilespmem:$0xA330] =	vst v63  }
0x1a2: {  	s10 =	sadd.s32 $0x3, s19;
	_ =	swait.ge [sflag:s11], $0xA00  }
0x1a3: {  	s22 =	smul.u32 $0x50, s10;
	[sflag:s11] =	ssyncset.done $0x0  }
0x1a4: {  	[sflag:s11] =	ssyncadd.s32 $0xFFFFF600  }
0x1a5: {  	s10 =	smul.u32 $0x14, s10;
	s17 =	sadd.s32 s9, s22;
	_ =	swait.ge [sflag:s11], $0x50  }
0x1a6: {  	s30 =	simm.s32 $0x0;
	s17 =	sshrl.u32 s17, $0x3;
	[sflag:s11] =	ssyncset.done $0x0  }
0x1a7: {  	s10 =	sadd.s32 s0, s10;
	s29 =	sadd.s32 s7, s17;
	[sflag:s11] =	ssyncadd.s32 $0xFFFFFFB0  }
0x1a8: {  	[tilespmem:s20], [sflag:$0x1] =	stream.linear.gather [hbm4b:s29+s30], $0x50, $0x38;
	[tilespmem:$0xA330] =	vst v63  }
0x1a9: {  	s10 =	sshll.u32 s10, $0x4;
	s17 =	sadd.s32 s8, s17  }
0x1aa: {  	[tilespmem:s18], [sflag:$0x1] =	stream.linear.gather [hbm4b:s17+s30], $0x50, $0x38;
	[tilespmem:$0xA330] =	vst v63  }
0x1ab: {  	s10 =	sadd.s32 s6, s10;
	s22 =	simm.s32 $0x0;
	s29 =	simm.s32 $0x7260  }
0x1ac: {  	[tilespmem:s29], [sflag:$0x1] =	stream.linear.gather [hbm4b:s10+s30], $0xA00, $0x38;
	[tilespmem:$0xA330] =	vst v63  }
0x1ad: {  	v8 =	vld [tilespmem:s22+$0x7C60]  }
0x1ae: {  	v13 =	vld [tilespmem:s22+$0x7C70]  }
0x1af: {  	v7 =	vld [tilespmem:s22+$0x7C80]  }
0x1b0: {  	v6 =	vld [tilespmem:s22+$0x7C90]  }
0x1b1: {  	v5 =	vld [tilespmem:s22+$0x7CA0]  }
0x1b2: {  	v4 =	vld [tilespmem:s22+$0x7CB0]  }
0x1b3: {  	v3 =	vld [tilespmem:s22+$0x7CC0]  }
0x1b4: {  	v2 =	vld [tilespmem:s22+$0x7CD0]  }
0x1b5: {  	v14 =	vld [tilespmem:s22+$0x5E60]  }
0x1b6: {  	v15 =	vld [tilespmem:s22+$0x5E70]  }
0x1b7: {  	v12 =	vld [tilespmem:s22+$0x5E80]  }
0x1b8: {  	v11 =	vld [tilespmem:s22+$0x5E90]  }
0x1b9: {  	v10 =	vld [tilespmem:s22+$0x5EA0]  }
0x1ba: {  	v9 =	vld [tilespmem:s22+$0x5EB0];
	v14 =	vadd.f32 v8, v14  }
0x1bb: {  	s30 =	simm.s32 $0x200;
	v13 =	vadd.f32 v13, v15;
	v8 =	vld [tilespmem:s22+$0x5EC0]  }
.LBB2_13:
0x1bc: {  	s10 =	sshra.s32 s30, $0x2;
	p0 =	sne.s32 s30, $0x2600;
	v14 =	vmax.f32 v14, $0.0e+00;
	v7 =	vadd.f32 v7, v12;
	v12 =	vld [tilespmem:s22+$0x5ED0]  }
0x1bd: {  	v15 =	vld [tilespmem:s10+$0x7C60];
	[tilespmem:s22+$0x5E60] =	vst v14;
	v13 =	vmax.f32 v13, $0.0e+00;
	v6 =	vadd.f32 v6, v11  }
0x1be: {  	v16 =	vld [tilespmem:s10+$0x7C70];
	[tilespmem:s22+$0x5E70] =	vst v13;
	v11 =	vmax.f32 v7, $0.0e+00;
	v5 =	vadd.f32 v5, v10  }
0x1bf: {  	v7 =	vld [tilespmem:s10+$0x7C80];
	[tilespmem:s22+$0x5E80] =	vst v11;
	v10 =	vmax.f32 v6, $0.0e+00;
	v4 =	vadd.f32 v4, v9  }
0x1c0: {  	v6 =	vld [tilespmem:s10+$0x7C90];
	[tilespmem:s22+$0x5E90] =	vst v10;
	v9 =	vmax.f32 v5, $0.0e+00;
	v3 =	vadd.f32 v3, v8  }
0x1c1: {  	v5 =	vld [tilespmem:s10+$0x7CA0];
	[tilespmem:s22+$0x5EA0] =	vst v9;
	v8 =	vmax.f32 v4, $0.0e+00;
	v2 =	vadd.f32 v2, v12  }
0x1c2: {  	v4 =	vld [tilespmem:s10+$0x7CB0];
	[tilespmem:s22+$0x5EB0] =	vst v8;
	v8 =	vmax.f32 v3, $0.0e+00  }
0x1c3: {  	v3 =	vld [tilespmem:s10+$0x7CC0];
	[tilespmem:s22+$0x5EC0] =	vst v8;
	v8 =	vmax.f32 v2, $0.0e+00  }
0x1c4: {  	v2 =	vld [tilespmem:s10+$0x7CD0];
	[tilespmem:s22+$0x5ED0] =	vst v8;
	s22 =	smov.u32 s10  }
0x1c5: {  	v8 =	vld [tilespmem:s22+$0x5E60]  }
0x1c6: {  	v13 =	vld [tilespmem:s22+$0x5E70]  }
.Ltmp5:
0x1c7: {  	v12 =	vld [tilespmem:s22+$0x5E80];
	(pc) =	sbr.rel @p0 .LBB2_13-.Ltmp5, $4  }
0x1c8: {  	v11 =	vld [tilespmem:s22+$0x5E90]  }
0x1c9: {  	v10 =	vld [tilespmem:s22+$0x5EA0]  }
0x1ca: {  	v14 =	vadd.f32 v15, v8;
	v9 =	vld [tilespmem:s22+$0x5EB0]  }
0x1cb: {  	s30 =	sadd.s32 $0x200, s30;
	v13 =	vadd.f32 v16, v13;
	v8 =	vld [tilespmem:s22+$0x5EC0]  }
0x1cc: {  	v14 =	vmax.f32 v14, $0.0e+00;
	v7 =	vadd.f32 v7, v12;
	v12 =	vld [tilespmem:s22+$0x5ED0]  }
0x1cd: {  	[tilespmem:s22+$0x5E60] =	vst v14;
	v13 =	vmax.f32 v13, $0.0e+00;
	v6 =	vadd.f32 v6, v11  }
0x1ce: {  	[tilespmem:s22+$0x5E70] =	vst v13;
	v7 =	vmax.f32 v7, $0.0e+00;
	v5 =	vadd.f32 v5, v10  }
0x1cf: {  	[tilespmem:s22+$0x5E80] =	vst v7;
	v6 =	vmax.f32 v6, $0.0e+00;
	v4 =	vadd.f32 v4, v9  }
0x1d0: {  	[tilespmem:s22+$0x5E90] =	vst v6;
	v5 =	vmax.f32 v5, $0.0e+00;
	v3 =	vadd.f32 v3, v8  }
0x1d1: {  	[tilespmem:s22+$0x5EA0] =	vst v5;
	v4 =	vmax.f32 v4, $0.0e+00;
	v2 =	vadd.f32 v2, v12  }
0x1d2: {  	[tilespmem:s22+$0x5EB0] =	vst v4;
	v3 =	vmax.f32 v3, $0.0e+00  }
0x1d3: {  	[tilespmem:s22+$0x5EC0] =	vst v3;
	v2 =	vmax.f32 v2, $0.0e+00  }
0x1d4: {  	s29 =	simm.s32 $0x5E60;
	[tilespmem:s22+$0x5ED0] =	vst v2  }
0x1d5: {  	[spmem:s1] =	stream.indirect.scatter.add.f32 [tilespmem:s29], [sflag:$0x8], $0x20, s21, s24, $0xb8;
	[tilespmem:$0xA330] =	vst v63  }
0x1d6: {  	_ = 	snop  }
0x1d7: {  	[spmem:s2] =	stream.indirect.scatter.add.f32 [tilespmem:s12], [sflag:$0x8], $0x1, s21, s24, $0xb8;
	[tilespmem:$0xA330] =	vst v63  }
0x1d8: {  	_ =	swait.ge [sflag:s15], $0xA00  }
0x1d9: {  	[sflag:s15] =	ssyncset.done $0x0  }
0x1da: {  	[sflag:s15] =	ssyncadd.s32 $0xFFFFF600  }
0x1db: {  	_ =	swait.ge [sflag:s23], $0x50  }
0x1dc: {  	[sflag:s23] =	ssyncset.done $0x0  }
0x1dd: {  	[sflag:s23] =	ssyncadd.s32 $0xFFFFFFB0  }
0x1de: {  	_ =	swait.ge [sflag:s23], $0x50  }
0x1df: {  	[sflag:s23] =	ssyncset.done $0x0  }
0x1e0: {  	[sflag:s23] =	ssyncadd.s32 $0xFFFFFFB0  }
0x1e1: {  	_ =	swait.ge [sflag:s23], $0xA00  }
0x1e2: {  	[sflag:s23] =	ssyncset.done $0x0  }
0x1e3: {  	s10 =	simm.s32 $0x5460;
	[sflag:s23] =	ssyncadd.s32 $0xFFFFF600  }
0x1e4: {  	[tilespmem:s10], [sflag:$0x4] =	stream.indirect.gather [hbm4b:s5+s24], $0x20, s20, s24, $0xb8;
	[tilespmem:$0xA330] =	vst v63  }
0x1e5: {  	s10 =	sadd.s32 $0x4, s19;
	_ =	swait.ge [sflag:s4], $0xA00  }
0x1e6: {  	s17 =	smul.u32 $0x50, s10;
	[sflag:s4] =	ssyncset.done $0x0  }
0x1e7: {  	[sflag:s4] =	ssyncadd.s32 $0xFFFFF600  }
0x1e8: {  	s10 =	smul.u32 $0x14, s10;
	s17 =	sadd.s32 s9, s17;
	_ =	swait.ge [sflag:s4], $0x50  }
0x1e9: {  	s22 =	simm.s32 $0x0;
	s17 =	sshrl.u32 s17, $0x3;
	[sflag:s4] =	ssyncset.done $0x0  }
0x1ea: {  	s10 =	sadd.s32 s0, s10;
	s30 =	sadd.s32 s7, s17;
	[sflag:s4] =	ssyncadd.s32 $0xFFFFFFB0  }
0x1eb: {  	[tilespmem:s25], [sflag:$0x2] =	stream.linear.gather [hbm4b:s30+s22], $0x50, $0x38;
	[tilespmem:$0xA330] =	vst v63  }
0x1ec: {  	s10 =	sshll.u32 s10, $0x4;
	s17 =	sadd.s32 s8, s17  }
0x1ed: {  	[tilespmem:s21], [sflag:$0x2] =	stream.linear.gather [hbm4b:s17+s22], $0x50, $0x38;
	[tilespmem:$0xA330] =	vst v63  }
0x1ee: {  	s19 =	simm.s32 $0x0;
	s10 =	sadd.s32 s6, s10;
	s30 =	simm.s32 $0x7C60  }
0x1ef: {  	[tilespmem:s30], [sflag:$0x2] =	stream.linear.gather [hbm4b:s10+s22], $0xA00, $0x38;
	[tilespmem:$0xA330] =	vst v63  }
0x1f0: {  	v8 =	vld [tilespmem:s19+$0x8660]  }
0x1f1: {  	v13 =	vld [tilespmem:s19+$0x8670]  }
0x1f2: {  	v7 =	vld [tilespmem:s19+$0x8680]  }
0x1f3: {  	v6 =	vld [tilespmem:s19+$0x8690]  }
0x1f4: {  	v5 =	vld [tilespmem:s19+$0x86A0]  }
0x1f5: {  	v4 =	vld [tilespmem:s19+$0x86B0]  }
0x1f6: {  	v3 =	vld [tilespmem:s19+$0x86C0]  }
0x1f7: {  	v2 =	vld [tilespmem:s19+$0x86D0]  }
0x1f8: {  	v14 =	vld [tilespmem:s19+$0x6860]  }
0x1f9: {  	v15 =	vld [tilespmem:s19+$0x6870]  }
0x1fa: {  	v12 =	vld [tilespmem:s19+$0x6880]  }
0x1fb: {  	v11 =	vld [tilespmem:s19+$0x6890]  }
0x1fc: {  	v10 =	vld [tilespmem:s19+$0x68A0]  }
0x1fd: {  	v9 =	vld [tilespmem:s19+$0x68B0];
	v14 =	vadd.f32 v8, v14  }
0x1fe: {  	s22 =	simm.s32 $0x200;
	v13 =	vadd.f32 v13, v15;
	v8 =	vld [tilespmem:s19+$0x68C0]  }
.LBB2_15:
0x1ff: {  	s10 =	sshra.s32 s22, $0x2;
	p0 =	sne.s32 s22, $0x2600;
	v14 =	vmax.f32 v14, $0.0e+00;
	v7 =	vadd.f32 v7, v12;
	v12 =	vld [tilespmem:s19+$0x68D0]  }
0x200: {  	v15 =	vld [tilespmem:s10+$0x8660];
	[tilespmem:s19+$0x6860] =	vst v14;
	v13 =	vmax.f32 v13, $0.0e+00;
	v6 =	vadd.f32 v6, v11  }
0x201: {  	v16 =	vld [tilespmem:s10+$0x8670];
	[tilespmem:s19+$0x6870] =	vst v13;
	v11 =	vmax.f32 v7, $0.0e+00;
	v5 =	vadd.f32 v5, v10  }
0x202: {  	v7 =	vld [tilespmem:s10+$0x8680];
	[tilespmem:s19+$0x6880] =	vst v11;
	v10 =	vmax.f32 v6, $0.0e+00;
	v4 =	vadd.f32 v4, v9  }
0x203: {  	v6 =	vld [tilespmem:s10+$0x8690];
	[tilespmem:s19+$0x6890] =	vst v10;
	v9 =	vmax.f32 v5, $0.0e+00;
	v3 =	vadd.f32 v3, v8  }
0x204: {  	v5 =	vld [tilespmem:s10+$0x86A0];
	[tilespmem:s19+$0x68A0] =	vst v9;
	v8 =	vmax.f32 v4, $0.0e+00;
	v2 =	vadd.f32 v2, v12  }
0x205: {  	v4 =	vld [tilespmem:s10+$0x86B0];
	[tilespmem:s19+$0x68B0] =	vst v8;
	v8 =	vmax.f32 v3, $0.0e+00  }
0x206: {  	v3 =	vld [tilespmem:s10+$0x86C0];
	[tilespmem:s19+$0x68C0] =	vst v8;
	v8 =	vmax.f32 v2, $0.0e+00  }
0x207: {  	v2 =	vld [tilespmem:s10+$0x86D0];
	[tilespmem:s19+$0x68D0] =	vst v8;
	s19 =	smov.u32 s10  }
0x208: {  	v8 =	vld [tilespmem:s19+$0x6860]  }
0x209: {  	v13 =	vld [tilespmem:s19+$0x6870]  }
.Ltmp6:
0x20a: {  	v12 =	vld [tilespmem:s19+$0x6880];
	(pc) =	sbr.rel @p0 .LBB2_15-.Ltmp6, $4  }
0x20b: {  	v11 =	vld [tilespmem:s19+$0x6890]  }
0x20c: {  	v10 =	vld [tilespmem:s19+$0x68A0]  }
0x20d: {  	v14 =	vadd.f32 v15, v8;
	v9 =	vld [tilespmem:s19+$0x68B0]  }
0x20e: {  	s22 =	sadd.s32 $0x200, s22;
	v13 =	vadd.f32 v16, v13;
	v8 =	vld [tilespmem:s19+$0x68C0]  }
0x20f: {  	v14 =	vmax.f32 v14, $0.0e+00;
	v7 =	vadd.f32 v7, v12;
	v63 =	vld [tilespmem:s19+$0x68D0]  }
0x210: {  	[tilespmem:s19+$0x6860] =	vst v14;
	v13 =	vmax.f32 v13, $0.0e+00;
	v6 =	vadd.f32 v6, v11  }
0x211: {  	[tilespmem:s19+$0x6870] =	vst v13;
	v7 =	vmax.f32 v7, $0.0e+00;
	v5 =	vadd.f32 v5, v10  }
0x212: {  	[tilespmem:s19+$0x6880] =	vst v7;
	v6 =	vmax.f32 v6, $0.0e+00;
	v4 =	vadd.f32 v4, v9  }
0x213: {  	[tilespmem:s19+$0x6890] =	vst v6;
	v5 =	vmax.f32 v5, $0.0e+00;
	v3 =	vadd.f32 v3, v8  }
0x214: {  	s3 =	sadd.s32 $0x1, s3;
	[tilespmem:s19+$0x68A0] =	vst v5;
	v4 =	vmax.f32 v4, $0.0e+00;
	v2 =	vadd.f32 v2, v63  }
0x215: {  	p0 =	sne.s32 s3, $0x29;
	[tilespmem:s19+$0x68B0] =	vst v4;
	v3 =	vmax.f32 v3, $0.0e+00  }
.Ltmp7:
0x216: {  	[tilespmem:s19+$0x68C0] =	vst v3;
	v2 =	vmax.f32 v2, $0.0e+00;
	(pc) =	sbr.rel @p0 .LBB2_10-.Ltmp7, $4  }
0x217: {  	s10 =	simm.s32 $0x6860;
	[tilespmem:s19+$0x68D0] =	vst v2  }
0x218: {  	[spmem:s1] =	stream.indirect.scatter.add.f32 [tilespmem:s10], [sflag:$0x9], $0x20, s31, s24, $0xb8;
	[tilespmem:$0xA330] =	vst v63  }
0x219: {  	_ = 	snop  }
0x21a: {  	[spmem:s2] =	stream.indirect.scatter.add.f32 [tilespmem:s12], [sflag:$0x9], $0x1, s31, s24, $0xb8;
	[tilespmem:$0xA330] =	vst v63  }
0x21b: {  	_ =	swait.ge [sflag:s26], $0xA00  }
0x21c: {  	[sflag:s26] =	ssyncset.done $0x0  }
0x21d: {  	[sflag:s26] =	ssyncadd.s32 $0xFFFFF600  }
0x21e: {  	_ =	swait.ge [sflag:s28], $0x50  }
0x21f: {  	[sflag:s28] =	ssyncset.done $0x0  }
0x220: {  	[sflag:s28] =	ssyncadd.s32 $0xFFFFFFB0  }
0x221: {  	_ =	swait.ge [sflag:s28], $0x50  }
0x222: {  	[sflag:s28] =	ssyncset.done $0x0  }
0x223: {  	[sflag:s28] =	ssyncadd.s32 $0xFFFFFFB0  }
0x224: {  	_ =	swait.ge [sflag:s28], $0xA00  }
0x225: {  	[sflag:s28] =	ssyncset.done $0x0  }
0x226: {  	[sflag:s28] =	ssyncadd.s32 $0xFFFFF600  }
0x227: {  	[tilespmem:s29], [sflag:$0x5] =	stream.indirect.gather [hbm4b:s5+s24], $0x20, s25, s24, $0xb8;
	[tilespmem:$0xA330] =	vst v63  }
0x228: {  	_ =	swait.ge [sflag:s16], $0xA00  }
0x229: {  	[sflag:s16] =	ssyncset.done $0x0  }
0x22a: {  	[sflag:s16] =	ssyncadd.s32 $0xFFFFF600  }
0x22b: {  	_ =	swait.ge [sflag:s16], $0x50  }
0x22c: {  	[sflag:s16] =	ssyncset.done $0x0  }
0x22d: {  	s3 =	simm.s32 $0x0;
	[sflag:s16] =	ssyncadd.s32 $0xFFFFFFB0  }
0x22e: {  	v8 =	vld [tilespmem:s3+$0x7260]  }
0x22f: {  	v13 =	vld [tilespmem:s3+$0x7270]  }
0x230: {  	v7 =	vld [tilespmem:s3+$0x7280]  }
0x231: {  	v6 =	vld [tilespmem:s3+$0x7290]  }
0x232: {  	v5 =	vld [tilespmem:s3+$0x72A0]  }
0x233: {  	v4 =	vld [tilespmem:s3+$0x72B0]  }
0x234: {  	v3 =	vld [tilespmem:s3+$0x72C0]  }
0x235: {  	v2 =	vld [tilespmem:s3+$0x72D0]  }
0x236: {  	v14 =	vld [tilespmem:s3+$0x5460]  }
0x237: {  	v15 =	vld [tilespmem:s3+$0x5470]  }
0x238: {  	v12 =	vld [tilespmem:s3+$0x5480]  }
0x239: {  	v11 =	vld [tilespmem:s3+$0x5490]  }
0x23a: {  	v10 =	vld [tilespmem:s3+$0x54A0]  }
0x23b: {  	v9 =	vld [tilespmem:s3+$0x54B0];
	v14 =	vadd.f32 v8, v14  }
0x23c: {  	s19 =	simm.s32 $0x200;
	v13 =	vadd.f32 v13, v15;
	v8 =	vld [tilespmem:s3+$0x54C0]  }
.LBB2_18:
0x23d: {  	s10 =	sshra.s32 s19, $0x2;
	p0 =	sne.s32 s19, $0x2600;
	v14 =	vmax.f32 v14, $0.0e+00;
	v7 =	vadd.f32 v7, v12;
	v12 =	vld [tilespmem:s3+$0x54D0]  }
0x23e: {  	v15 =	vld [tilespmem:s10+$0x7260];
	[tilespmem:s3+$0x5460] =	vst v14;
	v13 =	vmax.f32 v13, $0.0e+00;
	v6 =	vadd.f32 v6, v11  }
0x23f: {  	v16 =	vld [tilespmem:s10+$0x7270];
	[tilespmem:s3+$0x5470] =	vst v13;
	v11 =	vmax.f32 v7, $0.0e+00;
	v5 =	vadd.f32 v5, v10  }
0x240: {  	v7 =	vld [tilespmem:s10+$0x7280];
	[tilespmem:s3+$0x5480] =	vst v11;
	v10 =	vmax.f32 v6, $0.0e+00;
	v4 =	vadd.f32 v4, v9  }
0x241: {  	v6 =	vld [tilespmem:s10+$0x7290];
	[tilespmem:s3+$0x5490] =	vst v10;
	v9 =	vmax.f32 v5, $0.0e+00;
	v3 =	vadd.f32 v3, v8  }
0x242: {  	v5 =	vld [tilespmem:s10+$0x72A0];
	[tilespmem:s3+$0x54A0] =	vst v9;
	v8 =	vmax.f32 v4, $0.0e+00;
	v2 =	vadd.f32 v2, v12  }
0x243: {  	v4 =	vld [tilespmem:s10+$0x72B0];
	[tilespmem:s3+$0x54B0] =	vst v8;
	v8 =	vmax.f32 v3, $0.0e+00  }
0x244: {  	v3 =	vld [tilespmem:s10+$0x72C0];
	[tilespmem:s3+$0x54C0] =	vst v8;
	v8 =	vmax.f32 v2, $0.0e+00  }
0x245: {  	v2 =	vld [tilespmem:s10+$0x72D0];
	[tilespmem:s3+$0x54D0] =	vst v8;
	s3 =	smov.u32 s10  }
0x246: {  	v8 =	vld [tilespmem:s3+$0x5460]  }
0x247: {  	v13 =	vld [tilespmem:s3+$0x5470]  }
.Ltmp8:
0x248: {  	v12 =	vld [tilespmem:s3+$0x5480];
	(pc) =	sbr.rel @p0 .LBB2_18-.Ltmp8, $4  }
0x249: {  	v11 =	vld [tilespmem:s3+$0x5490]  }
0x24a: {  	v10 =	vld [tilespmem:s3+$0x54A0]  }
0x24b: {  	v14 =	vadd.f32 v15, v8;
	v9 =	vld [tilespmem:s3+$0x54B0]  }
0x24c: {  	s19 =	sadd.s32 $0x200, s19;
	v13 =	vadd.f32 v16, v13;
	v8 =	vld [tilespmem:s3+$0x54C0]  }
0x24d: {  	v14 =	vmax.f32 v14, $0.0e+00;
	v7 =	vadd.f32 v7, v12;
	v12 =	vld [tilespmem:s3+$0x54D0]  }
0x24e: {  	[tilespmem:s3+$0x5460] =	vst v14;
	v13 =	vmax.f32 v13, $0.0e+00;
	v6 =	vadd.f32 v6, v11  }
0x24f: {  	[tilespmem:s3+$0x5470] =	vst v13;
	v7 =	vmax.f32 v7, $0.0e+00;
	v5 =	vadd.f32 v5, v10  }
0x250: {  	[tilespmem:s3+$0x5480] =	vst v7;
	v6 =	vmax.f32 v6, $0.0e+00;
	v4 =	vadd.f32 v4, v9  }
0x251: {  	[tilespmem:s3+$0x5490] =	vst v6;
	v5 =	vmax.f32 v5, $0.0e+00;
	v3 =	vadd.f32 v3, v8  }
0x252: {  	[tilespmem:s3+$0x54A0] =	vst v5;
	v4 =	vmax.f32 v4, $0.0e+00;
	v2 =	vadd.f32 v2, v12  }
0x253: {  	[tilespmem:s3+$0x54B0] =	vst v4;
	v3 =	vmax.f32 v3, $0.0e+00  }
0x254: {  	[tilespmem:s3+$0x54C0] =	vst v3;
	v2 =	vmax.f32 v2, $0.0e+00  }
0x255: {  	s22 =	simm.s32 $0x5460;
	[tilespmem:s3+$0x54D0] =	vst v2  }
0x256: {  	[spmem:s1] =	stream.indirect.scatter.add.f32 [tilespmem:s22], [sflag:$0x7], $0x20, s18, s24, $0xb8;
	[tilespmem:$0xA330] =	vst v63  }
0x257: {  	_ = 	snop  }
0x258: {  	[spmem:s2] =	stream.indirect.scatter.add.f32 [tilespmem:s12], [sflag:$0x7], $0x1, s18, s24, $0xb8;
	[tilespmem:$0xA330] =	vst v63  }
0x259: {  	_ =	swait.ge [sflag:s13], $0xA00  }
0x25a: {  	[sflag:s13] =	ssyncset.done $0x0  }
0x25b: {  	[sflag:s13] =	ssyncadd.s32 $0xFFFFF600  }
0x25c: {  	_ =	swait.ge [sflag:s11], $0xA00  }
0x25d: {  	[sflag:s11] =	ssyncset.done $0x0  }
0x25e: {  	[sflag:s11] =	ssyncadd.s32 $0xFFFFF600  }
0x25f: {  	_ =	swait.ge [sflag:s11], $0x50  }
0x260: {  	[sflag:s11] =	ssyncset.done $0x0  }
0x261: {  	s3 =	simm.s32 $0x0;
	[sflag:s11] =	ssyncadd.s32 $0xFFFFFFB0  }
0x262: {  	v8 =	vld [tilespmem:s3+$0x7C60]  }
0x263: {  	v13 =	vld [tilespmem:s3+$0x7C70]  }
0x264: {  	v7 =	vld [tilespmem:s3+$0x7C80]  }
0x265: {  	v6 =	vld [tilespmem:s3+$0x7C90]  }
0x266: {  	v5 =	vld [tilespmem:s3+$0x7CA0]  }
0x267: {  	v4 =	vld [tilespmem:s3+$0x7CB0]  }
0x268: {  	v3 =	vld [tilespmem:s3+$0x7CC0]  }
0x269: {  	v2 =	vld [tilespmem:s3+$0x7CD0]  }
0x26a: {  	v14 =	vld [tilespmem:s3+$0x5E60]  }
0x26b: {  	v15 =	vld [tilespmem:s3+$0x5E70]  }
0x26c: {  	v12 =	vld [tilespmem:s3+$0x5E80]  }
0x26d: {  	v11 =	vld [tilespmem:s3+$0x5E90]  }
0x26e: {  	v10 =	vld [tilespmem:s3+$0x5EA0]  }
0x26f: {  	s17 =	rddreg [dreg:$0x5];
	v9 =	vld [tilespmem:s3+$0x5EB0];
	v14 =	vadd.f32 v8, v14  }
0x270: {  	s19 =	simm.s32 $0x200;
	s30 =	rddreg [dreg:$0x7];
	v13 =	vadd.f32 v13, v15;
	v8 =	vld [tilespmem:s3+$0x5EC0]  }
.LBB2_20:
0x271: {  	s10 =	sshra.s32 s19, $0x2;
	p0 =	sne.s32 s19, $0x2600;
	v14 =	vmax.f32 v14, $0.0e+00;
	v7 =	vadd.f32 v7, v12;
	v12 =	vld [tilespmem:s3+$0x5ED0]  }
0x272: {  	v15 =	vld [tilespmem:s10+$0x7C60];
	[tilespmem:s3+$0x5E60] =	vst v14;
	v13 =	vmax.f32 v13, $0.0e+00;
	v6 =	vadd.f32 v6, v11  }
0x273: {  	v16 =	vld [tilespmem:s10+$0x7C70];
	[tilespmem:s3+$0x5E70] =	vst v13;
	v11 =	vmax.f32 v7, $0.0e+00;
	v5 =	vadd.f32 v5, v10  }
0x274: {  	v7 =	vld [tilespmem:s10+$0x7C80];
	[tilespmem:s3+$0x5E80] =	vst v11;
	v10 =	vmax.f32 v6, $0.0e+00;
	v4 =	vadd.f32 v4, v9  }
0x275: {  	v6 =	vld [tilespmem:s10+$0x7C90];
	[tilespmem:s3+$0x5E90] =	vst v10;
	v9 =	vmax.f32 v5, $0.0e+00;
	v3 =	vadd.f32 v3, v8  }
0x276: {  	v5 =	vld [tilespmem:s10+$0x7CA0];
	[tilespmem:s3+$0x5EA0] =	vst v9;
	v8 =	vmax.f32 v4, $0.0e+00;
	v2 =	vadd.f32 v2, v12  }
0x277: {  	v4 =	vld [tilespmem:s10+$0x7CB0];
	[tilespmem:s3+$0x5EB0] =	vst v8;
	v8 =	vmax.f32 v3, $0.0e+00  }
0x278: {  	v3 =	vld [tilespmem:s10+$0x7CC0];
	[tilespmem:s3+$0x5EC0] =	vst v8;
	v8 =	vmax.f32 v2, $0.0e+00  }
0x279: {  	v2 =	vld [tilespmem:s10+$0x7CD0];
	[tilespmem:s3+$0x5ED0] =	vst v8;
	s3 =	smov.u32 s10  }
0x27a: {  	v8 =	vld [tilespmem:s3+$0x5E60]  }
0x27b: {  	v13 =	vld [tilespmem:s3+$0x5E70]  }
.Ltmp9:
0x27c: {  	v12 =	vld [tilespmem:s3+$0x5E80];
	(pc) =	sbr.rel @p0 .LBB2_20-.Ltmp9, $4  }
0x27d: {  	v11 =	vld [tilespmem:s3+$0x5E90]  }
0x27e: {  	v10 =	vld [tilespmem:s3+$0x5EA0]  }
0x27f: {  	v14 =	vadd.f32 v15, v8;
	v9 =	vld [tilespmem:s3+$0x5EB0]  }
0x280: {  	s19 =	sadd.s32 $0x200, s19;
	v13 =	vadd.f32 v16, v13;
	v8 =	vld [tilespmem:s3+$0x5EC0]  }
0x281: {  	v14 =	vmax.f32 v14, $0.0e+00;
	v7 =	vadd.f32 v7, v12;
	v63 =	vld [tilespmem:s3+$0x5ED0]  }
0x282: {  	[tilespmem:s3+$0x5E60] =	vst v14;
	v13 =	vmax.f32 v13, $0.0e+00;
	v6 =	vadd.f32 v6, v11  }
0x283: {  	[tilespmem:s3+$0x5E70] =	vst v13;
	v7 =	vmax.f32 v7, $0.0e+00;
	v5 =	vadd.f32 v5, v10  }
0x284: {  	[tilespmem:s3+$0x5E80] =	vst v7;
	v6 =	vmax.f32 v6, $0.0e+00;
	v4 =	vadd.f32 v4, v9  }
0x285: {  	[tilespmem:s3+$0x5E90] =	vst v6;
	v5 =	vmax.f32 v5, $0.0e+00;
	v3 =	vadd.f32 v3, v8  }
0x286: {  	[tilespmem:s3+$0x5EA0] =	vst v5;
	v4 =	vmax.f32 v4, $0.0e+00;
	v2 =	vadd.f32 v2, v63  }
0x287: {  	[tilespmem:s3+$0x5EB0] =	vst v4;
	v3 =	vmax.f32 v3, $0.0e+00  }
0x288: {  	[tilespmem:s3+$0x5EC0] =	vst v3;
	v2 =	vmax.f32 v2, $0.0e+00  }
0x289: {  	[tilespmem:s3+$0x5ED0] =	vst v2  }
0x28a: {  	[spmem:s1] =	stream.indirect.scatter.add.f32 [tilespmem:s29], [sflag:$0x8], $0x20, s21, s24, $0xb8;
	[tilespmem:$0xA330] =	vst v63  }
0x28b: {  	_ = 	snop  }
0x28c: {  	[spmem:s2] =	stream.indirect.scatter.add.f32 [tilespmem:s12], [sflag:$0x8], $0x1, s21, s24, $0xb8;
	[tilespmem:$0xA330] =	vst v63  }
0x28d: {  	_ =	swait.ge [sflag:s4], $0xA00  }
0x28e: {  	[sflag:s4] =	ssyncset.done $0x0  }
0x28f: {  	[sflag:s4] =	ssyncadd.s32 $0xFFFFF600  }
0x290: {  	_ =	swait.ge [sflag:s4], $0x50  }
0x291: {  	[sflag:s4] =	ssyncset.done $0x0  }
0x292: {  	[sflag:s4] =	ssyncadd.s32 $0xFFFFFFB0  }
0x293: {  	s10 =	stileid.u32;
	[bflag:$0x0] =	sbarrier.arrive $0xFFFF  }
0x294: {  	s3 =	sshll.u32 s10, $0x6;
	s10 =	rddreg [dreg:$0xe]  }
0x295: {  	s22 =	simm.s32 $0xA;
	s3 =	sor.u32 $0x1C0A, s3;
	s19 =	rddreg [dreg:$0x1a]  }
0x296: {  	[hbm:s10], [sflag:s3] =	dma.local [spmem:s19], $0xA00  }
0x297: {  	_ =	swait.ge [sflag:s22], $0xA00  }
0x298: {  	[sflag:s22] =	ssyncset.done $0x0  }
0x299: {  	s19 =	sshrl.u32 s30, $0x3;
	s20 =	rddreg [dreg:$0x18];
	[sflag:s22] =	ssyncadd.s32 $0xFFFFF600  }
0x29a: {  	[hbm:s20], [sflag:s3] =	dma.local [spmem:s19], $0x50  }
0x29b: {  	_ =	swait.ge [sflag:s22], $0x50  }
0x29c: {  	s17 =	sadd.s32 $0x1, s17;
	s20 =	rddreg [dreg:$0x19]  }
0x29d: {  	p0 =	sne.s32 s17, s20  }
.Ltmp10:
0x29e: {  	_ = 	snop;
	(pc) =	sbr.rel @p0 .LBB2_1-.Ltmp10, $3  }
0x29f: {  	_ =	sdelay $0x1  }
0x2a0: {  	[sflag:s22] =	ssyncset.done $0x0  }
0x2a1: {  	[sflag:s22] =	ssyncadd.s32 $0xFFFFFFB0  }
0x2a2: {  	_ =	sfence.sel $0x180000  }
0x2a3: {  	[bflag:$0x0] =	sbarrier.arrive $0xFFFF  }
0x2a4: {  	_ =	strace $0x90000047  }
0x2a5: {  	s0 =	stileid.u32;
	[bflag:$0x2] =	sbarrier.arrive $0xFFFF  }
0x2a6: {  	p0 =	sne.s32 s0, $0x0;
	s0 =	rddreg [dreg:$0x4]  }
0x2a7: {  	s0 =	sadd.s32 @!p0 $0x100000, s0  }
0x2a8: {  	[sflag:s0] =	ssyncadd.tile.s32 @!p0 $0x1;
	_ =	shalt  }
.Lfunc_end2:
_tile_overlayer_lowered:
.L_overlay_start_2:
0x2a9: {  	(tag) =	ssettag $0x2  }
0x2aa: {  	s0 =	rddreg [dreg:$0x0];
	s2 =	stileid.u32  }
0x2ab: {  	s1 =	rddreg [dreg:$0x1];
	p0 =	sne.s32 s2, $0x0  }
0x2ac: {  	s3 =	rddreg [dreg:$0x2];
	[bflag:$0x3] =	sbarrier.arrive $0xFFFF;
	s2 =	simm.s32 @!p0 $0x1C0A  }
0x2ad: {  	[timem:s3], [sflag:s2] =	dma.local @!p0 [hbm:s0], s1  }
0x2ae: {  	s0 =	simm.s32 @!p0 $0xA  }
0x2af: {  	_ =	swait.ge @!p0 [sflag:s0], s1  }
0x2b0: {  	s1 =	ssub.s32 @!p0 $0x0, s1;
	[sflag:s0] =	ssyncset.done @!p0 $0x0  }
0x2b1: {  	[sflag:s0] =	ssyncadd.s32 @!p0 s1  }
0x2b2: {  	[bflag:$0x3] =	sbarrier.arrive $0xFFFF  }
0x2b3: {  	_ =	shalt  }

</sc_bundles>
